<compile_context>
chip_gen: v7x
topology: tpu7x:2x2x1
jax: 0.10.2.dev20260603
libtpu: 0.0.44.dev20260713+nightly
codegen_flags: <defaults>
</compile_context>

<pallas_src>
import jax
import jax.numpy as jnp
from jax import lax
from jax.experimental import pallas as pl
from jax.experimental.pallas import tpu as pltpu
from jax.experimental.pallas import tpu_sc as plsc

N = 10000
E = 320000
D_FEAT = 64
D_EMB = 64
INP_DIM = 128
OUT_DIM = 128

NC = 2
NS = 16
NW = NC * NS

L = 16

ROWS_B = 400


def _mm2_body(emb_ref, feat_ref, tb_ref, ta_ref, embT_ref, fat_ref):
    embT_ref[...] = jnp.dot(emb_ref[...], tb_ref[...],
                            preferred_element_type=jnp.float32)
    fat_ref[...] = jnp.dot(feat_ref[...], ta_ref[...],
                           preferred_element_type=jnp.float32)


def _mm2(embed, feat, t_b, t_a):
    return pl.pallas_call(
        _mm2_body,
        grid=(N // ROWS_B,),
        in_specs=[
            pl.BlockSpec((ROWS_B, D_EMB), lambda i: (i, 0)),
            pl.BlockSpec((ROWS_B, D_FEAT), lambda i: (i, 0)),
            pl.BlockSpec((D_EMB, OUT_DIM), lambda i: (0, 0)),
            pl.BlockSpec((D_FEAT, OUT_DIM), lambda i: (0, 0)),
        ],
        out_specs=[
            pl.BlockSpec((ROWS_B, OUT_DIM), lambda i: (i, 0)),
            pl.BlockSpec((ROWS_B, OUT_DIM), lambda i: (i, 0)),
        ],
        out_shape=[
            jax.ShapeDtypeStruct((N, OUT_DIM), jnp.float32),
            jax.ShapeDtypeStruct((N, OUT_DIM), jnp.float32),
        ],
    )(embed, feat, t_b, t_a)


GCHUNK = 80
GW = 25
GPER = N // (GW * GCHUNK)


def _emb_gather_body(idx_hbm, tab_hbm, fat_hbm, out_hbm,
                     idx_v, rows_v, fat_v):
    c = lax.axis_index("c")
    s = lax.axis_index("s")
    wid = s * NC + c

    @pl.when(wid < GW)
    def _():
        for j in range(GPER):
            base = (wid * GPER + j) * GCHUNK
            pltpu.sync_copy(idx_hbm.at[pl.ds(base, GCHUNK)], idx_v)
            pltpu.sync_copy(fat_hbm.at[pl.ds(base, GCHUNK)], fat_v)
            pltpu.sync_copy(tab_hbm.at[idx_v], rows_v)

            def add_row(r, _):
                for cc in range(OUT_DIM // L):
                    rows_v[r, pl.ds(cc * L, L)] = (
                        rows_v[r, pl.ds(cc * L, L)]
                        + fat_v[r, pl.ds(cc * L, L)])
                return 0
            lax.fori_loop(0, GCHUNK, add_row, 0)
            pltpu.sync_copy(rows_v, out_hbm.at[pl.ds(base, GCHUNK)])


def _emb_gather(idx, embT, fat):
    mesh = plsc.VectorSubcoreMesh(
        core_axis_name="c", subcore_axis_name="s", num_cores=NC, num_subcores=NS
    )
    return pl.kernel(
        _emb_gather_body,
        out_type=jax.ShapeDtypeStruct((N, OUT_DIM), jnp.float32),
        mesh=mesh,
        scratch_types=[
            pltpu.VMEM((GCHUNK,), jnp.int32),
            pltpu.VMEM((GCHUNK, OUT_DIM), jnp.float32),
            pltpu.VMEM((GCHUNK, OUT_DIM), jnp.float32),
        ],
    )(idx, embT, fat)


ECHUNK = 40
EPW = E // NW
NCHUNK = EPW // ECHUNK
ZROWS = 200
NZCH = N // ZROWS
NB = 5
ECH2 = 80
NCH2 = EPW // ECH2


def _propagate_body(src_hbm, dst_hbm, fea_hbm, agg_hbm, deg_hbm,
                    sb0, sb1, sb2, sb3, sb4,
                    db0, db1, db2, db3, db4,
                    acc_s,
                    sg0, sg1, sg2, sg3, sg4,
                    si0, si1, si2, si3, si4,
                    ss0, ss1, ss2, ss3, ss4):
    sbuf = [sb0, sb1, sb2, sb3, sb4]
    dbuf = [db0, db1, db2, db3, db4]
    sg = [sg0, sg1, sg2, sg3, sg4]
    si = [si0, si1, si2, si3, si4]
    ss = [ss0, ss1, ss2, ss3, ss4]

    c = lax.axis_index("c")
    s = lax.axis_index("s")
    wid = s * NC + c
    ebase = wid * EPW

    zv = jnp.zeros((L,), jnp.float32)
    ov = jnp.full((L,), 1.0, jnp.float32)

    def drain_rows(sem, ref):
        pltpu.make_async_copy(fea_hbm.at[pl.ds(0, ref.shape[0])], ref,
                              sem).wait()

    def drain_idx(sem, ref):
        pltpu.make_async_copy(src_hbm.at[pl.ds(0, ECHUNK)], ref, sem).wait()

    def zero_acc(acc_s):
        def zp(zbuf):
            def init_zbuf(r, _):
                for cc in range(OUT_DIM // L):
                    zbuf[r, pl.ds(cc * L, L)] = zv
                return 0
            lax.fori_loop(0, ZROWS, init_zbuf, 0)
            for k in range((NZCH + NS - 1) // NS):
                cid = s + k * NS

                @pl.when(cid < NZCH)
                def _():
                    pltpu.sync_copy(zbuf, acc_s.at[pl.ds(cid * ZROWS, ZROWS)])
        pl.run_scoped(zp, pltpu.VMEM((ZROWS, OUT_DIM), jnp.float32))

    def flush_acc(acc_s, dst):
        for k in range((NZCH + NS - 1) // NS):
            cid = s + k * NS

            @pl.when(cid < NZCH)
            def _():
                pltpu.sync_copy(acc_s.at[pl.ds(cid * ZROWS, ZROWS)],
                                dst.at[c, pl.ds(cid * ZROWS, ZROWS)])

    if True:
        zero_acc(acc_s)
        plsc.subcore_barrier()

        def p1(r0, r1, r2, r3, r4):
            rows = [r0, r1, r2, r3, r4]

            def issue_idx(b, j):
                pltpu.async_copy(src_hbm.at[pl.ds(ebase + j * ECHUNK,
                                                  ECHUNK)], sbuf[b], si[b])
                pltpu.async_copy(dst_hbm.at[pl.ds(ebase + j * ECHUNK,
                                                  ECHUNK)], dbuf[b], si[b])

            def issue_gather(b):
                drain_idx(si[b], sbuf[b])
                drain_idx(si[b], dbuf[b])
                pltpu.async_copy(fea_hbm.at[sbuf[b]], rows[b], sg[b])

            def issue_scatter(b):
                drain_rows(sg[b], rows[b])
                pltpu.async_copy(rows[b], acc_s.at[dbuf[b]], ss[b], add=True)

            def step(t, _):
                for b in range(NB):
                    j = t * NB + b

                    @pl.when(t > 0)
                    def _():
                        drain_rows(ss[b], rows[b])
                    issue_idx(b, j)
                    bg, bs = (b - 2) % NB, (b - 3) % NB

                    @pl.when(j >= 2)
                    def _():
                        issue_gather(bg)

                    @pl.when(j >= 3)
                    def _():
                        issue_scatter(bs)
                return 0
            lax.fori_loop(0, NCHUNK // NB, step, 0)

            for jj in (NCHUNK - 2, NCHUNK - 1):
                issue_gather(jj % NB)
            for jj in (NCHUNK - 3, NCHUNK - 2, NCHUNK - 1):
                issue_scatter(jj % NB)
            for jj in range(NCHUNK - NB, NCHUNK):
                drain_rows(ss[jj % NB], rows[jj % NB])

        pl.run_scoped(p1, *([pltpu.VMEM((ECHUNK, OUT_DIM), jnp.float32)]
                            * NB))

        plsc.subcore_barrier()
        flush_acc(acc_s, agg_hbm)
        plsc.subcore_barrier()

        zero_acc(acc_s)
        plsc.subcore_barrier()

        def p2(ones, e0, e1, e2, e3, e4):
            ebuf = [e0, e1, e2, e3, e4]

            def init_ones(r, _):
                for cc in range(OUT_DIM // L):
                    ones[r, pl.ds(cc * L, L)] = ov
                return 0
            lax.fori_loop(0, ECH2, init_ones, 0)

            def drain_idx2(sem, ref):
                pltpu.make_async_copy(src_hbm.at[pl.ds(0, ECH2)], ref,
                                      sem).wait()

            def issue_scatter(b):
                drain_idx2(si[b], ebuf[b])
                pltpu.async_copy(ones, acc_s.at[ebuf[b]], ss[b], add=True)

            def step(t, _):
                for b in range(NB):
                    j = t * NB + b

                    @pl.when(t > 0)
                    def _():
                        drain_rows(ss[b], ones)
                    pltpu.async_copy(dst_hbm.at[pl.ds(ebase + j * ECH2,
                                                      ECH2)],
                                     ebuf[b], si[b])
                    bs = (b - 2) % NB

                    @pl.when(j >= 2)
                    def _():
                        issue_scatter(bs)
                return 0
            lax.fori_loop(0, NCH2 // NB, step, 0)

            for jj in (NCH2 - 2, NCH2 - 1):
                issue_scatter(jj % NB)
            for jj in range(NCH2 - NB, NCH2):
                drain_rows(ss[jj % NB], ones)

        pl.run_scoped(p2, pltpu.VMEM((ECH2, OUT_DIM), jnp.float32),
                      *([pltpu.VMEM((ECH2,), jnp.int32)] * NB))

        plsc.subcore_barrier()
        flush_acc(acc_s, deg_hbm)


def _propagate(src, dst, init_fea):
    mesh = plsc.VectorSubcoreMesh(
        core_axis_name="c", subcore_axis_name="s", num_cores=NC, num_subcores=NS
    )
    return pl.kernel(
        _propagate_body,
        out_type=(
            jax.ShapeDtypeStruct((NC, N, OUT_DIM), jnp.float32),
            jax.ShapeDtypeStruct((NC, N, OUT_DIM), jnp.float32),
        ),
        mesh=mesh,
        scratch_types=(
            [pltpu.VMEM((ECHUNK,), jnp.int32)] * (2 * NB)
            + [pltpu.VMEM_SHARED((N, OUT_DIM), jnp.float32)]
            + [pltpu.SemaphoreType.DMA] * (3 * NB)
        ),
    )(src, dst, init_fea)


def _finalize_body(agg_ref, deg_ref, fea_ref, out_ref):
    a = agg_ref[0] + agg_ref[1]
    d = deg_ref[0, :, 0] + deg_ref[1, :, 0]
    h = a / jnp.maximum(d, 1.0)[:, None]
    out_ref[:, 0, :] = fea_ref[...]
    out_ref[:, 1, :] = h


def _finalize(agg, deg, init_fea):
    return pl.pallas_call(
        _finalize_body,
        out_shape=jax.ShapeDtypeStruct((N, 2, OUT_DIM), jnp.float32),
    )(agg, deg, init_fea)


def kernel(feat, idx, edge_index, embed, transform):
    t_a = transform[:D_FEAT]
    t_b = transform[D_FEAT:]
    embT, fat = _mm2(embed, feat, t_b, t_a)
    init_fea = _emb_gather(idx, embT, fat)
    src = edge_index[0]
    dst = edge_index[1]
    agg, deg = _propagate(src, dst, init_fea)
    return _finalize(agg, deg, init_fea)

# --- scband reference (transcript-rebuilt; emitter-appended) ---
"""Pipeline reference for scband-rgcnlayer-4629974745757 (READ-ONLY COPY).

The authoritative reference and input builder live on the scoring server;
editing this copy changes nothing except your own understanding.
"""

import jax, jax.numpy as jnp
import numpy as np

N = 10000
E = 320000
D_FEAT = 64
D_EMB = 64
INP_DIM = 128
OUT_DIM = 128


def setup_inputs(seed: int = 0) -> dict:
    key = jax.random.key(seed)
    k1, k2, k3, k4, k5 = jax.random.split(key, 5)
    feat = jax.random.normal(k1, (N, D_FEAT), dtype=jnp.float32)
    idx = jax.random.randint(k2, (N,), 0, N, dtype=jnp.int32)
    edge_index = jax.random.randint(k3, (2, E), 0, N, dtype=jnp.int32)
    # learned params
    embed = jax.random.normal(k4, (N, D_EMB), dtype=jnp.float32) * 0.1  # transE embedding table (num_nodes x emb_dim)
    limit = float(np.sqrt(6.0 / (INP_DIM + OUT_DIM))) * float(np.sqrt(2.0))  # xavier_uniform with relu gain
    transform = jax.random.uniform(k5, (INP_DIM, OUT_DIM), dtype=jnp.float32, minval=-limit, maxval=limit)
    return {"feat": feat, "idx": idx, "edge_index": edge_index, "embed": embed, "transform": transform}


def reference(feat, idx, edge_index, embed, transform):
    # forward: init_feat = cat([g.ndata['feat'], embed[g.ndata['idx']]], dim=1)
    init_feat = jnp.concatenate([feat, jnp.take(embed, idx, axis=0)], axis=1)
    # g.ndata['init_fea'] = init_feat @ transform
    init_fea = init_feat @ transform
    # propagate: mean aggregation of source-node messages onto destination nodes
    src = edge_index[0]
    dst = edge_index[1]
    msg = jnp.take(init_fea, src, axis=0)  # gather [E, OUT_DIM]
    agg = jax.ops.segment_sum(msg, dst, num_segments=N)  # scatter-add
    deg = jax.ops.segment_sum(jnp.ones((E,), dtype=jnp.float32), dst, num_segments=N)
    h = agg / jnp.maximum(deg, 1.0)[:, None]
    # bias=None, activation=None, dropout=None -> node_repr = h
    node_repr = h
    # is_input_layer and add_transe_emb: repr = cat([init_fea, h], dim=1).reshape(-1, 2, out_dim)
    repr_ = jnp.concatenate([init_fea, node_repr], axis=1).reshape(-1, 2, OUT_DIM)
    return repr_

if __name__ == "__main__":
    import jax
    _d = setup_inputs()
    print(jax.jit(kernel)(*tuple(_d.values())))

</pallas_src>

<mosaic_0001>
#map = affine_map<(d0, d1) -> (0)>
#map1 = affine_map<(d0, d1) -> (0, 0)>
module attributes {stable_mosaic.version = 14 : i64} {
  func.func @_emb_gather_body(%arg0: i32, %arg1: i32, %arg2: memref<10000xi32, #tpu.memory_space<hbm>>, %arg3: memref<10000x128xf32, #tpu.memory_space<hbm>>, %arg4: memref<10000x128xf32, #tpu.memory_space<hbm>>, %arg5: memref<10000x128xf32, #tpu.memory_space<hbm>>, %arg6: memref<80xi32, #tpu.memory_space<vmem>>, %arg7: memref<80x128xf32, #tpu.memory_space<vmem>>, %arg8: memref<80x128xf32, #tpu.memory_space<vmem>>) attributes {dimension_semantics = [#tpu.dimension_semantics<core_parallel>, #tpu.dimension_semantics<subcore_parallel>], iteration_bounds = array<i64: 2, 16>, scalar_prefetch = 0 : i64, scratch_operands = 3 : i64, tpu.core_type = #tpu.core_type<sc_vector_subcore>, window_params = [{transform_indices = #map}, {transform_indices = #map1}, {transform_indices = #map1}, {transform_indices = #map1}]} {
    %mul3A = arith.constant 2 : i32
    %mul3A_0 = arith.muli %arg1, %mul3A : i32
    %add3A = arith.addi %mul3A_0, %arg0 : i32
    %lt3A = arith.constant 25 : i32
    %lt3A_1 = arith.cmpi slt, %add3A, %lt3A : i32
    %convert_element_type3A = arith.extui %lt3A_1 : i1 to i32
    %cond3A = arith.constant 0 : i32
    %cond3A_2 = arith.cmpi ne, %convert_element_type3A, %cond3A : i32
    scf.if %cond3A_2 {
      %mul3A_3 = arith.constant 5 : i32
      %mul3A_4 = arith.muli %add3A, %mul3A_3 : i32
      %add3A_5 = arith.constant 0 : i32
      %add3A_6 = arith.addi %mul3A_4, %add3A_5 : i32
      %mul3A_7 = arith.constant 80 : i32
      %mul3A_8 = arith.muli %add3A_6, %mul3A_7 : i32
      "tpu.region"() ({
        %run_scoped3A = tpu.sem_alloc : memref<!tpu.dma_semaphore, #tpu.memory_space<semaphore_mem>>
        %dma_start3A = tpu.memref_slice %arg2[%mul3A_8] : memref<10000xi32, #tpu.memory_space<hbm>> -> memref<80xi32, #tpu.memory_space<hbm>>
        %dma_start3A_67 = tpu.memref_slice %arg2[%mul3A_8] : memref<10000xi32, #tpu.memory_space<hbm>> -> memref<80xi32, #tpu.memory_space<hbm>>
        tpu.enqueue_dma source(%dma_start3A_67 : memref<80xi32, #tpu.memory_space<hbm>>) target(%arg6 : memref<80xi32, #tpu.memory_space<vmem>>) target_semaphore(%run_scoped3A : memref<!tpu.dma_semaphore, #tpu.memory_space<semaphore_mem>>)
        %dma_wait3A = tpu.memref_slice %arg2[%mul3A_8] : memref<10000xi32, #tpu.memory_space<hbm>> -> memref<80xi32, #tpu.memory_space<hbm>>
        %dma_wait3A_68 = tpu.memref_slice %arg2[%mul3A_8] : memref<10000xi32, #tpu.memory_space<hbm>> -> memref<80xi32, #tpu.memory_space<hbm>>
        tpu.wait_dma2 semaphore(%run_scoped3A : memref<!tpu.dma_semaphore, #tpu.memory_space<semaphore_mem>>) src(%dma_wait3A_68 : memref<80xi32, #tpu.memory_space<hbm>>) dst(%arg6 : memref<80xi32, #tpu.memory_space<vmem>>)
        tpu.yield
      }) : () -> ()
      "tpu.region"() ({
        %run_scoped3A = tpu.sem_alloc : memref<!tpu.dma_semaphore, #tpu.memory_space<semaphore_mem>>
        %dma_start3A = arith.constant 0 : i32
        %dma_start3A_67 = tpu.memref_slice %arg4[%mul3A_8, %dma_start3A] : memref<10000x128xf32, #tpu.memory_space<hbm>> -> memref<80x128xf32, #tpu.memory_space<hbm>>
        %dma_start3A_68 = arith.constant 0 : i32
        %dma_start3A_69 = tpu.memref_slice %arg4[%mul3A_8, %dma_start3A_68] : memref<10000x128xf32, #tpu.memory_space<hbm>> -> memref<80x128xf32, #tpu.memory_space<hbm>>
        tpu.enqueue_dma source(%dma_start3A_69 : memref<80x128xf32, #tpu.memory_space<hbm>>) target(%arg8 : memref<80x128xf32, #tpu.memory_space<vmem>>) target_semaphore(%run_scoped3A : memref<!tpu.dma_semaphore, #tpu.memory_space<semaphore_mem>>)
        %dma_wait3A = arith.constant 0 : i32
        %dma_wait3A_70 = tpu.memref_slice %arg4[%mul3A_8, %dma_wait3A] : memref<10000x128xf32, #tpu.memory_space<hbm>> -> memref<80x128xf32, #tpu.memory_space<hbm>>
        %dma_wait3A_71 = arith.constant 0 : i32
        %dma_wait3A_72 = tpu.memref_slice %arg4[%mul3A_8, %dma_wait3A_71] : memref<10000x128xf32, #tpu.memory_space<hbm>> -> memref<80x128xf32, #tpu.memory_space<hbm>>
        tpu.wait_dma2 semaphore(%run_scoped3A : memref<!tpu.dma_semaphore, #tpu.memory_space<semaphore_mem>>) src(%dma_wait3A_72 : memref<80x128xf32, #tpu.memory_space<hbm>>) dst(%arg8 : memref<80x128xf32, #tpu.memory_space<vmem>>)
        tpu.yield
      }) : () -> ()
      "tpu.region"() ({
        %run_scoped3A = tpu.sem_alloc : memref<!tpu.dma_semaphore, #tpu.memory_space<semaphore_mem>>
        %dma_start3A = arith.constant 0 : i32
        %dma_start3A_67 = arith.constant 0 : i32
        %dma_start3A_68 = tpu.memref_slice %arg3[%dma_start3A, %dma_start3A_67] : memref<10000x128xf32, #tpu.memory_space<hbm>> -> memref<10000x128xf32, #tpu.memory_space<hbm>>
        tpu.enqueue_indirect_dma source(%dma_start3A_68 : memref<10000x128xf32, #tpu.memory_space<hbm>>) target(%arg7 : memref<80x128xf32, #tpu.memory_space<vmem>>) offsets(%arg6 : memref<80xi32, #tpu.memory_space<vmem>>) semaphore(%run_scoped3A : memref<!tpu.dma_semaphore, #tpu.memory_space<semaphore_mem>>)
        %dma_wait3A = arith.constant 0 : i32
        %dma_wait3A_69 = arith.constant 0 : i32
        %dma_wait3A_70 = tpu.memref_slice %arg3[%dma_wait3A, %dma_wait3A_69] : memref<10000x128xf32, #tpu.memory_space<hbm>> -> memref<10000x128xf32, #tpu.memory_space<hbm>>
        tpu.wait_indirect_dma semaphore(%run_scoped3A : memref<!tpu.dma_semaphore, #tpu.memory_space<semaphore_mem>>) src(%dma_wait3A_70 : memref<10000x128xf32, #tpu.memory_space<hbm>>) dst(%arg7 : memref<80x128xf32, #tpu.memory_space<vmem>>)
        tpu.yield
      }) : () -> ()
      %scan3A = arith.constant 0 : i32
      %scan3A_9 = arith.constant 0 : i32
      %scan3A_10 = arith.constant 80 : i32
      %scan3A_11 = arith.addi %scan3A_9, %scan3A_10 : i32
      %scan3A_12 = arith.constant 1 : i32
      %scan3A_13 = scf.for %scan3A_67 = %scan3A_9 to %scan3A_11 step %scan3A_12 iter_args(%scan3A_68 = %scan3A) -> (i32)  : i32 {
        %get3A = arith.index_cast %scan3A_67 : i32 to index
        %get3A_69 = arith.constant 0 : index
        %get3A_70 = tpu.vector_load %arg7[%get3A, %get3A_69] {strides = array<i32>} : memref<80x128xf32, #tpu.memory_space<vmem>>, vector<1x16xf32>,
        %get3A_71 = vector.shape_cast %get3A_70 : vector<1x16xf32> to vector<16xf32>
        %get3A_72 = arith.index_cast %scan3A_67 : i32 to index
        %get3A_73 = arith.constant 0 : index
        %get3A_74 = tpu.vector_load %arg8[%get3A_72, %get3A_73] {strides = array<i32>} : memref<80x128xf32, #tpu.memory_space<vmem>>, vector<1x16xf32>,
        %get3A_75 = vector.shape_cast %get3A_74 : vector<1x16xf32> to vector<16xf32>
        %add3A_76 = arith.addf %get3A_71, %get3A_75 : vector<16xf32>
        %swap3A = arith.index_cast %scan3A_67 : i32 to index
        %swap3A_77 = arith.constant 0 : index
        %swap3A_78 = tpu.vector_load %arg7[%swap3A, %swap3A_77] {strides = array<i32>} : memref<80x128xf32, #tpu.memory_space<vmem>>, vector<1x16xf32>,
        %swap3A_79 = vector.shape_cast %swap3A_78 : vector<1x16xf32> to vector<16xf32>
        %swap3A_80 = vector.shape_cast %add3A_76 : vector<16xf32> to vector<1x16xf32>
        tpu.vector_store %arg7[%swap3A, %swap3A_77], %swap3A_80 {strides = array<i32>} : memref<80x128xf32, #tpu.memory_space<vmem>>, vector<1x16xf32>,
        %get3A_81 = arith.index_cast %scan3A_67 : i32 to index
        %get3A_82 = arith.constant 16 : index
        %get3A_83 = tpu.vector_load %arg7[%get3A_81, %get3A_82] {strides = array<i32>} : memref<80x128xf32, #tpu.memory_space<vmem>>, vector<1x16xf32>,
        %get3A_84 = vector.shape_cast %get3A_83 : vector<1x16xf32> to vector<16xf32>
        %get3A_85 = arith.index_cast %scan3A_67 : i32 to index
        %get3A_86 = arith.constant 16 : index
        %get3A_87 = tpu.vector_load %arg8[%get3A_85, %get3A_86] {strides = array<i32>} : memref<80x128xf32, #tpu.memory_space<vmem>>, vector<1x16xf32>,
        %get3A_88 = vector.shape_cast %get3A_87 : vector<1x16xf32> to vector<16xf32>
        %add3A_89 = arith.addf %get3A_84, %get3A_88 : vector<16xf32>
        %swap3A_90 = arith.index_cast %scan3A_67 : i32 to index
        %swap3A_91 = arith.constant 16 : index
        %swap3A_92 = tpu.vector_load %arg7[%swap3A_90, %swap3A_91] {strides = array<i32>} : memref<80x128xf32, #tpu.memory_space<vmem>>, vector<1x16xf32>,
        %swap3A_93 = vector.shape_cast %swap3A_92 : vector<1x16xf32> to vector<16xf32>
        %swap3A_94 = vector.shape_cast %add3A_89 : vector<16xf32> to vector<1x16xf32>
        tpu.vector_store %arg7[%swap3A_90, %swap3A_91], %swap3A_94 {strides = array<i32>} : memref<80x128xf32, #tpu.memory_space<vmem>>, vector<1x16xf32>,
        %get3A_95 = arith.index_cast %scan3A_67 : i32 to index
        %get3A_96 = arith.constant 32 : index
        %get3A_97 = tpu.vector_load %arg7[%get3A_95, %get3A_96] {strides = array<i32>} : memref<80x128xf32, #tpu.memory_space<vmem>>, vector<1x16xf32>,
        %get3A_98 = vector.shape_cast %get3A_97 : vector<1x16xf32> to vector<16xf32>
        %get3A_99 = arith.index_cast %scan3A_67 : i32 to index
        %get3A_100 = arith.constant 32 : index
        %get3A_101 = tpu.vector_load %arg8[%get3A_99, %get3A_100] {strides = array<i32>} : memref<80x128xf32, #tpu.memory_space<vmem>>, vector<1x16xf32>,
        %get3A_102 = vector.shape_cast %get3A_101 : vector<1x16xf32> to vector<16xf32>
        %add3A_103 = arith.addf %get3A_98, %get3A_102 : vector<16xf32>
        %swap3A_104 = arith.index_cast %scan3A_67 : i32 to index
        %swap3A_105 = arith.constant 32 : index
        %swap3A_106 = tpu.vector_load %arg7[%swap3A_104, %swap3A_105] {strides = array<i32>} : memref<80x128xf32, #tpu.memory_space<vmem>>, vector<1x16xf32>,
        %swap3A_107 = vector.shape_cast %swap3A_106 : vector<1x16xf32> to vector<16xf32>
        %swap3A_108 = vector.shape_cast %add3A_103 : vector<16xf32> to vector<1x16xf32>
        tpu.vector_store %arg7[%swap3A_104, %swap3A_105], %swap3A_108 {strides = array<i32>} : memref<80x128xf32, #tpu.memory_space<vmem>>, vector<1x16xf32>,
        %get3A_109 = arith.index_cast %scan3A_67 : i32 to index
        %get3A_110 = arith.constant 48 : index
        %get3A_111 = tpu.vector_load %arg7[%get3A_109, %get3A_110] {strides = array<i32>} : memref<80x128xf32, #tpu.memory_space<vmem>>, vector<1x16xf32>,
        %get3A_112 = vector.shape_cast %get3A_111 : vector<1x16xf32> to vector<16xf32>
        %get3A_113 = arith.index_cast %scan3A_67 : i32 to index
        %get3A_114 = arith.constant 48 : index
        %get3A_115 = tpu.vector_load %arg8[%get3A_113, %get3A_114] {strides = array<i32>} : memref<80x128xf32, #tpu.memory_space<vmem>>, vector<1x16xf32>,
        %get3A_116 = vector.shape_cast %get3A_115 : vector<1x16xf32> to vector<16xf32>
        %add3A_117 = arith.addf %get3A_112, %get3A_116 : vector<16xf32>
        %swap3A_118 = arith.index_cast %scan3A_67 : i32 to index
        %swap3A_119 = arith.constant 48 : index
        %swap3A_120 = tpu.vector_load %arg7[%swap3A_118, %swap3A_119] {strides = array<i32>} : memref<80x128xf32, #tpu.memory_space<vmem>>, vector<1x16xf32>,
        %swap3A_121 = vector.shape_cast %swap3A_120 : vector<1x16xf32> to vector<16xf32>
        %swap3A_122 = vector.shape_cast %add3A_117 : vector<16xf32> to vector<1x16xf32>
        tpu.vector_store %arg7[%swap3A_118, %swap3A_119], %swap3A_122 {strides = array<i32>} : memref<80x128xf32, #tpu.memory_space<vmem>>, vector<1x16xf32>,
        %get3A_123 = arith.index_cast %scan3A_67 : i32 to index
        %get3A_124 = arith.constant 64 : index
        %get3A_125 = tpu.vector_load %arg7[%get3A_123, %get3A_124] {strides = array<i32>} : memref<80x128xf32, #tpu.memory_space<vmem>>, vector<1x16xf32>,
        %get3A_126 = vector.shape_cast %get3A_125 : vector<1x16xf32> to vector<16xf32>
        %get3A_127 = arith.index_cast %scan3A_67 : i32 to index
        %get3A_128 = arith.constant 64 : index
        %get3A_129 = tpu.vector_load %arg8[%get3A_127, %get3A_128] {strides = array<i32>} : memref<80x128xf32, #tpu.memory_space<vmem>>, vector<1x16xf32>,
        %get3A_130 = vector.shape_cast %get3A_129 : vector<1x16xf32> to vector<16xf32>
        %add3A_131 = arith.addf %get3A_126, %get3A_130 : vector<16xf32>
        %swap3A_132 = arith.index_cast %scan3A_67 : i32 to index
        %swap3A_133 = arith.constant 64 : index
        %swap3A_134 = tpu.vector_load %arg7[%swap3A_132, %swap3A_133] {strides = array<i32>} : memref<80x128xf32, #tpu.memory_space<vmem>>, vector<1x16xf32>,
        %swap3A_135 = vector.shape_cast %swap3A_134 : vector<1x16xf32> to vector<16xf32>
        %swap3A_136 = vector.shape_cast %add3A_131 : vector<16xf32> to vector<1x16xf32>
        tpu.vector_store %arg7[%swap3A_132, %swap3A_133], %swap3A_136 {strides = array<i32>} : memref<80x128xf32, #tpu.memory_space<vmem>>, vector<1x16xf32>,
        %get3A_137 = arith.index_cast %scan3A_67 : i32 to index
        %get3A_138 = arith.constant 80 : index
        %get3A_139 = tpu.vector_load %arg7[%get3A_137, %get3A_138] {strides = array<i32>} : memref<80x128xf32, #tpu.memory_space<vmem>>, vector<1x16xf32>,
        %get3A_140 = vector.shape_cast %get3A_139 : vector<1x16xf32> to vector<16xf32>
        %get3A_141 = arith.index_cast %scan3A_67 : i32 to index
        %get3A_142 = arith.constant 80 : index
        %get3A_143 = tpu.vector_load %arg8[%get3A_141, %get3A_142] {strides = array<i32>} : memref<80x128xf32, #tpu.memory_space<vmem>>, vector<1x16xf32>,
        %get3A_144 = vector.shape_cast %get3A_143 : vector<1x16xf32> to vector<16xf32>
        %add3A_145 = arith.addf %get3A_140, %get3A_144 : vector<16xf32>
        %swap3A_146 = arith.index_cast %scan3A_67 : i32 to index
        %swap3A_147 = arith.constant 80 : index
        %swap3A_148 = tpu.vector_load %arg7[%swap3A_146, %swap3A_147] {strides = array<i32>} : memref<80x128xf32, #tpu.memory_space<vmem>>, vector<1x16xf32>,
        %swap3A_149 = vector.shape_cast %swap3A_148 : vector<1x16xf32> to vector<16xf32>
        %swap3A_150 = vector.shape_cast %add3A_145 : vector<16xf32> to vector<1x16xf32>
        tpu.vector_store %arg7[%swap3A_146, %swap3A_147], %swap3A_150 {strides = array<i32>} : memref<80x128xf32, #tpu.memory_space<vmem>>, vector<1x16xf32>,
        %get3A_151 = arith.index_cast %scan3A_67 : i32 to index
        %get3A_152 = arith.constant 96 : index
        %get3A_153 = tpu.vector_load %arg7[%get3A_151, %get3A_152] {strides = array<i32>} : memref<80x128xf32, #tpu.memory_space<vmem>>, vector<1x16xf32>,
        %get3A_154 = vector.shape_cast %get3A_153 : vector<1x16xf32> to vector<16xf32>
        %get3A_155 = arith.index_cast %scan3A_67 : i32 to index
        %get3A_156 = arith.constant 96 : index
        %get3A_157 = tpu.vector_load %arg8[%get3A_155, %get3A_156] {strides = array<i32>} : memref<80x128xf32, #tpu.memory_space<vmem>>, vector<1x16xf32>,
        %get3A_158 = vector.shape_cast %get3A_157 : vector<1x16xf32> to vector<16xf32>
        %add3A_159 = arith.addf %get3A_154, %get3A_158 : vector<16xf32>
        %swap3A_160 = arith.index_cast %scan3A_67 : i32 to index
        %swap3A_161 = arith.constant 96 : index
        %swap3A_162 = tpu.vector_load %arg7[%swap3A_160, %swap3A_161] {strides = array<i32>} : memref<80x128xf32, #tpu.memory_space<vmem>>, vector<1x16xf32>,
        %swap3A_163 = vector.shape_cast %swap3A_162 : vector<1x16xf32> to vector<16xf32>
        %swap3A_164 = vector.shape_cast %add3A_159 : vector<16xf32> to vector<1x16xf32>
        tpu.vector_store %arg7[%swap3A_160, %swap3A_161], %swap3A_164 {strides = array<i32>} : memref<80x128xf32, #tpu.memory_space<vmem>>, vector<1x16xf32>,
        %get3A_165 = arith.index_cast %scan3A_67 : i32 to index
        %get3A_166 = arith.constant 112 : index
        %get3A_167 = tpu.vector_load %arg7[%get3A_165, %get3A_166] {strides = array<i32>} : memref<80x128xf32, #tpu.memory_space<vmem>>, vector<1x16xf32>,
        %get3A_168 = vector.shape_cast %get3A_167 : vector<1x16xf32> to vector<16xf32>
        %get3A_169 = arith.index_cast %scan3A_67 : i32 to index
        %get3A_170 = arith.constant 112 : index
        %get3A_171 = tpu.vector_load %arg8[%get3A_169, %get3A_170] {strides = array<i32>} : memref<80x128xf32, #tpu.memory_space<vmem>>, vector<1x16xf32>,
        %get3A_172 = vector.shape_cast %get3A_171 : vector<1x16xf32> to vector<16xf32>
        %add3A_173 = arith.addf %get3A_168, %get3A_172 : vector<16xf32>
        %swap3A_174 = arith.index_cast %scan3A_67 : i32 to index
        %swap3A_175 = arith.constant 112 : index
        %swap3A_176 = tpu.vector_load %arg7[%swap3A_174, %swap3A_175] {strides = array<i32>} : memref<80x128xf32, #tpu.memory_space<vmem>>, vector<1x16xf32>,
        %swap3A_177 = vector.shape_cast %swap3A_176 : vector<1x16xf32> to vector<16xf32>
        %swap3A_178 = vector.shape_cast %add3A_173 : vector<16xf32> to vector<1x16xf32>
        tpu.vector_store %arg7[%swap3A_174, %swap3A_175], %swap3A_178 {strides = array<i32>} : memref<80x128xf32, #tpu.memory_space<vmem>>, vector<1x16xf32>,
        %scan3A_179 = arith.constant 0 : i32
        scf.yield %scan3A_179 : i32
      }
      %scan3A_14 = arith.constant 80 : i32
      "tpu.region"() ({
        %run_scoped3A = tpu.sem_alloc : memref<!tpu.dma_semaphore, #tpu.memory_space<semaphore_mem>>
        %dma_start3A = arith.constant 0 : i32
        %dma_start3A_67 = tpu.memref_slice %arg5[%mul3A_8, %dma_start3A] : memref<10000x128xf32, #tpu.memory_space<hbm>> -> memref<80x128xf32, #tpu.memory_space<hbm>>
        %dma_start3A_68 = arith.constant 0 : i32
        %dma_start3A_69 = tpu.memref_slice %arg5[%mul3A_8, %dma_start3A_68] : memref<10000x128xf32, #tpu.memory_space<hbm>> -> memref<80x128xf32, #tpu.memory_space<hbm>>
        tpu.enqueue_dma source(%arg7 : memref<80x128xf32, #tpu.memory_space<vmem>>) target(%dma_start3A_69 : memref<80x128xf32, #tpu.memory_space<hbm>>) target_semaphore(%run_scoped3A : memref<!tpu.dma_semaphore, #tpu.memory_space<semaphore_mem>>)
        %dma_wait3A = arith.constant 0 : i32
        %dma_wait3A_70 = tpu.memref_slice %arg5[%mul3A_8, %dma_wait3A] : memref<10000x128xf32, #tpu.memory_space<hbm>> -> memref<80x128xf32, #tpu.memory_space<hbm>>
        %dma_wait3A_71 = arith.constant 0 : i32
        %dma_wait3A_72 = tpu.memref_slice %arg5[%mul3A_8, %dma_wait3A_71] : memref<10000x128xf32, #tpu.memory_space<hbm>> -> memref<80x128xf32, #tpu.memory_space<hbm>>
        tpu.wait_dma2 semaphore(%run_scoped3A : memref<!tpu.dma_semaphore, #tpu.memory_space<semaphore_mem>>) src(%arg7 : memref<80x128xf32, #tpu.memory_space<vmem>>) dst(%dma_wait3A_72 : memref<80x128xf32, #tpu.memory_space<hbm>>)
        tpu.yield
      }) : () -> ()
      %mul3A_15 = arith.constant 5 : i32
      %mul3A_16 = arith.muli %add3A, %mul3A_15 : i32
      %add3A_17 = arith.constant 1 : i32
      %add3A_18 = arith.addi %mul3A_16, %add3A_17 : i32
      %mul3A_19 = arith.constant 80 : i32
      %mul3A_20 = arith.muli %add3A_18, %mul3A_19 : i32
      "tpu.region"() ({
        %run_scoped3A = tpu.sem_alloc : memref<!tpu.dma_semaphore, #tpu.memory_space<semaphore_mem>>
        %dma_start3A = tpu.memref_slice %arg2[%mul3A_20] : memref<10000xi32, #tpu.memory_space<hbm>> -> memref<80xi32, #tpu.memory_space<hbm>>
        %dma_start3A_67 = tpu.memref_slice %arg2[%mul3A_20] : memref<10000xi32, #tpu.memory_space<hbm>> -> memref<80xi32, #tpu.memory_space<hbm>>
        tpu.enqueue_dma source(%dma_start3A_67 : memref<80xi32, #tpu.memory_space<hbm>>) target(%arg6 : memref<80xi32, #tpu.memory_space<vmem>>) target_semaphore(%run_scoped3A : memref<!tpu.dma_semaphore, #tpu.memory_space<semaphore_mem>>)
        %dma_wait3A = tpu.memref_slice %arg2[%mul3A_20] : memref<10000xi32, #tpu.memory_space<hbm>> -> memref<80xi32, #tpu.memory_space<hbm>>
        %dma_wait3A_68 = tpu.memref_slice %arg2[%mul3A_20] : memref<10000xi32, #tpu.memory_space<hbm>> -> memref<80xi32, #tpu.memory_space<hbm>>
        tpu.wait_dma2 semaphore(%run_scoped3A : memref<!tpu.dma_semaphore, #tpu.memory_space<semaphore_mem>>) src(%dma_wait3A_68 : memref<80xi32, #tpu.memory_space<hbm>>) dst(%arg6 : memref<80xi32, #tpu.memory_space<vmem>>)
        tpu.yield
      }) : () -> ()
      "tpu.region"() ({
        %run_scoped3A = tpu.sem_alloc : memref<!tpu.dma_semaphore, #tpu.memory_space<semaphore_mem>>
        %dma_start3A = arith.constant 0 : i32
        %dma_start3A_67 = tpu.memref_slice %arg4[%mul3A_20, %dma_start3A] : memref<10000x128xf32, #tpu.memory_space<hbm>> -> memref<80x128xf32, #tpu.memory_space<hbm>>
        %dma_start3A_68 = arith.constant 0 : i32
        %dma_start3A_69 = tpu.memref_slice %arg4[%mul3A_20, %dma_start3A_68] : memref<10000x128xf32, #tpu.memory_space<hbm>> -> memref<80x128xf32, #tpu.memory_space<hbm>>
        tpu.enqueue_dma source(%dma_start3A_69 : memref<80x128xf32, #tpu.memory_space<hbm>>) target(%arg8 : memref<80x128xf32, #tpu.memory_space<vmem>>) target_semaphore(%run_scoped3A : memref<!tpu.dma_semaphore, #tpu.memory_space<semaphore_mem>>)
        %dma_wait3A = arith.constant 0 : i32
        %dma_wait3A_70 = tpu.memref_slice %arg4[%mul3A_20, %dma_wait3A] : memref<10000x128xf32, #tpu.memory_space<hbm>> -> memref<80x128xf32, #tpu.memory_space<hbm>>
        %dma_wait3A_71 = arith.constant 0 : i32
        %dma_wait3A_72 = tpu.memref_slice %arg4[%mul3A_20, %dma_wait3A_71] : memref<10000x128xf32, #tpu.memory_space<hbm>> -> memref<80x128xf32, #tpu.memory_space<hbm>>
        tpu.wait_dma2 semaphore(%run_scoped3A : memref<!tpu.dma_semaphore, #tpu.memory_space<semaphore_mem>>) src(%dma_wait3A_72 : memref<80x128xf32, #tpu.memory_space<hbm>>) dst(%arg8 : memref<80x128xf32, #tpu.memory_space<vmem>>)
        tpu.yield
      }) : () -> ()
      "tpu.region"() ({
        %run_scoped3A = tpu.sem_alloc : memref<!tpu.dma_semaphore, #tpu.memory_space<semaphore_mem>>
        %dma_start3A = arith.constant 0 : i32
        %dma_start3A_67 = arith.constant 0 : i32
        %dma_start3A_68 = tpu.memref_slice %arg3[%dma_start3A, %dma_start3A_67] : memref<10000x128xf32, #tpu.memory_space<hbm>> -> memref<10000x128xf32, #tpu.memory_space<hbm>>
        tpu.enqueue_indirect_dma source(%dma_start3A_68 : memref<10000x128xf32, #tpu.memory_space<hbm>>) target(%arg7 : memref<80x128xf32, #tpu.memory_space<vmem>>) offsets(%arg6 : memref<80xi32, #tpu.memory_space<vmem>>) semaphore(%run_scoped3A : memref<!tpu.dma_semaphore, #tpu.memory_space<semaphore_mem>>)
        %dma_wait3A = arith.constant 0 : i32
        %dma_wait3A_69 = arith.constant 0 : i32
        %dma_wait3A_70 = tpu.memref_slice %arg3[%dma_wait3A, %dma_wait3A_69] : memref<10000x128xf32, #tpu.memory_space<hbm>> -> memref<10000x128xf32, #tpu.memory_space<hbm>>
        tpu.wait_indirect_dma semaphore(%run_scoped3A : memref<!tpu.dma_semaphore, #tpu.memory_space<semaphore_mem>>) src(%dma_wait3A_70 : memref<10000x128xf32, #tpu.memory_space<hbm>>) dst(%arg7 : memref<80x128xf32, #tpu.memory_space<vmem>>)
        tpu.yield
      }) : () -> ()
      %scan3A_21 = arith.constant 0 : i32
      %scan3A_22 = arith.constant 0 : i32
      %scan3A_23 = arith.constant 80 : i32
      %scan3A_24 = arith.addi %scan3A_22, %scan3A_23 : i32
      %scan3A_25 = arith.constant 1 : i32
      %scan3A_26 = scf.for %scan3A_67 = %scan3A_22 to %scan3A_24 step %scan3A_25 iter_args(%scan3A_68 = %scan3A_21) -> (i32)  : i32 {
        %get3A = arith.index_cast %scan3A_67 : i32 to index
        %get3A_69 = arith.constant 0 : index
        %get3A_70 = tpu.vector_load %arg7[%get3A, %get3A_69] {strides = array<i32>} : memref<80x128xf32, #tpu.memory_space<vmem>>, vector<1x16xf32>,
        %get3A_71 = vector.shape_cast %get3A_70 : vector<1x16xf32> to vector<16xf32>
        %get3A_72 = arith.index_cast %scan3A_67 : i32 to index
        %get3A_73 = arith.constant 0 : index
        %get3A_74 = tpu.vector_load %arg8[%get3A_72, %get3A_73] {strides = array<i32>} : memref<80x128xf32, #tpu.memory_space<vmem>>, vector<1x16xf32>,
        %get3A_75 = vector.shape_cast %get3A_74 : vector<1x16xf32> to vector<16xf32>
        %add3A_76 = arith.addf %get3A_71, %get3A_75 : vector<16xf32>
        %swap3A = arith.index_cast %scan3A_67 : i32 to index
        %swap3A_77 = arith.constant 0 : index
        %swap3A_78 = tpu.vector_load %arg7[%swap3A, %swap3A_77] {strides = array<i32>} : memref<80x128xf32, #tpu.memory_space<vmem>>, vector<1x16xf32>,
        %swap3A_79 = vector.shape_cast %swap3A_78 : vector<1x16xf32> to vector<16xf32>
        %swap3A_80 = vector.shape_cast %add3A_76 : vector<16xf32> to vector<1x16xf32>
        tpu.vector_store %arg7[%swap3A, %swap3A_77], %swap3A_80 {strides = array<i32>} : memref<80x128xf32, #tpu.memory_space<vmem>>, vector<1x16xf32>,
        %get3A_81 = arith.index_cast %scan3A_67 : i32 to index
        %get3A_82 = arith.constant 16 : index
        %get3A_83 = tpu.vector_load %arg7[%get3A_81, %get3A_82] {strides = array<i32>} : memref<80x128xf32, #tpu.memory_space<vmem>>, vector<1x16xf32>,
        %get3A_84 = vector.shape_cast %get3A_83 : vector<1x16xf32> to vector<16xf32>
        %get3A_85 = arith.index_cast %scan3A_67 : i32 to index
        %get3A_86 = arith.constant 16 : index
        %get3A_87 = tpu.vector_load %arg8[%get3A_85, %get3A_86] {strides = array<i32>} : memref<80x128xf32, #tpu.memory_space<vmem>>, vector<1x16xf32>,
        %get3A_88 = vector.shape_cast %get3A_87 : vector<1x16xf32> to vector<16xf32>
        %add3A_89 = arith.addf %get3A_84, %get3A_88 : vector<16xf32>
        %swap3A_90 = arith.index_cast %scan3A_67 : i32 to index
        %swap3A_91 = arith.constant 16 : index
        %swap3A_92 = tpu.vector_load %arg7[%swap3A_90, %swap3A_91] {strides = array<i32>} : memref<80x128xf32, #tpu.memory_space<vmem>>, vector<1x16xf32>,
        %swap3A_93 = vector.shape_cast %swap3A_92 : vector<1x16xf32> to vector<16xf32>
        %swap3A_94 = vector.shape_cast %add3A_89 : vector<16xf32> to vector<1x16xf32>
        tpu.vector_store %arg7[%swap3A_90, %swap3A_91], %swap3A_94 {strides = array<i32>} : memref<80x128xf32, #tpu.memory_space<vmem>>, vector<1x16xf32>,
        %get3A_95 = arith.index_cast %scan3A_67 : i32 to index
        %get3A_96 = arith.constant 32 : index
        %get3A_97 = tpu.vector_load %arg7[%get3A_95, %get3A_96] {strides = array<i32>} : memref<80x128xf32, #tpu.memory_space<vmem>>, vector<1x16xf32>,
        %get3A_98 = vector.shape_cast %get3A_97 : vector<1x16xf32> to vector<16xf32>
        %get3A_99 = arith.index_cast %scan3A_67 : i32 to index
        %get3A_100 = arith.constant 32 : index
        %get3A_101 = tpu.vector_load %arg8[%get3A_99, %get3A_100] {strides = array<i32>} : memref<80x128xf32, #tpu.memory_space<vmem>>, vector<1x16xf32>,
        %get3A_102 = vector.shape_cast %get3A_101 : vector<1x16xf32> to vector<16xf32>
        %add3A_103 = arith.addf %get3A_98, %get3A_102 : vector<16xf32>
        %swap3A_104 = arith.index_cast %scan3A_67 : i32 to index
        %swap3A_105 = arith.constant 32 : index
        %swap3A_106 = tpu.vector_load %arg7[%swap3A_104, %swap3A_105] {strides = array<i32>} : memref<80x128xf32, #tpu.memory_space<vmem>>, vector<1x16xf32>,
        %swap3A_107 = vector.shape_cast %swap3A_106 : vector<1x16xf32> to vector<16xf32>
        %swap3A_108 = vector.shape_cast %add3A_103 : vector<16xf32> to vector<1x16xf32>
        tpu.vector_store %arg7[%swap3A_104, %swap3A_105], %swap3A_108 {strides = array<i32>} : memref<80x128xf32, #tpu.memory_space<vmem>>, vector<1x16xf32>,
        %get3A_109 = arith.index_cast %scan3A_67 : i32 to index
        %get3A_110 = arith.constant 48 : index
        %get3A_111 = tpu.vector_load %arg7[%get3A_109, %get3A_110] {strides = array<i32>} : memref<80x128xf32, #tpu.memory_space<vmem>>, vector<1x16xf32>,
        %get3A_112 = vector.shape_cast %get3A_111 : vector<1x16xf32> to vector<16xf32>
        %get3A_113 = arith.index_cast %scan3A_67 : i32 to index
        %get3A_114 = arith.constant 48 : index
        %get3A_115 = tpu.vector_load %arg8[%get3A_113, %get3A_114] {strides = array<i32>} : memref<80x128xf32, #tpu.memory_space<vmem>>, vector<1x16xf32>,
        %get3A_116 = vector.shape_cast %get3A_115 : vector<1x16xf32> to vector<16xf32>
        %add3A_117 = arith.addf %get3A_112, %get3A_116 : vector<16xf32>
        %swap3A_118 = arith.index_cast %scan3A_67 : i32 to index
        %swap3A_119 = arith.constant 48 : index
        %swap3A_120 = tpu.vector_load %arg7[%swap3A_118, %swap3A_119] {strides = array<i32>} : memref<80x128xf32, #tpu.memory_space<vmem>>, vector<1x16xf32>,
        %swap3A_121 = vector.shape_cast %swap3A_120 : vector<1x16xf32> to vector<16xf32>
        %swap3A_122 = vector.shape_cast %add3A_117 : vector<16xf32> to vector<1x16xf32>
        tpu.vector_store %arg7[%swap3A_118, %swap3A_119], %swap3A_122 {strides = array<i32>} : memref<80x128xf32, #tpu.memory_space<vmem>>, vector<1x16xf32>,
        %get3A_123 = arith.index_cast %scan3A_67 : i32 to index
        %get3A_124 = arith.constant 64 : index
        %get3A_125 = tpu.vector_load %arg7[%get3A_123, %get3A_124] {strides = array<i32>} : memref<80x128xf32, #tpu.memory_space<vmem>>, vector<1x16xf32>,
        %get3A_126 = vector.shape_cast %get3A_125 : vector<1x16xf32> to vector<16xf32>
        %get3A_127 = arith.index_cast %scan3A_67 : i32 to index
        %get3A_128 = arith.constant 64 : index
        %get3A_129 = tpu.vector_load %arg8[%get3A_127, %get3A_128] {strides = array<i32>} : memref<80x128xf32, #tpu.memory_space<vmem>>, vector<1x16xf32>,
        %get3A_130 = vector.shape_cast %get3A_129 : vector<1x16xf32> to vector<16xf32>
        %add3A_131 = arith.addf %get3A_126, %get3A_130 : vector<16xf32>
        %swap3A_132 = arith.index_cast %scan3A_67 : i32 to index
        %swap3A_133 = arith.constant 64 : index
        %swap3A_134 = tpu.vector_load %arg7[%swap3A_132, %swap3A_133] {strides = array<i32>} : memref<80x128xf32, #tpu.memory_space<vmem>>, vector<1x16xf32>,
        %swap3A_135 = vector.shape_cast %swap3A_134 : vector<1x16xf32> to vector<16xf32>
        %swap3A_136 = vector.shape_cast %add3A_131 : vector<16xf32> to vector<1x16xf32>
        tpu.vector_store %arg7[%swap3A_132, %swap3A_133], %swap3A_136 {strides = array<i32>} : memref<80x128xf32, #tpu.memory_space<vmem>>, vector<1x16xf32>,
        %get3A_137 = arith.index_cast %scan3A_67 : i32 to index
        %get3A_138 = arith.constant 80 : index
        %get3A_139 = tpu.vector_load %arg7[%get3A_137, %get3A_138] {strides = array<i32>} : memref<80x128xf32, #tpu.memory_space<vmem>>, vector<1x16xf32>,
        %get3A_140 = vector.shape_cast %get3A_139 : vector<1x16xf32> to vector<16xf32>
        %get3A_141 = arith.index_cast %scan3A_67 : i32 to index
        %get3A_142 = arith.constant 80 : index
        %get3A_143 = tpu.vector_load %arg8[%get3A_141, %get3A_142] {strides = array<i32>} : memref<80x128xf32, #tpu.memory_space<vmem>>, vector<1x16xf32>,
        %get3A_144 = vector.shape_cast %get3A_143 : vector<1x16xf32> to vector<16xf32>
        %add3A_145 = arith.addf %get3A_140, %get3A_144 : vector<16xf32>
        %swap3A_146 = arith.index_cast %scan3A_67 : i32 to index
        %swap3A_147 = arith.constant 80 : index
        %swap3A_148 = tpu.vector_load %arg7[%swap3A_146, %swap3A_147] {strides = array<i32>} : memref<80x128xf32, #tpu.memory_space<vmem>>, vector<1x16xf32>,
        %swap3A_149 = vector.shape_cast %swap3A_148 : vector<1x16xf32> to vector<16xf32>
        %swap3A_150 = vector.shape_cast %add3A_145 : vector<16xf32> to vector<1x16xf32>
        tpu.vector_store %arg7[%swap3A_146, %swap3A_147], %swap3A_150 {strides = array<i32>} : memref<80x128xf32, #tpu.memory_space<vmem>>, vector<1x16xf32>,
        %get3A_151 = arith.index_cast %scan3A_67 : i32 to index
        %get3A_152 = arith.constant 96 : index
        %get3A_153 = tpu.vector_load %arg7[%get3A_151, %get3A_152] {strides = array<i32>} : memref<80x128xf32, #tpu.memory_space<vmem>>, vector<1x16xf32>,
        %get3A_154 = vector.shape_cast %get3A_153 : vector<1x16xf32> to vector<16xf32>
        %get3A_155 = arith.index_cast %scan3A_67 : i32 to index
        %get3A_156 = arith.constant 96 : index
        %get3A_157 = tpu.vector_load %arg8[%get3A_155, %get3A_156] {strides = array<i32>} : memref<80x128xf32, #tpu.memory_space<vmem>>, vector<1x16xf32>,
        %get3A_158 = vector.shape_cast %get3A_157 : vector<1x16xf32> to vector<16xf32>
        %add3A_159 = arith.addf %get3A_154, %get3A_158 : vector<16xf32>
        %swap3A_160 = arith.index_cast %scan3A_67 : i32 to index
        %swap3A_161 = arith.constant 96 : index
        %swap3A_162 = tpu.vector_load %arg7[%swap3A_160, %swap3A_161] {strides = array<i32>} : memref<80x128xf32, #tpu.memory_space<vmem>>, vector<1x16xf32>,
        %swap3A_163 = vector.shape_cast %swap3A_162 : vector<1x16xf32> to vector<16xf32>
        %swap3A_164 = vector.shape_cast %add3A_159 : vector<16xf32> to vector<1x16xf32>
        tpu.vector_store %arg7[%swap3A_160, %swap3A_161], %swap3A_164 {strides = array<i32>} : memref<80x128xf32, #tpu.memory_space<vmem>>, vector<1x16xf32>,
        %get3A_165 = arith.index_cast %scan3A_67 : i32 to index
        %get3A_166 = arith.constant 112 : index
        %get3A_167 = tpu.vector_load %arg7[%get3A_165, %get3A_166] {strides = array<i32>} : memref<80x128xf32, #tpu.memory_space<vmem>>, vector<1x16xf32>,
        %get3A_168 = vector.shape_cast %get3A_167 : vector<1x16xf32> to vector<16xf32>
        %get3A_169 = arith.index_cast %scan3A_67 : i32 to index
        %get3A_170 = arith.constant 112 : index
        %get3A_171 = tpu.vector_load %arg8[%get3A_169, %get3A_170] {strides = array<i32>} : memref<80x128xf32, #tpu.memory_space<vmem>>, vector<1x16xf32>,
        %get3A_172 = vector.shape_cast %get3A_171 : vector<1x16xf32> to vector<16xf32>
        %add3A_173 = arith.addf %get3A_168, %get3A_172 : vector<16xf32>
        %swap3A_174 = arith.index_cast %scan3A_67 : i32 to index
        %swap3A_175 = arith.constant 112 : index
        %swap3A_176 = tpu.vector_load %arg7[%swap3A_174, %swap3A_175] {strides = array<i32>} : memref<80x128xf32, #tpu.memory_space<vmem>>, vector<1x16xf32>,
        %swap3A_177 = vector.shape_cast %swap3A_176 : vector<1x16xf32> to vector<16xf32>
        %swap3A_178 = vector.shape_cast %add3A_173 : vector<16xf32> to vector<1x16xf32>
        tpu.vector_store %arg7[%swap3A_174, %swap3A_175], %swap3A_178 {strides = array<i32>} : memref<80x128xf32, #tpu.memory_space<vmem>>, vector<1x16xf32>,
        %scan3A_179 = arith.constant 0 : i32
        scf.yield %scan3A_179 : i32
      }
      %scan3A_27 = arith.constant 80 : i32
      "tpu.region"() ({
        %run_scoped3A = tpu.sem_alloc : memref<!tpu.dma_semaphore, #tpu.memory_space<semaphore_mem>>
        %dma_start3A = arith.constant 0 : i32
        %dma_start3A_67 = tpu.memref_slice %arg5[%mul3A_20, %dma_start3A] : memref<10000x128xf32, #tpu.memory_space<hbm>> -> memref<80x128xf32, #tpu.memory_space<hbm>>
        %dma_start3A_68 = arith.constant 0 : i32
        %dma_start3A_69 = tpu.memref_slice %arg5[%mul3A_20, %dma_start3A_68] : memref<10000x128xf32, #tpu.memory_space<hbm>> -> memref<80x128xf32, #tpu.memory_space<hbm>>
        tpu.enqueue_dma source(%arg7 : memref<80x128xf32, #tpu.memory_space<vmem>>) target(%dma_start3A_69 : memref<80x128xf32, #tpu.memory_space<hbm>>) target_semaphore(%run_scoped3A : memref<!tpu.dma_semaphore, #tpu.memory_space<semaphore_mem>>)
        %dma_wait3A = arith.constant 0 : i32
        %dma_wait3A_70 = tpu.memref_slice %arg5[%mul3A_20, %dma_wait3A] : memref<10000x128xf32, #tpu.memory_space<hbm>> -> memref<80x128xf32, #tpu.memory_space<hbm>>
        %dma_wait3A_71 = arith.constant 0 : i32
        %dma_wait3A_72 = tpu.memref_slice %arg5[%mul3A_20, %dma_wait3A_71] : memref<10000x128xf32, #tpu.memory_space<hbm>> -> memref<80x128xf32, #tpu.memory_space<hbm>>
        tpu.wait_dma2 semaphore(%run_scoped3A : memref<!tpu.dma_semaphore, #tpu.memory_space<semaphore_mem>>) src(%arg7 : memref<80x128xf32, #tpu.memory_space<vmem>>) dst(%dma_wait3A_72 : memref<80x128xf32, #tpu.memory_space<hbm>>)
        tpu.yield
      }) : () -> ()
      %mul3A_28 = arith.constant 5 : i32
      %mul3A_29 = arith.muli %add3A, %mul3A_28 : i32
      %add3A_30 = arith.constant 2 : i32
      %add3A_31 = arith.addi %mul3A_29, %add3A_30 : i32
      %mul3A_32 = arith.constant 80 : i32
      %mul3A_33 = arith.muli %add3A_31, %mul3A_32 : i32
      "tpu.region"() ({
        %run_scoped3A = tpu.sem_alloc : memref<!tpu.dma_semaphore, #tpu.memory_space<semaphore_mem>>
        %dma_start3A = tpu.memref_slice %arg2[%mul3A_33] : memref<10000xi32, #tpu.memory_space<hbm>> -> memref<80xi32, #tpu.memory_space<hbm>>
        %dma_start3A_67 = tpu.memref_slice %arg2[%mul3A_33] : memref<10000xi32, #tpu.memory_space<hbm>> -> memref<80xi32, #tpu.memory_space<hbm>>
        tpu.enqueue_dma source(%dma_start3A_67 : memref<80xi32, #tpu.memory_space<hbm>>) target(%arg6 : memref<80xi32, #tpu.memory_space<vmem>>) target_semaphore(%run_scoped3A : memref<!tpu.dma_semaphore, #tpu.memory_space<semaphore_mem>>)
        %dma_wait3A = tpu.memref_slice %arg2[%mul3A_33] : memref<10000xi32, #tpu.memory_space<hbm>> -> memref<80xi32, #tpu.memory_space<hbm>>
        %dma_wait3A_68 = tpu.memref_slice %arg2[%mul3A_33] : memref<10000xi32, #tpu.memory_space<hbm>> -> memref<80xi32, #tpu.memory_space<hbm>>
        tpu.wait_dma2 semaphore(%run_scoped3A : memref<!tpu.dma_semaphore, #tpu.memory_space<semaphore_mem>>) src(%dma_wait3A_68 : memref<80xi32, #tpu.memory_space<hbm>>) dst(%arg6 : memref<80xi32, #tpu.memory_space<vmem>>)
        tpu.yield
      }) : () -> ()
      "tpu.region"() ({
        %run_scoped3A = tpu.sem_alloc : memref<!tpu.dma_semaphore, #tpu.memory_space<semaphore_mem>>
        %dma_start3A = arith.constant 0 : i32
        %dma_start3A_67 = tpu.memref_slice %arg4[%mul3A_33, %dma_start3A] : memref<10000x128xf32, #tpu.memory_space<hbm>> -> memref<80x128xf32, #tpu.memory_space<hbm>>
        %dma_start3A_68 = arith.constant 0 : i32
        %dma_start3A_69 = tpu.memref_slice %arg4[%mul3A_33, %dma_start3A_68] : memref<10000x128xf32, #tpu.memory_space<hbm>> -> memref<80x128xf32, #tpu.memory_space<hbm>>
        tpu.enqueue_dma source(%dma_start3A_69 : memref<80x128xf32, #tpu.memory_space<hbm>>) target(%arg8 : memref<80x128xf32, #tpu.memory_space<vmem>>) target_semaphore(%run_scoped3A : memref<!tpu.dma_semaphore, #tpu.memory_space<semaphore_mem>>)
        %dma_wait3A = arith.constant 0 : i32
        %dma_wait3A_70 = tpu.memref_slice %arg4[%mul3A_33, %dma_wait3A] : memref<10000x128xf32, #tpu.memory_space<hbm>> -> memref<80x128xf32, #tpu.memory_space<hbm>>
        %dma_wait3A_71 = arith.constant 0 : i32
        %dma_wait3A_72 = tpu.memref_slice %arg4[%mul3A_33, %dma_wait3A_71] : memref<10000x128xf32, #tpu.memory_space<hbm>> -> memref<80x128xf32, #tpu.memory_space<hbm>>
        tpu.wait_dma2 semaphore(%run_scoped3A : memref<!tpu.dma_semaphore, #tpu.memory_space<semaphore_mem>>) src(%dma_wait3A_72 : memref<80x128xf32, #tpu.memory_space<hbm>>) dst(%arg8 : memref<80x128xf32, #tpu.memory_space<vmem>>)
        tpu.yield
      }) : () -> ()
      "tpu.region"() ({
        %run_scoped3A = tpu.sem_alloc : memref<!tpu.dma_semaphore, #tpu.memory_space<semaphore_mem>>
        %dma_start3A = arith.constant 0 : i32
        %dma_start3A_67 = arith.constant 0 : i32
        %dma_start3A_68 = tpu.memref_slice %arg3[%dma_start3A, %dma_start3A_67] : memref<10000x128xf32, #tpu.memory_space<hbm>> -> memref<10000x128xf32, #tpu.memory_space<hbm>>
        tpu.enqueue_indirect_dma source(%dma_start3A_68 : memref<10000x128xf32, #tpu.memory_space<hbm>>) target(%arg7 : memref<80x128xf32, #tpu.memory_space<vmem>>) offsets(%arg6 : memref<80xi32, #tpu.memory_space<vmem>>) semaphore(%run_scoped3A : memref<!tpu.dma_semaphore, #tpu.memory_space<semaphore_mem>>)
        %dma_wait3A = arith.constant 0 : i32
        %dma_wait3A_69 = arith.constant 0 : i32
        %dma_wait3A_70 = tpu.memref_slice %arg3[%dma_wait3A, %dma_wait3A_69] : memref<10000x128xf32, #tpu.memory_space<hbm>> -> memref<10000x128xf32, #tpu.memory_space<hbm>>
        tpu.wait_indirect_dma semaphore(%run_scoped3A : memref<!tpu.dma_semaphore, #tpu.memory_space<semaphore_mem>>) src(%dma_wait3A_70 : memref<10000x128xf32, #tpu.memory_space<hbm>>) dst(%arg7 : memref<80x128xf32, #tpu.memory_space<vmem>>)
        tpu.yield
      }) : () -> ()
      %scan3A_34 = arith.constant 0 : i32
      %scan3A_35 = arith.constant 0 : i32
      %scan3A_36 = arith.constant 80 : i32
      %scan3A_37 = arith.addi %scan3A_35, %scan3A_36 : i32
      %scan3A_38 = arith.constant 1 : i32
      %scan3A_39 = scf.for %scan3A_67 = %scan3A_35 to %scan3A_37 step %scan3A_38 iter_args(%scan3A_68 = %scan3A_34) -> (i32)  : i32 {
        %get3A = arith.index_cast %scan3A_67 : i32 to index
        %get3A_69 = arith.constant 0 : index
        %get3A_70 = tpu.vector_load %arg7[%get3A, %get3A_69] {strides = array<i32>} : memref<80x128xf32, #tpu.memory_space<vmem>>, vector<1x16xf32>,
        %get3A_71 = vector.shape_cast %get3A_70 : vector<1x16xf32> to vector<16xf32>
        %get3A_72 = arith.index_cast %scan3A_67 : i32 to index
        %get3A_73 = arith.constant 0 : index
        %get3A_74 = tpu.vector_load %arg8[%get3A_72, %get3A_73] {strides = array<i32>} : memref<80x128xf32, #tpu.memory_space<vmem>>, vector<1x16xf32>,
        %get3A_75 = vector.shape_cast %get3A_74 : vector<1x16xf32> to vector<16xf32>
        %add3A_76 = arith.addf %get3A_71, %get3A_75 : vector<16xf32>
        %swap3A = arith.index_cast %scan3A_67 : i32 to index
        %swap3A_77 = arith.constant 0 : index
        %swap3A_78 = tpu.vector_load %arg7[%swap3A, %swap3A_77] {strides = array<i32>} : memref<80x128xf32, #tpu.memory_space<vmem>>, vector<1x16xf32>,
        %swap3A_79 = vector.shape_cast %swap3A_78 : vector<1x16xf32> to vector<16xf32>
        %swap3A_80 = vector.shape_cast %add3A_76 : vector<16xf32> to vector<1x16xf32>
        tpu.vector_store %arg7[%swap3A, %swap3A_77], %swap3A_80 {strides = array<i32>} : memref<80x128xf32, #tpu.memory_space<vmem>>, vector<1x16xf32>,
        %get3A_81 = arith.index_cast %scan3A_67 : i32 to index
        %get3A_82 = arith.constant 16 : index
        %get3A_83 = tpu.vector_load %arg7[%get3A_81, %get3A_82] {strides = array<i32>} : memref<80x128xf32, #tpu.memory_space<vmem>>, vector<1x16xf32>,
        %get3A_84 = vector.shape_cast %get3A_83 : vector<1x16xf32> to vector<16xf32>
        %get3A_85 = arith.index_cast %scan3A_67 : i32 to index
        %get3A_86 = arith.constant 16 : index
        %get3A_87 = tpu.vector_load %arg8[%get3A_85, %get3A_86] {strides = array<i32>} : memref<80x128xf32, #tpu.memory_space<vmem>>, vector<1x16xf32>,
        %get3A_88 = vector.shape_cast %get3A_87 : vector<1x16xf32> to vector<16xf32>
        %add3A_89 = arith.addf %get3A_84, %get3A_88 : vector<16xf32>
        %swap3A_90 = arith.index_cast %scan3A_67 : i32 to index
        %swap3A_91 = arith.constant 16 : index
        %swap3A_92 = tpu.vector_load %arg7[%swap3A_90, %swap3A_91] {strides = array<i32>} : memref<80x128xf32, #tpu.memory_space<vmem>>, vector<1x16xf32>,
        %swap3A_93 = vector.shape_cast %swap3A_92 : vector<1x16xf32> to vector<16xf32>
        %swap3A_94 = vector.shape_cast %add3A_89 : vector<16xf32> to vector<1x16xf32>
        tpu.vector_store %arg7[%swap3A_90, %swap3A_91], %swap3A_94 {strides = array<i32>} : memref<80x128xf32, #tpu.memory_space<vmem>>, vector<1x16xf32>,
        %get3A_95 = arith.index_cast %scan3A_67 : i32 to index
        %get3A_96 = arith.constant 32 : index
        %get3A_97 = tpu.vector_load %arg7[%get3A_95, %get3A_96] {strides = array<i32>} : memref<80x128xf32, #tpu.memory_space<vmem>>, vector<1x16xf32>,
        %get3A_98 = vector.shape_cast %get3A_97 : vector<1x16xf32> to vector<16xf32>
        %get3A_99 = arith.index_cast %scan3A_67 : i32 to index
        %get3A_100 = arith.constant 32 : index
        %get3A_101 = tpu.vector_load %arg8[%get3A_99, %get3A_100] {strides = array<i32>} : memref<80x128xf32, #tpu.memory_space<vmem>>, vector<1x16xf32>,
        %get3A_102 = vector.shape_cast %get3A_101 : vector<1x16xf32> to vector<16xf32>
        %add3A_103 = arith.addf %get3A_98, %get3A_102 : vector<16xf32>
        %swap3A_104 = arith.index_cast %scan3A_67 : i32 to index
        %swap3A_105 = arith.constant 32 : index
        %swap3A_106 = tpu.vector_load %arg7[%swap3A_104, %swap3A_105] {strides = array<i32>} : memref<80x128xf32, #tpu.memory_space<vmem>>, vector<1x16xf32>,
        %swap3A_107 = vector.shape_cast %swap3A_106 : vector<1x16xf32> to vector<16xf32>
        %swap3A_108 = vector.shape_cast %add3A_103 : vector<16xf32> to vector<1x16xf32>
        tpu.vector_store %arg7[%swap3A_104, %swap3A_105], %swap3A_108 {strides = array<i32>} : memref<80x128xf32, #tpu.memory_space<vmem>>, vector<1x16xf32>,
        %get3A_109 = arith.index_cast %scan3A_67 : i32 to index
        %get3A_110 = arith.constant 48 : index
        %get3A_111 = tpu.vector_load %arg7[%get3A_109, %get3A_110] {strides = array<i32>} : memref<80x128xf32, #tpu.memory_space<vmem>>, vector<1x16xf32>,
        %get3A_112 = vector.shape_cast %get3A_111 : vector<1x16xf32> to vector<16xf32>
        %get3A_113 = arith.index_cast %scan3A_67 : i32 to index
        %get3A_114 = arith.constant 48 : index
        %get3A_115 = tpu.vector_load %arg8[%get3A_113, %get3A_114] {strides = array<i32>} : memref<80x128xf32, #tpu.memory_space<vmem>>, vector<1x16xf32>,
        %get3A_116 = vector.shape_cast %get3A_115 : vector<1x16xf32> to vector<16xf32>
        %add3A_117 = arith.addf %get3A_112, %get3A_116 : vector<16xf32>
        %swap3A_118 = arith.index_cast %scan3A_67 : i32 to index
        %swap3A_119 = arith.constant 48 : index
        %swap3A_120 = tpu.vector_load %arg7[%swap3A_118, %swap3A_119] {strides = array<i32>} : memref<80x128xf32, #tpu.memory_space<vmem>>, vector<1x16xf32>,
        %swap3A_121 = vector.shape_cast %swap3A_120 : vector<1x16xf32> to vector<16xf32>
        %swap3A_122 = vector.shape_cast %add3A_117 : vector<16xf32> to vector<1x16xf32>
        tpu.vector_store %arg7[%swap3A_118, %swap3A_119], %swap3A_122 {strides = array<i32>} : memref<80x128xf32, #tpu.memory_space<vmem>>, vector<1x16xf32>,
        %get3A_123 = arith.index_cast %scan3A_67 : i32 to index
        %get3A_124 = arith.constant 64 : index
        %get3A_125 = tpu.vector_load %arg7[%get3A_123, %get3A_124] {strides = array<i32>} : memref<80x128xf32, #tpu.memory_space<vmem>>, vector<1x16xf32>,
        %get3A_126 = vector.shape_cast %get3A_125 : vector<1x16xf32> to vector<16xf32>
        %get3A_127 = arith.index_cast %scan3A_67 : i32 to index
        %get3A_128 = arith.constant 64 : index
        %get3A_129 = tpu.vector_load %arg8[%get3A_127, %get3A_128] {strides = array<i32>} : memref<80x128xf32, #tpu.memory_space<vmem>>, vector<1x16xf32>,
        %get3A_130 = vector.shape_cast %get3A_129 : vector<1x16xf32> to vector<16xf32>
        %add3A_131 = arith.addf %get3A_126, %get3A_130 : vector<16xf32>
        %swap3A_132 = arith.index_cast %scan3A_67 : i32 to index
        %swap3A_133 = arith.constant 64 : index
        %swap3A_134 = tpu.vector_load %arg7[%swap3A_132, %swap3A_133] {strides = array<i32>} : memref<80x128xf32, #tpu.memory_space<vmem>>, vector<1x16xf32>,
        %swap3A_135 = vector.shape_cast %swap3A_134 : vector<1x16xf32> to vector<16xf32>
        %swap3A_136 = vector.shape_cast %add3A_131 : vector<16xf32> to vector<1x16xf32>
        tpu.vector_store %arg7[%swap3A_132, %swap3A_133], %swap3A_136 {strides = array<i32>} : memref<80x128xf32, #tpu.memory_space<vmem>>, vector<1x16xf32>,
        %get3A_137 = arith.index_cast %scan3A_67 : i32 to index
        %get3A_138 = arith.constant 80 : index
        %get3A_139 = tpu.vector_load %arg7[%get3A_137, %get3A_138] {strides = array<i32>} : memref<80x128xf32, #tpu.memory_space<vmem>>, vector<1x16xf32>,
        %get3A_140 = vector.shape_cast %get3A_139 : vector<1x16xf32> to vector<16xf32>
        %get3A_141 = arith.index_cast %scan3A_67 : i32 to index
        %get3A_142 = arith.constant 80 : index
        %get3A_143 = tpu.vector_load %arg8[%get3A_141, %get3A_142] {strides = array<i32>} : memref<80x128xf32, #tpu.memory_space<vmem>>, vector<1x16xf32>,
        %get3A_144 = vector.shape_cast %get3A_143 : vector<1x16xf32> to vector<16xf32>
        %add3A_145 = arith.addf %get3A_140, %get3A_144 : vector<16xf32>
        %swap3A_146 = arith.index_cast %scan3A_67 : i32 to index
        %swap3A_147 = arith.constant 80 : index
        %swap3A_148 = tpu.vector_load %arg7[%swap3A_146, %swap3A_147] {strides = array<i32>} : memref<80x128xf32, #tpu.memory_space<vmem>>, vector<1x16xf32>,
        %swap3A_149 = vector.shape_cast %swap3A_148 : vector<1x16xf32> to vector<16xf32>
        %swap3A_150 = vector.shape_cast %add3A_145 : vector<16xf32> to vector<1x16xf32>
        tpu.vector_store %arg7[%swap3A_146, %swap3A_147], %swap3A_150 {strides = array<i32>} : memref<80x128xf32, #tpu.memory_space<vmem>>, vector<1x16xf32>,
        %get3A_151 = arith.index_cast %scan3A_67 : i32 to index
        %get3A_152 = arith.constant 96 : index
        %get3A_153 = tpu.vector_load %arg7[%get3A_151, %get3A_152] {strides = array<i32>} : memref<80x128xf32, #tpu.memory_space<vmem>>, vector<1x16xf32>,
        %get3A_154 = vector.shape_cast %get3A_153 : vector<1x16xf32> to vector<16xf32>
        %get3A_155 = arith.index_cast %scan3A_67 : i32 to index
        %get3A_156 = arith.constant 96 : index
        %get3A_157 = tpu.vector_load %arg8[%get3A_155, %get3A_156] {strides = array<i32>} : memref<80x128xf32, #tpu.memory_space<vmem>>, vector<1x16xf32>,
        %get3A_158 = vector.shape_cast %get3A_157 : vector<1x16xf32> to vector<16xf32>
        %add3A_159 = arith.addf %get3A_154, %get3A_158 : vector<16xf32>
        %swap3A_160 = arith.index_cast %scan3A_67 : i32 to index
        %swap3A_161 = arith.constant 96 : index
        %swap3A_162 = tpu.vector_load %arg7[%swap3A_160, %swap3A_161] {strides = array<i32>} : memref<80x128xf32, #tpu.memory_space<vmem>>, vector<1x16xf32>,
        %swap3A_163 = vector.shape_cast %swap3A_162 : vector<1x16xf32> to vector<16xf32>
        %swap3A_164 = vector.shape_cast %add3A_159 : vector<16xf32> to vector<1x16xf32>
        tpu.vector_store %arg7[%swap3A_160, %swap3A_161], %swap3A_164 {strides = array<i32>} : memref<80x128xf32, #tpu.memory_space<vmem>>, vector<1x16xf32>,
        %get3A_165 = arith.index_cast %scan3A_67 : i32 to index
        %get3A_166 = arith.constant 112 : index
        %get3A_167 = tpu.vector_load %arg7[%get3A_165, %get3A_166] {strides = array<i32>} : memref<80x128xf32, #tpu.memory_space<vmem>>, vector<1x16xf32>,
        %get3A_168 = vector.shape_cast %get3A_167 : vector<1x16xf32> to vector<16xf32>
        %get3A_169 = arith.index_cast %scan3A_67 : i32 to index
        %get3A_170 = arith.constant 112 : index
        %get3A_171 = tpu.vector_load %arg8[%get3A_169, %get3A_170] {strides = array<i32>} : memref<80x128xf32, #tpu.memory_space<vmem>>, vector<1x16xf32>,
        %get3A_172 = vector.shape_cast %get3A_171 : vector<1x16xf32> to vector<16xf32>
        %add3A_173 = arith.addf %get3A_168, %get3A_172 : vector<16xf32>
        %swap3A_174 = arith.index_cast %scan3A_67 : i32 to index
        %swap3A_175 = arith.constant 112 : index
        %swap3A_176 = tpu.vector_load %arg7[%swap3A_174, %swap3A_175] {strides = array<i32>} : memref<80x128xf32, #tpu.memory_space<vmem>>, vector<1x16xf32>,
        %swap3A_177 = vector.shape_cast %swap3A_176 : vector<1x16xf32> to vector<16xf32>
        %swap3A_178 = vector.shape_cast %add3A_173 : vector<16xf32> to vector<1x16xf32>
        tpu.vector_store %arg7[%swap3A_174, %swap3A_175], %swap3A_178 {strides = array<i32>} : memref<80x128xf32, #tpu.memory_space<vmem>>, vector<1x16xf32>,
        %scan3A_179 = arith.constant 0 : i32
        scf.yield %scan3A_179 : i32
      }
      %scan3A_40 = arith.constant 80 : i32
      "tpu.region"() ({
        %run_scoped3A = tpu.sem_alloc : memref<!tpu.dma_semaphore, #tpu.memory_space<semaphore_mem>>
        %dma_start3A = arith.constant 0 : i32
        %dma_start3A_67 = tpu.memref_slice %arg5[%mul3A_33, %dma_start3A] : memref<10000x128xf32, #tpu.memory_space<hbm>> -> memref<80x128xf32, #tpu.memory_space<hbm>>
        %dma_start3A_68 = arith.constant 0 : i32
        %dma_start3A_69 = tpu.memref_slice %arg5[%mul3A_33, %dma_start3A_68] : memref<10000x128xf32, #tpu.memory_space<hbm>> -> memref<80x128xf32, #tpu.memory_space<hbm>>
        tpu.enqueue_dma source(%arg7 : memref<80x128xf32, #tpu.memory_space<vmem>>) target(%dma_start3A_69 : memref<80x128xf32, #tpu.memory_space<hbm>>) target_semaphore(%run_scoped3A : memref<!tpu.dma_semaphore, #tpu.memory_space<semaphore_mem>>)
        %dma_wait3A = arith.constant 0 : i32
        %dma_wait3A_70 = tpu.memref_slice %arg5[%mul3A_33, %dma_wait3A] : memref<10000x128xf32, #tpu.memory_space<hbm>> -> memref<80x128xf32, #tpu.memory_space<hbm>>
        %dma_wait3A_71 = arith.constant 0 : i32
        %dma_wait3A_72 = tpu.memref_slice %arg5[%mul3A_33, %dma_wait3A_71] : memref<10000x128xf32, #tpu.memory_space<hbm>> -> memref<80x128xf32, #tpu.memory_space<hbm>>
        tpu.wait_dma2 semaphore(%run_scoped3A : memref<!tpu.dma_semaphore, #tpu.memory_space<semaphore_mem>>) src(%arg7 : memref<80x128xf32, #tpu.memory_space<vmem>>) dst(%dma_wait3A_72 : memref<80x128xf32, #tpu.memory_space<hbm>>)
        tpu.yield
      }) : () -> ()
      %mul3A_41 = arith.constant 5 : i32
      %mul3A_42 = arith.muli %add3A, %mul3A_41 : i32
      %add3A_43 = arith.constant 3 : i32
      %add3A_44 = arith.addi %mul3A_42, %add3A_43 : i32
      %mul3A_45 = arith.constant 80 : i32
      %mul3A_46 = arith.muli %add3A_44, %mul3A_45 : i32
      "tpu.region"() ({
        %run_scoped3A = tpu.sem_alloc : memref<!tpu.dma_semaphore, #tpu.memory_space<semaphore_mem>>
        %dma_start3A = tpu.memref_slice %arg2[%mul3A_46] : memref<10000xi32, #tpu.memory_space<hbm>> -> memref<80xi32, #tpu.memory_space<hbm>>
        %dma_start3A_67 = tpu.memref_slice %arg2[%mul3A_46] : memref<10000xi32, #tpu.memory_space<hbm>> -> memref<80xi32, #tpu.memory_space<hbm>>
        tpu.enqueue_dma source(%dma_start3A_67 : memref<80xi32, #tpu.memory_space<hbm>>) target(%arg6 : memref<80xi32, #tpu.memory_space<vmem>>) target_semaphore(%run_scoped3A : memref<!tpu.dma_semaphore, #tpu.memory_space<semaphore_mem>>)
        %dma_wait3A = tpu.memref_slice %arg2[%mul3A_46] : memref<10000xi32, #tpu.memory_space<hbm>> -> memref<80xi32, #tpu.memory_space<hbm>>
        %dma_wait3A_68 = tpu.memref_slice %arg2[%mul3A_46] : memref<10000xi32, #tpu.memory_space<hbm>> -> memref<80xi32, #tpu.memory_space<hbm>>
        tpu.wait_dma2 semaphore(%run_scoped3A : memref<!tpu.dma_semaphore, #tpu.memory_space<semaphore_mem>>) src(%dma_wait3A_68 : memref<80xi32, #tpu.memory_space<hbm>>) dst(%arg6 : memref<80xi32, #tpu.memory_space<vmem>>)
        tpu.yield
      }) : () -> ()
      "tpu.region"() ({
        %run_scoped3A = tpu.sem_alloc : memref<!tpu.dma_semaphore, #tpu.memory_space<semaphore_mem>>
        %dma_start3A = arith.constant 0 : i32
        %dma_start3A_67 = tpu.memref_slice %arg4[%mul3A_46, %dma_start3A] : memref<10000x128xf32, #tpu.memory_space<hbm>> -> memref<80x128xf32, #tpu.memory_space<hbm>>
        %dma_start3A_68 = arith.constant 0 : i32
        %dma_start3A_69 = tpu.memref_slice %arg4[%mul3A_46, %dma_start3A_68] : memref<10000x128xf32, #tpu.memory_space<hbm>> -> memref<80x128xf32, #tpu.memory_space<hbm>>
        tpu.enqueue_dma source(%dma_start3A_69 : memref<80x128xf32, #tpu.memory_space<hbm>>) target(%arg8 : memref<80x128xf32, #tpu.memory_space<vmem>>) target_semaphore(%run_scoped3A : memref<!tpu.dma_semaphore, #tpu.memory_space<semaphore_mem>>)
        %dma_wait3A = arith.constant 0 : i32
        %dma_wait3A_70 = tpu.memref_slice %arg4[%mul3A_46, %dma_wait3A] : memref<10000x128xf32, #tpu.memory_space<hbm>> -> memref<80x128xf32, #tpu.memory_space<hbm>>
        %dma_wait3A_71 = arith.constant 0 : i32
        %dma_wait3A_72 = tpu.memref_slice %arg4[%mul3A_46, %dma_wait3A_71] : memref<10000x128xf32, #tpu.memory_space<hbm>> -> memref<80x128xf32, #tpu.memory_space<hbm>>
        tpu.wait_dma2 semaphore(%run_scoped3A : memref<!tpu.dma_semaphore, #tpu.memory_space<semaphore_mem>>) src(%dma_wait3A_72 : memref<80x128xf32, #tpu.memory_space<hbm>>) dst(%arg8 : memref<80x128xf32, #tpu.memory_space<vmem>>)
        tpu.yield
      }) : () -> ()
      "tpu.region"() ({
        %run_scoped3A = tpu.sem_alloc : memref<!tpu.dma_semaphore, #tpu.memory_space<semaphore_mem>>
        %dma_start3A = arith.constant 0 : i32
        %dma_start3A_67 = arith.constant 0 : i32
        %dma_start3A_68 = tpu.memref_slice %arg3[%dma_start3A, %dma_start3A_67] : memref<10000x128xf32, #tpu.memory_space<hbm>> -> memref<10000x128xf32, #tpu.memory_space<hbm>>
        tpu.enqueue_indirect_dma source(%dma_start3A_68 : memref<10000x128xf32, #tpu.memory_space<hbm>>) target(%arg7 : memref<80x128xf32, #tpu.memory_space<vmem>>) offsets(%arg6 : memref<80xi32, #tpu.memory_space<vmem>>) semaphore(%run_scoped3A : memref<!tpu.dma_semaphore, #tpu.memory_space<semaphore_mem>>)
        %dma_wait3A = arith.constant 0 : i32
        %dma_wait3A_69 = arith.constant 0 : i32
        %dma_wait3A_70 = tpu.memref_slice %arg3[%dma_wait3A, %dma_wait3A_69] : memref<10000x128xf32, #tpu.memory_space<hbm>> -> memref<10000x128xf32, #tpu.memory_space<hbm>>
        tpu.wait_indirect_dma semaphore(%run_scoped3A : memref<!tpu.dma_semaphore, #tpu.memory_space<semaphore_mem>>) src(%dma_wait3A_70 : memref<10000x128xf32, #tpu.memory_space<hbm>>) dst(%arg7 : memref<80x128xf32, #tpu.memory_space<vmem>>)
        tpu.yield
      }) : () -> ()
      %scan3A_47 = arith.constant 0 : i32
      %scan3A_48 = arith.constant 0 : i32
      %scan3A_49 = arith.constant 80 : i32
      %scan3A_50 = arith.addi %scan3A_48, %scan3A_49 : i32
      %scan3A_51 = arith.constant 1 : i32
      %scan3A_52 = scf.for %scan3A_67 = %scan3A_48 to %scan3A_50 step %scan3A_51 iter_args(%scan3A_68 = %scan3A_47) -> (i32)  : i32 {
        %get3A = arith.index_cast %scan3A_67 : i32 to index
        %get3A_69 = arith.constant 0 : index
        %get3A_70 = tpu.vector_load %arg7[%get3A, %get3A_69] {strides = array<i32>} : memref<80x128xf32, #tpu.memory_space<vmem>>, vector<1x16xf32>,
        %get3A_71 = vector.shape_cast %get3A_70 : vector<1x16xf32> to vector<16xf32>
        %get3A_72 = arith.index_cast %scan3A_67 : i32 to index
        %get3A_73 = arith.constant 0 : index
        %get3A_74 = tpu.vector_load %arg8[%get3A_72, %get3A_73] {strides = array<i32>} : memref<80x128xf32, #tpu.memory_space<vmem>>, vector<1x16xf32>,
        %get3A_75 = vector.shape_cast %get3A_74 : vector<1x16xf32> to vector<16xf32>
        %add3A_76 = arith.addf %get3A_71, %get3A_75 : vector<16xf32>
        %swap3A = arith.index_cast %scan3A_67 : i32 to index
        %swap3A_77 = arith.constant 0 : index
        %swap3A_78 = tpu.vector_load %arg7[%swap3A, %swap3A_77] {strides = array<i32>} : memref<80x128xf32, #tpu.memory_space<vmem>>, vector<1x16xf32>,
        %swap3A_79 = vector.shape_cast %swap3A_78 : vector<1x16xf32> to vector<16xf32>
        %swap3A_80 = vector.shape_cast %add3A_76 : vector<16xf32> to vector<1x16xf32>
        tpu.vector_store %arg7[%swap3A, %swap3A_77], %swap3A_80 {strides = array<i32>} : memref<80x128xf32, #tpu.memory_space<vmem>>, vector<1x16xf32>,
        %get3A_81 = arith.index_cast %scan3A_67 : i32 to index
        %get3A_82 = arith.constant 16 : index
        %get3A_83 = tpu.vector_load %arg7[%get3A_81, %get3A_82] {strides = array<i32>} : memref<80x128xf32, #tpu.memory_space<vmem>>, vector<1x16xf32>,
        %get3A_84 = vector.shape_cast %get3A_83 : vector<1x16xf32> to vector<16xf32>
        %get3A_85 = arith.index_cast %scan3A_67 : i32 to index
        %get3A_86 = arith.constant 16 : index
        %get3A_87 = tpu.vector_load %arg8[%get3A_85, %get3A_86] {strides = array<i32>} : memref<80x128xf32, #tpu.memory_space<vmem>>, vector<1x16xf32>,
        %get3A_88 = vector.shape_cast %get3A_87 : vector<1x16xf32> to vector<16xf32>
        %add3A_89 = arith.addf %get3A_84, %get3A_88 : vector<16xf32>
        %swap3A_90 = arith.index_cast %scan3A_67 : i32 to index
        %swap3A_91 = arith.constant 16 : index
        %swap3A_92 = tpu.vector_load %arg7[%swap3A_90, %swap3A_91] {strides = array<i32>} : memref<80x128xf32, #tpu.memory_space<vmem>>, vector<1x16xf32>,
        %swap3A_93 = vector.shape_cast %swap3A_92 : vector<1x16xf32> to vector<16xf32>
        %swap3A_94 = vector.shape_cast %add3A_89 : vector<16xf32> to vector<1x16xf32>
        tpu.vector_store %arg7[%swap3A_90, %swap3A_91], %swap3A_94 {strides = array<i32>} : memref<80x128xf32, #tpu.memory_space<vmem>>, vector<1x16xf32>,
        %get3A_95 = arith.index_cast %scan3A_67 : i32 to index
        %get3A_96 = arith.constant 32 : index
        %get3A_97 = tpu.vector_load %arg7[%get3A_95, %get3A_96] {strides = array<i32>} : memref<80x128xf32, #tpu.memory_space<vmem>>, vector<1x16xf32>,
        %get3A_98 = vector.shape_cast %get3A_97 : vector<1x16xf32> to vector<16xf32>
        %get3A_99 = arith.index_cast %scan3A_67 : i32 to index
        %get3A_100 = arith.constant 32 : index
        %get3A_101 = tpu.vector_load %arg8[%get3A_99, %get3A_100] {strides = array<i32>} : memref<80x128xf32, #tpu.memory_space<vmem>>, vector<1x16xf32>,
        %get3A_102 = vector.shape_cast %get3A_101 : vector<1x16xf32> to vector<16xf32>
        %add3A_103 = arith.addf %get3A_98, %get3A_102 : vector<16xf32>
        %swap3A_104 = arith.index_cast %scan3A_67 : i32 to index
        %swap3A_105 = arith.constant 32 : index
        %swap3A_106 = tpu.vector_load %arg7[%swap3A_104, %swap3A_105] {strides = array<i32>} : memref<80x128xf32, #tpu.memory_space<vmem>>, vector<1x16xf32>,
        %swap3A_107 = vector.shape_cast %swap3A_106 : vector<1x16xf32> to vector<16xf32>
        %swap3A_108 = vector.shape_cast %add3A_103 : vector<16xf32> to vector<1x16xf32>
        tpu.vector_store %arg7[%swap3A_104, %swap3A_105], %swap3A_108 {strides = array<i32>} : memref<80x128xf32, #tpu.memory_space<vmem>>, vector<1x16xf32>,
        %get3A_109 = arith.index_cast %scan3A_67 : i32 to index
        %get3A_110 = arith.constant 48 : index
        %get3A_111 = tpu.vector_load %arg7[%get3A_109, %get3A_110] {strides = array<i32>} : memref<80x128xf32, #tpu.memory_space<vmem>>, vector<1x16xf32>,
        %get3A_112 = vector.shape_cast %get3A_111 : vector<1x16xf32> to vector<16xf32>
        %get3A_113 = arith.index_cast %scan3A_67 : i32 to index
        %get3A_114 = arith.constant 48 : index
        %get3A_115 = tpu.vector_load %arg8[%get3A_113, %get3A_114] {strides = array<i32>} : memref<80x128xf32, #tpu.memory_space<vmem>>, vector<1x16xf32>,
        %get3A_116 = vector.shape_cast %get3A_115 : vector<1x16xf32> to vector<16xf32>
        %add3A_117 = arith.addf %get3A_112, %get3A_116 : vector<16xf32>
        %swap3A_118 = arith.index_cast %scan3A_67 : i32 to index
        %swap3A_119 = arith.constant 48 : index
        %swap3A_120 = tpu.vector_load %arg7[%swap3A_118, %swap3A_119] {strides = array<i32>} : memref<80x128xf32, #tpu.memory_space<vmem>>, vector<1x16xf32>,
        %swap3A_121 = vector.shape_cast %swap3A_120 : vector<1x16xf32> to vector<16xf32>
        %swap3A_122 = vector.shape_cast %add3A_117 : vector<16xf32> to vector<1x16xf32>
        tpu.vector_store %arg7[%swap3A_118, %swap3A_119], %swap3A_122 {strides = array<i32>} : memref<80x128xf32, #tpu.memory_space<vmem>>, vector<1x16xf32>,
        %get3A_123 = arith.index_cast %scan3A_67 : i32 to index
        %get3A_124 = arith.constant 64 : index
        %get3A_125 = tpu.vector_load %arg7[%get3A_123, %get3A_124] {strides = array<i32>} : memref<80x128xf32, #tpu.memory_space<vmem>>, vector<1x16xf32>,
        %get3A_126 = vector.shape_cast %get3A_125 : vector<1x16xf32> to vector<16xf32>
        %get3A_127 = arith.index_cast %scan3A_67 : i32 to index
        %get3A_128 = arith.constant 64 : index
        %get3A_129 = tpu.vector_load %arg8[%get3A_127, %get3A_128] {strides = array<i32>} : memref<80x128xf32, #tpu.memory_space<vmem>>, vector<1x16xf32>,
        %get3A_130 = vector.shape_cast %get3A_129 : vector<1x16xf32> to vector<16xf32>
        %add3A_131 = arith.addf %get3A_126, %get3A_130 : vector<16xf32>
        %swap3A_132 = arith.index_cast %scan3A_67 : i32 to index
        %swap3A_133 = arith.constant 64 : index
        %swap3A_134 = tpu.vector_load %arg7[%swap3A_132, %swap3A_133] {strides = array<i32>} : memref<80x128xf32, #tpu.memory_space<vmem>>, vector<1x16xf32>,
        %swap3A_135 = vector.shape_cast %swap3A_134 : vector<1x16xf32> to vector<16xf32>
        %swap3A_136 = vector.shape_cast %add3A_131 : vector<16xf32> to vector<1x16xf32>
        tpu.vector_store %arg7[%swap3A_132, %swap3A_133], %swap3A_136 {strides = array<i32>} : memref<80x128xf32, #tpu.memory_space<vmem>>, vector<1x16xf32>,
        %get3A_137 = arith.index_cast %scan3A_67 : i32 to index
        %get3A_138 = arith.constant 80 : index
        %get3A_139 = tpu.vector_load %arg7[%get3A_137, %get3A_138] {strides = array<i32>} : memref<80x128xf32, #tpu.memory_space<vmem>>, vector<1x16xf32>,
        %get3A_140 = vector.shape_cast %get3A_139 : vector<1x16xf32> to vector<16xf32>
        %get3A_141 = arith.index_cast %scan3A_67 : i32 to index
        %get3A_142 = arith.constant 80 : index
        %get3A_143 = tpu.vector_load %arg8[%get3A_141, %get3A_142] {strides = array<i32>} : memref<80x128xf32, #tpu.memory_space<vmem>>, vector<1x16xf32>,
        %get3A_144 = vector.shape_cast %get3A_143 : vector<1x16xf32> to vector<16xf32>
        %add3A_145 = arith.addf %get3A_140, %get3A_144 : vector<16xf32>
        %swap3A_146 = arith.index_cast %scan3A_67 : i32 to index
        %swap3A_147 = arith.constant 80 : index
        %swap3A_148 = tpu.vector_load %arg7[%swap3A_146, %swap3A_147] {strides = array<i32>} : memref<80x128xf32, #tpu.memory_space<vmem>>, vector<1x16xf32>,
        %swap3A_149 = vector.shape_cast %swap3A_148 : vector<1x16xf32> to vector<16xf32>
        %swap3A_150 = vector.shape_cast %add3A_145 : vector<16xf32> to vector<1x16xf32>
        tpu.vector_store %arg7[%swap3A_146, %swap3A_147], %swap3A_150 {strides = array<i32>} : memref<80x128xf32, #tpu.memory_space<vmem>>, vector<1x16xf32>,
        %get3A_151 = arith.index_cast %scan3A_67 : i32 to index
        %get3A_152 = arith.constant 96 : index
        %get3A_153 = tpu.vector_load %arg7[%get3A_151, %get3A_152] {strides = array<i32>} : memref<80x128xf32, #tpu.memory_space<vmem>>, vector<1x16xf32>,
        %get3A_154 = vector.shape_cast %get3A_153 : vector<1x16xf32> to vector<16xf32>
        %get3A_155 = arith.index_cast %scan3A_67 : i32 to index
        %get3A_156 = arith.constant 96 : index
        %get3A_157 = tpu.vector_load %arg8[%get3A_155, %get3A_156] {strides = array<i32>} : memref<80x128xf32, #tpu.memory_space<vmem>>, vector<1x16xf32>,
        %get3A_158 = vector.shape_cast %get3A_157 : vector<1x16xf32> to vector<16xf32>
        %add3A_159 = arith.addf %get3A_154, %get3A_158 : vector<16xf32>
        %swap3A_160 = arith.index_cast %scan3A_67 : i32 to index
        %swap3A_161 = arith.constant 96 : index
        %swap3A_162 = tpu.vector_load %arg7[%swap3A_160, %swap3A_161] {strides = array<i32>} : memref<80x128xf32, #tpu.memory_space<vmem>>, vector<1x16xf32>,
        %swap3A_163 = vector.shape_cast %swap3A_162 : vector<1x16xf32> to vector<16xf32>
        %swap3A_164 = vector.shape_cast %add3A_159 : vector<16xf32> to vector<1x16xf32>
        tpu.vector_store %arg7[%swap3A_160, %swap3A_161], %swap3A_164 {strides = array<i32>} : memref<80x128xf32, #tpu.memory_space<vmem>>, vector<1x16xf32>,
        %get3A_165 = arith.index_cast %scan3A_67 : i32 to index
        %get3A_166 = arith.constant 112 : index
        %get3A_167 = tpu.vector_load %arg7[%get3A_165, %get3A_166] {strides = array<i32>} : memref<80x128xf32, #tpu.memory_space<vmem>>, vector<1x16xf32>,
        %get3A_168 = vector.shape_cast %get3A_167 : vector<1x16xf32> to vector<16xf32>
        %get3A_169 = arith.index_cast %scan3A_67 : i32 to index
        %get3A_170 = arith.constant 112 : index
        %get3A_171 = tpu.vector_load %arg8[%get3A_169, %get3A_170] {strides = array<i32>} : memref<80x128xf32, #tpu.memory_space<vmem>>, vector<1x16xf32>,
        %get3A_172 = vector.shape_cast %get3A_171 : vector<1x16xf32> to vector<16xf32>
        %add3A_173 = arith.addf %get3A_168, %get3A_172 : vector<16xf32>
        %swap3A_174 = arith.index_cast %scan3A_67 : i32 to index
        %swap3A_175 = arith.constant 112 : index
        %swap3A_176 = tpu.vector_load %arg7[%swap3A_174, %swap3A_175] {strides = array<i32>} : memref<80x128xf32, #tpu.memory_space<vmem>>, vector<1x16xf32>,
        %swap3A_177 = vector.shape_cast %swap3A_176 : vector<1x16xf32> to vector<16xf32>
        %swap3A_178 = vector.shape_cast %add3A_173 : vector<16xf32> to vector<1x16xf32>
        tpu.vector_store %arg7[%swap3A_174, %swap3A_175], %swap3A_178 {strides = array<i32>} : memref<80x128xf32, #tpu.memory_space<vmem>>, vector<1x16xf32>,
        %scan3A_179 = arith.constant 0 : i32
        scf.yield %scan3A_179 : i32
      }
      %scan3A_53 = arith.constant 80 : i32
      "tpu.region"() ({
        %run_scoped3A = tpu.sem_alloc : memref<!tpu.dma_semaphore, #tpu.memory_space<semaphore_mem>>
        %dma_start3A = arith.constant 0 : i32
        %dma_start3A_67 = tpu.memref_slice %arg5[%mul3A_46, %dma_start3A] : memref<10000x128xf32, #tpu.memory_space<hbm>> -> memref<80x128xf32, #tpu.memory_space<hbm>>
        %dma_start3A_68 = arith.constant 0 : i32
        %dma_start3A_69 = tpu.memref_slice %arg5[%mul3A_46, %dma_start3A_68] : memref<10000x128xf32, #tpu.memory_space<hbm>> -> memref<80x128xf32, #tpu.memory_space<hbm>>
        tpu.enqueue_dma source(%arg7 : memref<80x128xf32, #tpu.memory_space<vmem>>) target(%dma_start3A_69 : memref<80x128xf32, #tpu.memory_space<hbm>>) target_semaphore(%run_scoped3A : memref<!tpu.dma_semaphore, #tpu.memory_space<semaphore_mem>>)
        %dma_wait3A = arith.constant 0 : i32
        %dma_wait3A_70 = tpu.memref_slice %arg5[%mul3A_46, %dma_wait3A] : memref<10000x128xf32, #tpu.memory_space<hbm>> -> memref<80x128xf32, #tpu.memory_space<hbm>>
        %dma_wait3A_71 = arith.constant 0 : i32
        %dma_wait3A_72 = tpu.memref_slice %arg5[%mul3A_46, %dma_wait3A_71] : memref<10000x128xf32, #tpu.memory_space<hbm>> -> memref<80x128xf32, #tpu.memory_space<hbm>>
        tpu.wait_dma2 semaphore(%run_scoped3A : memref<!tpu.dma_semaphore, #tpu.memory_space<semaphore_mem>>) src(%arg7 : memref<80x128xf32, #tpu.memory_space<vmem>>) dst(%dma_wait3A_72 : memref<80x128xf32, #tpu.memory_space<hbm>>)
        tpu.yield
      }) : () -> ()
      %mul3A_54 = arith.constant 5 : i32
      %mul3A_55 = arith.muli %add3A, %mul3A_54 : i32
      %add3A_56 = arith.constant 4 : i32
      %add3A_57 = arith.addi %mul3A_55, %add3A_56 : i32
      %mul3A_58 = arith.constant 80 : i32
      %mul3A_59 = arith.muli %add3A_57, %mul3A_58 : i32
      "tpu.region"() ({
        %run_scoped3A = tpu.sem_alloc : memref<!tpu.dma_semaphore, #tpu.memory_space<semaphore_mem>>
        %dma_start3A = tpu.memref_slice %arg2[%mul3A_59] : memref<10000xi32, #tpu.memory_space<hbm>> -> memref<80xi32, #tpu.memory_space<hbm>>
        %dma_start3A_67 = tpu.memref_slice %arg2[%mul3A_59] : memref<10000xi32, #tpu.memory_space<hbm>> -> memref<80xi32, #tpu.memory_space<hbm>>
        tpu.enqueue_dma source(%dma_start3A_67 : memref<80xi32, #tpu.memory_space<hbm>>) target(%arg6 : memref<80xi32, #tpu.memory_space<vmem>>) target_semaphore(%run_scoped3A : memref<!tpu.dma_semaphore, #tpu.memory_space<semaphore_mem>>)
        %dma_wait3A = tpu.memref_slice %arg2[%mul3A_59] : memref<10000xi32, #tpu.memory_space<hbm>> -> memref<80xi32, #tpu.memory_space<hbm>>
        %dma_wait3A_68 = tpu.memref_slice %arg2[%mul3A_59] : memref<10000xi32, #tpu.memory_space<hbm>> -> memref<80xi32, #tpu.memory_space<hbm>>
        tpu.wait_dma2 semaphore(%run_scoped3A : memref<!tpu.dma_semaphore, #tpu.memory_space<semaphore_mem>>) src(%dma_wait3A_68 : memref<80xi32, #tpu.memory_space<hbm>>) dst(%arg6 : memref<80xi32, #tpu.memory_space<vmem>>)
        tpu.yield
      }) : () -> ()
      "tpu.region"() ({
        %run_scoped3A = tpu.sem_alloc : memref<!tpu.dma_semaphore, #tpu.memory_space<semaphore_mem>>
        %dma_start3A = arith.constant 0 : i32
        %dma_start3A_67 = tpu.memref_slice %arg4[%mul3A_59, %dma_start3A] : memref<10000x128xf32, #tpu.memory_space<hbm>> -> memref<80x128xf32, #tpu.memory_space<hbm>>
        %dma_start3A_68 = arith.constant 0 : i32
        %dma_start3A_69 = tpu.memref_slice %arg4[%mul3A_59, %dma_start3A_68] : memref<10000x128xf32, #tpu.memory_space<hbm>> -> memref<80x128xf32, #tpu.memory_space<hbm>>
        tpu.enqueue_dma source(%dma_start3A_69 : memref<80x128xf32, #tpu.memory_space<hbm>>) target(%arg8 : memref<80x128xf32, #tpu.memory_space<vmem>>) target_semaphore(%run_scoped3A : memref<!tpu.dma_semaphore, #tpu.memory_space<semaphore_mem>>)
        %dma_wait3A = arith.constant 0 : i32
        %dma_wait3A_70 = tpu.memref_slice %arg4[%mul3A_59, %dma_wait3A] : memref<10000x128xf32, #tpu.memory_space<hbm>> -> memref<80x128xf32, #tpu.memory_space<hbm>>
        %dma_wait3A_71 = arith.constant 0 : i32
        %dma_wait3A_72 = tpu.memref_slice %arg4[%mul3A_59, %dma_wait3A_71] : memref<10000x128xf32, #tpu.memory_space<hbm>> -> memref<80x128xf32, #tpu.memory_space<hbm>>
        tpu.wait_dma2 semaphore(%run_scoped3A : memref<!tpu.dma_semaphore, #tpu.memory_space<semaphore_mem>>) src(%dma_wait3A_72 : memref<80x128xf32, #tpu.memory_space<hbm>>) dst(%arg8 : memref<80x128xf32, #tpu.memory_space<vmem>>)
        tpu.yield
      }) : () -> ()
      "tpu.region"() ({
        %run_scoped3A = tpu.sem_alloc : memref<!tpu.dma_semaphore, #tpu.memory_space<semaphore_mem>>
        %dma_start3A = arith.constant 0 : i32
        %dma_start3A_67 = arith.constant 0 : i32
        %dma_start3A_68 = tpu.memref_slice %arg3[%dma_start3A, %dma_start3A_67] : memref<10000x128xf32, #tpu.memory_space<hbm>> -> memref<10000x128xf32, #tpu.memory_space<hbm>>
        tpu.enqueue_indirect_dma source(%dma_start3A_68 : memref<10000x128xf32, #tpu.memory_space<hbm>>) target(%arg7 : memref<80x128xf32, #tpu.memory_space<vmem>>) offsets(%arg6 : memref<80xi32, #tpu.memory_space<vmem>>) semaphore(%run_scoped3A : memref<!tpu.dma_semaphore, #tpu.memory_space<semaphore_mem>>)
        %dma_wait3A = arith.constant 0 : i32
        %dma_wait3A_69 = arith.constant 0 : i32
        %dma_wait3A_70 = tpu.memref_slice %arg3[%dma_wait3A, %dma_wait3A_69] : memref<10000x128xf32, #tpu.memory_space<hbm>> -> memref<10000x128xf32, #tpu.memory_space<hbm>>
        tpu.wait_indirect_dma semaphore(%run_scoped3A : memref<!tpu.dma_semaphore, #tpu.memory_space<semaphore_mem>>) src(%dma_wait3A_70 : memref<10000x128xf32, #tpu.memory_space<hbm>>) dst(%arg7 : memref<80x128xf32, #tpu.memory_space<vmem>>)
        tpu.yield
      }) : () -> ()
      %scan3A_60 = arith.constant 0 : i32
      %scan3A_61 = arith.constant 0 : i32
      %scan3A_62 = arith.constant 80 : i32
      %scan3A_63 = arith.addi %scan3A_61, %scan3A_62 : i32
      %scan3A_64 = arith.constant 1 : i32
      %scan3A_65 = scf.for %scan3A_67 = %scan3A_61 to %scan3A_63 step %scan3A_64 iter_args(%scan3A_68 = %scan3A_60) -> (i32)  : i32 {
        %get3A = arith.index_cast %scan3A_67 : i32 to index
        %get3A_69 = arith.constant 0 : index
        %get3A_70 = tpu.vector_load %arg7[%get3A, %get3A_69] {strides = array<i32>} : memref<80x128xf32, #tpu.memory_space<vmem>>, vector<1x16xf32>,
        %get3A_71 = vector.shape_cast %get3A_70 : vector<1x16xf32> to vector<16xf32>
        %get3A_72 = arith.index_cast %scan3A_67 : i32 to index
        %get3A_73 = arith.constant 0 : index
        %get3A_74 = tpu.vector_load %arg8[%get3A_72, %get3A_73] {strides = array<i32>} : memref<80x128xf32, #tpu.memory_space<vmem>>, vector<1x16xf32>,
        %get3A_75 = vector.shape_cast %get3A_74 : vector<1x16xf32> to vector<16xf32>
        %add3A_76 = arith.addf %get3A_71, %get3A_75 : vector<16xf32>
        %swap3A = arith.index_cast %scan3A_67 : i32 to index
        %swap3A_77 = arith.constant 0 : index
        %swap3A_78 = tpu.vector_load %arg7[%swap3A, %swap3A_77] {strides = array<i32>} : memref<80x128xf32, #tpu.memory_space<vmem>>, vector<1x16xf32>,
        %swap3A_79 = vector.shape_cast %swap3A_78 : vector<1x16xf32> to vector<16xf32>
        %swap3A_80 = vector.shape_cast %add3A_76 : vector<16xf32> to vector<1x16xf32>
        tpu.vector_store %arg7[%swap3A, %swap3A_77], %swap3A_80 {strides = array<i32>} : memref<80x128xf32, #tpu.memory_space<vmem>>, vector<1x16xf32>,
        %get3A_81 = arith.index_cast %scan3A_67 : i32 to index
        %get3A_82 = arith.constant 16 : index
        %get3A_83 = tpu.vector_load %arg7[%get3A_81, %get3A_82] {strides = array<i32>} : memref<80x128xf32, #tpu.memory_space<vmem>>, vector<1x16xf32>,
        %get3A_84 = vector.shape_cast %get3A_83 : vector<1x16xf32> to vector<16xf32>
        %get3A_85 = arith.index_cast %scan3A_67 : i32 to index
        %get3A_86 = arith.constant 16 : index
        %get3A_87 = tpu.vector_load %arg8[%get3A_85, %get3A_86] {strides = array<i32>} : memref<80x128xf32, #tpu.memory_space<vmem>>, vector<1x16xf32>,
        %get3A_88 = vector.shape_cast %get3A_87 : vector<1x16xf32> to vector<16xf32>
        %add3A_89 = arith.addf %get3A_84, %get3A_88 : vector<16xf32>
        %swap3A_90 = arith.index_cast %scan3A_67 : i32 to index
        %swap3A_91 = arith.constant 16 : index
        %swap3A_92 = tpu.vector_load %arg7[%swap3A_90, %swap3A_91] {strides = array<i32>} : memref<80x128xf32, #tpu.memory_space<vmem>>, vector<1x16xf32>,
        %swap3A_93 = vector.shape_cast %swap3A_92 : vector<1x16xf32> to vector<16xf32>
        %swap3A_94 = vector.shape_cast %add3A_89 : vector<16xf32> to vector<1x16xf32>
        tpu.vector_store %arg7[%swap3A_90, %swap3A_91], %swap3A_94 {strides = array<i32>} : memref<80x128xf32, #tpu.memory_space<vmem>>, vector<1x16xf32>,
        %get3A_95 = arith.index_cast %scan3A_67 : i32 to index
        %get3A_96 = arith.constant 32 : index
        %get3A_97 = tpu.vector_load %arg7[%get3A_95, %get3A_96] {strides = array<i32>} : memref<80x128xf32, #tpu.memory_space<vmem>>, vector<1x16xf32>,
        %get3A_98 = vector.shape_cast %get3A_97 : vector<1x16xf32> to vector<16xf32>
        %get3A_99 = arith.index_cast %scan3A_67 : i32 to index
        %get3A_100 = arith.constant 32 : index
        %get3A_101 = tpu.vector_load %arg8[%get3A_99, %get3A_100] {strides = array<i32>} : memref<80x128xf32, #tpu.memory_space<vmem>>, vector<1x16xf32>,
        %get3A_102 = vector.shape_cast %get3A_101 : vector<1x16xf32> to vector<16xf32>
        %add3A_103 = arith.addf %get3A_98, %get3A_102 : vector<16xf32>
        %swap3A_104 = arith.index_cast %scan3A_67 : i32 to index
        %swap3A_105 = arith.constant 32 : index
        %swap3A_106 = tpu.vector_load %arg7[%swap3A_104, %swap3A_105] {strides = array<i32>} : memref<80x128xf32, #tpu.memory_space<vmem>>, vector<1x16xf32>,
        %swap3A_107 = vector.shape_cast %swap3A_106 : vector<1x16xf32> to vector<16xf32>
        %swap3A_108 = vector.shape_cast %add3A_103 : vector<16xf32> to vector<1x16xf32>
        tpu.vector_store %arg7[%swap3A_104, %swap3A_105], %swap3A_108 {strides = array<i32>} : memref<80x128xf32, #tpu.memory_space<vmem>>, vector<1x16xf32>,
        %get3A_109 = arith.index_cast %scan3A_67 : i32 to index
        %get3A_110 = arith.constant 48 : index
        %get3A_111 = tpu.vector_load %arg7[%get3A_109, %get3A_110] {strides = array<i32>} : memref<80x128xf32, #tpu.memory_space<vmem>>, vector<1x16xf32>,
        %get3A_112 = vector.shape_cast %get3A_111 : vector<1x16xf32> to vector<16xf32>
        %get3A_113 = arith.index_cast %scan3A_67 : i32 to index
        %get3A_114 = arith.constant 48 : index
        %get3A_115 = tpu.vector_load %arg8[%get3A_113, %get3A_114] {strides = array<i32>} : memref<80x128xf32, #tpu.memory_space<vmem>>, vector<1x16xf32>,
        %get3A_116 = vector.shape_cast %get3A_115 : vector<1x16xf32> to vector<16xf32>
        %add3A_117 = arith.addf %get3A_112, %get3A_116 : vector<16xf32>
        %swap3A_118 = arith.index_cast %scan3A_67 : i32 to index
        %swap3A_119 = arith.constant 48 : index
        %swap3A_120 = tpu.vector_load %arg7[%swap3A_118, %swap3A_119] {strides = array<i32>} : memref<80x128xf32, #tpu.memory_space<vmem>>, vector<1x16xf32>,
        %swap3A_121 = vector.shape_cast %swap3A_120 : vector<1x16xf32> to vector<16xf32>
        %swap3A_122 = vector.shape_cast %add3A_117 : vector<16xf32> to vector<1x16xf32>
        tpu.vector_store %arg7[%swap3A_118, %swap3A_119], %swap3A_122 {strides = array<i32>} : memref<80x128xf32, #tpu.memory_space<vmem>>, vector<1x16xf32>,
        %get3A_123 = arith.index_cast %scan3A_67 : i32 to index
        %get3A_124 = arith.constant 64 : index
        %get3A_125 = tpu.vector_load %arg7[%get3A_123, %get3A_124] {strides = array<i32>} : memref<80x128xf32, #tpu.memory_space<vmem>>, vector<1x16xf32>,
        %get3A_126 = vector.shape_cast %get3A_125 : vector<1x16xf32> to vector<16xf32>
        %get3A_127 = arith.index_cast %scan3A_67 : i32 to index
        %get3A_128 = arith.constant 64 : index
        %get3A_129 = tpu.vector_load %arg8[%get3A_127, %get3A_128] {strides = array<i32>} : memref<80x128xf32, #tpu.memory_space<vmem>>, vector<1x16xf32>,
        %get3A_130 = vector.shape_cast %get3A_129 : vector<1x16xf32> to vector<16xf32>
        %add3A_131 = arith.addf %get3A_126, %get3A_130 : vector<16xf32>
        %swap3A_132 = arith.index_cast %scan3A_67 : i32 to index
        %swap3A_133 = arith.constant 64 : index
        %swap3A_134 = tpu.vector_load %arg7[%swap3A_132, %swap3A_133] {strides = array<i32>} : memref<80x128xf32, #tpu.memory_space<vmem>>, vector<1x16xf32>,
        %swap3A_135 = vector.shape_cast %swap3A_134 : vector<1x16xf32> to vector<16xf32>
        %swap3A_136 = vector.shape_cast %add3A_131 : vector<16xf32> to vector<1x16xf32>
        tpu.vector_store %arg7[%swap3A_132, %swap3A_133], %swap3A_136 {strides = array<i32>} : memref<80x128xf32, #tpu.memory_space<vmem>>, vector<1x16xf32>,
        %get3A_137 = arith.index_cast %scan3A_67 : i32 to index
        %get3A_138 = arith.constant 80 : index
        %get3A_139 = tpu.vector_load %arg7[%get3A_137, %get3A_138] {strides = array<i32>} : memref<80x128xf32, #tpu.memory_space<vmem>>, vector<1x16xf32>,
        %get3A_140 = vector.shape_cast %get3A_139 : vector<1x16xf32> to vector<16xf32>
        %get3A_141 = arith.index_cast %scan3A_67 : i32 to index
        %get3A_142 = arith.constant 80 : index
        %get3A_143 = tpu.vector_load %arg8[%get3A_141, %get3A_142] {strides = array<i32>} : memref<80x128xf32, #tpu.memory_space<vmem>>, vector<1x16xf32>,
        %get3A_144 = vector.shape_cast %get3A_143 : vector<1x16xf32> to vector<16xf32>
        %add3A_145 = arith.addf %get3A_140, %get3A_144 : vector<16xf32>
        %swap3A_146 = arith.index_cast %scan3A_67 : i32 to index
        %swap3A_147 = arith.constant 80 : index
        %swap3A_148 = tpu.vector_load %arg7[%swap3A_146, %swap3A_147] {strides = array<i32>} : memref<80x128xf32, #tpu.memory_space<vmem>>, vector<1x16xf32>,
        %swap3A_149 = vector.shape_cast %swap3A_148 : vector<1x16xf32> to vector<16xf32>
        %swap3A_150 = vector.shape_cast %add3A_145 : vector<16xf32> to vector<1x16xf32>
        tpu.vector_store %arg7[%swap3A_146, %swap3A_147], %swap3A_150 {strides = array<i32>} : memref<80x128xf32, #tpu.memory_space<vmem>>, vector<1x16xf32>,
        %get3A_151 = arith.index_cast %scan3A_67 : i32 to index
        %get3A_152 = arith.constant 96 : index
        %get3A_153 = tpu.vector_load %arg7[%get3A_151, %get3A_152] {strides = array<i32>} : memref<80x128xf32, #tpu.memory_space<vmem>>, vector<1x16xf32>,
        %get3A_154 = vector.shape_cast %get3A_153 : vector<1x16xf32> to vector<16xf32>
        %get3A_155 = arith.index_cast %scan3A_67 : i32 to index
        %get3A_156 = arith.constant 96 : index
        %get3A_157 = tpu.vector_load %arg8[%get3A_155, %get3A_156] {strides = array<i32>} : memref<80x128xf32, #tpu.memory_space<vmem>>, vector<1x16xf32>,
        %get3A_158 = vector.shape_cast %get3A_157 : vector<1x16xf32> to vector<16xf32>
        %add3A_159 = arith.addf %get3A_154, %get3A_158 : vector<16xf32>
        %swap3A_160 = arith.index_cast %scan3A_67 : i32 to index
        %swap3A_161 = arith.constant 96 : index
        %swap3A_162 = tpu.vector_load %arg7[%swap3A_160, %swap3A_161] {strides = array<i32>} : memref<80x128xf32, #tpu.memory_space<vmem>>, vector<1x16xf32>,
        %swap3A_163 = vector.shape_cast %swap3A_162 : vector<1x16xf32> to vector<16xf32>
        %swap3A_164 = vector.shape_cast %add3A_159 : vector<16xf32> to vector<1x16xf32>
        tpu.vector_store %arg7[%swap3A_160, %swap3A_161], %swap3A_164 {strides = array<i32>} : memref<80x128xf32, #tpu.memory_space<vmem>>, vector<1x16xf32>,
        %get3A_165 = arith.index_cast %scan3A_67 : i32 to index
        %get3A_166 = arith.constant 112 : index
        %get3A_167 = tpu.vector_load %arg7[%get3A_165, %get3A_166] {strides = array<i32>} : memref<80x128xf32, #tpu.memory_space<vmem>>, vector<1x16xf32>,
        %get3A_168 = vector.shape_cast %get3A_167 : vector<1x16xf32> to vector<16xf32>
        %get3A_169 = arith.index_cast %scan3A_67 : i32 to index
        %get3A_170 = arith.constant 112 : index
        %get3A_171 = tpu.vector_load %arg8[%get3A_169, %get3A_170] {strides = array<i32>} : memref<80x128xf32, #tpu.memory_space<vmem>>, vector<1x16xf32>,
        %get3A_172 = vector.shape_cast %get3A_171 : vector<1x16xf32> to vector<16xf32>
        %add3A_173 = arith.addf %get3A_168, %get3A_172 : vector<16xf32>
        %swap3A_174 = arith.index_cast %scan3A_67 : i32 to index
        %swap3A_175 = arith.constant 112 : index
        %swap3A_176 = tpu.vector_load %arg7[%swap3A_174, %swap3A_175] {strides = array<i32>} : memref<80x128xf32, #tpu.memory_space<vmem>>, vector<1x16xf32>,
        %swap3A_177 = vector.shape_cast %swap3A_176 : vector<1x16xf32> to vector<16xf32>
        %swap3A_178 = vector.shape_cast %add3A_173 : vector<16xf32> to vector<1x16xf32>
        tpu.vector_store %arg7[%swap3A_174, %swap3A_175], %swap3A_178 {strides = array<i32>} : memref<80x128xf32, #tpu.memory_space<vmem>>, vector<1x16xf32>,
        %scan3A_179 = arith.constant 0 : i32
        scf.yield %scan3A_179 : i32
      }
      %scan3A_66 = arith.constant 80 : i32
      "tpu.region"() ({
        %run_scoped3A = tpu.sem_alloc : memref<!tpu.dma_semaphore, #tpu.memory_space<semaphore_mem>>
        %dma_start3A = arith.constant 0 : i32
        %dma_start3A_67 = tpu.memref_slice %arg5[%mul3A_59, %dma_start3A] : memref<10000x128xf32, #tpu.memory_space<hbm>> -> memref<80x128xf32, #tpu.memory_space<hbm>>
        %dma_start3A_68 = arith.constant 0 : i32
        %dma_start3A_69 = tpu.memref_slice %arg5[%mul3A_59, %dma_start3A_68] : memref<10000x128xf32, #tpu.memory_space<hbm>> -> memref<80x128xf32, #tpu.memory_space<hbm>>
        tpu.enqueue_dma source(%arg7 : memref<80x128xf32, #tpu.memory_space<vmem>>) target(%dma_start3A_69 : memref<80x128xf32, #tpu.memory_space<hbm>>) target_semaphore(%run_scoped3A : memref<!tpu.dma_semaphore, #tpu.memory_space<semaphore_mem>>)
        %dma_wait3A = arith.constant 0 : i32
        %dma_wait3A_70 = tpu.memref_slice %arg5[%mul3A_59, %dma_wait3A] : memref<10000x128xf32, #tpu.memory_space<hbm>> -> memref<80x128xf32, #tpu.memory_space<hbm>>
        %dma_wait3A_71 = arith.constant 0 : i32
        %dma_wait3A_72 = tpu.memref_slice %arg5[%mul3A_59, %dma_wait3A_71] : memref<10000x128xf32, #tpu.memory_space<hbm>> -> memref<80x128xf32, #tpu.memory_space<hbm>>
        tpu.wait_dma2 semaphore(%run_scoped3A : memref<!tpu.dma_semaphore, #tpu.memory_space<semaphore_mem>>) src(%arg7 : memref<80x128xf32, #tpu.memory_space<vmem>>) dst(%dma_wait3A_72 : memref<80x128xf32, #tpu.memory_space<hbm>>)
        tpu.yield
      }) : () -> ()
    } else {
    }
    return
  }
}

#map = affine_map<(d0, d1) -> (0)>
#map1 = affine_map<(d0, d1) -> (0, 0)>
#map2 = affine_map<(d0, d1) -> (0, 0, 0)>
module attributes {stable_mosaic.version = 14 : i64} {
  func.func @_propagate_body(%arg0: i32, %arg1: i32, %arg2: memref<320000xi32, #tpu.memory_space<hbm>>, %arg3: memref<320000xi32, #tpu.memory_space<hbm>>, %arg4: memref<10000x128xf32, #tpu.memory_space<hbm>>, %arg5: memref<2x10000x128xf32, #tpu.memory_space<hbm>>, %arg6: memref<2x10000x128xf32, #tpu.memory_space<hbm>>, %arg7: memref<40xi32, #tpu.memory_space<vmem>>, %arg8: memref<40xi32, #tpu.memory_space<vmem>>, %arg9: memref<40xi32, #tpu.memory_space<vmem>>, %arg10: memref<40xi32, #tpu.memory_space<vmem>>, %arg11: memref<40xi32, #tpu.memory_space<vmem>>, %arg12: memref<40xi32, #tpu.memory_space<vmem>>, %arg13: memref<40xi32, #tpu.memory_space<vmem>>, %arg14: memref<40xi32, #tpu.memory_space<vmem>>, %arg15: memref<40xi32, #tpu.memory_space<vmem>>, %arg16: memref<40xi32, #tpu.memory_space<vmem>>, %arg17: memref<10000x128xf32, #tpu.memory_space<vmem_shared>>, %arg18: memref<!tpu.dma_semaphore, #tpu.memory_space<semaphore_mem>>, %arg19: memref<!tpu.dma_semaphore, #tpu.memory_space<semaphore_mem>>, %arg20: memref<!tpu.dma_semaphore, #tpu.memory_space<semaphore_mem>>, %arg21: memref<!tpu.dma_semaphore, #tpu.memory_space<semaphore_mem>>, %arg22: memref<!tpu.dma_semaphore, #tpu.memory_space<semaphore_mem>>, %arg23: memref<!tpu.dma_semaphore, #tpu.memory_space<semaphore_mem>>, %arg24: memref<!tpu.dma_semaphore, #tpu.memory_space<semaphore_mem>>, %arg25: memref<!tpu.dma_semaphore, #tpu.memory_space<semaphore_mem>>, %arg26: memref<!tpu.dma_semaphore, #tpu.memory_space<semaphore_mem>>, %arg27: memref<!tpu.dma_semaphore, #tpu.memory_space<semaphore_mem>>, %arg28: memref<!tpu.dma_semaphore, #tpu.memory_space<semaphore_mem>>, %arg29: memref<!tpu.dma_semaphore, #tpu.memory_space<semaphore_mem>>, %arg30: memref<!tpu.dma_semaphore, #tpu.memory_space<semaphore_mem>>, %arg31: memref<!tpu.dma_semaphore, #tpu.memory_space<semaphore_mem>>, %arg32: memref<!tpu.dma_semaphore, #tpu.memory_space<semaphore_mem>>) attributes {dimension_semantics = [#tpu.dimension_semantics<core_parallel>, #tpu.dimension_semantics<subcore_parallel>], iteration_bounds = array<i64: 2, 16>, scalar_prefetch = 0 : i64, scratch_operands = 26 : i64, tpu.core_type = #tpu.core_type<sc_vector_subcore>, window_params = [{transform_indices = #map}, {transform_indices = #map}, {transform_indices = #map1}, {transform_indices = #map2}, {transform_indices = #map2}]} {
    %mul3A = arith.constant 2 : i32
    %mul3A_0 = arith.muli %arg1, %mul3A : i32
    %add3A = arith.addi %mul3A_0, %arg0 : i32
    %mul3A_1 = arith.constant 10000 : i32
    %mul3A_2 = arith.muli %add3A, %mul3A_1 : i32
    %broadcast_in_dim3A = arith.constant 0.000000e+00 : f32
    %broadcast_in_dim3A_3 = vector.broadcast %broadcast_in_dim3A : f32 to vector<16xf32>
    %broadcast_in_dim3A_4 = arith.constant 1.000000e+00 : f32
    %broadcast_in_dim3A_5 = vector.broadcast %broadcast_in_dim3A_4 : f32 to vector<16xf32>
    "tpu.region"() ({
      %run_scoped3A = memref.alloca() : memref<200x128xf32, #tpu.memory_space<vmem>>
      %scan3A = arith.constant 0 : i32
      %scan3A_63 = arith.constant 0 : i32
      %scan3A_64 = arith.constant 200 : i32
      %scan3A_65 = arith.addi %scan3A_63, %scan3A_64 : i32
      %scan3A_66 = arith.constant 1 : i32
      %scan3A_67 = scf.for %scan3A_97 = %scan3A_63 to %scan3A_65 step %scan3A_66 iter_args(%scan3A_98 = %scan3A) -> (i32)  : i32 {
        %swap3A = arith.index_cast %scan3A_97 : i32 to index
        %swap3A_99 = arith.constant 0 : index
        %swap3A_100 = tpu.vector_load %run_scoped3A[%swap3A, %swap3A_99] {strides = array<i32>} : memref<200x128xf32, #tpu.memory_space<vmem>>, vector<1x16xf32>,
        %swap3A_101 = vector.shape_cast %swap3A_100 : vector<1x16xf32> to vector<16xf32>
        %swap3A_102 = vector.shape_cast %broadcast_in_dim3A_3 : vector<16xf32> to vector<1x16xf32>
        tpu.vector_store %run_scoped3A[%swap3A, %swap3A_99], %swap3A_102 {strides = array<i32>} : memref<200x128xf32, #tpu.memory_space<vmem>>, vector<1x16xf32>,
        %swap3A_103 = arith.index_cast %scan3A_97 : i32 to index
        %swap3A_104 = arith.constant 16 : index
        %swap3A_105 = tpu.vector_load %run_scoped3A[%swap3A_103, %swap3A_104] {strides = array<i32>} : memref<200x128xf32, #tpu.memory_space<vmem>>, vector<1x16xf32>,
        %swap3A_106 = vector.shape_cast %swap3A_105 : vector<1x16xf32> to vector<16xf32>
        %swap3A_107 = vector.shape_cast %broadcast_in_dim3A_3 : vector<16xf32> to vector<1x16xf32>
        tpu.vector_store %run_scoped3A[%swap3A_103, %swap3A_104], %swap3A_107 {strides = array<i32>} : memref<200x128xf32, #tpu.memory_space<vmem>>, vector<1x16xf32>,
        %swap3A_108 = arith.index_cast %scan3A_97 : i32 to index
        %swap3A_109 = arith.constant 32 : index
        %swap3A_110 = tpu.vector_load %run_scoped3A[%swap3A_108, %swap3A_109] {strides = array<i32>} : memref<200x128xf32, #tpu.memory_space<vmem>>, vector<1x16xf32>,
        %swap3A_111 = vector.shape_cast %swap3A_110 : vector<1x16xf32> to vector<16xf32>
        %swap3A_112 = vector.shape_cast %broadcast_in_dim3A_3 : vector<16xf32> to vector<1x16xf32>
        tpu.vector_store %run_scoped3A[%swap3A_108, %swap3A_109], %swap3A_112 {strides = array<i32>} : memref<200x128xf32, #tpu.memory_space<vmem>>, vector<1x16xf32>,
        %swap3A_113 = arith.index_cast %scan3A_97 : i32 to index
        %swap3A_114 = arith.constant 48 : index
        %swap3A_115 = tpu.vector_load %run_scoped3A[%swap3A_113, %swap3A_114] {strides = array<i32>} : memref<200x128xf32, #tpu.memory_space<vmem>>, vector<1x16xf32>,
        %swap3A_116 = vector.shape_cast %swap3A_115 : vector<1x16xf32> to vector<16xf32>
        %swap3A_117 = vector.shape_cast %broadcast_in_dim3A_3 : vector<16xf32> to vector<1x16xf32>
        tpu.vector_store %run_scoped3A[%swap3A_113, %swap3A_114], %swap3A_117 {strides = array<i32>} : memref<200x128xf32, #tpu.memory_space<vmem>>, vector<1x16xf32>,
        %swap3A_118 = arith.index_cast %scan3A_97 : i32 to index
        %swap3A_119 = arith.constant 64 : index
        %swap3A_120 = tpu.vector_load %run_scoped3A[%swap3A_118, %swap3A_119] {strides = array<i32>} : memref<200x128xf32, #tpu.memory_space<vmem>>, vector<1x16xf32>,
        %swap3A_121 = vector.shape_cast %swap3A_120 : vector<1x16xf32> to vector<16xf32>
        %swap3A_122 = vector.shape_cast %broadcast_in_dim3A_3 : vector<16xf32> to vector<1x16xf32>
        tpu.vector_store %run_scoped3A[%swap3A_118, %swap3A_119], %swap3A_122 {strides = array<i32>} : memref<200x128xf32, #tpu.memory_space<vmem>>, vector<1x16xf32>,
        %swap3A_123 = arith.index_cast %scan3A_97 : i32 to index
        %swap3A_124 = arith.constant 80 : index
        %swap3A_125 = tpu.vector_load %run_scoped3A[%swap3A_123, %swap3A_124] {strides = array<i32>} : memref<200x128xf32, #tpu.memory_space<vmem>>, vector<1x16xf32>,
        %swap3A_126 = vector.shape_cast %swap3A_125 : vector<1x16xf32> to vector<16xf32>
        %swap3A_127 = vector.shape_cast %broadcast_in_dim3A_3 : vector<16xf32> to vector<1x16xf32>
        tpu.vector_store %run_scoped3A[%swap3A_123, %swap3A_124], %swap3A_127 {strides = array<i32>} : memref<200x128xf32, #tpu.memory_space<vmem>>, vector<1x16xf32>,
        %swap3A_128 = arith.index_cast %scan3A_97 : i32 to index
        %swap3A_129 = arith.constant 96 : index
        %swap3A_130 = tpu.vector_load %run_scoped3A[%swap3A_128, %swap3A_129] {strides = array<i32>} : memref<200x128xf32, #tpu.memory_space<vmem>>, vector<1x16xf32>,
        %swap3A_131 = vector.shape_cast %swap3A_130 : vector<1x16xf32> to vector<16xf32>
        %swap3A_132 = vector.shape_cast %broadcast_in_dim3A_3 : vector<16xf32> to vector<1x16xf32>
        tpu.vector_store %run_scoped3A[%swap3A_128, %swap3A_129], %swap3A_132 {strides = array<i32>} : memref<200x128xf32, #tpu.memory_space<vmem>>, vector<1x16xf32>,
        %swap3A_133 = arith.index_cast %scan3A_97 : i32 to index
        %swap3A_134 = arith.constant 112 : index
        %swap3A_135 = tpu.vector_load %run_scoped3A[%swap3A_133, %swap3A_134] {strides = array<i32>} : memref<200x128xf32, #tpu.memory_space<vmem>>, vector<1x16xf32>,
        %swap3A_136 = vector.shape_cast %swap3A_135 : vector<1x16xf32> to vector<16xf32>
        %swap3A_137 = vector.shape_cast %broadcast_in_dim3A_3 : vector<16xf32> to vector<1x16xf32>
        tpu.vector_store %run_scoped3A[%swap3A_133, %swap3A_134], %swap3A_137 {strides = array<i32>} : memref<200x128xf32, #tpu.memory_space<vmem>>, vector<1x16xf32>,
        %scan3A_138 = arith.constant 0 : i32
        scf.yield %scan3A_138 : i32
      }
      %scan3A_68 = arith.constant 200 : i32
      %add3A_69 = arith.constant 0 : i32
      %add3A_70 = arith.addi %arg1, %add3A_69 : i32
      %lt3A_71 = arith.constant 50 : i32
      %lt3A_72 = arith.cmpi slt, %add3A_70, %lt3A_71 : i32
      %convert_element_type3A_73 = arith.extui %lt3A_72 : i1 to i32
      %cond3A_74 = arith.constant 0 : i32
      %cond3A_75 = arith.cmpi ne, %convert_element_type3A_73, %cond3A_74 : i32
      scf.if %cond3A_75 {
        %mul3A_97 = arith.constant 200 : i32
        %mul3A_98 = arith.muli %add3A_70, %mul3A_97 : i32
        "tpu.region"() ({
          %run_scoped3A_99 = tpu.sem_alloc : memref<!tpu.dma_semaphore, #tpu.memory_space<semaphore_mem>>
          %dma_start3A = arith.constant 0 : i32
          %dma_start3A_100 = tpu.memref_slice %arg17[%mul3A_98, %dma_start3A] : memref<10000x128xf32, #tpu.memory_space<vmem_shared>> -> memref<200x128xf32, #tpu.memory_space<vmem_shared>>
          %dma_start3A_101 = arith.constant 0 : i32
          %dma_start3A_102 = tpu.memref_slice %arg17[%mul3A_98, %dma_start3A_101] : memref<10000x128xf32, #tpu.memory_space<vmem_shared>> -> memref<200x128xf32, #tpu.memory_space<vmem_shared>>
          tpu.enqueue_dma source(%run_scoped3A : memref<200x128xf32, #tpu.memory_space<vmem>>) target(%dma_start3A_102 : memref<200x128xf32, #tpu.memory_space<vmem_shared>>) target_semaphore(%run_scoped3A_99 : memref<!tpu.dma_semaphore, #tpu.memory_space<semaphore_mem>>)
          %dma_wait3A = arith.constant 0 : i32
          %dma_wait3A_103 = tpu.memref_slice %arg17[%mul3A_98, %dma_wait3A] : memref<10000x128xf32, #tpu.memory_space<vmem_shared>> -> memref<200x128xf32, #tpu.memory_space<vmem_shared>>
          %dma_wait3A_104 = arith.constant 0 : i32
          %dma_wait3A_105 = tpu.memref_slice %arg17[%mul3A_98, %dma_wait3A_104] : memref<10000x128xf32, #tpu.memory_space<vmem_shared>> -> memref<200x128xf32, #tpu.memory_space<vmem_shared>>
          tpu.wait_dma2 semaphore(%run_scoped3A_99 : memref<!tpu.dma_semaphore, #tpu.memory_space<semaphore_mem>>) src(%run_scoped3A : memref<200x128xf32, #tpu.memory_space<vmem>>) dst(%dma_wait3A_105 : memref<200x128xf32, #tpu.memory_space<vmem_shared>>)
          tpu.yield
        }) : () -> ()
      } else {
      }
      %add3A_76 = arith.constant 16 : i32
      %add3A_77 = arith.addi %arg1, %add3A_76 : i32
      %lt3A_78 = arith.constant 50 : i32
      %lt3A_79 = arith.cmpi slt, %add3A_77, %lt3A_78 : i32
      %convert_element_type3A_80 = arith.extui %lt3A_79 : i1 to i32
      %cond3A_81 = arith.constant 0 : i32
      %cond3A_82 = arith.cmpi ne, %convert_element_type3A_80, %cond3A_81 : i32
      scf.if %cond3A_82 {
        %mul3A_97 = arith.constant 200 : i32
        %mul3A_98 = arith.muli %add3A_77, %mul3A_97 : i32
        "tpu.region"() ({
          %run_scoped3A_99 = tpu.sem_alloc : memref<!tpu.dma_semaphore, #tpu.memory_space<semaphore_mem>>
          %dma_start3A = arith.constant 0 : i32
          %dma_start3A_100 = tpu.memref_slice %arg17[%mul3A_98, %dma_start3A] : memref<10000x128xf32, #tpu.memory_space<vmem_shared>> -> memref<200x128xf32, #tpu.memory_space<vmem_shared>>
          %dma_start3A_101 = arith.constant 0 : i32
          %dma_start3A_102 = tpu.memref_slice %arg17[%mul3A_98, %dma_start3A_101] : memref<10000x128xf32, #tpu.memory_space<vmem_shared>> -> memref<200x128xf32, #tpu.memory_space<vmem_shared>>
          tpu.enqueue_dma source(%run_scoped3A : memref<200x128xf32, #tpu.memory_space<vmem>>) target(%dma_start3A_102 : memref<200x128xf32, #tpu.memory_space<vmem_shared>>) target_semaphore(%run_scoped3A_99 : memref<!tpu.dma_semaphore, #tpu.memory_space<semaphore_mem>>)
          %dma_wait3A = arith.constant 0 : i32
          %dma_wait3A_103 = tpu.memref_slice %arg17[%mul3A_98, %dma_wait3A] : memref<10000x128xf32, #tpu.memory_space<vmem_shared>> -> memref<200x128xf32, #tpu.memory_space<vmem_shared>>
          %dma_wait3A_104 = arith.constant 0 : i32
          %dma_wait3A_105 = tpu.memref_slice %arg17[%mul3A_98, %dma_wait3A_104] : memref<10000x128xf32, #tpu.memory_space<vmem_shared>> -> memref<200x128xf32, #tpu.memory_space<vmem_shared>>
          tpu.wait_dma2 semaphore(%run_scoped3A_99 : memref<!tpu.dma_semaphore, #tpu.memory_space<semaphore_mem>>) src(%run_scoped3A : memref<200x128xf32, #tpu.memory_space<vmem>>) dst(%dma_wait3A_105 : memref<200x128xf32, #tpu.memory_space<vmem_shared>>)
          tpu.yield
        }) : () -> ()
      } else {
      }
      %add3A_83 = arith.constant 32 : i32
      %add3A_84 = arith.addi %arg1, %add3A_83 : i32
      %lt3A_85 = arith.constant 50 : i32
      %lt3A_86 = arith.cmpi slt, %add3A_84, %lt3A_85 : i32
      %convert_element_type3A_87 = arith.extui %lt3A_86 : i1 to i32
      %cond3A_88 = arith.constant 0 : i32
      %cond3A_89 = arith.cmpi ne, %convert_element_type3A_87, %cond3A_88 : i32
      scf.if %cond3A_89 {
        %mul3A_97 = arith.constant 200 : i32
        %mul3A_98 = arith.muli %add3A_84, %mul3A_97 : i32
        "tpu.region"() ({
          %run_scoped3A_99 = tpu.sem_alloc : memref<!tpu.dma_semaphore, #tpu.memory_space<semaphore_mem>>
          %dma_start3A = arith.constant 0 : i32
          %dma_start3A_100 = tpu.memref_slice %arg17[%mul3A_98, %dma_start3A] : memref<10000x128xf32, #tpu.memory_space<vmem_shared>> -> memref<200x128xf32, #tpu.memory_space<vmem_shared>>
          %dma_start3A_101 = arith.constant 0 : i32
          %dma_start3A_102 = tpu.memref_slice %arg17[%mul3A_98, %dma_start3A_101] : memref<10000x128xf32, #tpu.memory_space<vmem_shared>> -> memref<200x128xf32, #tpu.memory_space<vmem_shared>>
          tpu.enqueue_dma source(%run_scoped3A : memref<200x128xf32, #tpu.memory_space<vmem>>) target(%dma_start3A_102 : memref<200x128xf32, #tpu.memory_space<vmem_shared>>) target_semaphore(%run_scoped3A_99 : memref<!tpu.dma_semaphore, #tpu.memory_space<semaphore_mem>>)
          %dma_wait3A = arith.constant 0 : i32
          %dma_wait3A_103 = tpu.memref_slice %arg17[%mul3A_98, %dma_wait3A] : memref<10000x128xf32, #tpu.memory_space<vmem_shared>> -> memref<200x128xf32, #tpu.memory_space<vmem_shared>>
          %dma_wait3A_104 = arith.constant 0 : i32
          %dma_wait3A_105 = tpu.memref_slice %arg17[%mul3A_98, %dma_wait3A_104] : memref<10000x128xf32, #tpu.memory_space<vmem_shared>> -> memref<200x128xf32, #tpu.memory_space<vmem_shared>>
          tpu.wait_dma2 semaphore(%run_scoped3A_99 : memref<!tpu.dma_semaphore, #tpu.memory_space<semaphore_mem>>) src(%run_scoped3A : memref<200x128xf32, #tpu.memory_space<vmem>>) dst(%dma_wait3A_105 : memref<200x128xf32, #tpu.memory_space<vmem_shared>>)
          tpu.yield
        }) : () -> ()
      } else {
      }
      %add3A_90 = arith.constant 48 : i32
      %add3A_91 = arith.addi %arg1, %add3A_90 : i32
      %lt3A_92 = arith.constant 50 : i32
      %lt3A_93 = arith.cmpi slt, %add3A_91, %lt3A_92 : i32
      %convert_element_type3A_94 = arith.extui %lt3A_93 : i1 to i32
      %cond3A_95 = arith.constant 0 : i32
      %cond3A_96 = arith.cmpi ne, %convert_element_type3A_94, %cond3A_95 : i32
      scf.if %cond3A_96 {
        %mul3A_97 = arith.constant 200 : i32
        %mul3A_98 = arith.muli %add3A_91, %mul3A_97 : i32
        "tpu.region"() ({
          %run_scoped3A_99 = tpu.sem_alloc : memref<!tpu.dma_semaphore, #tpu.memory_space<semaphore_mem>>
          %dma_start3A = arith.constant 0 : i32
          %dma_start3A_100 = tpu.memref_slice %arg17[%mul3A_98, %dma_start3A] : memref<10000x128xf32, #tpu.memory_space<vmem_shared>> -> memref<200x128xf32, #tpu.memory_space<vmem_shared>>
          %dma_start3A_101 = arith.constant 0 : i32
          %dma_start3A_102 = tpu.memref_slice %arg17[%mul3A_98, %dma_start3A_101] : memref<10000x128xf32, #tpu.memory_space<vmem_shared>> -> memref<200x128xf32, #tpu.memory_space<vmem_shared>>
          tpu.enqueue_dma source(%run_scoped3A : memref<200x128xf32, #tpu.memory_space<vmem>>) target(%dma_start3A_102 : memref<200x128xf32, #tpu.memory_space<vmem_shared>>) target_semaphore(%run_scoped3A_99 : memref<!tpu.dma_semaphore, #tpu.memory_space<semaphore_mem>>)
          %dma_wait3A = arith.constant 0 : i32
          %dma_wait3A_103 = tpu.memref_slice %arg17[%mul3A_98, %dma_wait3A] : memref<10000x128xf32, #tpu.memory_space<vmem_shared>> -> memref<200x128xf32, #tpu.memory_space<vmem_shared>>
          %dma_wait3A_104 = arith.constant 0 : i32
          %dma_wait3A_105 = tpu.memref_slice %arg17[%mul3A_98, %dma_wait3A_104] : memref<10000x128xf32, #tpu.memory_space<vmem_shared>> -> memref<200x128xf32, #tpu.memory_space<vmem_shared>>
          tpu.wait_dma2 semaphore(%run_scoped3A_99 : memref<!tpu.dma_semaphore, #tpu.memory_space<semaphore_mem>>) src(%run_scoped3A : memref<200x128xf32, #tpu.memory_space<vmem>>) dst(%dma_wait3A_105 : memref<200x128xf32, #tpu.memory_space<vmem_shared>>)
          tpu.yield
        }) : () -> ()
      } else {
      }
      tpu.yield
    }) : () -> ()
    %barrier3A = arith.constant 0 : index
    tpu.barrier barrier_id(%barrier3A)
    "tpu.region"() ({
      %run_scoped3A = memref.alloca() : memref<40x128xf32, #tpu.memory_space<vmem>>
      %run_scoped3A_63 = memref.alloca() : memref<40x128xf32, #tpu.memory_space<vmem>>
      %run_scoped3A_64 = memref.alloca() : memref<40x128xf32, #tpu.memory_space<vmem>>
      %run_scoped3A_65 = memref.alloca() : memref<40x128xf32, #tpu.memory_space<vmem>>
      %run_scoped3A_66 = memref.alloca() : memref<40x128xf32, #tpu.memory_space<vmem>>
      %scan3A = arith.constant 0 : i32
      %scan3A_67 = arith.constant 0 : i32
      %scan3A_68 = arith.constant 50 : i32
      %scan3A_69 = arith.addi %scan3A_67, %scan3A_68 : i32
      %scan3A_70 = arith.constant 1 : i32
      %scan3A_71 = scf.for %scan3A_150 = %scan3A_67 to %scan3A_69 step %scan3A_70 iter_args(%scan3A_151 = %scan3A) -> (i32)  : i32 {
        %mul3A_152 = arith.constant 5 : i32
        %mul3A_153 = arith.muli %scan3A_150, %mul3A_152 : i32
        %add3A_154 = arith.constant 0 : i32
        %add3A_155 = arith.addi %mul3A_153, %add3A_154 : i32
        %gt3A = arith.constant 0 : i32
        %gt3A_156 = arith.cmpi sgt, %scan3A_150, %gt3A : i32
        %convert_element_type3A_157 = arith.extui %gt3A_156 : i1 to i32
        %cond3A_158 = arith.constant 0 : i32
        %cond3A_159 = arith.cmpi ne, %convert_element_type3A_157, %cond3A_158 : i32
        scf.if %cond3A_159 {
          %dma_wait3A_296 = arith.constant 0 : i32
          %dma_wait3A_297 = arith.constant 0 : i32
          %dma_wait3A_298 = tpu.memref_slice %arg4[%dma_wait3A_296, %dma_wait3A_297] : memref<10000x128xf32, #tpu.memory_space<hbm>> -> memref<40x128xf32, #tpu.memory_space<hbm>>
          %dma_wait3A_299 = arith.constant 0 : i32
          %dma_wait3A_300 = arith.constant 0 : i32
          %dma_wait3A_301 = tpu.memref_slice %arg4[%dma_wait3A_299, %dma_wait3A_300] : memref<10000x128xf32, #tpu.memory_space<hbm>> -> memref<40x128xf32, #tpu.memory_space<hbm>>
          tpu.wait_dma2 semaphore(%arg28 : memref<!tpu.dma_semaphore, #tpu.memory_space<semaphore_mem>>) src(%dma_wait3A_301 : memref<40x128xf32, #tpu.memory_space<hbm>>) dst(%run_scoped3A : memref<40x128xf32, #tpu.memory_space<vmem>>)
        } else {
        }
        %mul3A_160 = arith.constant 40 : i32
        %mul3A_161 = arith.muli %add3A_155, %mul3A_160 : i32
        %add3A_162 = arith.addi %mul3A_2, %mul3A_161 : i32
        %dma_start3A_163 = tpu.memref_slice %arg2[%add3A_162] : memref<320000xi32, #tpu.memory_space<hbm>> -> memref<40xi32, #tpu.memory_space<hbm>>
        %dma_start3A_164 = tpu.memref_slice %arg2[%add3A_162] : memref<320000xi32, #tpu.memory_space<hbm>> -> memref<40xi32, #tpu.memory_space<hbm>>
        tpu.enqueue_dma source(%dma_start3A_164 : memref<40xi32, #tpu.memory_space<hbm>>) target(%arg7 : memref<40xi32, #tpu.memory_space<vmem>>) target_semaphore(%arg23 : memref<!tpu.dma_semaphore, #tpu.memory_space<semaphore_mem>>)
        %mul3A_165 = arith.constant 40 : i32
        %mul3A_166 = arith.muli %add3A_155, %mul3A_165 : i32
        %add3A_167 = arith.addi %mul3A_2, %mul3A_166 : i32
        %dma_start3A_168 = tpu.memref_slice %arg3[%add3A_167] : memref<320000xi32, #tpu.memory_space<hbm>> -> memref<40xi32, #tpu.memory_space<hbm>>
        %dma_start3A_169 = tpu.memref_slice %arg3[%add3A_167] : memref<320000xi32, #tpu.memory_space<hbm>> -> memref<40xi32, #tpu.memory_space<hbm>>
        tpu.enqueue_dma source(%dma_start3A_169 : memref<40xi32, #tpu.memory_space<hbm>>) target(%arg12 : memref<40xi32, #tpu.memory_space<vmem>>) target_semaphore(%arg23 : memref<!tpu.dma_semaphore, #tpu.memory_space<semaphore_mem>>)
        %ge3A = arith.constant 2 : i32
        %ge3A_170 = arith.cmpi sge, %add3A_155, %ge3A : i32
        %convert_element_type3A_171 = arith.extui %ge3A_170 : i1 to i32
        %cond3A_172 = arith.constant 0 : i32
        %cond3A_173 = arith.cmpi ne, %convert_element_type3A_171, %cond3A_172 : i32
        scf.if %cond3A_173 {
          %dma_wait3A_296 = arith.constant 0 : i32
          %dma_wait3A_297 = tpu.memref_slice %arg2[%dma_wait3A_296] : memref<320000xi32, #tpu.memory_space<hbm>> -> memref<40xi32, #tpu.memory_space<hbm>>
          %dma_wait3A_298 = arith.constant 0 : i32
          %dma_wait3A_299 = tpu.memref_slice %arg2[%dma_wait3A_298] : memref<320000xi32, #tpu.memory_space<hbm>> -> memref<40xi32, #tpu.memory_space<hbm>>
          tpu.wait_dma2 semaphore(%arg26 : memref<!tpu.dma_semaphore, #tpu.memory_space<semaphore_mem>>) src(%dma_wait3A_299 : memref<40xi32, #tpu.memory_space<hbm>>) dst(%arg10 : memref<40xi32, #tpu.memory_space<vmem>>)
          %dma_wait3A_300 = arith.constant 0 : i32
          %dma_wait3A_301 = tpu.memref_slice %arg2[%dma_wait3A_300] : memref<320000xi32, #tpu.memory_space<hbm>> -> memref<40xi32, #tpu.memory_space<hbm>>
          %dma_wait3A_302 = arith.constant 0 : i32
          %dma_wait3A_303 = tpu.memref_slice %arg2[%dma_wait3A_302] : memref<320000xi32, #tpu.memory_space<hbm>> -> memref<40xi32, #tpu.memory_space<hbm>>
          tpu.wait_dma2 semaphore(%arg26 : memref<!tpu.dma_semaphore, #tpu.memory_space<semaphore_mem>>) src(%dma_wait3A_303 : memref<40xi32, #tpu.memory_space<hbm>>) dst(%arg15 : memref<40xi32, #tpu.memory_space<vmem>>)
          %dma_start3A_304 = arith.constant 0 : i32
          %dma_start3A_305 = arith.constant 0 : i32
          %dma_start3A_306 = tpu.memref_slice %arg4[%dma_start3A_304, %dma_start3A_305] : memref<10000x128xf32, #tpu.memory_space<hbm>> -> memref<10000x128xf32, #tpu.memory_space<hbm>>
          tpu.enqueue_indirect_dma source(%dma_start3A_306 : memref<10000x128xf32, #tpu.memory_space<hbm>>) target(%run_scoped3A_65 : memref<40x128xf32, #tpu.memory_space<vmem>>) offsets(%arg10 : memref<40xi32, #tpu.memory_space<vmem>>) semaphore(%arg21 : memref<!tpu.dma_semaphore, #tpu.memory_space<semaphore_mem>>)
        } else {
        }
        %ge3A_174 = arith.constant 3 : i32
        %ge3A_175 = arith.cmpi sge, %add3A_155, %ge3A_174 : i32
        %convert_element_type3A_176 = arith.extui %ge3A_175 : i1 to i32
        %cond3A_177 = arith.constant 0 : i32
        %cond3A_178 = arith.cmpi ne, %convert_element_type3A_176, %cond3A_177 : i32
        scf.if %cond3A_178 {
          %dma_wait3A_296 = arith.constant 0 : i32
          %dma_wait3A_297 = arith.constant 0 : i32
          %dma_wait3A_298 = tpu.memref_slice %arg4[%dma_wait3A_296, %dma_wait3A_297] : memref<10000x128xf32, #tpu.memory_space<hbm>> -> memref<40x128xf32, #tpu.memory_space<hbm>>
          %dma_wait3A_299 = arith.constant 0 : i32
          %dma_wait3A_300 = arith.constant 0 : i32
          %dma_wait3A_301 = tpu.memref_slice %arg4[%dma_wait3A_299, %dma_wait3A_300] : memref<10000x128xf32, #tpu.memory_space<hbm>> -> memref<40x128xf32, #tpu.memory_space<hbm>>
          tpu.wait_dma2 semaphore(%arg20 : memref<!tpu.dma_semaphore, #tpu.memory_space<semaphore_mem>>) src(%dma_wait3A_301 : memref<40x128xf32, #tpu.memory_space<hbm>>) dst(%run_scoped3A_64 : memref<40x128xf32, #tpu.memory_space<vmem>>)
          %dma_start3A_302 = arith.constant 0 : i32
          %dma_start3A_303 = arith.constant 0 : i32
          %dma_start3A_304 = tpu.memref_slice %arg17[%dma_start3A_302, %dma_start3A_303] : memref<10000x128xf32, #tpu.memory_space<vmem_shared>> -> memref<10000x128xf32, #tpu.memory_space<vmem_shared>>
          tpu.enqueue_indirect_dma source(%run_scoped3A_64 : memref<40x128xf32, #tpu.memory_space<vmem>>) target(%dma_start3A_304 : memref<10000x128xf32, #tpu.memory_space<vmem_shared>>) offsets(%arg14 : memref<40xi32, #tpu.memory_space<vmem>>) semaphore(%arg30 : memref<!tpu.dma_semaphore, #tpu.memory_space<semaphore_mem>>) {add = true}
        } else {
        }
        %mul3A_179 = arith.constant 5 : i32
        %mul3A_180 = arith.muli %scan3A_150, %mul3A_179 : i32
        %add3A_181 = arith.constant 1 : i32
        %add3A_182 = arith.addi %mul3A_180, %add3A_181 : i32
        %gt3A_183 = arith.constant 0 : i32
        %gt3A_184 = arith.cmpi sgt, %scan3A_150, %gt3A_183 : i32
        %convert_element_type3A_185 = arith.extui %gt3A_184 : i1 to i32
        %cond3A_186 = arith.constant 0 : i32
        %cond3A_187 = arith.cmpi ne, %convert_element_type3A_185, %cond3A_186 : i32
        scf.if %cond3A_187 {
          %dma_wait3A_296 = arith.constant 0 : i32
          %dma_wait3A_297 = arith.constant 0 : i32
          %dma_wait3A_298 = tpu.memref_slice %arg4[%dma_wait3A_296, %dma_wait3A_297] : memref<10000x128xf32, #tpu.memory_space<hbm>> -> memref<40x128xf32, #tpu.memory_space<hbm>>
          %dma_wait3A_299 = arith.constant 0 : i32
          %dma_wait3A_300 = arith.constant 0 : i32
          %dma_wait3A_301 = tpu.memref_slice %arg4[%dma_wait3A_299, %dma_wait3A_300] : memref<10000x128xf32, #tpu.memory_space<hbm>> -> memref<40x128xf32, #tpu.memory_space<hbm>>
          tpu.wait_dma2 semaphore(%arg29 : memref<!tpu.dma_semaphore, #tpu.memory_space<semaphore_mem>>) src(%dma_wait3A_301 : memref<40x128xf32, #tpu.memory_space<hbm>>) dst(%run_scoped3A_63 : memref<40x128xf32, #tpu.memory_space<vmem>>)
        } else {
        }
        %mul3A_188 = arith.constant 40 : i32
        %mul3A_189 = arith.muli %add3A_182, %mul3A_188 : i32
        %add3A_190 = arith.addi %mul3A_2, %mul3A_189 : i32
        %dma_start3A_191 = tpu.memref_slice %arg2[%add3A_190] : memref<320000xi32, #tpu.memory_space<hbm>> -> memref<40xi32, #tpu.memory_space<hbm>>
        %dma_start3A_192 = tpu.memref_slice %arg2[%add3A_190] : memref<320000xi32, #tpu.memory_space<hbm>> -> memref<40xi32, #tpu.memory_space<hbm>>
        tpu.enqueue_dma source(%dma_start3A_192 : memref<40xi32, #tpu.memory_space<hbm>>) target(%arg8 : memref<40xi32, #tpu.memory_space<vmem>>) target_semaphore(%arg24 : memref<!tpu.dma_semaphore, #tpu.memory_space<semaphore_mem>>)
        %mul3A_193 = arith.constant 40 : i32
        %mul3A_194 = arith.muli %add3A_182, %mul3A_193 : i32
        %add3A_195 = arith.addi %mul3A_2, %mul3A_194 : i32
        %dma_start3A_196 = tpu.memref_slice %arg3[%add3A_195] : memref<320000xi32, #tpu.memory_space<hbm>> -> memref<40xi32, #tpu.memory_space<hbm>>
        %dma_start3A_197 = tpu.memref_slice %arg3[%add3A_195] : memref<320000xi32, #tpu.memory_space<hbm>> -> memref<40xi32, #tpu.memory_space<hbm>>
        tpu.enqueue_dma source(%dma_start3A_197 : memref<40xi32, #tpu.memory_space<hbm>>) target(%arg13 : memref<40xi32, #tpu.memory_space<vmem>>) target_semaphore(%arg24 : memref<!tpu.dma_semaphore, #tpu.memory_space<semaphore_mem>>)
        %ge3A_198 = arith.constant 2 : i32
        %ge3A_199 = arith.cmpi sge, %add3A_182, %ge3A_198 : i32
        %convert_element_type3A_200 = arith.extui %ge3A_199 : i1 to i32
        %cond3A_201 = arith.constant 0 : i32
        %cond3A_202 = arith.cmpi ne, %convert_element_type3A_200, %cond3A_201 : i32
        scf.if %cond3A_202 {
          %dma_wait3A_296 = arith.constant 0 : i32
          %dma_wait3A_297 = tpu.memref_slice %arg2[%dma_wait3A_296] : memref<320000xi32, #tpu.memory_space<hbm>> -> memref<40xi32, #tpu.memory_space<hbm>>
          %dma_wait3A_298 = arith.constant 0 : i32
          %dma_wait3A_299 = tpu.memref_slice %arg2[%dma_wait3A_298] : memref<320000xi32, #tpu.memory_space<hbm>> -> memref<40xi32, #tpu.memory_space<hbm>>
          tpu.wait_dma2 semaphore(%arg27 : memref<!tpu.dma_semaphore, #tpu.memory_space<semaphore_mem>>) src(%dma_wait3A_299 : memref<40xi32, #tpu.memory_space<hbm>>) dst(%arg11 : memref<40xi32, #tpu.memory_space<vmem>>)
          %dma_wait3A_300 = arith.constant 0 : i32
          %dma_wait3A_301 = tpu.memref_slice %arg2[%dma_wait3A_300] : memref<320000xi32, #tpu.memory_space<hbm>> -> memref<40xi32, #tpu.memory_space<hbm>>
          %dma_wait3A_302 = arith.constant 0 : i32
          %dma_wait3A_303 = tpu.memref_slice %arg2[%dma_wait3A_302] : memref<320000xi32, #tpu.memory_space<hbm>> -> memref<40xi32, #tpu.memory_space<hbm>>
          tpu.wait_dma2 semaphore(%arg27 : memref<!tpu.dma_semaphore, #tpu.memory_space<semaphore_mem>>) src(%dma_wait3A_303 : memref<40xi32, #tpu.memory_space<hbm>>) dst(%arg16 : memref<40xi32, #tpu.memory_space<vmem>>)
          %dma_start3A_304 = arith.constant 0 : i32
          %dma_start3A_305 = arith.constant 0 : i32
          %dma_start3A_306 = tpu.memref_slice %arg4[%dma_start3A_304, %dma_start3A_305] : memref<10000x128xf32, #tpu.memory_space<hbm>> -> memref<10000x128xf32, #tpu.memory_space<hbm>>
          tpu.enqueue_indirect_dma source(%dma_start3A_306 : memref<10000x128xf32, #tpu.memory_space<hbm>>) target(%run_scoped3A_66 : memref<40x128xf32, #tpu.memory_space<vmem>>) offsets(%arg11 : memref<40xi32, #tpu.memory_space<vmem>>) semaphore(%arg22 : memref<!tpu.dma_semaphore, #tpu.memory_space<semaphore_mem>>)
        } else {
        }
        %ge3A_203 = arith.constant 3 : i32
        %ge3A_204 = arith.cmpi sge, %add3A_182, %ge3A_203 : i32
        %convert_element_type3A_205 = arith.extui %ge3A_204 : i1 to i32
        %cond3A_206 = arith.constant 0 : i32
        %cond3A_207 = arith.cmpi ne, %convert_element_type3A_205, %cond3A_206 : i32
        scf.if %cond3A_207 {
          %dma_wait3A_296 = arith.constant 0 : i32
          %dma_wait3A_297 = arith.constant 0 : i32
          %dma_wait3A_298 = tpu.memref_slice %arg4[%dma_wait3A_296, %dma_wait3A_297] : memref<10000x128xf32, #tpu.memory_space<hbm>> -> memref<40x128xf32, #tpu.memory_space<hbm>>
          %dma_wait3A_299 = arith.constant 0 : i32
          %dma_wait3A_300 = arith.constant 0 : i32
          %dma_wait3A_301 = tpu.memref_slice %arg4[%dma_wait3A_299, %dma_wait3A_300] : memref<10000x128xf32, #tpu.memory_space<hbm>> -> memref<40x128xf32, #tpu.memory_space<hbm>>
          tpu.wait_dma2 semaphore(%arg21 : memref<!tpu.dma_semaphore, #tpu.memory_space<semaphore_mem>>) src(%dma_wait3A_301 : memref<40x128xf32, #tpu.memory_space<hbm>>) dst(%run_scoped3A_65 : memref<40x128xf32, #tpu.memory_space<vmem>>)
          %dma_start3A_302 = arith.constant 0 : i32
          %dma_start3A_303 = arith.constant 0 : i32
          %dma_start3A_304 = tpu.memref_slice %arg17[%dma_start3A_302, %dma_start3A_303] : memref<10000x128xf32, #tpu.memory_space<vmem_shared>> -> memref<10000x128xf32, #tpu.memory_space<vmem_shared>>
          tpu.enqueue_indirect_dma source(%run_scoped3A_65 : memref<40x128xf32, #tpu.memory_space<vmem>>) target(%dma_start3A_304 : memref<10000x128xf32, #tpu.memory_space<vmem_shared>>) offsets(%arg15 : memref<40xi32, #tpu.memory_space<vmem>>) semaphore(%arg31 : memref<!tpu.dma_semaphore, #tpu.memory_space<semaphore_mem>>) {add = true}
        } else {
        }
        %mul3A_208 = arith.constant 5 : i32
        %mul3A_209 = arith.muli %scan3A_150, %mul3A_208 : i32
        %add3A_210 = arith.constant 2 : i32
        %add3A_211 = arith.addi %mul3A_209, %add3A_210 : i32
        %gt3A_212 = arith.constant 0 : i32
        %gt3A_213 = arith.cmpi sgt, %scan3A_150, %gt3A_212 : i32
        %convert_element_type3A_214 = arith.extui %gt3A_213 : i1 to i32
        %cond3A_215 = arith.constant 0 : i32
        %cond3A_216 = arith.cmpi ne, %convert_element_type3A_214, %cond3A_215 : i32
        scf.if %cond3A_216 {
          %dma_wait3A_296 = arith.constant 0 : i32
          %dma_wait3A_297 = arith.constant 0 : i32
          %dma_wait3A_298 = tpu.memref_slice %arg4[%dma_wait3A_296, %dma_wait3A_297] : memref<10000x128xf32, #tpu.memory_space<hbm>> -> memref<40x128xf32, #tpu.memory_space<hbm>>
          %dma_wait3A_299 = arith.constant 0 : i32
          %dma_wait3A_300 = arith.constant 0 : i32
          %dma_wait3A_301 = tpu.memref_slice %arg4[%dma_wait3A_299, %dma_wait3A_300] : memref<10000x128xf32, #tpu.memory_space<hbm>> -> memref<40x128xf32, #tpu.memory_space<hbm>>
          tpu.wait_dma2 semaphore(%arg30 : memref<!tpu.dma_semaphore, #tpu.memory_space<semaphore_mem>>) src(%dma_wait3A_301 : memref<40x128xf32, #tpu.memory_space<hbm>>) dst(%run_scoped3A_64 : memref<40x128xf32, #tpu.memory_space<vmem>>)
        } else {
        }
        %mul3A_217 = arith.constant 40 : i32
        %mul3A_218 = arith.muli %add3A_211, %mul3A_217 : i32
        %add3A_219 = arith.addi %mul3A_2, %mul3A_218 : i32
        %dma_start3A_220 = tpu.memref_slice %arg2[%add3A_219] : memref<320000xi32, #tpu.memory_space<hbm>> -> memref<40xi32, #tpu.memory_space<hbm>>
        %dma_start3A_221 = tpu.memref_slice %arg2[%add3A_219] : memref<320000xi32, #tpu.memory_space<hbm>> -> memref<40xi32, #tpu.memory_space<hbm>>
        tpu.enqueue_dma source(%dma_start3A_221 : memref<40xi32, #tpu.memory_space<hbm>>) target(%arg9 : memref<40xi32, #tpu.memory_space<vmem>>) target_semaphore(%arg25 : memref<!tpu.dma_semaphore, #tpu.memory_space<semaphore_mem>>)
        %mul3A_222 = arith.constant 40 : i32
        %mul3A_223 = arith.muli %add3A_211, %mul3A_222 : i32
        %add3A_224 = arith.addi %mul3A_2, %mul3A_223 : i32
        %dma_start3A_225 = tpu.memref_slice %arg3[%add3A_224] : memref<320000xi32, #tpu.memory_space<hbm>> -> memref<40xi32, #tpu.memory_space<hbm>>
        %dma_start3A_226 = tpu.memref_slice %arg3[%add3A_224] : memref<320000xi32, #tpu.memory_space<hbm>> -> memref<40xi32, #tpu.memory_space<hbm>>
        tpu.enqueue_dma source(%dma_start3A_226 : memref<40xi32, #tpu.memory_space<hbm>>) target(%arg14 : memref<40xi32, #tpu.memory_space<vmem>>) target_semaphore(%arg25 : memref<!tpu.dma_semaphore, #tpu.memory_space<semaphore_mem>>)
        %ge3A_227 = arith.constant 2 : i32
        %ge3A_228 = arith.cmpi sge, %add3A_211, %ge3A_227 : i32
        %convert_element_type3A_229 = arith.extui %ge3A_228 : i1 to i32
        %cond3A_230 = arith.constant 0 : i32
        %cond3A_231 = arith.cmpi ne, %convert_element_type3A_229, %cond3A_230 : i32
        scf.if %cond3A_231 {
          %dma_wait3A_296 = arith.constant 0 : i32
          %dma_wait3A_297 = tpu.memref_slice %arg2[%dma_wait3A_296] : memref<320000xi32, #tpu.memory_space<hbm>> -> memref<40xi32, #tpu.memory_space<hbm>>
          %dma_wait3A_298 = arith.constant 0 : i32
          %dma_wait3A_299 = tpu.memref_slice %arg2[%dma_wait3A_298] : memref<320000xi32, #tpu.memory_space<hbm>> -> memref<40xi32, #tpu.memory_space<hbm>>
          tpu.wait_dma2 semaphore(%arg23 : memref<!tpu.dma_semaphore, #tpu.memory_space<semaphore_mem>>) src(%dma_wait3A_299 : memref<40xi32, #tpu.memory_space<hbm>>) dst(%arg7 : memref<40xi32, #tpu.memory_space<vmem>>)
          %dma_wait3A_300 = arith.constant 0 : i32
          %dma_wait3A_301 = tpu.memref_slice %arg2[%dma_wait3A_300] : memref<320000xi32, #tpu.memory_space<hbm>> -> memref<40xi32, #tpu.memory_space<hbm>>
          %dma_wait3A_302 = arith.constant 0 : i32
          %dma_wait3A_303 = tpu.memref_slice %arg2[%dma_wait3A_302] : memref<320000xi32, #tpu.memory_space<hbm>> -> memref<40xi32, #tpu.memory_space<hbm>>
          tpu.wait_dma2 semaphore(%arg23 : memref<!tpu.dma_semaphore, #tpu.memory_space<semaphore_mem>>) src(%dma_wait3A_303 : memref<40xi32, #tpu.memory_space<hbm>>) dst(%arg12 : memref<40xi32, #tpu.memory_space<vmem>>)
          %dma_start3A_304 = arith.constant 0 : i32
          %dma_start3A_305 = arith.constant 0 : i32
          %dma_start3A_306 = tpu.memref_slice %arg4[%dma_start3A_304, %dma_start3A_305] : memref<10000x128xf32, #tpu.memory_space<hbm>> -> memref<10000x128xf32, #tpu.memory_space<hbm>>
          tpu.enqueue_indirect_dma source(%dma_start3A_306 : memref<10000x128xf32, #tpu.memory_space<hbm>>) target(%run_scoped3A : memref<40x128xf32, #tpu.memory_space<vmem>>) offsets(%arg7 : memref<40xi32, #tpu.memory_space<vmem>>) semaphore(%arg18 : memref<!tpu.dma_semaphore, #tpu.memory_space<semaphore_mem>>)
        } else {
        }
        %ge3A_232 = arith.constant 3 : i32
        %ge3A_233 = arith.cmpi sge, %add3A_211, %ge3A_232 : i32
        %convert_element_type3A_234 = arith.extui %ge3A_233 : i1 to i32
        %cond3A_235 = arith.constant 0 : i32
        %cond3A_236 = arith.cmpi ne, %convert_element_type3A_234, %cond3A_235 : i32
        scf.if %cond3A_236 {
          %dma_wait3A_296 = arith.constant 0 : i32
          %dma_wait3A_297 = arith.constant 0 : i32
          %dma_wait3A_298 = tpu.memref_slice %arg4[%dma_wait3A_296, %dma_wait3A_297] : memref<10000x128xf32, #tpu.memory_space<hbm>> -> memref<40x128xf32, #tpu.memory_space<hbm>>
          %dma_wait3A_299 = arith.constant 0 : i32
          %dma_wait3A_300 = arith.constant 0 : i32
          %dma_wait3A_301 = tpu.memref_slice %arg4[%dma_wait3A_299, %dma_wait3A_300] : memref<10000x128xf32, #tpu.memory_space<hbm>> -> memref<40x128xf32, #tpu.memory_space<hbm>>
          tpu.wait_dma2 semaphore(%arg22 : memref<!tpu.dma_semaphore, #tpu.memory_space<semaphore_mem>>) src(%dma_wait3A_301 : memref<40x128xf32, #tpu.memory_space<hbm>>) dst(%run_scoped3A_66 : memref<40x128xf32, #tpu.memory_space<vmem>>)
          %dma_start3A_302 = arith.constant 0 : i32
          %dma_start3A_303 = arith.constant 0 : i32
          %dma_start3A_304 = tpu.memref_slice %arg17[%dma_start3A_302, %dma_start3A_303] : memref<10000x128xf32, #tpu.memory_space<vmem_shared>> -> memref<10000x128xf32, #tpu.memory_space<vmem_shared>>
          tpu.enqueue_indirect_dma source(%run_scoped3A_66 : memref<40x128xf32, #tpu.memory_space<vmem>>) target(%dma_start3A_304 : memref<10000x128xf32, #tpu.memory_space<vmem_shared>>) offsets(%arg16 : memref<40xi32, #tpu.memory_space<vmem>>) semaphore(%arg32 : memref<!tpu.dma_semaphore, #tpu.memory_space<semaphore_mem>>) {add = true}
        } else {
        }
        %mul3A_237 = arith.constant 5 : i32
        %mul3A_238 = arith.muli %scan3A_150, %mul3A_237 : i32
        %add3A_239 = arith.constant 3 : i32
        %add3A_240 = arith.addi %mul3A_238, %add3A_239 : i32
        %gt3A_241 = arith.constant 0 : i32
        %gt3A_242 = arith.cmpi sgt, %scan3A_150, %gt3A_241 : i32
        %convert_element_type3A_243 = arith.extui %gt3A_242 : i1 to i32
        %cond3A_244 = arith.constant 0 : i32
        %cond3A_245 = arith.cmpi ne, %convert_element_type3A_243, %cond3A_244 : i32
        scf.if %cond3A_245 {
          %dma_wait3A_296 = arith.constant 0 : i32
          %dma_wait3A_297 = arith.constant 0 : i32
          %dma_wait3A_298 = tpu.memref_slice %arg4[%dma_wait3A_296, %dma_wait3A_297] : memref<10000x128xf32, #tpu.memory_space<hbm>> -> memref<40x128xf32, #tpu.memory_space<hbm>>
          %dma_wait3A_299 = arith.constant 0 : i32
          %dma_wait3A_300 = arith.constant 0 : i32
          %dma_wait3A_301 = tpu.memref_slice %arg4[%dma_wait3A_299, %dma_wait3A_300] : memref<10000x128xf32, #tpu.memory_space<hbm>> -> memref<40x128xf32, #tpu.memory_space<hbm>>
          tpu.wait_dma2 semaphore(%arg31 : memref<!tpu.dma_semaphore, #tpu.memory_space<semaphore_mem>>) src(%dma_wait3A_301 : memref<40x128xf32, #tpu.memory_space<hbm>>) dst(%run_scoped3A_65 : memref<40x128xf32, #tpu.memory_space<vmem>>)
        } else {
        }
        %mul3A_246 = arith.constant 40 : i32
        %mul3A_247 = arith.muli %add3A_240, %mul3A_246 : i32
        %add3A_248 = arith.addi %mul3A_2, %mul3A_247 : i32
        %dma_start3A_249 = tpu.memref_slice %arg2[%add3A_248] : memref<320000xi32, #tpu.memory_space<hbm>> -> memref<40xi32, #tpu.memory_space<hbm>>
        %dma_start3A_250 = tpu.memref_slice %arg2[%add3A_248] : memref<320000xi32, #tpu.memory_space<hbm>> -> memref<40xi32, #tpu.memory_space<hbm>>
        tpu.enqueue_dma source(%dma_start3A_250 : memref<40xi32, #tpu.memory_space<hbm>>) target(%arg10 : memref<40xi32, #tpu.memory_space<vmem>>) target_semaphore(%arg26 : memref<!tpu.dma_semaphore, #tpu.memory_space<semaphore_mem>>)
        %mul3A_251 = arith.constant 40 : i32
        %mul3A_252 = arith.muli %add3A_240, %mul3A_251 : i32
        %add3A_253 = arith.addi %mul3A_2, %mul3A_252 : i32
        %dma_start3A_254 = tpu.memref_slice %arg3[%add3A_253] : memref<320000xi32, #tpu.memory_space<hbm>> -> memref<40xi32, #tpu.memory_space<hbm>>
        %dma_start3A_255 = tpu.memref_slice %arg3[%add3A_253] : memref<320000xi32, #tpu.memory_space<hbm>> -> memref<40xi32, #tpu.memory_space<hbm>>
        tpu.enqueue_dma source(%dma_start3A_255 : memref<40xi32, #tpu.memory_space<hbm>>) target(%arg15 : memref<40xi32, #tpu.memory_space<vmem>>) target_semaphore(%arg26 : memref<!tpu.dma_semaphore, #tpu.memory_space<semaphore_mem>>)
        %ge3A_256 = arith.constant 2 : i32
        %ge3A_257 = arith.cmpi sge, %add3A_240, %ge3A_256 : i32
        %convert_element_type3A_258 = arith.extui %ge3A_257 : i1 to i32
        %cond3A_259 = arith.constant 0 : i32
        %cond3A_260 = arith.cmpi ne, %convert_element_type3A_258, %cond3A_259 : i32
        scf.if %cond3A_260 {
          %dma_wait3A_296 = arith.constant 0 : i32
          %dma_wait3A_297 = tpu.memref_slice %arg2[%dma_wait3A_296] : memref<320000xi32, #tpu.memory_space<hbm>> -> memref<40xi32, #tpu.memory_space<hbm>>
          %dma_wait3A_298 = arith.constant 0 : i32
          %dma_wait3A_299 = tpu.memref_slice %arg2[%dma_wait3A_298] : memref<320000xi32, #tpu.memory_space<hbm>> -> memref<40xi32, #tpu.memory_space<hbm>>
          tpu.wait_dma2 semaphore(%arg24 : memref<!tpu.dma_semaphore, #tpu.memory_space<semaphore_mem>>) src(%dma_wait3A_299 : memref<40xi32, #tpu.memory_space<hbm>>) dst(%arg8 : memref<40xi32, #tpu.memory_space<vmem>>)
          %dma_wait3A_300 = arith.constant 0 : i32
          %dma_wait3A_301 = tpu.memref_slice %arg2[%dma_wait3A_300] : memref<320000xi32, #tpu.memory_space<hbm>> -> memref<40xi32, #tpu.memory_space<hbm>>
          %dma_wait3A_302 = arith.constant 0 : i32
          %dma_wait3A_303 = tpu.memref_slice %arg2[%dma_wait3A_302] : memref<320000xi32, #tpu.memory_space<hbm>> -> memref<40xi32, #tpu.memory_space<hbm>>
          tpu.wait_dma2 semaphore(%arg24 : memref<!tpu.dma_semaphore, #tpu.memory_space<semaphore_mem>>) src(%dma_wait3A_303 : memref<40xi32, #tpu.memory_space<hbm>>) dst(%arg13 : memref<40xi32, #tpu.memory_space<vmem>>)
          %dma_start3A_304 = arith.constant 0 : i32
          %dma_start3A_305 = arith.constant 0 : i32
          %dma_start3A_306 = tpu.memref_slice %arg4[%dma_start3A_304, %dma_start3A_305] : memref<10000x128xf32, #tpu.memory_space<hbm>> -> memref<10000x128xf32, #tpu.memory_space<hbm>>
          tpu.enqueue_indirect_dma source(%dma_start3A_306 : memref<10000x128xf32, #tpu.memory_space<hbm>>) target(%run_scoped3A_63 : memref<40x128xf32, #tpu.memory_space<vmem>>) offsets(%arg8 : memref<40xi32, #tpu.memory_space<vmem>>) semaphore(%arg19 : memref<!tpu.dma_semaphore, #tpu.memory_space<semaphore_mem>>)
        } else {
        }
        %ge3A_261 = arith.constant 3 : i32
        %ge3A_262 = arith.cmpi sge, %add3A_240, %ge3A_261 : i32
        %convert_element_type3A_263 = arith.extui %ge3A_262 : i1 to i32
        %cond3A_264 = arith.constant 0 : i32
        %cond3A_265 = arith.cmpi ne, %convert_element_type3A_263, %cond3A_264 : i32
        scf.if %cond3A_265 {
          %dma_wait3A_296 = arith.constant 0 : i32
          %dma_wait3A_297 = arith.constant 0 : i32
          %dma_wait3A_298 = tpu.memref_slice %arg4[%dma_wait3A_296, %dma_wait3A_297] : memref<10000x128xf32, #tpu.memory_space<hbm>> -> memref<40x128xf32, #tpu.memory_space<hbm>>
          %dma_wait3A_299 = arith.constant 0 : i32
          %dma_wait3A_300 = arith.constant 0 : i32
          %dma_wait3A_301 = tpu.memref_slice %arg4[%dma_wait3A_299, %dma_wait3A_300] : memref<10000x128xf32, #tpu.memory_space<hbm>> -> memref<40x128xf32, #tpu.memory_space<hbm>>
          tpu.wait_dma2 semaphore(%arg18 : memref<!tpu.dma_semaphore, #tpu.memory_space<semaphore_mem>>) src(%dma_wait3A_301 : memref<40x128xf32, #tpu.memory_space<hbm>>) dst(%run_scoped3A : memref<40x128xf32, #tpu.memory_space<vmem>>)
          %dma_start3A_302 = arith.constant 0 : i32
          %dma_start3A_303 = arith.constant 0 : i32
          %dma_start3A_304 = tpu.memref_slice %arg17[%dma_start3A_302, %dma_start3A_303] : memref<10000x128xf32, #tpu.memory_space<vmem_shared>> -> memref<10000x128xf32, #tpu.memory_space<vmem_shared>>
          tpu.enqueue_indirect_dma source(%run_scoped3A : memref<40x128xf32, #tpu.memory_space<vmem>>) target(%dma_start3A_304 : memref<10000x128xf32, #tpu.memory_space<vmem_shared>>) offsets(%arg12 : memref<40xi32, #tpu.memory_space<vmem>>) semaphore(%arg28 : memref<!tpu.dma_semaphore, #tpu.memory_space<semaphore_mem>>) {add = true}
        } else {
        }
        %mul3A_266 = arith.constant 5 : i32
        %mul3A_267 = arith.muli %scan3A_150, %mul3A_266 : i32
        %add3A_268 = arith.constant 4 : i32
        %add3A_269 = arith.addi %mul3A_267, %add3A_268 : i32
        %gt3A_270 = arith.constant 0 : i32
        %gt3A_271 = arith.cmpi sgt, %scan3A_150, %gt3A_270 : i32
        %convert_element_type3A_272 = arith.extui %gt3A_271 : i1 to i32
        %cond3A_273 = arith.constant 0 : i32
        %cond3A_274 = arith.cmpi ne, %convert_element_type3A_272, %cond3A_273 : i32
        scf.if %cond3A_274 {
          %dma_wait3A_296 = arith.constant 0 : i32
          %dma_wait3A_297 = arith.constant 0 : i32
          %dma_wait3A_298 = tpu.memref_slice %arg4[%dma_wait3A_296, %dma_wait3A_297] : memref<10000x128xf32, #tpu.memory_space<hbm>> -> memref<40x128xf32, #tpu.memory_space<hbm>>
          %dma_wait3A_299 = arith.constant 0 : i32
          %dma_wait3A_300 = arith.constant 0 : i32
          %dma_wait3A_301 = tpu.memref_slice %arg4[%dma_wait3A_299, %dma_wait3A_300] : memref<10000x128xf32, #tpu.memory_space<hbm>> -> memref<40x128xf32, #tpu.memory_space<hbm>>
          tpu.wait_dma2 semaphore(%arg32 : memref<!tpu.dma_semaphore, #tpu.memory_space<semaphore_mem>>) src(%dma_wait3A_301 : memref<40x128xf32, #tpu.memory_space<hbm>>) dst(%run_scoped3A_66 : memref<40x128xf32, #tpu.memory_space<vmem>>)
        } else {
        }
        %mul3A_275 = arith.constant 40 : i32
        %mul3A_276 = arith.muli %add3A_269, %mul3A_275 : i32
        %add3A_277 = arith.addi %mul3A_2, %mul3A_276 : i32
        %dma_start3A_278 = tpu.memref_slice %arg2[%add3A_277] : memref<320000xi32, #tpu.memory_space<hbm>> -> memref<40xi32, #tpu.memory_space<hbm>>
        %dma_start3A_279 = tpu.memref_slice %arg2[%add3A_277] : memref<320000xi32, #tpu.memory_space<hbm>> -> memref<40xi32, #tpu.memory_space<hbm>>
        tpu.enqueue_dma source(%dma_start3A_279 : memref<40xi32, #tpu.memory_space<hbm>>) target(%arg11 : memref<40xi32, #tpu.memory_space<vmem>>) target_semaphore(%arg27 : memref<!tpu.dma_semaphore, #tpu.memory_space<semaphore_mem>>)
        %mul3A_280 = arith.constant 40 : i32
        %mul3A_281 = arith.muli %add3A_269, %mul3A_280 : i32
        %add3A_282 = arith.addi %mul3A_2, %mul3A_281 : i32
        %dma_start3A_283 = tpu.memref_slice %arg3[%add3A_282] : memref<320000xi32, #tpu.memory_space<hbm>> -> memref<40xi32, #tpu.memory_space<hbm>>
        %dma_start3A_284 = tpu.memref_slice %arg3[%add3A_282] : memref<320000xi32, #tpu.memory_space<hbm>> -> memref<40xi32, #tpu.memory_space<hbm>>
        tpu.enqueue_dma source(%dma_start3A_284 : memref<40xi32, #tpu.memory_space<hbm>>) target(%arg16 : memref<40xi32, #tpu.memory_space<vmem>>) target_semaphore(%arg27 : memref<!tpu.dma_semaphore, #tpu.memory_space<semaphore_mem>>)
        %ge3A_285 = arith.constant 2 : i32
        %ge3A_286 = arith.cmpi sge, %add3A_269, %ge3A_285 : i32
        %convert_element_type3A_287 = arith.extui %ge3A_286 : i1 to i32
        %cond3A_288 = arith.constant 0 : i32
        %cond3A_289 = arith.cmpi ne, %convert_element_type3A_287, %cond3A_288 : i32
        scf.if %cond3A_289 {
          %dma_wait3A_296 = arith.constant 0 : i32
          %dma_wait3A_297 = tpu.memref_slice %arg2[%dma_wait3A_296] : memref<320000xi32, #tpu.memory_space<hbm>> -> memref<40xi32, #tpu.memory_space<hbm>>
          %dma_wait3A_298 = arith.constant 0 : i32
          %dma_wait3A_299 = tpu.memref_slice %arg2[%dma_wait3A_298] : memref<320000xi32, #tpu.memory_space<hbm>> -> memref<40xi32, #tpu.memory_space<hbm>>
          tpu.wait_dma2 semaphore(%arg25 : memref<!tpu.dma_semaphore, #tpu.memory_space<semaphore_mem>>) src(%dma_wait3A_299 : memref<40xi32, #tpu.memory_space<hbm>>) dst(%arg9 : memref<40xi32, #tpu.memory_space<vmem>>)
          %dma_wait3A_300 = arith.constant 0 : i32
          %dma_wait3A_301 = tpu.memref_slice %arg2[%dma_wait3A_300] : memref<320000xi32, #tpu.memory_space<hbm>> -> memref<40xi32, #tpu.memory_space<hbm>>
          %dma_wait3A_302 = arith.constant 0 : i32
          %dma_wait3A_303 = tpu.memref_slice %arg2[%dma_wait3A_302] : memref<320000xi32, #tpu.memory_space<hbm>> -> memref<40xi32, #tpu.memory_space<hbm>>
          tpu.wait_dma2 semaphore(%arg25 : memref<!tpu.dma_semaphore, #tpu.memory_space<semaphore_mem>>) src(%dma_wait3A_303 : memref<40xi32, #tpu.memory_space<hbm>>) dst(%arg14 : memref<40xi32, #tpu.memory_space<vmem>>)
          %dma_start3A_304 = arith.constant 0 : i32
          %dma_start3A_305 = arith.constant 0 : i32
          %dma_start3A_306 = tpu.memref_slice %arg4[%dma_start3A_304, %dma_start3A_305] : memref<10000x128xf32, #tpu.memory_space<hbm>> -> memref<10000x128xf32, #tpu.memory_space<hbm>>
          tpu.enqueue_indirect_dma source(%dma_start3A_306 : memref<10000x128xf32, #tpu.memory_space<hbm>>) target(%run_scoped3A_64 : memref<40x128xf32, #tpu.memory_space<vmem>>) offsets(%arg9 : memref<40xi32, #tpu.memory_space<vmem>>) semaphore(%arg20 : memref<!tpu.dma_semaphore, #tpu.memory_space<semaphore_mem>>)
        } else {
        }
        %ge3A_290 = arith.constant 3 : i32
        %ge3A_291 = arith.cmpi sge, %add3A_269, %ge3A_290 : i32
        %convert_element_type3A_292 = arith.extui %ge3A_291 : i1 to i32
        %cond3A_293 = arith.constant 0 : i32
        %cond3A_294 = arith.cmpi ne, %convert_element_type3A_292, %cond3A_293 : i32
        scf.if %cond3A_294 {
          %dma_wait3A_296 = arith.constant 0 : i32
          %dma_wait3A_297 = arith.constant 0 : i32
          %dma_wait3A_298 = tpu.memref_slice %arg4[%dma_wait3A_296, %dma_wait3A_297] : memref<10000x128xf32, #tpu.memory_space<hbm>> -> memref<40x128xf32, #tpu.memory_space<hbm>>
          %dma_wait3A_299 = arith.constant 0 : i32
          %dma_wait3A_300 = arith.constant 0 : i32
          %dma_wait3A_301 = tpu.memref_slice %arg4[%dma_wait3A_299, %dma_wait3A_300] : memref<10000x128xf32, #tpu.memory_space<hbm>> -> memref<40x128xf32, #tpu.memory_space<hbm>>
          tpu.wait_dma2 semaphore(%arg19 : memref<!tpu.dma_semaphore, #tpu.memory_space<semaphore_mem>>) src(%dma_wait3A_301 : memref<40x128xf32, #tpu.memory_space<hbm>>) dst(%run_scoped3A_63 : memref<40x128xf32, #tpu.memory_space<vmem>>)
          %dma_start3A_302 = arith.constant 0 : i32
          %dma_start3A_303 = arith.constant 0 : i32
          %dma_start3A_304 = tpu.memref_slice %arg17[%dma_start3A_302, %dma_start3A_303] : memref<10000x128xf32, #tpu.memory_space<vmem_shared>> -> memref<10000x128xf32, #tpu.memory_space<vmem_shared>>
          tpu.enqueue_indirect_dma source(%run_scoped3A_63 : memref<40x128xf32, #tpu.memory_space<vmem>>) target(%dma_start3A_304 : memref<10000x128xf32, #tpu.memory_space<vmem_shared>>) offsets(%arg13 : memref<40xi32, #tpu.memory_space<vmem>>) semaphore(%arg29 : memref<!tpu.dma_semaphore, #tpu.memory_space<semaphore_mem>>) {add = true}
        } else {
        }
        %scan3A_295 = arith.constant 0 : i32
        scf.yield %scan3A_295 : i32
      }
      %scan3A_72 = arith.constant 50 : i32
      %dma_wait3A = arith.constant 0 : i32
      %dma_wait3A_73 = tpu.memref_slice %arg2[%dma_wait3A] : memref<320000xi32, #tpu.memory_space<hbm>> -> memref<40xi32, #tpu.memory_space<hbm>>
      %dma_wait3A_74 = arith.constant 0 : i32
      %dma_wait3A_75 = tpu.memref_slice %arg2[%dma_wait3A_74] : memref<320000xi32, #tpu.memory_space<hbm>> -> memref<40xi32, #tpu.memory_space<hbm>>
      tpu.wait_dma2 semaphore(%arg26 : memref<!tpu.dma_semaphore, #tpu.memory_space<semaphore_mem>>) src(%dma_wait3A_75 : memref<40xi32, #tpu.memory_space<hbm>>) dst(%arg10 : memref<40xi32, #tpu.memory_space<vmem>>)
      %dma_wait3A_76 = arith.constant 0 : i32
      %dma_wait3A_77 = tpu.memref_slice %arg2[%dma_wait3A_76] : memref<320000xi32, #tpu.memory_space<hbm>> -> memref<40xi32, #tpu.memory_space<hbm>>
      %dma_wait3A_78 = arith.constant 0 : i32
      %dma_wait3A_79 = tpu.memref_slice %arg2[%dma_wait3A_78] : memref<320000xi32, #tpu.memory_space<hbm>> -> memref<40xi32, #tpu.memory_space<hbm>>
      tpu.wait_dma2 semaphore(%arg26 : memref<!tpu.dma_semaphore, #tpu.memory_space<semaphore_mem>>) src(%dma_wait3A_79 : memref<40xi32, #tpu.memory_space<hbm>>) dst(%arg15 : memref<40xi32, #tpu.memory_space<vmem>>)
      %dma_start3A = arith.constant 0 : i32
      %dma_start3A_80 = arith.constant 0 : i32
      %dma_start3A_81 = tpu.memref_slice %arg4[%dma_start3A, %dma_start3A_80] : memref<10000x128xf32, #tpu.memory_space<hbm>> -> memref<10000x128xf32, #tpu.memory_space<hbm>>
      tpu.enqueue_indirect_dma source(%dma_start3A_81 : memref<10000x128xf32, #tpu.memory_space<hbm>>) target(%run_scoped3A_65 : memref<40x128xf32, #tpu.memory_space<vmem>>) offsets(%arg10 : memref<40xi32, #tpu.memory_space<vmem>>) semaphore(%arg21 : memref<!tpu.dma_semaphore, #tpu.memory_space<semaphore_mem>>)
      %dma_wait3A_82 = arith.constant 0 : i32
      %dma_wait3A_83 = tpu.memref_slice %arg2[%dma_wait3A_82] : memref<320000xi32, #tpu.memory_space<hbm>> -> memref<40xi32, #tpu.memory_space<hbm>>
      %dma_wait3A_84 = arith.constant 0 : i32
      %dma_wait3A_85 = tpu.memref_slice %arg2[%dma_wait3A_84] : memref<320000xi32, #tpu.memory_space<hbm>> -> memref<40xi32, #tpu.memory_space<hbm>>
      tpu.wait_dma2 semaphore(%arg27 : memref<!tpu.dma_semaphore, #tpu.memory_space<semaphore_mem>>) src(%dma_wait3A_85 : memref<40xi32, #tpu.memory_space<hbm>>) dst(%arg11 : memref<40xi32, #tpu.memory_space<vmem>>)
      %dma_wait3A_86 = arith.constant 0 : i32
      %dma_wait3A_87 = tpu.memref_slice %arg2[%dma_wait3A_86] : memref<320000xi32, #tpu.memory_space<hbm>> -> memref<40xi32, #tpu.memory_space<hbm>>
      %dma_wait3A_88 = arith.constant 0 : i32
      %dma_wait3A_89 = tpu.memref_slice %arg2[%dma_wait3A_88] : memref<320000xi32, #tpu.memory_space<hbm>> -> memref<40xi32, #tpu.memory_space<hbm>>
      tpu.wait_dma2 semaphore(%arg27 : memref<!tpu.dma_semaphore, #tpu.memory_space<semaphore_mem>>) src(%dma_wait3A_89 : memref<40xi32, #tpu.memory_space<hbm>>) dst(%arg16 : memref<40xi32, #tpu.memory_space<vmem>>)
      %dma_start3A_90 = arith.constant 0 : i32
      %dma_start3A_91 = arith.constant 0 : i32
      %dma_start3A_92 = tpu.memref_slice %arg4[%dma_start3A_90, %dma_start3A_91] : memref<10000x128xf32, #tpu.memory_space<hbm>> -> memref<10000x128xf32, #tpu.memory_space<hbm>>
      tpu.enqueue_indirect_dma source(%dma_start3A_92 : memref<10000x128xf32, #tpu.memory_space<hbm>>) target(%run_scoped3A_66 : memref<40x128xf32, #tpu.memory_space<vmem>>) offsets(%arg11 : memref<40xi32, #tpu.memory_space<vmem>>) semaphore(%arg22 : memref<!tpu.dma_semaphore, #tpu.memory_space<semaphore_mem>>)
      %dma_wait3A_93 = arith.constant 0 : i32
      %dma_wait3A_94 = arith.constant 0 : i32
      %dma_wait3A_95 = tpu.memref_slice %arg4[%dma_wait3A_93, %dma_wait3A_94] : memref<10000x128xf32, #tpu.memory_space<hbm>> -> memref<40x128xf32, #tpu.memory_space<hbm>>
      %dma_wait3A_96 = arith.constant 0 : i32
      %dma_wait3A_97 = arith.constant 0 : i32
      %dma_wait3A_98 = tpu.memref_slice %arg4[%dma_wait3A_96, %dma_wait3A_97] : memref<10000x128xf32, #tpu.memory_space<hbm>> -> memref<40x128xf32, #tpu.memory_space<hbm>>
      tpu.wait_dma2 semaphore(%arg20 : memref<!tpu.dma_semaphore, #tpu.memory_space<semaphore_mem>>) src(%dma_wait3A_98 : memref<40x128xf32, #tpu.memory_space<hbm>>) dst(%run_scoped3A_64 : memref<40x128xf32, #tpu.memory_space<vmem>>)
      %dma_start3A_99 = arith.constant 0 : i32
      %dma_start3A_100 = arith.constant 0 : i32
      %dma_start3A_101 = tpu.memref_slice %arg17[%dma_start3A_99, %dma_start3A_100] : memref<10000x128xf32, #tpu.memory_space<vmem_shared>> -> memref<10000x128xf32, #tpu.memory_space<vmem_shared>>
      tpu.enqueue_indirect_dma source(%run_scoped3A_64 : memref<40x128xf32, #tpu.memory_space<vmem>>) target(%dma_start3A_101 : memref<10000x128xf32, #tpu.memory_space<vmem_shared>>) offsets(%arg14 : memref<40xi32, #tpu.memory_space<vmem>>) semaphore(%arg30 : memref<!tpu.dma_semaphore, #tpu.memory_space<semaphore_mem>>) {add = true}
      %dma_wait3A_102 = arith.constant 0 : i32
      %dma_wait3A_103 = arith.constant 0 : i32
      %dma_wait3A_104 = tpu.memref_slice %arg4[%dma_wait3A_102, %dma_wait3A_103] : memref<10000x128xf32, #tpu.memory_space<hbm>> -> memref<40x128xf32, #tpu.memory_space<hbm>>
      %dma_wait3A_105 = arith.constant 0 : i32
      %dma_wait3A_106 = arith.constant 0 : i32
      %dma_wait3A_107 = tpu.memref_slice %arg4[%dma_wait3A_105, %dma_wait3A_106] : memref<10000x128xf32, #tpu.memory_space<hbm>> -> memref<40x128xf32, #tpu.memory_space<hbm>>
      tpu.wait_dma2 semaphore(%arg21 : memref<!tpu.dma_semaphore, #tpu.memory_space<semaphore_mem>>) src(%dma_wait3A_107 : memref<40x128xf32, #tpu.memory_space<hbm>>) dst(%run_scoped3A_65 : memref<40x128xf32, #tpu.memory_space<vmem>>)
      %dma_start3A_108 = arith.constant 0 : i32
      %dma_start3A_109 = arith.constant 0 : i32
      %dma_start3A_110 = tpu.memref_slice %arg17[%dma_start3A_108, %dma_start3A_109] : memref<10000x128xf32, #tpu.memory_space<vmem_shared>> -> memref<10000x128xf32, #tpu.memory_space<vmem_shared>>
      tpu.enqueue_indirect_dma source(%run_scoped3A_65 : memref<40x128xf32, #tpu.memory_space<vmem>>) target(%dma_start3A_110 : memref<10000x128xf32, #tpu.memory_space<vmem_shared>>) offsets(%arg15 : memref<40xi32, #tpu.memory_space<vmem>>) semaphore(%arg31 : memref<!tpu.dma_semaphore, #tpu.memory_space<semaphore_mem>>) {add = true}
      %dma_wait3A_111 = arith.constant 0 : i32
      %dma_wait3A_112 = arith.constant 0 : i32
      %dma_wait3A_113 = tpu.memref_slice %arg4[%dma_wait3A_111, %dma_wait3A_112] : memref<10000x128xf32, #tpu.memory_space<hbm>> -> memref<40x128xf32, #tpu.memory_space<hbm>>
      %dma_wait3A_114 = arith.constant 0 : i32
      %dma_wait3A_115 = arith.constant 0 : i32
      %dma_wait3A_116 = tpu.memref_slice %arg4[%dma_wait3A_114, %dma_wait3A_115] : memref<10000x128xf32, #tpu.memory_space<hbm>> -> memref<40x128xf32, #tpu.memory_space<hbm>>
      tpu.wait_dma2 semaphore(%arg22 : memref<!tpu.dma_semaphore, #tpu.memory_space<semaphore_mem>>) src(%dma_wait3A_116 : memref<40x128xf32, #tpu.memory_space<hbm>>) dst(%run_scoped3A_66 : memref<40x128xf32, #tpu.memory_space<vmem>>)
      %dma_start3A_117 = arith.constant 0 : i32
      %dma_start3A_118 = arith.constant 0 : i32
      %dma_start3A_119 = tpu.memref_slice %arg17[%dma_start3A_117, %dma_start3A_118] : memref<10000x128xf32, #tpu.memory_space<vmem_shared>> -> memref<10000x128xf32, #tpu.memory_space<vmem_shared>>
      tpu.enqueue_indirect_dma source(%run_scoped3A_66 : memref<40x128xf32, #tpu.memory_space<vmem>>) target(%dma_start3A_119 : memref<10000x128xf32, #tpu.memory_space<vmem_shared>>) offsets(%arg16 : memref<40xi32, #tpu.memory_space<vmem>>) semaphore(%arg32 : memref<!tpu.dma_semaphore, #tpu.memory_space<semaphore_mem>>) {add = true}
      %dma_wait3A_120 = arith.constant 0 : i32
      %dma_wait3A_121 = arith.constant 0 : i32
      %dma_wait3A_122 = tpu.memref_slice %arg4[%dma_wait3A_120, %dma_wait3A_121] : memref<10000x128xf32, #tpu.memory_space<hbm>> -> memref<40x128xf32, #tpu.memory_space<hbm>>
      %dma_wait3A_123 = arith.constant 0 : i32
      %dma_wait3A_124 = arith.constant 0 : i32
      %dma_wait3A_125 = tpu.memref_slice %arg4[%dma_wait3A_123, %dma_wait3A_124] : memref<10000x128xf32, #tpu.memory_space<hbm>> -> memref<40x128xf32, #tpu.memory_space<hbm>>
      tpu.wait_dma2 semaphore(%arg28 : memref<!tpu.dma_semaphore, #tpu.memory_space<semaphore_mem>>) src(%dma_wait3A_125 : memref<40x128xf32, #tpu.memory_space<hbm>>) dst(%run_scoped3A : memref<40x128xf32, #tpu.memory_space<vmem>>)
      %dma_wait3A_126 = arith.constant 0 : i32
      %dma_wait3A_127 = arith.constant 0 : i32
      %dma_wait3A_128 = tpu.memref_slice %arg4[%dma_wait3A_126, %dma_wait3A_127] : memref<10000x128xf32, #tpu.memory_space<hbm>> -> memref<40x128xf32, #tpu.memory_space<hbm>>
      %dma_wait3A_129 = arith.constant 0 : i32
      %dma_wait3A_130 = arith.constant 0 : i32
      %dma_wait3A_131 = tpu.memref_slice %arg4[%dma_wait3A_129, %dma_wait3A_130] : memref<10000x128xf32, #tpu.memory_space<hbm>> -> memref<40x128xf32, #tpu.memory_space<hbm>>
      tpu.wait_dma2 semaphore(%arg29 : memref<!tpu.dma_semaphore, #tpu.memory_space<semaphore_mem>>) src(%dma_wait3A_131 : memref<40x128xf32, #tpu.memory_space<hbm>>) dst(%run_scoped3A_63 : memref<40x128xf32, #tpu.memory_space<vmem>>)
      %dma_wait3A_132 = arith.constant 0 : i32
      %dma_wait3A_133 = arith.constant 0 : i32
      %dma_wait3A_134 = tpu.memref_slice %arg4[%dma_wait3A_132, %dma_wait3A_133] : memref<10000x128xf32, #tpu.memory_space<hbm>> -> memref<40x128xf32, #tpu.memory_space<hbm>>
      %dma_wait3A_135 = arith.constant 0 : i32
      %dma_wait3A_136 = arith.constant 0 : i32
      %dma_wait3A_137 = tpu.memref_slice %arg4[%dma_wait3A_135, %dma_wait3A_136] : memref<10000x128xf32, #tpu.memory_space<hbm>> -> memref<40x128xf32, #tpu.memory_space<hbm>>
      tpu.wait_dma2 semaphore(%arg30 : memref<!tpu.dma_semaphore, #tpu.memory_space<semaphore_mem>>) src(%dma_wait3A_137 : memref<40x128xf32, #tpu.memory_space<hbm>>) dst(%run_scoped3A_64 : memref<40x128xf32, #tpu.memory_space<vmem>>)
      %dma_wait3A_138 = arith.constant 0 : i32
      %dma_wait3A_139 = arith.constant 0 : i32
      %dma_wait3A_140 = tpu.memref_slice %arg4[%dma_wait3A_138, %dma_wait3A_139] : memref<10000x128xf32, #tpu.memory_space<hbm>> -> memref<40x128xf32, #tpu.memory_space<hbm>>
      %dma_wait3A_141 = arith.constant 0 : i32
      %dma_wait3A_142 = arith.constant 0 : i32
      %dma_wait3A_143 = tpu.memref_slice %arg4[%dma_wait3A_141, %dma_wait3A_142] : memref<10000x128xf32, #tpu.memory_space<hbm>> -> memref<40x128xf32, #tpu.memory_space<hbm>>
      tpu.wait_dma2 semaphore(%arg31 : memref<!tpu.dma_semaphore, #tpu.memory_space<semaphore_mem>>) src(%dma_wait3A_143 : memref<40x128xf32, #tpu.memory_space<hbm>>) dst(%run_scoped3A_65 : memref<40x128xf32, #tpu.memory_space<vmem>>)
      %dma_wait3A_144 = arith.constant 0 : i32
      %dma_wait3A_145 = arith.constant 0 : i32
      %dma_wait3A_146 = tpu.memref_slice %arg4[%dma_wait3A_144, %dma_wait3A_145] : memref<10000x128xf32, #tpu.memory_space<hbm>> -> memref<40x128xf32, #tpu.memory_space<hbm>>
      %dma_wait3A_147 = arith.constant 0 : i32
      %dma_wait3A_148 = arith.constant 0 : i32
      %dma_wait3A_149 = tpu.memref_slice %arg4[%dma_wait3A_147, %dma_wait3A_148] : memref<10000x128xf32, #tpu.memory_space<hbm>> -> memref<40x128xf32, #tpu.memory_space<hbm>>
      tpu.wait_dma2 semaphore(%arg32 : memref<!tpu.dma_semaphore, #tpu.memory_space<semaphore_mem>>) src(%dma_wait3A_149 : memref<40x128xf32, #tpu.memory_space<hbm>>) dst(%run_scoped3A_66 : memref<40x128xf32, #tpu.memory_space<vmem>>)
      tpu.yield
    }) : () -> ()
    %barrier3A_6 = arith.constant 0 : index
    tpu.barrier barrier_id(%barrier3A_6)
    %add3A_7 = arith.constant 0 : i32
    %add3A_8 = arith.addi %arg1, %add3A_7 : i32
    %lt3A = arith.constant 50 : i32
    %lt3A_9 = arith.cmpi slt, %add3A_8, %lt3A : i32
    %convert_element_type3A = arith.extui %lt3A_9 : i1 to i32
    %cond3A = arith.constant 0 : i32
    %cond3A_10 = arith.cmpi ne, %convert_element_type3A, %cond3A : i32
    scf.if %cond3A_10 {
      %mul3A_63 = arith.constant 200 : i32
      %mul3A_64 = arith.muli %add3A_8, %mul3A_63 : i32
      %mul3A_65 = arith.constant 200 : i32
      %mul3A_66 = arith.muli %add3A_8, %mul3A_65 : i32
      "tpu.region"() ({
        %run_scoped3A = tpu.sem_alloc : memref<!tpu.dma_semaphore, #tpu.memory_space<semaphore_mem>>
        %dma_start3A = arith.constant 0 : i32
        %dma_start3A_67 = tpu.memref_slice %arg5[%arg0, %mul3A_66, %dma_start3A] : memref<2x10000x128xf32, #tpu.memory_space<hbm>> -> memref<1x200x128xf32, #tpu.memory_space<hbm>>
        %dma_start3A_68 = tpu.memref_squeeze %dma_start3A_67 : memref<1x200x128xf32, #tpu.memory_space<hbm>> -> memref<200x128xf32, #tpu.memory_space<hbm>>
        %dma_start3A_69 = arith.constant 0 : i32
        %dma_start3A_70 = tpu.memref_slice %arg17[%mul3A_64, %dma_start3A_69] : memref<10000x128xf32, #tpu.memory_space<vmem_shared>> -> memref<200x128xf32, #tpu.memory_space<vmem_shared>>
        tpu.enqueue_dma source(%dma_start3A_70 : memref<200x128xf32, #tpu.memory_space<vmem_shared>>) target(%dma_start3A_68 : memref<200x128xf32, #tpu.memory_space<hbm>>) target_semaphore(%run_scoped3A : memref<!tpu.dma_semaphore, #tpu.memory_space<semaphore_mem>>)
        %dma_wait3A = arith.constant 0 : i32
        %dma_wait3A_71 = tpu.memref_slice %arg5[%arg0, %mul3A_66, %dma_wait3A] : memref<2x10000x128xf32, #tpu.memory_space<hbm>> -> memref<1x200x128xf32, #tpu.memory_space<hbm>>
        %dma_wait3A_72 = tpu.memref_squeeze %dma_wait3A_71 : memref<1x200x128xf32, #tpu.memory_space<hbm>> -> memref<200x128xf32, #tpu.memory_space<hbm>>
        %dma_wait3A_73 = arith.constant 0 : i32
        %dma_wait3A_74 = tpu.memref_slice %arg17[%mul3A_64, %dma_wait3A_73] : memref<10000x128xf32, #tpu.memory_space<vmem_shared>> -> memref<200x128xf32, #tpu.memory_space<vmem_shared>>
        tpu.wait_dma2 semaphore(%run_scoped3A : memref<!tpu.dma_semaphore, #tpu.memory_space<semaphore_mem>>) src(%dma_wait3A_74 : memref<200x128xf32, #tpu.memory_space<vmem_shared>>) dst(%dma_wait3A_72 : memref<200x128xf32, #tpu.memory_space<hbm>>)
        tpu.yield
      }) : () -> ()
    } else {
    }
    %add3A_11 = arith.constant 16 : i32
    %add3A_12 = arith.addi %arg1, %add3A_11 : i32
    %lt3A_13 = arith.constant 50 : i32
    %lt3A_14 = arith.cmpi slt, %add3A_12, %lt3A_13 : i32
    %convert_element_type3A_15 = arith.extui %lt3A_14 : i1 to i32
    %cond3A_16 = arith.constant 0 : i32
    %cond3A_17 = arith.cmpi ne, %convert_element_type3A_15, %cond3A_16 : i32
    scf.if %cond3A_17 {
      %mul3A_63 = arith.constant 200 : i32
      %mul3A_64 = arith.muli %add3A_12, %mul3A_63 : i32
      %mul3A_65 = arith.constant 200 : i32
      %mul3A_66 = arith.muli %add3A_12, %mul3A_65 : i32
      "tpu.region"() ({
        %run_scoped3A = tpu.sem_alloc : memref<!tpu.dma_semaphore, #tpu.memory_space<semaphore_mem>>
        %dma_start3A = arith.constant 0 : i32
        %dma_start3A_67 = tpu.memref_slice %arg5[%arg0, %mul3A_66, %dma_start3A] : memref<2x10000x128xf32, #tpu.memory_space<hbm>> -> memref<1x200x128xf32, #tpu.memory_space<hbm>>
        %dma_start3A_68 = tpu.memref_squeeze %dma_start3A_67 : memref<1x200x128xf32, #tpu.memory_space<hbm>> -> memref<200x128xf32, #tpu.memory_space<hbm>>
        %dma_start3A_69 = arith.constant 0 : i32
        %dma_start3A_70 = tpu.memref_slice %arg17[%mul3A_64, %dma_start3A_69] : memref<10000x128xf32, #tpu.memory_space<vmem_shared>> -> memref<200x128xf32, #tpu.memory_space<vmem_shared>>
        tpu.enqueue_dma source(%dma_start3A_70 : memref<200x128xf32, #tpu.memory_space<vmem_shared>>) target(%dma_start3A_68 : memref<200x128xf32, #tpu.memory_space<hbm>>) target_semaphore(%run_scoped3A : memref<!tpu.dma_semaphore, #tpu.memory_space<semaphore_mem>>)
        %dma_wait3A = arith.constant 0 : i32
        %dma_wait3A_71 = tpu.memref_slice %arg5[%arg0, %mul3A_66, %dma_wait3A] : memref<2x10000x128xf32, #tpu.memory_space<hbm>> -> memref<1x200x128xf32, #tpu.memory_space<hbm>>
        %dma_wait3A_72 = tpu.memref_squeeze %dma_wait3A_71 : memref<1x200x128xf32, #tpu.memory_space<hbm>> -> memref<200x128xf32, #tpu.memory_space<hbm>>
        %dma_wait3A_73 = arith.constant 0 : i32
        %dma_wait3A_74 = tpu.memref_slice %arg17[%mul3A_64, %dma_wait3A_73] : memref<10000x128xf32, #tpu.memory_space<vmem_shared>> -> memref<200x128xf32, #tpu.memory_space<vmem_shared>>
        tpu.wait_dma2 semaphore(%run_scoped3A : memref<!tpu.dma_semaphore, #tpu.memory_space<semaphore_mem>>) src(%dma_wait3A_74 : memref<200x128xf32, #tpu.memory_space<vmem_shared>>) dst(%dma_wait3A_72 : memref<200x128xf32, #tpu.memory_space<hbm>>)
        tpu.yield
      }) : () -> ()
    } else {
    }
    %add3A_18 = arith.constant 32 : i32
    %add3A_19 = arith.addi %arg1, %add3A_18 : i32
    %lt3A_20 = arith.constant 50 : i32
    %lt3A_21 = arith.cmpi slt, %add3A_19, %lt3A_20 : i32
    %convert_element_type3A_22 = arith.extui %lt3A_21 : i1 to i32
    %cond3A_23 = arith.constant 0 : i32
    %cond3A_24 = arith.cmpi ne, %convert_element_type3A_22, %cond3A_23 : i32
    scf.if %cond3A_24 {
      %mul3A_63 = arith.constant 200 : i32
      %mul3A_64 = arith.muli %add3A_19, %mul3A_63 : i32
      %mul3A_65 = arith.constant 200 : i32
      %mul3A_66 = arith.muli %add3A_19, %mul3A_65 : i32
      "tpu.region"() ({
        %run_scoped3A = tpu.sem_alloc : memref<!tpu.dma_semaphore, #tpu.memory_space<semaphore_mem>>
        %dma_start3A = arith.constant 0 : i32
        %dma_start3A_67 = tpu.memref_slice %arg5[%arg0, %mul3A_66, %dma_start3A] : memref<2x10000x128xf32, #tpu.memory_space<hbm>> -> memref<1x200x128xf32, #tpu.memory_space<hbm>>
        %dma_start3A_68 = tpu.memref_squeeze %dma_start3A_67 : memref<1x200x128xf32, #tpu.memory_space<hbm>> -> memref<200x128xf32, #tpu.memory_space<hbm>>
        %dma_start3A_69 = arith.constant 0 : i32
        %dma_start3A_70 = tpu.memref_slice %arg17[%mul3A_64, %dma_start3A_69] : memref<10000x128xf32, #tpu.memory_space<vmem_shared>> -> memref<200x128xf32, #tpu.memory_space<vmem_shared>>
        tpu.enqueue_dma source(%dma_start3A_70 : memref<200x128xf32, #tpu.memory_space<vmem_shared>>) target(%dma_start3A_68 : memref<200x128xf32, #tpu.memory_space<hbm>>) target_semaphore(%run_scoped3A : memref<!tpu.dma_semaphore, #tpu.memory_space<semaphore_mem>>)
        %dma_wait3A = arith.constant 0 : i32
        %dma_wait3A_71 = tpu.memref_slice %arg5[%arg0, %mul3A_66, %dma_wait3A] : memref<2x10000x128xf32, #tpu.memory_space<hbm>> -> memref<1x200x128xf32, #tpu.memory_space<hbm>>
        %dma_wait3A_72 = tpu.memref_squeeze %dma_wait3A_71 : memref<1x200x128xf32, #tpu.memory_space<hbm>> -> memref<200x128xf32, #tpu.memory_space<hbm>>
        %dma_wait3A_73 = arith.constant 0 : i32
        %dma_wait3A_74 = tpu.memref_slice %arg17[%mul3A_64, %dma_wait3A_73] : memref<10000x128xf32, #tpu.memory_space<vmem_shared>> -> memref<200x128xf32, #tpu.memory_space<vmem_shared>>
        tpu.wait_dma2 semaphore(%run_scoped3A : memref<!tpu.dma_semaphore, #tpu.memory_space<semaphore_mem>>) src(%dma_wait3A_74 : memref<200x128xf32, #tpu.memory_space<vmem_shared>>) dst(%dma_wait3A_72 : memref<200x128xf32, #tpu.memory_space<hbm>>)
        tpu.yield
      }) : () -> ()
    } else {
    }
    %add3A_25 = arith.constant 48 : i32
    %add3A_26 = arith.addi %arg1, %add3A_25 : i32
    %lt3A_27 = arith.constant 50 : i32
    %lt3A_28 = arith.cmpi slt, %add3A_26, %lt3A_27 : i32
    %convert_element_type3A_29 = arith.extui %lt3A_28 : i1 to i32
    %cond3A_30 = arith.constant 0 : i32
    %cond3A_31 = arith.cmpi ne, %convert_element_type3A_29, %cond3A_30 : i32
    scf.if %cond3A_31 {
      %mul3A_63 = arith.constant 200 : i32
      %mul3A_64 = arith.muli %add3A_26, %mul3A_63 : i32
      %mul3A_65 = arith.constant 200 : i32
      %mul3A_66 = arith.muli %add3A_26, %mul3A_65 : i32
      "tpu.region"() ({
        %run_scoped3A = tpu.sem_alloc : memref<!tpu.dma_semaphore, #tpu.memory_space<semaphore_mem>>
        %dma_start3A = arith.constant 0 : i32
        %dma_start3A_67 = tpu.memref_slice %arg5[%arg0, %mul3A_66, %dma_start3A] : memref<2x10000x128xf32, #tpu.memory_space<hbm>> -> memref<1x200x128xf32, #tpu.memory_space<hbm>>
        %dma_start3A_68 = tpu.memref_squeeze %dma_start3A_67 : memref<1x200x128xf32, #tpu.memory_space<hbm>> -> memref<200x128xf32, #tpu.memory_space<hbm>>
        %dma_start3A_69 = arith.constant 0 : i32
        %dma_start3A_70 = tpu.memref_slice %arg17[%mul3A_64, %dma_start3A_69] : memref<10000x128xf32, #tpu.memory_space<vmem_shared>> -> memref<200x128xf32, #tpu.memory_space<vmem_shared>>
        tpu.enqueue_dma source(%dma_start3A_70 : memref<200x128xf32, #tpu.memory_space<vmem_shared>>) target(%dma_start3A_68 : memref<200x128xf32, #tpu.memory_space<hbm>>) target_semaphore(%run_scoped3A : memref<!tpu.dma_semaphore, #tpu.memory_space<semaphore_mem>>)
        %dma_wait3A = arith.constant 0 : i32
        %dma_wait3A_71 = tpu.memref_slice %arg5[%arg0, %mul3A_66, %dma_wait3A] : memref<2x10000x128xf32, #tpu.memory_space<hbm>> -> memref<1x200x128xf32, #tpu.memory_space<hbm>>
        %dma_wait3A_72 = tpu.memref_squeeze %dma_wait3A_71 : memref<1x200x128xf32, #tpu.memory_space<hbm>> -> memref<200x128xf32, #tpu.memory_space<hbm>>
        %dma_wait3A_73 = arith.constant 0 : i32
        %dma_wait3A_74 = tpu.memref_slice %arg17[%mul3A_64, %dma_wait3A_73] : memref<10000x128xf32, #tpu.memory_space<vmem_shared>> -> memref<200x128xf32, #tpu.memory_space<vmem_shared>>
        tpu.wait_dma2 semaphore(%run_scoped3A : memref<!tpu.dma_semaphore, #tpu.memory_space<semaphore_mem>>) src(%dma_wait3A_74 : memref<200x128xf32, #tpu.memory_space<vmem_shared>>) dst(%dma_wait3A_72 : memref<200x128xf32, #tpu.memory_space<hbm>>)
        tpu.yield
      }) : () -> ()
    } else {
    }
    %barrier3A_32 = arith.constant 0 : index
    tpu.barrier barrier_id(%barrier3A_32)
    "tpu.region"() ({
      %run_scoped3A = memref.alloca() : memref<200x128xf32, #tpu.memory_space<vmem>>
      %scan3A = arith.constant 0 : i32
      %scan3A_63 = arith.constant 0 : i32
      %scan3A_64 = arith.constant 200 : i32
      %scan3A_65 = arith.addi %scan3A_63, %scan3A_64 : i32
      %scan3A_66 = arith.constant 1 : i32
      %scan3A_67 = scf.for %scan3A_97 = %scan3A_63 to %scan3A_65 step %scan3A_66 iter_args(%scan3A_98 = %scan3A) -> (i32)  : i32 {
        %swap3A = arith.index_cast %scan3A_97 : i32 to index
        %swap3A_99 = arith.constant 0 : index
        %swap3A_100 = tpu.vector_load %run_scoped3A[%swap3A, %swap3A_99] {strides = array<i32>} : memref<200x128xf32, #tpu.memory_space<vmem>>, vector<1x16xf32>,
        %swap3A_101 = vector.shape_cast %swap3A_100 : vector<1x16xf32> to vector<16xf32>
        %swap3A_102 = vector.shape_cast %broadcast_in_dim3A_3 : vector<16xf32> to vector<1x16xf32>
        tpu.vector_store %run_scoped3A[%swap3A, %swap3A_99], %swap3A_102 {strides = array<i32>} : memref<200x128xf32, #tpu.memory_space<vmem>>, vector<1x16xf32>,
        %swap3A_103 = arith.index_cast %scan3A_97 : i32 to index
        %swap3A_104 = arith.constant 16 : index
        %swap3A_105 = tpu.vector_load %run_scoped3A[%swap3A_103, %swap3A_104] {strides = array<i32>} : memref<200x128xf32, #tpu.memory_space<vmem>>, vector<1x16xf32>,
        %swap3A_106 = vector.shape_cast %swap3A_105 : vector<1x16xf32> to vector<16xf32>
        %swap3A_107 = vector.shape_cast %broadcast_in_dim3A_3 : vector<16xf32> to vector<1x16xf32>
        tpu.vector_store %run_scoped3A[%swap3A_103, %swap3A_104], %swap3A_107 {strides = array<i32>} : memref<200x128xf32, #tpu.memory_space<vmem>>, vector<1x16xf32>,
        %swap3A_108 = arith.index_cast %scan3A_97 : i32 to index
        %swap3A_109 = arith.constant 32 : index
        %swap3A_110 = tpu.vector_load %run_scoped3A[%swap3A_108, %swap3A_109] {strides = array<i32>} : memref<200x128xf32, #tpu.memory_space<vmem>>, vector<1x16xf32>,
        %swap3A_111 = vector.shape_cast %swap3A_110 : vector<1x16xf32> to vector<16xf32>
        %swap3A_112 = vector.shape_cast %broadcast_in_dim3A_3 : vector<16xf32> to vector<1x16xf32>
        tpu.vector_store %run_scoped3A[%swap3A_108, %swap3A_109], %swap3A_112 {strides = array<i32>} : memref<200x128xf32, #tpu.memory_space<vmem>>, vector<1x16xf32>,
        %swap3A_113 = arith.index_cast %scan3A_97 : i32 to index
        %swap3A_114 = arith.constant 48 : index
        %swap3A_115 = tpu.vector_load %run_scoped3A[%swap3A_113, %swap3A_114] {strides = array<i32>} : memref<200x128xf32, #tpu.memory_space<vmem>>, vector<1x16xf32>,
        %swap3A_116 = vector.shape_cast %swap3A_115 : vector<1x16xf32> to vector<16xf32>
        %swap3A_117 = vector.shape_cast %broadcast_in_dim3A_3 : vector<16xf32> to vector<1x16xf32>
        tpu.vector_store %run_scoped3A[%swap3A_113, %swap3A_114], %swap3A_117 {strides = array<i32>} : memref<200x128xf32, #tpu.memory_space<vmem>>, vector<1x16xf32>,
        %swap3A_118 = arith.index_cast %scan3A_97 : i32 to index
        %swap3A_119 = arith.constant 64 : index
        %swap3A_120 = tpu.vector_load %run_scoped3A[%swap3A_118, %swap3A_119] {strides = array<i32>} : memref<200x128xf32, #tpu.memory_space<vmem>>, vector<1x16xf32>,
        %swap3A_121 = vector.shape_cast %swap3A_120 : vector<1x16xf32> to vector<16xf32>
        %swap3A_122 = vector.shape_cast %broadcast_in_dim3A_3 : vector<16xf32> to vector<1x16xf32>
        tpu.vector_store %run_scoped3A[%swap3A_118, %swap3A_119], %swap3A_122 {strides = array<i32>} : memref<200x128xf32, #tpu.memory_space<vmem>>, vector<1x16xf32>,
        %swap3A_123 = arith.index_cast %scan3A_97 : i32 to index
        %swap3A_124 = arith.constant 80 : index
        %swap3A_125 = tpu.vector_load %run_scoped3A[%swap3A_123, %swap3A_124] {strides = array<i32>} : memref<200x128xf32, #tpu.memory_space<vmem>>, vector<1x16xf32>,
        %swap3A_126 = vector.shape_cast %swap3A_125 : vector<1x16xf32> to vector<16xf32>
        %swap3A_127 = vector.shape_cast %broadcast_in_dim3A_3 : vector<16xf32> to vector<1x16xf32>
        tpu.vector_store %run_scoped3A[%swap3A_123, %swap3A_124], %swap3A_127 {strides = array<i32>} : memref<200x128xf32, #tpu.memory_space<vmem>>, vector<1x16xf32>,
        %swap3A_128 = arith.index_cast %scan3A_97 : i32 to index
        %swap3A_129 = arith.constant 96 : index
        %swap3A_130 = tpu.vector_load %run_scoped3A[%swap3A_128, %swap3A_129] {strides = array<i32>} : memref<200x128xf32, #tpu.memory_space<vmem>>, vector<1x16xf32>,
        %swap3A_131 = vector.shape_cast %swap3A_130 : vector<1x16xf32> to vector<16xf32>
        %swap3A_132 = vector.shape_cast %broadcast_in_dim3A_3 : vector<16xf32> to vector<1x16xf32>
        tpu.vector_store %run_scoped3A[%swap3A_128, %swap3A_129], %swap3A_132 {strides = array<i32>} : memref<200x128xf32, #tpu.memory_space<vmem>>, vector<1x16xf32>,
        %swap3A_133 = arith.index_cast %scan3A_97 : i32 to index
        %swap3A_134 = arith.constant 112 : index
        %swap3A_135 = tpu.vector_load %run_scoped3A[%swap3A_133, %swap3A_134] {strides = array<i32>} : memref<200x128xf32, #tpu.memory_space<vmem>>, vector<1x16xf32>,
        %swap3A_136 = vector.shape_cast %swap3A_135 : vector<1x16xf32> to vector<16xf32>
        %swap3A_137 = vector.shape_cast %broadcast_in_dim3A_3 : vector<16xf32> to vector<1x16xf32>
        tpu.vector_store %run_scoped3A[%swap3A_133, %swap3A_134], %swap3A_137 {strides = array<i32>} : memref<200x128xf32, #tpu.memory_space<vmem>>, vector<1x16xf32>,
        %scan3A_138 = arith.constant 0 : i32
        scf.yield %scan3A_138 : i32
      }
      %scan3A_68 = arith.constant 200 : i32
      %add3A_69 = arith.constant 0 : i32
      %add3A_70 = arith.addi %arg1, %add3A_69 : i32
      %lt3A_71 = arith.constant 50 : i32
      %lt3A_72 = arith.cmpi slt, %add3A_70, %lt3A_71 : i32
      %convert_element_type3A_73 = arith.extui %lt3A_72 : i1 to i32
      %cond3A_74 = arith.constant 0 : i32
      %cond3A_75 = arith.cmpi ne, %convert_element_type3A_73, %cond3A_74 : i32
      scf.if %cond3A_75 {
        %mul3A_97 = arith.constant 200 : i32
        %mul3A_98 = arith.muli %add3A_70, %mul3A_97 : i32
        "tpu.region"() ({
          %run_scoped3A_99 = tpu.sem_alloc : memref<!tpu.dma_semaphore, #tpu.memory_space<semaphore_mem>>
          %dma_start3A = arith.constant 0 : i32
          %dma_start3A_100 = tpu.memref_slice %arg17[%mul3A_98, %dma_start3A] : memref<10000x128xf32, #tpu.memory_space<vmem_shared>> -> memref<200x128xf32, #tpu.memory_space<vmem_shared>>
          %dma_start3A_101 = arith.constant 0 : i32
          %dma_start3A_102 = tpu.memref_slice %arg17[%mul3A_98, %dma_start3A_101] : memref<10000x128xf32, #tpu.memory_space<vmem_shared>> -> memref<200x128xf32, #tpu.memory_space<vmem_shared>>
          tpu.enqueue_dma source(%run_scoped3A : memref<200x128xf32, #tpu.memory_space<vmem>>) target(%dma_start3A_102 : memref<200x128xf32, #tpu.memory_space<vmem_shared>>) target_semaphore(%run_scoped3A_99 : memref<!tpu.dma_semaphore, #tpu.memory_space<semaphore_mem>>)
          %dma_wait3A = arith.constant 0 : i32
          %dma_wait3A_103 = tpu.memref_slice %arg17[%mul3A_98, %dma_wait3A] : memref<10000x128xf32, #tpu.memory_space<vmem_shared>> -> memref<200x128xf32, #tpu.memory_space<vmem_shared>>
          %dma_wait3A_104 = arith.constant 0 : i32
          %dma_wait3A_105 = tpu.memref_slice %arg17[%mul3A_98, %dma_wait3A_104] : memref<10000x128xf32, #tpu.memory_space<vmem_shared>> -> memref<200x128xf32, #tpu.memory_space<vmem_shared>>
          tpu.wait_dma2 semaphore(%run_scoped3A_99 : memref<!tpu.dma_semaphore, #tpu.memory_space<semaphore_mem>>) src(%run_scoped3A : memref<200x128xf32, #tpu.memory_space<vmem>>) dst(%dma_wait3A_105 : memref<200x128xf32, #tpu.memory_space<vmem_shared>>)
          tpu.yield
        }) : () -> ()
      } else {
      }
      %add3A_76 = arith.constant 16 : i32
      %add3A_77 = arith.addi %arg1, %add3A_76 : i32
      %lt3A_78 = arith.constant 50 : i32
      %lt3A_79 = arith.cmpi slt, %add3A_77, %lt3A_78 : i32
      %convert_element_type3A_80 = arith.extui %lt3A_79 : i1 to i32
      %cond3A_81 = arith.constant 0 : i32
      %cond3A_82 = arith.cmpi ne, %convert_element_type3A_80, %cond3A_81 : i32
      scf.if %cond3A_82 {
        %mul3A_97 = arith.constant 200 : i32
        %mul3A_98 = arith.muli %add3A_77, %mul3A_97 : i32
        "tpu.region"() ({
          %run_scoped3A_99 = tpu.sem_alloc : memref<!tpu.dma_semaphore, #tpu.memory_space<semaphore_mem>>
          %dma_start3A = arith.constant 0 : i32
          %dma_start3A_100 = tpu.memref_slice %arg17[%mul3A_98, %dma_start3A] : memref<10000x128xf32, #tpu.memory_space<vmem_shared>> -> memref<200x128xf32, #tpu.memory_space<vmem_shared>>
          %dma_start3A_101 = arith.constant 0 : i32
          %dma_start3A_102 = tpu.memref_slice %arg17[%mul3A_98, %dma_start3A_101] : memref<10000x128xf32, #tpu.memory_space<vmem_shared>> -> memref<200x128xf32, #tpu.memory_space<vmem_shared>>
          tpu.enqueue_dma source(%run_scoped3A : memref<200x128xf32, #tpu.memory_space<vmem>>) target(%dma_start3A_102 : memref<200x128xf32, #tpu.memory_space<vmem_shared>>) target_semaphore(%run_scoped3A_99 : memref<!tpu.dma_semaphore, #tpu.memory_space<semaphore_mem>>)
          %dma_wait3A = arith.constant 0 : i32
          %dma_wait3A_103 = tpu.memref_slice %arg17[%mul3A_98, %dma_wait3A] : memref<10000x128xf32, #tpu.memory_space<vmem_shared>> -> memref<200x128xf32, #tpu.memory_space<vmem_shared>>
          %dma_wait3A_104 = arith.constant 0 : i32
          %dma_wait3A_105 = tpu.memref_slice %arg17[%mul3A_98, %dma_wait3A_104] : memref<10000x128xf32, #tpu.memory_space<vmem_shared>> -> memref<200x128xf32, #tpu.memory_space<vmem_shared>>
          tpu.wait_dma2 semaphore(%run_scoped3A_99 : memref<!tpu.dma_semaphore, #tpu.memory_space<semaphore_mem>>) src(%run_scoped3A : memref<200x128xf32, #tpu.memory_space<vmem>>) dst(%dma_wait3A_105 : memref<200x128xf32, #tpu.memory_space<vmem_shared>>)
          tpu.yield
        }) : () -> ()
      } else {
      }
      %add3A_83 = arith.constant 32 : i32
      %add3A_84 = arith.addi %arg1, %add3A_83 : i32
      %lt3A_85 = arith.constant 50 : i32
      %lt3A_86 = arith.cmpi slt, %add3A_84, %lt3A_85 : i32
      %convert_element_type3A_87 = arith.extui %lt3A_86 : i1 to i32
      %cond3A_88 = arith.constant 0 : i32
      %cond3A_89 = arith.cmpi ne, %convert_element_type3A_87, %cond3A_88 : i32
      scf.if %cond3A_89 {
        %mul3A_97 = arith.constant 200 : i32
        %mul3A_98 = arith.muli %add3A_84, %mul3A_97 : i32
        "tpu.region"() ({
          %run_scoped3A_99 = tpu.sem_alloc : memref<!tpu.dma_semaphore, #tpu.memory_space<semaphore_mem>>
          %dma_start3A = arith.constant 0 : i32
          %dma_start3A_100 = tpu.memref_slice %arg17[%mul3A_98, %dma_start3A] : memref<10000x128xf32, #tpu.memory_space<vmem_shared>> -> memref<200x128xf32, #tpu.memory_space<vmem_shared>>
          %dma_start3A_101 = arith.constant 0 : i32
          %dma_start3A_102 = tpu.memref_slice %arg17[%mul3A_98, %dma_start3A_101] : memref<10000x128xf32, #tpu.memory_space<vmem_shared>> -> memref<200x128xf32, #tpu.memory_space<vmem_shared>>
          tpu.enqueue_dma source(%run_scoped3A : memref<200x128xf32, #tpu.memory_space<vmem>>) target(%dma_start3A_102 : memref<200x128xf32, #tpu.memory_space<vmem_shared>>) target_semaphore(%run_scoped3A_99 : memref<!tpu.dma_semaphore, #tpu.memory_space<semaphore_mem>>)
          %dma_wait3A = arith.constant 0 : i32
          %dma_wait3A_103 = tpu.memref_slice %arg17[%mul3A_98, %dma_wait3A] : memref<10000x128xf32, #tpu.memory_space<vmem_shared>> -> memref<200x128xf32, #tpu.memory_space<vmem_shared>>
          %dma_wait3A_104 = arith.constant 0 : i32
          %dma_wait3A_105 = tpu.memref_slice %arg17[%mul3A_98, %dma_wait3A_104] : memref<10000x128xf32, #tpu.memory_space<vmem_shared>> -> memref<200x128xf32, #tpu.memory_space<vmem_shared>>
          tpu.wait_dma2 semaphore(%run_scoped3A_99 : memref<!tpu.dma_semaphore, #tpu.memory_space<semaphore_mem>>) src(%run_scoped3A : memref<200x128xf32, #tpu.memory_space<vmem>>) dst(%dma_wait3A_105 : memref<200x128xf32, #tpu.memory_space<vmem_shared>>)
          tpu.yield
        }) : () -> ()
      } else {
      }
      %add3A_90 = arith.constant 48 : i32
      %add3A_91 = arith.addi %arg1, %add3A_90 : i32
      %lt3A_92 = arith.constant 50 : i32
      %lt3A_93 = arith.cmpi slt, %add3A_91, %lt3A_92 : i32
      %convert_element_type3A_94 = arith.extui %lt3A_93 : i1 to i32
      %cond3A_95 = arith.constant 0 : i32
      %cond3A_96 = arith.cmpi ne, %convert_element_type3A_94, %cond3A_95 : i32
      scf.if %cond3A_96 {
        %mul3A_97 = arith.constant 200 : i32
        %mul3A_98 = arith.muli %add3A_91, %mul3A_97 : i32
        "tpu.region"() ({
          %run_scoped3A_99 = tpu.sem_alloc : memref<!tpu.dma_semaphore, #tpu.memory_space<semaphore_mem>>
          %dma_start3A = arith.constant 0 : i32
          %dma_start3A_100 = tpu.memref_slice %arg17[%mul3A_98, %dma_start3A] : memref<10000x128xf32, #tpu.memory_space<vmem_shared>> -> memref<200x128xf32, #tpu.memory_space<vmem_shared>>
          %dma_start3A_101 = arith.constant 0 : i32
          %dma_start3A_102 = tpu.memref_slice %arg17[%mul3A_98, %dma_start3A_101] : memref<10000x128xf32, #tpu.memory_space<vmem_shared>> -> memref<200x128xf32, #tpu.memory_space<vmem_shared>>
          tpu.enqueue_dma source(%run_scoped3A : memref<200x128xf32, #tpu.memory_space<vmem>>) target(%dma_start3A_102 : memref<200x128xf32, #tpu.memory_space<vmem_shared>>) target_semaphore(%run_scoped3A_99 : memref<!tpu.dma_semaphore, #tpu.memory_space<semaphore_mem>>)
          %dma_wait3A = arith.constant 0 : i32
          %dma_wait3A_103 = tpu.memref_slice %arg17[%mul3A_98, %dma_wait3A] : memref<10000x128xf32, #tpu.memory_space<vmem_shared>> -> memref<200x128xf32, #tpu.memory_space<vmem_shared>>
          %dma_wait3A_104 = arith.constant 0 : i32
          %dma_wait3A_105 = tpu.memref_slice %arg17[%mul3A_98, %dma_wait3A_104] : memref<10000x128xf32, #tpu.memory_space<vmem_shared>> -> memref<200x128xf32, #tpu.memory_space<vmem_shared>>
          tpu.wait_dma2 semaphore(%run_scoped3A_99 : memref<!tpu.dma_semaphore, #tpu.memory_space<semaphore_mem>>) src(%run_scoped3A : memref<200x128xf32, #tpu.memory_space<vmem>>) dst(%dma_wait3A_105 : memref<200x128xf32, #tpu.memory_space<vmem_shared>>)
          tpu.yield
        }) : () -> ()
      } else {
      }
      tpu.yield
    }) : () -> ()
    %barrier3A_33 = arith.constant 0 : index
    tpu.barrier barrier_id(%barrier3A_33)
    "tpu.region"() ({
      %run_scoped3A = memref.alloca() : memref<80x128xf32, #tpu.memory_space<vmem>>
      %run_scoped3A_63 = memref.alloca() : memref<80xi32, #tpu.memory_space<vmem>>
      %run_scoped3A_64 = memref.alloca() : memref<80xi32, #tpu.memory_space<vmem>>
      %run_scoped3A_65 = memref.alloca() : memref<80xi32, #tpu.memory_space<vmem>>
      %run_scoped3A_66 = memref.alloca() : memref<80xi32, #tpu.memory_space<vmem>>
      %run_scoped3A_67 = memref.alloca() : memref<80xi32, #tpu.memory_space<vmem>>
      %scan3A = arith.constant 0 : i32
      %scan3A_68 = arith.constant 0 : i32
      %scan3A_69 = arith.constant 80 : i32
      %scan3A_70 = arith.addi %scan3A_68, %scan3A_69 : i32
      %scan3A_71 = arith.constant 1 : i32
      %scan3A_72 = scf.for %scan3A_123 = %scan3A_68 to %scan3A_70 step %scan3A_71 iter_args(%scan3A_124 = %scan3A) -> (i32)  : i32 {
        %swap3A = arith.index_cast %scan3A_123 : i32 to index
        %swap3A_125 = arith.constant 0 : index
        %swap3A_126 = tpu.vector_load %run_scoped3A[%swap3A, %swap3A_125] {strides = array<i32>} : memref<80x128xf32, #tpu.memory_space<vmem>>, vector<1x16xf32>,
        %swap3A_127 = vector.shape_cast %swap3A_126 : vector<1x16xf32> to vector<16xf32>
        %swap3A_128 = vector.shape_cast %broadcast_in_dim3A_5 : vector<16xf32> to vector<1x16xf32>
        tpu.vector_store %run_scoped3A[%swap3A, %swap3A_125], %swap3A_128 {strides = array<i32>} : memref<80x128xf32, #tpu.memory_space<vmem>>, vector<1x16xf32>,
        %swap3A_129 = arith.index_cast %scan3A_123 : i32 to index
        %swap3A_130 = arith.constant 16 : index
        %swap3A_131 = tpu.vector_load %run_scoped3A[%swap3A_129, %swap3A_130] {strides = array<i32>} : memref<80x128xf32, #tpu.memory_space<vmem>>, vector<1x16xf32>,
        %swap3A_132 = vector.shape_cast %swap3A_131 : vector<1x16xf32> to vector<16xf32>
        %swap3A_133 = vector.shape_cast %broadcast_in_dim3A_5 : vector<16xf32> to vector<1x16xf32>
        tpu.vector_store %run_scoped3A[%swap3A_129, %swap3A_130], %swap3A_133 {strides = array<i32>} : memref<80x128xf32, #tpu.memory_space<vmem>>, vector<1x16xf32>,
        %swap3A_134 = arith.index_cast %scan3A_123 : i32 to index
        %swap3A_135 = arith.constant 32 : index
        %swap3A_136 = tpu.vector_load %run_scoped3A[%swap3A_134, %swap3A_135] {strides = array<i32>} : memref<80x128xf32, #tpu.memory_space<vmem>>, vector<1x16xf32>,
        %swap3A_137 = vector.shape_cast %swap3A_136 : vector<1x16xf32> to vector<16xf32>
        %swap3A_138 = vector.shape_cast %broadcast_in_dim3A_5 : vector<16xf32> to vector<1x16xf32>
        tpu.vector_store %run_scoped3A[%swap3A_134, %swap3A_135], %swap3A_138 {strides = array<i32>} : memref<80x128xf32, #tpu.memory_space<vmem>>, vector<1x16xf32>,
        %swap3A_139 = arith.index_cast %scan3A_123 : i32 to index
        %swap3A_140 = arith.constant 48 : index
        %swap3A_141 = tpu.vector_load %run_scoped3A[%swap3A_139, %swap3A_140] {strides = array<i32>} : memref<80x128xf32, #tpu.memory_space<vmem>>, vector<1x16xf32>,
        %swap3A_142 = vector.shape_cast %swap3A_141 : vector<1x16xf32> to vector<16xf32>
        %swap3A_143 = vector.shape_cast %broadcast_in_dim3A_5 : vector<16xf32> to vector<1x16xf32>
        tpu.vector_store %run_scoped3A[%swap3A_139, %swap3A_140], %swap3A_143 {strides = array<i32>} : memref<80x128xf32, #tpu.memory_space<vmem>>, vector<1x16xf32>,
        %swap3A_144 = arith.index_cast %scan3A_123 : i32 to index
        %swap3A_145 = arith.constant 64 : index
        %swap3A_146 = tpu.vector_load %run_scoped3A[%swap3A_144, %swap3A_145] {strides = array<i32>} : memref<80x128xf32, #tpu.memory_space<vmem>>, vector<1x16xf32>,
        %swap3A_147 = vector.shape_cast %swap3A_146 : vector<1x16xf32> to vector<16xf32>
        %swap3A_148 = vector.shape_cast %broadcast_in_dim3A_5 : vector<16xf32> to vector<1x16xf32>
        tpu.vector_store %run_scoped3A[%swap3A_144, %swap3A_145], %swap3A_148 {strides = array<i32>} : memref<80x128xf32, #tpu.memory_space<vmem>>, vector<1x16xf32>,
        %swap3A_149 = arith.index_cast %scan3A_123 : i32 to index
        %swap3A_150 = arith.constant 80 : index
        %swap3A_151 = tpu.vector_load %run_scoped3A[%swap3A_149, %swap3A_150] {strides = array<i32>} : memref<80x128xf32, #tpu.memory_space<vmem>>, vector<1x16xf32>,
        %swap3A_152 = vector.shape_cast %swap3A_151 : vector<1x16xf32> to vector<16xf32>
        %swap3A_153 = vector.shape_cast %broadcast_in_dim3A_5 : vector<16xf32> to vector<1x16xf32>
        tpu.vector_store %run_scoped3A[%swap3A_149, %swap3A_150], %swap3A_153 {strides = array<i32>} : memref<80x128xf32, #tpu.memory_space<vmem>>, vector<1x16xf32>,
        %swap3A_154 = arith.index_cast %scan3A_123 : i32 to index
        %swap3A_155 = arith.constant 96 : index
        %swap3A_156 = tpu.vector_load %run_scoped3A[%swap3A_154, %swap3A_155] {strides = array<i32>} : memref<80x128xf32, #tpu.memory_space<vmem>>, vector<1x16xf32>,
        %swap3A_157 = vector.shape_cast %swap3A_156 : vector<1x16xf32> to vector<16xf32>
        %swap3A_158 = vector.shape_cast %broadcast_in_dim3A_5 : vector<16xf32> to vector<1x16xf32>
        tpu.vector_store %run_scoped3A[%swap3A_154, %swap3A_155], %swap3A_158 {strides = array<i32>} : memref<80x128xf32, #tpu.memory_space<vmem>>, vector<1x16xf32>,
        %swap3A_159 = arith.index_cast %scan3A_123 : i32 to index
        %swap3A_160 = arith.constant 112 : index
        %swap3A_161 = tpu.vector_load %run_scoped3A[%swap3A_159, %swap3A_160] {strides = array<i32>} : memref<80x128xf32, #tpu.memory_space<vmem>>, vector<1x16xf32>,
        %swap3A_162 = vector.shape_cast %swap3A_161 : vector<1x16xf32> to vector<16xf32>
        %swap3A_163 = vector.shape_cast %broadcast_in_dim3A_5 : vector<16xf32> to vector<1x16xf32>
        tpu.vector_store %run_scoped3A[%swap3A_159, %swap3A_160], %swap3A_163 {strides = array<i32>} : memref<80x128xf32, #tpu.memory_space<vmem>>, vector<1x16xf32>,
        %scan3A_164 = arith.constant 0 : i32
        scf.yield %scan3A_164 : i32
      }
      %scan3A_73 = arith.constant 80 : i32
      %scan3A_74 = arith.constant 0 : i32
      %scan3A_75 = arith.constant 0 : i32
      %scan3A_76 = arith.constant 25 : i32
      %scan3A_77 = arith.addi %scan3A_75, %scan3A_76 : i32
      %scan3A_78 = arith.constant 1 : i32
      %scan3A_79 = scf.for %scan3A_123 = %scan3A_75 to %scan3A_77 step %scan3A_78 iter_args(%scan3A_124 = %scan3A_74) -> (i32)  : i32 {
        %mul3A_125 = arith.constant 5 : i32
        %mul3A_126 = arith.muli %scan3A_123, %mul3A_125 : i32
        %add3A_127 = arith.constant 0 : i32
        %add3A_128 = arith.addi %mul3A_126, %add3A_127 : i32
        %gt3A = arith.constant 0 : i32
        %gt3A_129 = arith.cmpi sgt, %scan3A_123, %gt3A : i32
        %convert_element_type3A_130 = arith.extui %gt3A_129 : i1 to i32
        %cond3A_131 = arith.constant 0 : i32
        %cond3A_132 = arith.cmpi ne, %convert_element_type3A_130, %cond3A_131 : i32
        scf.if %cond3A_132 {
          %dma_wait3A_219 = arith.constant 0 : i32
          %dma_wait3A_220 = arith.constant 0 : i32
          %dma_wait3A_221 = tpu.memref_slice %arg4[%dma_wait3A_219, %dma_wait3A_220] : memref<10000x128xf32, #tpu.memory_space<hbm>> -> memref<80x128xf32, #tpu.memory_space<hbm>>
          %dma_wait3A_222 = arith.constant 0 : i32
          %dma_wait3A_223 = arith.constant 0 : i32
          %dma_wait3A_224 = tpu.memref_slice %arg4[%dma_wait3A_222, %dma_wait3A_223] : memref<10000x128xf32, #tpu.memory_space<hbm>> -> memref<80x128xf32, #tpu.memory_space<hbm>>
          tpu.wait_dma2 semaphore(%arg28 : memref<!tpu.dma_semaphore, #tpu.memory_space<semaphore_mem>>) src(%dma_wait3A_224 : memref<80x128xf32, #tpu.memory_space<hbm>>) dst(%run_scoped3A : memref<80x128xf32, #tpu.memory_space<vmem>>)
        } else {
        }
        %mul3A_133 = arith.constant 80 : i32
        %mul3A_134 = arith.muli %add3A_128, %mul3A_133 : i32
        %add3A_135 = arith.addi %mul3A_2, %mul3A_134 : i32
        %dma_start3A_136 = tpu.memref_slice %arg3[%add3A_135] : memref<320000xi32, #tpu.memory_space<hbm>> -> memref<80xi32, #tpu.memory_space<hbm>>
        %dma_start3A_137 = tpu.memref_slice %arg3[%add3A_135] : memref<320000xi32, #tpu.memory_space<hbm>> -> memref<80xi32, #tpu.memory_space<hbm>>
        tpu.enqueue_dma source(%dma_start3A_137 : memref<80xi32, #tpu.memory_space<hbm>>) target(%run_scoped3A_63 : memref<80xi32, #tpu.memory_space<vmem>>) target_semaphore(%arg23 : memref<!tpu.dma_semaphore, #tpu.memory_space<semaphore_mem>>)
        %ge3A = arith.constant 2 : i32
        %ge3A_138 = arith.cmpi sge, %add3A_128, %ge3A : i32
        %convert_element_type3A_139 = arith.extui %ge3A_138 : i1 to i32
        %cond3A_140 = arith.constant 0 : i32
        %cond3A_141 = arith.cmpi ne, %convert_element_type3A_139, %cond3A_140 : i32
        scf.if %cond3A_141 {
          %dma_wait3A_219 = arith.constant 0 : i32
          %dma_wait3A_220 = tpu.memref_slice %arg2[%dma_wait3A_219] : memref<320000xi32, #tpu.memory_space<hbm>> -> memref<80xi32, #tpu.memory_space<hbm>>
          %dma_wait3A_221 = arith.constant 0 : i32
          %dma_wait3A_222 = tpu.memref_slice %arg2[%dma_wait3A_221] : memref<320000xi32, #tpu.memory_space<hbm>> -> memref<80xi32, #tpu.memory_space<hbm>>
          tpu.wait_dma2 semaphore(%arg26 : memref<!tpu.dma_semaphore, #tpu.memory_space<semaphore_mem>>) src(%dma_wait3A_222 : memref<80xi32, #tpu.memory_space<hbm>>) dst(%run_scoped3A_66 : memref<80xi32, #tpu.memory_space<vmem>>)
          %dma_start3A_223 = arith.constant 0 : i32
          %dma_start3A_224 = arith.constant 0 : i32
          %dma_start3A_225 = tpu.memref_slice %arg17[%dma_start3A_223, %dma_start3A_224] : memref<10000x128xf32, #tpu.memory_space<vmem_shared>> -> memref<10000x128xf32, #tpu.memory_space<vmem_shared>>
          tpu.enqueue_indirect_dma source(%run_scoped3A : memref<80x128xf32, #tpu.memory_space<vmem>>) target(%dma_start3A_225 : memref<10000x128xf32, #tpu.memory_space<vmem_shared>>) offsets(%run_scoped3A_66 : memref<80xi32, #tpu.memory_space<vmem>>) semaphore(%arg31 : memref<!tpu.dma_semaphore, #tpu.memory_space<semaphore_mem>>) {add = true}
        } else {
        }
        %mul3A_142 = arith.constant 5 : i32
        %mul3A_143 = arith.muli %scan3A_123, %mul3A_142 : i32
        %add3A_144 = arith.constant 1 : i32
        %add3A_145 = arith.addi %mul3A_143, %add3A_144 : i32
        %gt3A_146 = arith.constant 0 : i32
        %gt3A_147 = arith.cmpi sgt, %scan3A_123, %gt3A_146 : i32
        %convert_element_type3A_148 = arith.extui %gt3A_147 : i1 to i32
        %cond3A_149 = arith.constant 0 : i32
        %cond3A_150 = arith.cmpi ne, %convert_element_type3A_148, %cond3A_149 : i32
        scf.if %cond3A_150 {
          %dma_wait3A_219 = arith.constant 0 : i32
          %dma_wait3A_220 = arith.constant 0 : i32
          %dma_wait3A_221 = tpu.memref_slice %arg4[%dma_wait3A_219, %dma_wait3A_220] : memref<10000x128xf32, #tpu.memory_space<hbm>> -> memref<80x128xf32, #tpu.memory_space<hbm>>
          %dma_wait3A_222 = arith.constant 0 : i32
          %dma_wait3A_223 = arith.constant 0 : i32
          %dma_wait3A_224 = tpu.memref_slice %arg4[%dma_wait3A_222, %dma_wait3A_223] : memref<10000x128xf32, #tpu.memory_space<hbm>> -> memref<80x128xf32, #tpu.memory_space<hbm>>
          tpu.wait_dma2 semaphore(%arg29 : memref<!tpu.dma_semaphore, #tpu.memory_space<semaphore_mem>>) src(%dma_wait3A_224 : memref<80x128xf32, #tpu.memory_space<hbm>>) dst(%run_scoped3A : memref<80x128xf32, #tpu.memory_space<vmem>>)
        } else {
        }
        %mul3A_151 = arith.constant 80 : i32
        %mul3A_152 = arith.muli %add3A_145, %mul3A_151 : i32
        %add3A_153 = arith.addi %mul3A_2, %mul3A_152 : i32
        %dma_start3A_154 = tpu.memref_slice %arg3[%add3A_153] : memref<320000xi32, #tpu.memory_space<hbm>> -> memref<80xi32, #tpu.memory_space<hbm>>
        %dma_start3A_155 = tpu.memref_slice %arg3[%add3A_153] : memref<320000xi32, #tpu.memory_space<hbm>> -> memref<80xi32, #tpu.memory_space<hbm>>
        tpu.enqueue_dma source(%dma_start3A_155 : memref<80xi32, #tpu.memory_space<hbm>>) target(%run_scoped3A_64 : memref<80xi32, #tpu.memory_space<vmem>>) target_semaphore(%arg24 : memref<!tpu.dma_semaphore, #tpu.memory_space<semaphore_mem>>)
        %ge3A_156 = arith.constant 2 : i32
        %ge3A_157 = arith.cmpi sge, %add3A_145, %ge3A_156 : i32
        %convert_element_type3A_158 = arith.extui %ge3A_157 : i1 to i32
        %cond3A_159 = arith.constant 0 : i32
        %cond3A_160 = arith.cmpi ne, %convert_element_type3A_158, %cond3A_159 : i32
        scf.if %cond3A_160 {
          %dma_wait3A_219 = arith.constant 0 : i32
          %dma_wait3A_220 = tpu.memref_slice %arg2[%dma_wait3A_219] : memref<320000xi32, #tpu.memory_space<hbm>> -> memref<80xi32, #tpu.memory_space<hbm>>
          %dma_wait3A_221 = arith.constant 0 : i32
          %dma_wait3A_222 = tpu.memref_slice %arg2[%dma_wait3A_221] : memref<320000xi32, #tpu.memory_space<hbm>> -> memref<80xi32, #tpu.memory_space<hbm>>
          tpu.wait_dma2 semaphore(%arg27 : memref<!tpu.dma_semaphore, #tpu.memory_space<semaphore_mem>>) src(%dma_wait3A_222 : memref<80xi32, #tpu.memory_space<hbm>>) dst(%run_scoped3A_67 : memref<80xi32, #tpu.memory_space<vmem>>)
          %dma_start3A_223 = arith.constant 0 : i32
          %dma_start3A_224 = arith.constant 0 : i32
          %dma_start3A_225 = tpu.memref_slice %arg17[%dma_start3A_223, %dma_start3A_224] : memref<10000x128xf32, #tpu.memory_space<vmem_shared>> -> memref<10000x128xf32, #tpu.memory_space<vmem_shared>>
          tpu.enqueue_indirect_dma source(%run_scoped3A : memref<80x128xf32, #tpu.memory_space<vmem>>) target(%dma_start3A_225 : memref<10000x128xf32, #tpu.memory_space<vmem_shared>>) offsets(%run_scoped3A_67 : memref<80xi32, #tpu.memory_space<vmem>>) semaphore(%arg32 : memref<!tpu.dma_semaphore, #tpu.memory_space<semaphore_mem>>) {add = true}
        } else {
        }
        %mul3A_161 = arith.constant 5 : i32
        %mul3A_162 = arith.muli %scan3A_123, %mul3A_161 : i32
        %add3A_163 = arith.constant 2 : i32
        %add3A_164 = arith.addi %mul3A_162, %add3A_163 : i32
        %gt3A_165 = arith.constant 0 : i32
        %gt3A_166 = arith.cmpi sgt, %scan3A_123, %gt3A_165 : i32
        %convert_element_type3A_167 = arith.extui %gt3A_166 : i1 to i32
        %cond3A_168 = arith.constant 0 : i32
        %cond3A_169 = arith.cmpi ne, %convert_element_type3A_167, %cond3A_168 : i32
        scf.if %cond3A_169 {
          %dma_wait3A_219 = arith.constant 0 : i32
          %dma_wait3A_220 = arith.constant 0 : i32
          %dma_wait3A_221 = tpu.memref_slice %arg4[%dma_wait3A_219, %dma_wait3A_220] : memref<10000x128xf32, #tpu.memory_space<hbm>> -> memref<80x128xf32, #tpu.memory_space<hbm>>
          %dma_wait3A_222 = arith.constant 0 : i32
          %dma_wait3A_223 = arith.constant 0 : i32
          %dma_wait3A_224 = tpu.memref_slice %arg4[%dma_wait3A_222, %dma_wait3A_223] : memref<10000x128xf32, #tpu.memory_space<hbm>> -> memref<80x128xf32, #tpu.memory_space<hbm>>
          tpu.wait_dma2 semaphore(%arg30 : memref<!tpu.dma_semaphore, #tpu.memory_space<semaphore_mem>>) src(%dma_wait3A_224 : memref<80x128xf32, #tpu.memory_space<hbm>>) dst(%run_scoped3A : memref<80x128xf32, #tpu.memory_space<vmem>>)
        } else {
        }
        %mul3A_170 = arith.constant 80 : i32
        %mul3A_171 = arith.muli %add3A_164, %mul3A_170 : i32
        %add3A_172 = arith.addi %mul3A_2, %mul3A_171 : i32
        %dma_start3A_173 = tpu.memref_slice %arg3[%add3A_172] : memref<320000xi32, #tpu.memory_space<hbm>> -> memref<80xi32, #tpu.memory_space<hbm>>
        %dma_start3A_174 = tpu.memref_slice %arg3[%add3A_172] : memref<320000xi32, #tpu.memory_space<hbm>> -> memref<80xi32, #tpu.memory_space<hbm>>
        tpu.enqueue_dma source(%dma_start3A_174 : memref<80xi32, #tpu.memory_space<hbm>>) target(%run_scoped3A_65 : memref<80xi32, #tpu.memory_space<vmem>>) target_semaphore(%arg25 : memref<!tpu.dma_semaphore, #tpu.memory_space<semaphore_mem>>)
        %ge3A_175 = arith.constant 2 : i32
        %ge3A_176 = arith.cmpi sge, %add3A_164, %ge3A_175 : i32
        %convert_element_type3A_177 = arith.extui %ge3A_176 : i1 to i32
        %cond3A_178 = arith.constant 0 : i32
        %cond3A_179 = arith.cmpi ne, %convert_element_type3A_177, %cond3A_178 : i32
        scf.if %cond3A_179 {
          %dma_wait3A_219 = arith.constant 0 : i32
          %dma_wait3A_220 = tpu.memref_slice %arg2[%dma_wait3A_219] : memref<320000xi32, #tpu.memory_space<hbm>> -> memref<80xi32, #tpu.memory_space<hbm>>
          %dma_wait3A_221 = arith.constant 0 : i32
          %dma_wait3A_222 = tpu.memref_slice %arg2[%dma_wait3A_221] : memref<320000xi32, #tpu.memory_space<hbm>> -> memref<80xi32, #tpu.memory_space<hbm>>
          tpu.wait_dma2 semaphore(%arg23 : memref<!tpu.dma_semaphore, #tpu.memory_space<semaphore_mem>>) src(%dma_wait3A_222 : memref<80xi32, #tpu.memory_space<hbm>>) dst(%run_scoped3A_63 : memref<80xi32, #tpu.memory_space<vmem>>)
          %dma_start3A_223 = arith.constant 0 : i32
          %dma_start3A_224 = arith.constant 0 : i32
          %dma_start3A_225 = tpu.memref_slice %arg17[%dma_start3A_223, %dma_start3A_224] : memref<10000x128xf32, #tpu.memory_space<vmem_shared>> -> memref<10000x128xf32, #tpu.memory_space<vmem_shared>>
          tpu.enqueue_indirect_dma source(%run_scoped3A : memref<80x128xf32, #tpu.memory_space<vmem>>) target(%dma_start3A_225 : memref<10000x128xf32, #tpu.memory_space<vmem_shared>>) offsets(%run_scoped3A_63 : memref<80xi32, #tpu.memory_space<vmem>>) semaphore(%arg28 : memref<!tpu.dma_semaphore, #tpu.memory_space<semaphore_mem>>) {add = true}
        } else {
        }
        %mul3A_180 = arith.constant 5 : i32
        %mul3A_181 = arith.muli %scan3A_123, %mul3A_180 : i32
        %add3A_182 = arith.constant 3 : i32
        %add3A_183 = arith.addi %mul3A_181, %add3A_182 : i32
        %gt3A_184 = arith.constant 0 : i32
        %gt3A_185 = arith.cmpi sgt, %scan3A_123, %gt3A_184 : i32
        %convert_element_type3A_186 = arith.extui %gt3A_185 : i1 to i32
        %cond3A_187 = arith.constant 0 : i32
        %cond3A_188 = arith.cmpi ne, %convert_element_type3A_186, %cond3A_187 : i32
        scf.if %cond3A_188 {
          %dma_wait3A_219 = arith.constant 0 : i32
          %dma_wait3A_220 = arith.constant 0 : i32
          %dma_wait3A_221 = tpu.memref_slice %arg4[%dma_wait3A_219, %dma_wait3A_220] : memref<10000x128xf32, #tpu.memory_space<hbm>> -> memref<80x128xf32, #tpu.memory_space<hbm>>
          %dma_wait3A_222 = arith.constant 0 : i32
          %dma_wait3A_223 = arith.constant 0 : i32
          %dma_wait3A_224 = tpu.memref_slice %arg4[%dma_wait3A_222, %dma_wait3A_223] : memref<10000x128xf32, #tpu.memory_space<hbm>> -> memref<80x128xf32, #tpu.memory_space<hbm>>
          tpu.wait_dma2 semaphore(%arg31 : memref<!tpu.dma_semaphore, #tpu.memory_space<semaphore_mem>>) src(%dma_wait3A_224 : memref<80x128xf32, #tpu.memory_space<hbm>>) dst(%run_scoped3A : memref<80x128xf32, #tpu.memory_space<vmem>>)
        } else {
        }
        %mul3A_189 = arith.constant 80 : i32
        %mul3A_190 = arith.muli %add3A_183, %mul3A_189 : i32
        %add3A_191 = arith.addi %mul3A_2, %mul3A_190 : i32
        %dma_start3A_192 = tpu.memref_slice %arg3[%add3A_191] : memref<320000xi32, #tpu.memory_space<hbm>> -> memref<80xi32, #tpu.memory_space<hbm>>
        %dma_start3A_193 = tpu.memref_slice %arg3[%add3A_191] : memref<320000xi32, #tpu.memory_space<hbm>> -> memref<80xi32, #tpu.memory_space<hbm>>
        tpu.enqueue_dma source(%dma_start3A_193 : memref<80xi32, #tpu.memory_space<hbm>>) target(%run_scoped3A_66 : memref<80xi32, #tpu.memory_space<vmem>>) target_semaphore(%arg26 : memref<!tpu.dma_semaphore, #tpu.memory_space<semaphore_mem>>)
        %ge3A_194 = arith.constant 2 : i32
        %ge3A_195 = arith.cmpi sge, %add3A_183, %ge3A_194 : i32
        %convert_element_type3A_196 = arith.extui %ge3A_195 : i1 to i32
        %cond3A_197 = arith.constant 0 : i32
        %cond3A_198 = arith.cmpi ne, %convert_element_type3A_196, %cond3A_197 : i32
        scf.if %cond3A_198 {
          %dma_wait3A_219 = arith.constant 0 : i32
          %dma_wait3A_220 = tpu.memref_slice %arg2[%dma_wait3A_219] : memref<320000xi32, #tpu.memory_space<hbm>> -> memref<80xi32, #tpu.memory_space<hbm>>
          %dma_wait3A_221 = arith.constant 0 : i32
          %dma_wait3A_222 = tpu.memref_slice %arg2[%dma_wait3A_221] : memref<320000xi32, #tpu.memory_space<hbm>> -> memref<80xi32, #tpu.memory_space<hbm>>
          tpu.wait_dma2 semaphore(%arg24 : memref<!tpu.dma_semaphore, #tpu.memory_space<semaphore_mem>>) src(%dma_wait3A_222 : memref<80xi32, #tpu.memory_space<hbm>>) dst(%run_scoped3A_64 : memref<80xi32, #tpu.memory_space<vmem>>)
          %dma_start3A_223 = arith.constant 0 : i32
          %dma_start3A_224 = arith.constant 0 : i32
          %dma_start3A_225 = tpu.memref_slice %arg17[%dma_start3A_223, %dma_start3A_224] : memref<10000x128xf32, #tpu.memory_space<vmem_shared>> -> memref<10000x128xf32, #tpu.memory_space<vmem_shared>>
          tpu.enqueue_indirect_dma source(%run_scoped3A : memref<80x128xf32, #tpu.memory_space<vmem>>) target(%dma_start3A_225 : memref<10000x128xf32, #tpu.memory_space<vmem_shared>>) offsets(%run_scoped3A_64 : memref<80xi32, #tpu.memory_space<vmem>>) semaphore(%arg29 : memref<!tpu.dma_semaphore, #tpu.memory_space<semaphore_mem>>) {add = true}
        } else {
        }
        %mul3A_199 = arith.constant 5 : i32
        %mul3A_200 = arith.muli %scan3A_123, %mul3A_199 : i32
        %add3A_201 = arith.constant 4 : i32
        %add3A_202 = arith.addi %mul3A_200, %add3A_201 : i32
        %gt3A_203 = arith.constant 0 : i32
        %gt3A_204 = arith.cmpi sgt, %scan3A_123, %gt3A_203 : i32
        %convert_element_type3A_205 = arith.extui %gt3A_204 : i1 to i32
        %cond3A_206 = arith.constant 0 : i32
        %cond3A_207 = arith.cmpi ne, %convert_element_type3A_205, %cond3A_206 : i32
        scf.if %cond3A_207 {
          %dma_wait3A_219 = arith.constant 0 : i32
          %dma_wait3A_220 = arith.constant 0 : i32
          %dma_wait3A_221 = tpu.memref_slice %arg4[%dma_wait3A_219, %dma_wait3A_220] : memref<10000x128xf32, #tpu.memory_space<hbm>> -> memref<80x128xf32, #tpu.memory_space<hbm>>
          %dma_wait3A_222 = arith.constant 0 : i32
          %dma_wait3A_223 = arith.constant 0 : i32
          %dma_wait3A_224 = tpu.memref_slice %arg4[%dma_wait3A_222, %dma_wait3A_223] : memref<10000x128xf32, #tpu.memory_space<hbm>> -> memref<80x128xf32, #tpu.memory_space<hbm>>
          tpu.wait_dma2 semaphore(%arg32 : memref<!tpu.dma_semaphore, #tpu.memory_space<semaphore_mem>>) src(%dma_wait3A_224 : memref<80x128xf32, #tpu.memory_space<hbm>>) dst(%run_scoped3A : memref<80x128xf32, #tpu.memory_space<vmem>>)
        } else {
        }
        %mul3A_208 = arith.constant 80 : i32
        %mul3A_209 = arith.muli %add3A_202, %mul3A_208 : i32
        %add3A_210 = arith.addi %mul3A_2, %mul3A_209 : i32
        %dma_start3A_211 = tpu.memref_slice %arg3[%add3A_210] : memref<320000xi32, #tpu.memory_space<hbm>> -> memref<80xi32, #tpu.memory_space<hbm>>
        %dma_start3A_212 = tpu.memref_slice %arg3[%add3A_210] : memref<320000xi32, #tpu.memory_space<hbm>> -> memref<80xi32, #tpu.memory_space<hbm>>
        tpu.enqueue_dma source(%dma_start3A_212 : memref<80xi32, #tpu.memory_space<hbm>>) target(%run_scoped3A_67 : memref<80xi32, #tpu.memory_space<vmem>>) target_semaphore(%arg27 : memref<!tpu.dma_semaphore, #tpu.memory_space<semaphore_mem>>)
        %ge3A_213 = arith.constant 2 : i32
        %ge3A_214 = arith.cmpi sge, %add3A_202, %ge3A_213 : i32
        %convert_element_type3A_215 = arith.extui %ge3A_214 : i1 to i32
        %cond3A_216 = arith.constant 0 : i32
        %cond3A_217 = arith.cmpi ne, %convert_element_type3A_215, %cond3A_216 : i32
        scf.if %cond3A_217 {
          %dma_wait3A_219 = arith.constant 0 : i32
          %dma_wait3A_220 = tpu.memref_slice %arg2[%dma_wait3A_219] : memref<320000xi32, #tpu.memory_space<hbm>> -> memref<80xi32, #tpu.memory_space<hbm>>
          %dma_wait3A_221 = arith.constant 0 : i32
          %dma_wait3A_222 = tpu.memref_slice %arg2[%dma_wait3A_221] : memref<320000xi32, #tpu.memory_space<hbm>> -> memref<80xi32, #tpu.memory_space<hbm>>
          tpu.wait_dma2 semaphore(%arg25 : memref<!tpu.dma_semaphore, #tpu.memory_space<semaphore_mem>>) src(%dma_wait3A_222 : memref<80xi32, #tpu.memory_space<hbm>>) dst(%run_scoped3A_65 : memref<80xi32, #tpu.memory_space<vmem>>)
          %dma_start3A_223 = arith.constant 0 : i32
          %dma_start3A_224 = arith.constant 0 : i32
          %dma_start3A_225 = tpu.memref_slice %arg17[%dma_start3A_223, %dma_start3A_224] : memref<10000x128xf32, #tpu.memory_space<vmem_shared>> -> memref<10000x128xf32, #tpu.memory_space<vmem_shared>>
          tpu.enqueue_indirect_dma source(%run_scoped3A : memref<80x128xf32, #tpu.memory_space<vmem>>) target(%dma_start3A_225 : memref<10000x128xf32, #tpu.memory_space<vmem_shared>>) offsets(%run_scoped3A_65 : memref<80xi32, #tpu.memory_space<vmem>>) semaphore(%arg30 : memref<!tpu.dma_semaphore, #tpu.memory_space<semaphore_mem>>) {add = true}
        } else {
        }
        %scan3A_218 = arith.constant 0 : i32
        scf.yield %scan3A_218 : i32
      }
      %scan3A_80 = arith.constant 25 : i32
      %dma_wait3A = arith.constant 0 : i32
      %dma_wait3A_81 = tpu.memref_slice %arg2[%dma_wait3A] : memref<320000xi32, #tpu.memory_space<hbm>> -> memref<80xi32, #tpu.memory_space<hbm>>
      %dma_wait3A_82 = arith.constant 0 : i32
      %dma_wait3A_83 = tpu.memref_slice %arg2[%dma_wait3A_82] : memref<320000xi32, #tpu.memory_space<hbm>> -> memref<80xi32, #tpu.memory_space<hbm>>
      tpu.wait_dma2 semaphore(%arg26 : memref<!tpu.dma_semaphore, #tpu.memory_space<semaphore_mem>>) src(%dma_wait3A_83 : memref<80xi32, #tpu.memory_space<hbm>>) dst(%run_scoped3A_66 : memref<80xi32, #tpu.memory_space<vmem>>)
      %dma_start3A = arith.constant 0 : i32
      %dma_start3A_84 = arith.constant 0 : i32
      %dma_start3A_85 = tpu.memref_slice %arg17[%dma_start3A, %dma_start3A_84] : memref<10000x128xf32, #tpu.memory_space<vmem_shared>> -> memref<10000x128xf32, #tpu.memory_space<vmem_shared>>
      tpu.enqueue_indirect_dma source(%run_scoped3A : memref<80x128xf32, #tpu.memory_space<vmem>>) target(%dma_start3A_85 : memref<10000x128xf32, #tpu.memory_space<vmem_shared>>) offsets(%run_scoped3A_66 : memref<80xi32, #tpu.memory_space<vmem>>) semaphore(%arg31 : memref<!tpu.dma_semaphore, #tpu.memory_space<semaphore_mem>>) {add = true}
      %dma_wait3A_86 = arith.constant 0 : i32
      %dma_wait3A_87 = tpu.memref_slice %arg2[%dma_wait3A_86] : memref<320000xi32, #tpu.memory_space<hbm>> -> memref<80xi32, #tpu.memory_space<hbm>>
      %dma_wait3A_88 = arith.constant 0 : i32
      %dma_wait3A_89 = tpu.memref_slice %arg2[%dma_wait3A_88] : memref<320000xi32, #tpu.memory_space<hbm>> -> memref<80xi32, #tpu.memory_space<hbm>>
      tpu.wait_dma2 semaphore(%arg27 : memref<!tpu.dma_semaphore, #tpu.memory_space<semaphore_mem>>) src(%dma_wait3A_89 : memref<80xi32, #tpu.memory_space<hbm>>) dst(%run_scoped3A_67 : memref<80xi32, #tpu.memory_space<vmem>>)
      %dma_start3A_90 = arith.constant 0 : i32
      %dma_start3A_91 = arith.constant 0 : i32
      %dma_start3A_92 = tpu.memref_slice %arg17[%dma_start3A_90, %dma_start3A_91] : memref<10000x128xf32, #tpu.memory_space<vmem_shared>> -> memref<10000x128xf32, #tpu.memory_space<vmem_shared>>
      tpu.enqueue_indirect_dma source(%run_scoped3A : memref<80x128xf32, #tpu.memory_space<vmem>>) target(%dma_start3A_92 : memref<10000x128xf32, #tpu.memory_space<vmem_shared>>) offsets(%run_scoped3A_67 : memref<80xi32, #tpu.memory_space<vmem>>) semaphore(%arg32 : memref<!tpu.dma_semaphore, #tpu.memory_space<semaphore_mem>>) {add = true}
      %dma_wait3A_93 = arith.constant 0 : i32
      %dma_wait3A_94 = arith.constant 0 : i32
      %dma_wait3A_95 = tpu.memref_slice %arg4[%dma_wait3A_93, %dma_wait3A_94] : memref<10000x128xf32, #tpu.memory_space<hbm>> -> memref<80x128xf32, #tpu.memory_space<hbm>>
      %dma_wait3A_96 = arith.constant 0 : i32
      %dma_wait3A_97 = arith.constant 0 : i32
      %dma_wait3A_98 = tpu.memref_slice %arg4[%dma_wait3A_96, %dma_wait3A_97] : memref<10000x128xf32, #tpu.memory_space<hbm>> -> memref<80x128xf32, #tpu.memory_space<hbm>>
      tpu.wait_dma2 semaphore(%arg28 : memref<!tpu.dma_semaphore, #tpu.memory_space<semaphore_mem>>) src(%dma_wait3A_98 : memref<80x128xf32, #tpu.memory_space<hbm>>) dst(%run_scoped3A : memref<80x128xf32, #tpu.memory_space<vmem>>)
      %dma_wait3A_99 = arith.constant 0 : i32
      %dma_wait3A_100 = arith.constant 0 : i32
      %dma_wait3A_101 = tpu.memref_slice %arg4[%dma_wait3A_99, %dma_wait3A_100] : memref<10000x128xf32, #tpu.memory_space<hbm>> -> memref<80x128xf32, #tpu.memory_space<hbm>>
      %dma_wait3A_102 = arith.constant 0 : i32
      %dma_wait3A_103 = arith.constant 0 : i32
      %dma_wait3A_104 = tpu.memref_slice %arg4[%dma_wait3A_102, %dma_wait3A_103] : memref<10000x128xf32, #tpu.memory_space<hbm>> -> memref<80x128xf32, #tpu.memory_space<hbm>>
      tpu.wait_dma2 semaphore(%arg29 : memref<!tpu.dma_semaphore, #tpu.memory_space<semaphore_mem>>) src(%dma_wait3A_104 : memref<80x128xf32, #tpu.memory_space<hbm>>) dst(%run_scoped3A : memref<80x128xf32, #tpu.memory_space<vmem>>)
      %dma_wait3A_105 = arith.constant 0 : i32
      %dma_wait3A_106 = arith.constant 0 : i32
      %dma_wait3A_107 = tpu.memref_slice %arg4[%dma_wait3A_105, %dma_wait3A_106] : memref<10000x128xf32, #tpu.memory_space<hbm>> -> memref<80x128xf32, #tpu.memory_space<hbm>>
      %dma_wait3A_108 = arith.constant 0 : i32
      %dma_wait3A_109 = arith.constant 0 : i32
      %dma_wait3A_110 = tpu.memref_slice %arg4[%dma_wait3A_108, %dma_wait3A_109] : memref<10000x128xf32, #tpu.memory_space<hbm>> -> memref<80x128xf32, #tpu.memory_space<hbm>>
      tpu.wait_dma2 semaphore(%arg30 : memref<!tpu.dma_semaphore, #tpu.memory_space<semaphore_mem>>) src(%dma_wait3A_110 : memref<80x128xf32, #tpu.memory_space<hbm>>) dst(%run_scoped3A : memref<80x128xf32, #tpu.memory_space<vmem>>)
      %dma_wait3A_111 = arith.constant 0 : i32
      %dma_wait3A_112 = arith.constant 0 : i32
      %dma_wait3A_113 = tpu.memref_slice %arg4[%dma_wait3A_111, %dma_wait3A_112] : memref<10000x128xf32, #tpu.memory_space<hbm>> -> memref<80x128xf32, #tpu.memory_space<hbm>>
      %dma_wait3A_114 = arith.constant 0 : i32
      %dma_wait3A_115 = arith.constant 0 : i32
      %dma_wait3A_116 = tpu.memref_slice %arg4[%dma_wait3A_114, %dma_wait3A_115] : memref<10000x128xf32, #tpu.memory_space<hbm>> -> memref<80x128xf32, #tpu.memory_space<hbm>>
      tpu.wait_dma2 semaphore(%arg31 : memref<!tpu.dma_semaphore, #tpu.memory_space<semaphore_mem>>) src(%dma_wait3A_116 : memref<80x128xf32, #tpu.memory_space<hbm>>) dst(%run_scoped3A : memref<80x128xf32, #tpu.memory_space<vmem>>)
      %dma_wait3A_117 = arith.constant 0 : i32
      %dma_wait3A_118 = arith.constant 0 : i32
      %dma_wait3A_119 = tpu.memref_slice %arg4[%dma_wait3A_117, %dma_wait3A_118] : memref<10000x128xf32, #tpu.memory_space<hbm>> -> memref<80x128xf32, #tpu.memory_space<hbm>>
      %dma_wait3A_120 = arith.constant 0 : i32
      %dma_wait3A_121 = arith.constant 0 : i32
      %dma_wait3A_122 = tpu.memref_slice %arg4[%dma_wait3A_120, %dma_wait3A_121] : memref<10000x128xf32, #tpu.memory_space<hbm>> -> memref<80x128xf32, #tpu.memory_space<hbm>>
      tpu.wait_dma2 semaphore(%arg32 : memref<!tpu.dma_semaphore, #tpu.memory_space<semaphore_mem>>) src(%dma_wait3A_122 : memref<80x128xf32, #tpu.memory_space<hbm>>) dst(%run_scoped3A : memref<80x128xf32, #tpu.memory_space<vmem>>)
      tpu.yield
    }) : () -> ()
    %barrier3A_34 = arith.constant 0 : index
    tpu.barrier barrier_id(%barrier3A_34)
    %add3A_35 = arith.constant 0 : i32
    %add3A_36 = arith.addi %arg1, %add3A_35 : i32
    %lt3A_37 = arith.constant 50 : i32
    %lt3A_38 = arith.cmpi slt, %add3A_36, %lt3A_37 : i32
    %convert_element_type3A_39 = arith.extui %lt3A_38 : i1 to i32
    %cond3A_40 = arith.constant 0 : i32
    %cond3A_41 = arith.cmpi ne, %convert_element_type3A_39, %cond3A_40 : i32
    scf.if %cond3A_41 {
      %mul3A_63 = arith.constant 200 : i32
      %mul3A_64 = arith.muli %add3A_36, %mul3A_63 : i32
      %mul3A_65 = arith.constant 200 : i32
      %mul3A_66 = arith.muli %add3A_36, %mul3A_65 : i32
      "tpu.region"() ({
        %run_scoped3A = tpu.sem_alloc : memref<!tpu.dma_semaphore, #tpu.memory_space<semaphore_mem>>
        %dma_start3A = arith.constant 0 : i32
        %dma_start3A_67 = tpu.memref_slice %arg6[%arg0, %mul3A_66, %dma_start3A] : memref<2x10000x128xf32, #tpu.memory_space<hbm>> -> memref<1x200x128xf32, #tpu.memory_space<hbm>>
        %dma_start3A_68 = tpu.memref_squeeze %dma_start3A_67 : memref<1x200x128xf32, #tpu.memory_space<hbm>> -> memref<200x128xf32, #tpu.memory_space<hbm>>
        %dma_start3A_69 = arith.constant 0 : i32
        %dma_start3A_70 = tpu.memref_slice %arg17[%mul3A_64, %dma_start3A_69] : memref<10000x128xf32, #tpu.memory_space<vmem_shared>> -> memref<200x128xf32, #tpu.memory_space<vmem_shared>>
        tpu.enqueue_dma source(%dma_start3A_70 : memref<200x128xf32, #tpu.memory_space<vmem_shared>>) target(%dma_start3A_68 : memref<200x128xf32, #tpu.memory_space<hbm>>) target_semaphore(%run_scoped3A : memref<!tpu.dma_semaphore, #tpu.memory_space<semaphore_mem>>)
        %dma_wait3A = arith.constant 0 : i32
        %dma_wait3A_71 = tpu.memref_slice %arg6[%arg0, %mul3A_66, %dma_wait3A] : memref<2x10000x128xf32, #tpu.memory_space<hbm>> -> memref<1x200x128xf32, #tpu.memory_space<hbm>>
        %dma_wait3A_72 = tpu.memref_squeeze %dma_wait3A_71 : memref<1x200x128xf32, #tpu.memory_space<hbm>> -> memref<200x128xf32, #tpu.memory_space<hbm>>
        %dma_wait3A_73 = arith.constant 0 : i32
        %dma_wait3A_74 = tpu.memref_slice %arg17[%mul3A_64, %dma_wait3A_73] : memref<10000x128xf32, #tpu.memory_space<vmem_shared>> -> memref<200x128xf32, #tpu.memory_space<vmem_shared>>
        tpu.wait_dma2 semaphore(%run_scoped3A : memref<!tpu.dma_semaphore, #tpu.memory_space<semaphore_mem>>) src(%dma_wait3A_74 : memref<200x128xf32, #tpu.memory_space<vmem_shared>>) dst(%dma_wait3A_72 : memref<200x128xf32, #tpu.memory_space<hbm>>)
        tpu.yield
      }) : () -> ()
    } else {
    }
    %add3A_42 = arith.constant 16 : i32
    %add3A_43 = arith.addi %arg1, %add3A_42 : i32
    %lt3A_44 = arith.constant 50 : i32
    %lt3A_45 = arith.cmpi slt, %add3A_43, %lt3A_44 : i32
    %convert_element_type3A_46 = arith.extui %lt3A_45 : i1 to i32
    %cond3A_47 = arith.constant 0 : i32
    %cond3A_48 = arith.cmpi ne, %convert_element_type3A_46, %cond3A_47 : i32
    scf.if %cond3A_48 {
      %mul3A_63 = arith.constant 200 : i32
      %mul3A_64 = arith.muli %add3A_43, %mul3A_63 : i32
      %mul3A_65 = arith.constant 200 : i32
      %mul3A_66 = arith.muli %add3A_43, %mul3A_65 : i32
      "tpu.region"() ({
        %run_scoped3A = tpu.sem_alloc : memref<!tpu.dma_semaphore, #tpu.memory_space<semaphore_mem>>
        %dma_start3A = arith.constant 0 : i32
        %dma_start3A_67 = tpu.memref_slice %arg6[%arg0, %mul3A_66, %dma_start3A] : memref<2x10000x128xf32, #tpu.memory_space<hbm>> -> memref<1x200x128xf32, #tpu.memory_space<hbm>>
        %dma_start3A_68 = tpu.memref_squeeze %dma_start3A_67 : memref<1x200x128xf32, #tpu.memory_space<hbm>> -> memref<200x128xf32, #tpu.memory_space<hbm>>
        %dma_start3A_69 = arith.constant 0 : i32
        %dma_start3A_70 = tpu.memref_slice %arg17[%mul3A_64, %dma_start3A_69] : memref<10000x128xf32, #tpu.memory_space<vmem_shared>> -> memref<200x128xf32, #tpu.memory_space<vmem_shared>>
        tpu.enqueue_dma source(%dma_start3A_70 : memref<200x128xf32, #tpu.memory_space<vmem_shared>>) target(%dma_start3A_68 : memref<200x128xf32, #tpu.memory_space<hbm>>) target_semaphore(%run_scoped3A : memref<!tpu.dma_semaphore, #tpu.memory_space<semaphore_mem>>)
        %dma_wait3A = arith.constant 0 : i32
        %dma_wait3A_71 = tpu.memref_slice %arg6[%arg0, %mul3A_66, %dma_wait3A] : memref<2x10000x128xf32, #tpu.memory_space<hbm>> -> memref<1x200x128xf32, #tpu.memory_space<hbm>>
        %dma_wait3A_72 = tpu.memref_squeeze %dma_wait3A_71 : memref<1x200x128xf32, #tpu.memory_space<hbm>> -> memref<200x128xf32, #tpu.memory_space<hbm>>
        %dma_wait3A_73 = arith.constant 0 : i32
        %dma_wait3A_74 = tpu.memref_slice %arg17[%mul3A_64, %dma_wait3A_73] : memref<10000x128xf32, #tpu.memory_space<vmem_shared>> -> memref<200x128xf32, #tpu.memory_space<vmem_shared>>
        tpu.wait_dma2 semaphore(%run_scoped3A : memref<!tpu.dma_semaphore, #tpu.memory_space<semaphore_mem>>) src(%dma_wait3A_74 : memref<200x128xf32, #tpu.memory_space<vmem_shared>>) dst(%dma_wait3A_72 : memref<200x128xf32, #tpu.memory_space<hbm>>)
        tpu.yield
      }) : () -> ()
    } else {
    }
    %add3A_49 = arith.constant 32 : i32
    %add3A_50 = arith.addi %arg1, %add3A_49 : i32
    %lt3A_51 = arith.constant 50 : i32
    %lt3A_52 = arith.cmpi slt, %add3A_50, %lt3A_51 : i32
    %convert_element_type3A_53 = arith.extui %lt3A_52 : i1 to i32
    %cond3A_54 = arith.constant 0 : i32
    %cond3A_55 = arith.cmpi ne, %convert_element_type3A_53, %cond3A_54 : i32
    scf.if %cond3A_55 {
      %mul3A_63 = arith.constant 200 : i32
      %mul3A_64 = arith.muli %add3A_50, %mul3A_63 : i32
      %mul3A_65 = arith.constant 200 : i32
      %mul3A_66 = arith.muli %add3A_50, %mul3A_65 : i32
      "tpu.region"() ({
        %run_scoped3A = tpu.sem_alloc : memref<!tpu.dma_semaphore, #tpu.memory_space<semaphore_mem>>
        %dma_start3A = arith.constant 0 : i32
        %dma_start3A_67 = tpu.memref_slice %arg6[%arg0, %mul3A_66, %dma_start3A] : memref<2x10000x128xf32, #tpu.memory_space<hbm>> -> memref<1x200x128xf32, #tpu.memory_space<hbm>>
        %dma_start3A_68 = tpu.memref_squeeze %dma_start3A_67 : memref<1x200x128xf32, #tpu.memory_space<hbm>> -> memref<200x128xf32, #tpu.memory_space<hbm>>
        %dma_start3A_69 = arith.constant 0 : i32
        %dma_start3A_70 = tpu.memref_slice %arg17[%mul3A_64, %dma_start3A_69] : memref<10000x128xf32, #tpu.memory_space<vmem_shared>> -> memref<200x128xf32, #tpu.memory_space<vmem_shared>>
        tpu.enqueue_dma source(%dma_start3A_70 : memref<200x128xf32, #tpu.memory_space<vmem_shared>>) target(%dma_start3A_68 : memref<200x128xf32, #tpu.memory_space<hbm>>) target_semaphore(%run_scoped3A : memref<!tpu.dma_semaphore, #tpu.memory_space<semaphore_mem>>)
        %dma_wait3A = arith.constant 0 : i32
        %dma_wait3A_71 = tpu.memref_slice %arg6[%arg0, %mul3A_66, %dma_wait3A] : memref<2x10000x128xf32, #tpu.memory_space<hbm>> -> memref<1x200x128xf32, #tpu.memory_space<hbm>>
        %dma_wait3A_72 = tpu.memref_squeeze %dma_wait3A_71 : memref<1x200x128xf32, #tpu.memory_space<hbm>> -> memref<200x128xf32, #tpu.memory_space<hbm>>
        %dma_wait3A_73 = arith.constant 0 : i32
        %dma_wait3A_74 = tpu.memref_slice %arg17[%mul3A_64, %dma_wait3A_73] : memref<10000x128xf32, #tpu.memory_space<vmem_shared>> -> memref<200x128xf32, #tpu.memory_space<vmem_shared>>
        tpu.wait_dma2 semaphore(%run_scoped3A : memref<!tpu.dma_semaphore, #tpu.memory_space<semaphore_mem>>) src(%dma_wait3A_74 : memref<200x128xf32, #tpu.memory_space<vmem_shared>>) dst(%dma_wait3A_72 : memref<200x128xf32, #tpu.memory_space<hbm>>)
        tpu.yield
      }) : () -> ()
    } else {
    }
    %add3A_56 = arith.constant 48 : i32
    %add3A_57 = arith.addi %arg1, %add3A_56 : i32
    %lt3A_58 = arith.constant 50 : i32
    %lt3A_59 = arith.cmpi slt, %add3A_57, %lt3A_58 : i32
    %convert_element_type3A_60 = arith.extui %lt3A_59 : i1 to i32
    %cond3A_61 = arith.constant 0 : i32
    %cond3A_62 = arith.cmpi ne, %convert_element_type3A_60, %cond3A_61 : i32
    scf.if %cond3A_62 {
      %mul3A_63 = arith.constant 200 : i32
      %mul3A_64 = arith.muli %add3A_57, %mul3A_63 : i32
      %mul3A_65 = arith.constant 200 : i32
      %mul3A_66 = arith.muli %add3A_57, %mul3A_65 : i32
      "tpu.region"() ({
        %run_scoped3A = tpu.sem_alloc : memref<!tpu.dma_semaphore, #tpu.memory_space<semaphore_mem>>
        %dma_start3A = arith.constant 0 : i32
        %dma_start3A_67 = tpu.memref_slice %arg6[%arg0, %mul3A_66, %dma_start3A] : memref<2x10000x128xf32, #tpu.memory_space<hbm>> -> memref<1x200x128xf32, #tpu.memory_space<hbm>>
        %dma_start3A_68 = tpu.memref_squeeze %dma_start3A_67 : memref<1x200x128xf32, #tpu.memory_space<hbm>> -> memref<200x128xf32, #tpu.memory_space<hbm>>
        %dma_start3A_69 = arith.constant 0 : i32
        %dma_start3A_70 = tpu.memref_slice %arg17[%mul3A_64, %dma_start3A_69] : memref<10000x128xf32, #tpu.memory_space<vmem_shared>> -> memref<200x128xf32, #tpu.memory_space<vmem_shared>>
        tpu.enqueue_dma source(%dma_start3A_70 : memref<200x128xf32, #tpu.memory_space<vmem_shared>>) target(%dma_start3A_68 : memref<200x128xf32, #tpu.memory_space<hbm>>) target_semaphore(%run_scoped3A : memref<!tpu.dma_semaphore, #tpu.memory_space<semaphore_mem>>)
        %dma_wait3A = arith.constant 0 : i32
        %dma_wait3A_71 = tpu.memref_slice %arg6[%arg0, %mul3A_66, %dma_wait3A] : memref<2x10000x128xf32, #tpu.memory_space<hbm>> -> memref<1x200x128xf32, #tpu.memory_space<hbm>>
        %dma_wait3A_72 = tpu.memref_squeeze %dma_wait3A_71 : memref<1x200x128xf32, #tpu.memory_space<hbm>> -> memref<200x128xf32, #tpu.memory_space<hbm>>
        %dma_wait3A_73 = arith.constant 0 : i32
        %dma_wait3A_74 = tpu.memref_slice %arg17[%mul3A_64, %dma_wait3A_73] : memref<10000x128xf32, #tpu.memory_space<vmem_shared>> -> memref<200x128xf32, #tpu.memory_space<vmem_shared>>
        tpu.wait_dma2 semaphore(%run_scoped3A : memref<!tpu.dma_semaphore, #tpu.memory_space<semaphore_mem>>) src(%dma_wait3A_74 : memref<200x128xf32, #tpu.memory_space<vmem_shared>>) dst(%dma_wait3A_72 : memref<200x128xf32, #tpu.memory_space<hbm>>)
        tpu.yield
      }) : () -> ()
    } else {
    }
    return
  }
}

module attributes {stable_mosaic.version = 14 : i64} {
  func.func @_mm2_body(%arg0: i32, %arg1: memref<400x64xf32, #tpu.memory_space<vmem>>, %arg2: memref<400x64xf32, #tpu.memory_space<vmem>>, %arg3: memref<64x128xf32, #tpu.memory_space<vmem>>, %arg4: memref<64x128xf32, #tpu.memory_space<vmem>>, %arg5: memref<400x128xf32, #tpu.memory_space<vmem>>, %arg6: memref<400x128xf32, #tpu.memory_space<vmem>>) attributes {dimension_semantics = [#tpu.dimension_semantics<arbitrary>], iteration_bounds = array<i64: 25>, scalar_prefetch = 0 : i64, scratch_operands = 0 : i64, tpu.core_type = #tpu.core_type<tc>, window_params = [{transform_indices = @transform_0, window_bounds = array<i64: 400, 64>}, {transform_indices = @transform_1, window_bounds = array<i64: 400, 64>}, {pipeline_mode = #tpu.pipeline_mode<synchronous>, transform_indices = @transform_2, window_bounds = array<i64: 64, 128>}, {pipeline_mode = #tpu.pipeline_mode<synchronous>, transform_indices = @transform_3, window_bounds = array<i64: 64, 128>}, {transform_indices = @transform_4, window_bounds = array<i64: 400, 128>}, {transform_indices = @transform_5, window_bounds = array<i64: 400, 128>}]} {
    %get3A = arith.constant 0 : index
    %get3A_0 = arith.constant 0 : index
    %get3A_1 = vector.load %arg1[%get3A, %get3A_0] : memref<400x64xf32, #tpu.memory_space<vmem>>, vector<400x64xf32>
    %get3A_2 = arith.constant 0 : index
    %get3A_3 = arith.constant 0 : index
    %get3A_4 = vector.load %arg3[%get3A_2, %get3A_3] : memref<64x128xf32, #tpu.memory_space<vmem>>, vector<64x128xf32>
    %dot_general3A = arith.constant dense<0.000000e+00> : vector<400x128xf32>
    %dot_general3A_5 = tpu.matmul %get3A_1, %get3A_4, %dot_general3A {dimension_numbers = #tpu.dot_dimension_numbers<[1], [0], [0], [1], [0, 0, 1, 1], [], []>, transpose_lhs_hint = false} : vector<400x64xf32>, vector<64x128xf32>, vector<400x128xf32> -> vector<400x128xf32>
    %swap3A = arith.constant 0 : index
    %swap3A_6 = arith.constant 0 : index
    %swap3A_7 = vector.load %arg5[%swap3A, %swap3A_6] : memref<400x128xf32, #tpu.memory_space<vmem>>, vector<400x128xf32>
    tpu.vector_store %arg5[%swap3A, %swap3A_6], %dot_general3A_5 {strides = array<i32>} : memref<400x128xf32, #tpu.memory_space<vmem>>, vector<400x128xf32>,
    %get3A_8 = arith.constant 0 : index
    %get3A_9 = arith.constant 0 : index
    %get3A_10 = vector.load %arg2[%get3A_8, %get3A_9] : memref<400x64xf32, #tpu.memory_space<vmem>>, vector<400x64xf32>
    %get3A_11 = arith.constant 0 : index
    %get3A_12 = arith.constant 0 : index
    %get3A_13 = vector.load %arg4[%get3A_11, %get3A_12] : memref<64x128xf32, #tpu.memory_space<vmem>>, vector<64x128xf32>
    %dot_general3A_14 = arith.constant dense<0.000000e+00> : vector<400x128xf32>
    %dot_general3A_15 = tpu.matmul %get3A_10, %get3A_13, %dot_general3A_14 {dimension_numbers = #tpu.dot_dimension_numbers<[1], [0], [0], [1], [0, 0, 1, 1], [], []>, transpose_lhs_hint = false} : vector<400x64xf32>, vector<64x128xf32>, vector<400x128xf32> -> vector<400x128xf32>
    %swap3A_16 = arith.constant 0 : index
    %swap3A_17 = arith.constant 0 : index
    %swap3A_18 = vector.load %arg6[%swap3A_16, %swap3A_17] : memref<400x128xf32, #tpu.memory_space<vmem>>, vector<400x128xf32>
    tpu.vector_store %arg6[%swap3A_16, %swap3A_17], %dot_general3A_15 {strides = array<i32>} : memref<400x128xf32, #tpu.memory_space<vmem>>, vector<400x128xf32>,
    return
  }
  func.func @transform_0(%arg0: i32) -> (i32, i32) {
    %c0_i32 = arith.constant 0 : i32
    %c0_i32_0 = arith.constant 0 : i32
    return %arg0, %c0_i32 : i32, i32
  }
  func.func @transform_1(%arg0: i32) -> (i32, i32) {
    %c0_i32 = arith.constant 0 : i32
    %c0_i32_0 = arith.constant 0 : i32
    return %arg0, %c0_i32 : i32, i32
  }
  func.func @transform_2(%arg0: i32) -> (i32, i32) {
    %c0_i32 = arith.constant 0 : i32
    %c0_i32_0 = arith.constant 0 : i32
    %c0_i32_1 = arith.constant 0 : i32
    return %c0_i32, %c0_i32_0 : i32, i32
  }
  func.func @transform_3(%arg0: i32) -> (i32, i32) {
    %c0_i32 = arith.constant 0 : i32
    %c0_i32_0 = arith.constant 0 : i32
    %c0_i32_1 = arith.constant 0 : i32
    return %c0_i32, %c0_i32_0 : i32, i32
  }
  func.func @transform_4(%arg0: i32) -> (i32, i32) {
    %c0_i32 = arith.constant 0 : i32
    %c0_i32_0 = arith.constant 0 : i32
    return %arg0, %c0_i32 : i32, i32
  }
  func.func @transform_5(%arg0: i32) -> (i32, i32) {
    %c0_i32 = arith.constant 0 : i32
    %c0_i32_0 = arith.constant 0 : i32
    return %arg0, %c0_i32 : i32, i32
  }
}

module attributes {stable_mosaic.version = 14 : i64} {
  func.func @_finalize_body(%arg0: memref<2x10000x128xf32, #tpu.memory_space<vmem>>, %arg1: memref<2x10000x128xf32, #tpu.memory_space<vmem>>, %arg2: memref<10000x128xf32, #tpu.memory_space<vmem>>, %arg3: memref<10000x2x128xf32, #tpu.memory_space<vmem>>) attributes {dimension_semantics = [], scalar_prefetch = 0 : i64, scratch_operands = 0 : i64, tpu.core_type = #tpu.core_type<tc>} {
    %get3A = arith.constant 0 : index
    %get3A_0 = arith.constant 0 : index
    %get3A_1 = arith.constant 0 : index
    %get3A_2 = vector.load %arg0[%get3A, %get3A_0, %get3A_1] : memref<2x10000x128xf32, #tpu.memory_space<vmem>>, vector<1x10000x128xf32>
    %get3A_3 = vector.shape_cast %get3A_2 : vector<1x10000x128xf32> to vector<10000x128xf32>
    %get3A_4 = arith.constant 1 : index
    %get3A_5 = arith.constant 0 : index
    %get3A_6 = arith.constant 0 : index
    %get3A_7 = vector.load %arg0[%get3A_4, %get3A_5, %get3A_6] : memref<2x10000x128xf32, #tpu.memory_space<vmem>>, vector<1x10000x128xf32>
    %get3A_8 = vector.shape_cast %get3A_7 : vector<1x10000x128xf32> to vector<10000x128xf32>
    %add3A = arith.addf %get3A_3, %get3A_8 : vector<10000x128xf32>
    %get3A_9 = arith.constant 0 : index
    %get3A_10 = arith.constant 0 : index
    %get3A_11 = arith.constant 0 : index
    %get3A_12 = vector.load %arg1[%get3A_9, %get3A_10, %get3A_11] : memref<2x10000x128xf32, #tpu.memory_space<vmem>>, vector<1x10000x1xf32>
    %get3A_13 = vector.shape_cast %get3A_12 : vector<1x10000x1xf32> to vector<10000xf32>
    %get3A_14 = arith.constant 1 : index
    %get3A_15 = arith.constant 0 : index
    %get3A_16 = arith.constant 0 : index
    %get3A_17 = vector.load %arg1[%get3A_14, %get3A_15, %get3A_16] : memref<2x10000x128xf32, #tpu.memory_space<vmem>>, vector<1x10000x1xf32>
    %get3A_18 = vector.shape_cast %get3A_17 : vector<1x10000x1xf32> to vector<10000xf32>
    %add3A_19 = arith.addf %get3A_13, %get3A_18 : vector<10000xf32>
    %max3A = arith.constant 1.000000e+00 : f32
    %max3A_20 = vector.broadcast %max3A : f32 to vector<10000xf32>
    %max3A_21 = arith.maximumf %add3A_19, %max3A_20 : vector<10000xf32>
    %broadcast_in_dim3A = vector.shape_cast %max3A_21 : vector<10000xf32> to vector<10000x1xf32>
    %div3A = vector.broadcast %broadcast_in_dim3A : vector<10000x1xf32> to vector<10000x128xf32>
    %div3A_22 = arith.divf %add3A, %div3A : vector<10000x128xf32>
    %get3A_23 = arith.constant 0 : index
    %get3A_24 = arith.constant 0 : index
    %get3A_25 = vector.load %arg2[%get3A_23, %get3A_24] : memref<10000x128xf32, #tpu.memory_space<vmem>>, vector<10000x128xf32>
    %swap3A = arith.constant 0 : index
    %swap3A_26 = arith.constant 0 : index
    %swap3A_27 = arith.constant 0 : index
    %swap3A_28 = vector.load %arg3[%swap3A, %swap3A_26, %swap3A_27] : memref<10000x2x128xf32, #tpu.memory_space<vmem>>, vector<10000x1x128xf32>
    %swap3A_29 = vector.shape_cast %swap3A_28 : vector<10000x1x128xf32> to vector<10000x128xf32>
    %swap3A_30 = vector.shape_cast %get3A_25 : vector<10000x128xf32> to vector<10000x1x128xf32>
    tpu.vector_store %arg3[%swap3A, %swap3A_26, %swap3A_27], %swap3A_30 {strides = array<i32>} : memref<10000x2x128xf32, #tpu.memory_space<vmem>>, vector<10000x1x128xf32>,
    %swap3A_31 = arith.constant 0 : index
    %swap3A_32 = arith.constant 1 : index
    %swap3A_33 = arith.constant 0 : index
    %swap3A_34 = vector.load %arg3[%swap3A_31, %swap3A_32, %swap3A_33] : memref<10000x2x128xf32, #tpu.memory_space<vmem>>, vector<10000x1x128xf32>
    %swap3A_35 = vector.shape_cast %swap3A_34 : vector<10000x1x128xf32> to vector<10000x128xf32>
    %swap3A_36 = vector.shape_cast %div3A_22 : vector<10000x128xf32> to vector<10000x1x128xf32>
    tpu.vector_store %arg3[%swap3A_31, %swap3A_32, %swap3A_33], %swap3A_36 {strides = array<i32>} : memref<10000x2x128xf32, #tpu.memory_space<vmem>>, vector<10000x1x128xf32>,
    return
  }
}

</mosaic_0001>

<sc_bundles>
// kernel: kernel.6.cloned.1.call-start
scs
__scs_entry_jumppad:
0x0: {  	(pc) =	sbr.rel $0x88, $3  }
0x1: {  	(tag) =	ssettag $0x0;
	lr =	simm.s32 $0x1  }
0x2: {  	[smem:$0x3F9C] =	sst lr;
	_ =	strace $0xD0000000  }
0x3: {  	_ = 	snop  }
0x4: {  	_ = 	snop  }
0x5: {  	_ = 	snop  }
0x6: {  	_ = 	snop  }
0x7: {  	_ = 	snop  }
__scs_overlays_trampoline_lowered:
0x8: {  	[smem:$0x3FAB] =	sst s0  }
0x9: {  	[smem:$0x3FAC] =	sst s1  }
0xa: {  	[smem:$0x3FAD] =	sst s2  }
0xb: {  	[smem:$0x3FAE] =	sst s3  }
0xc: {  	[smem:$0x3FAF] =	sst s4  }
0xd: {  	[smem:$0x3FB0] =	sst s5  }
0xe: {  	[smem:$0x3FB1] =	sst s6  }
0xf: {  	[smem:$0x3FB2] =	sst s7  }
0x10: {  	[smem:$0x3FB3] =	sst s8  }
0x11: {  	[smem:$0x3FB4] =	sst s9;
	s0 =	simm.s32 @!p0 $0x0  }
0x12: {  	s1 =	sld [smem:$0x3F9A];
	s0 =	simm.s32 @p0 $0x1  }
0x13: {  	[smem:$0x3FB5] =	sst s0;
	s0 =	simm.s32 @!p1 $0x0  }
0x14: {  	s2 =	sld [smem:$0x3F99];
	s0 =	simm.s32 @p1 $0x1  }
0x15: {  	[smem:$0x3FB6] =	sst s0;
	s0 =	simm.s32 @!p2 $0x0  }
0x16: {  	s3 =	sld [smem:$0x3FDB];
	s0 =	simm.s32 @p2 $0x1  }
0x17: {  	s4 =	simm.s32 $0x1BF5;
	[smem:$0x3FB8] =	sst s0  }
0x18: {  	s0 =	sld [smem:$0x3F9B];
	_ =	swait.ge [sflag:s4], $0x0  }
0x19: {  	s7 =	sld [smem:$0x3F9C]  }
0x1a: {  	s8 =	sadd.s32 $0xFFFFE003, lr  }
0x1b: {  	s9 =	sadd.s32 $0xFFFFFEF7, lr;
	s5 =	simm.s32 $0xFFFFFFFF;
	p2 =	slt.u32 s8, $0xFFFFF086  }
0x1c: {  	p1 =	slt.u32 s9, $0xF7A;
	s5 =	simm.s32 @!p2 $0x0  }
0x1d: {  	s5 =	simm.s32 @p1 $0x1;
	p0 =	seq.s32 s7, s2  }
0x1e: {  	s7 =	smul.u32 @!p0 $0xF7A, s2;
	p2 =	seq.s32 @!p0 s5, $0x0  }
0x1f: {  	s9 =	smul.u32 $0xF7A, s1;
	s8 =	simm.s32 @!p0 $0x1BF5;
	p2 =	por !p2, p0  }
0x20: {  	[sflag:s8] =	ssyncset.s32 @!p0 $0xFFFFF086;
	s6 =	sadd.s32 @!p0 s3, s7;
	s7 =	simm.s32 @!p0 $0x108  }
0x21: {  	s3 =	sadd.s32 s3, s9;
	s6 =	sadd.s32 @!p0 $0x88, s6;
	s7 =	simm.s32 @p2 $0x1082  }
0x22: {  	[simem:s7], [sflag:s8] =	dma.local @!p0 [hbm:s6], $0xF7A  }
0x23: {  	s9 =	sor.u32 $0xD0000000, s2;
	s6 =	simm.s32 $0x108;
	_ =	swait.ge @!p0 [sflag:s8], $0x0  }
0x24: {  	s3 =	sadd.s32 $0x88, s3;
	s6 =	simm.s32 @!p1 $0x1082;
	[sflag:s4] =	ssyncset.s32 $0xFFFFF086  }
0x25: {  	[simem:s6], [sflag:s4] =	dma.local [hbm:s3], $0xF7A  }
0x26: {  	[smem:$0x3F9C] =	sst s1;
	(tag) =	ssettag s2;
	_ =	strace s9  }
0x27: {  	s1 =	sld [smem:$0x3FAC]  }
0x28: {  	s2 =	sld [smem:$0x3FAD]  }
0x29: {  	s4 =	sld [smem:$0x3FAF]  }
0x2a: {  	p0 =	seq.s32 s5, $0x0;
	s5 =	sld [smem:$0x3FB0]  }
0x2b: {  	s6 =	sld [smem:$0x3FB1]  }
0x2c: {  	s7 =	sld [smem:$0x3FB2]  }
0x2d: {  	s3 =	simm.s32 $0x108;
	s8 =	sld [smem:$0x3FB3]  }
0x2e: {  	s3 =	simm.s32 @!p0 $0x1082;
	s9 =	sld [smem:$0x3FB4]  }
0x2f: {  	lr =	sadd.s32 s0, s3;
	s0 =	sld [smem:$0x3FAB]  }
0x30: {  	s3 =	sld [smem:$0x3FAE]  }
0x31: {  	[smem:$0x3FB7] =	sst s10  }
0x32: {  	s10 =	sld [smem:$0x3FB5];
	_ =	sdelay $0x3  }
0x33: {  	p0 =	seq.s32 s10, $0x1;
	s10 =	sld [smem:$0x3FB7];
	_ =	sdelay $0x3  }
0x34: {  	[smem:$0x3FB7] =	sst s10  }
0x35: {  	s10 =	sld [smem:$0x3FB6];
	_ =	sdelay $0x3  }
0x36: {  	p1 =	seq.s32 s10, $0x1;
	s10 =	sld [smem:$0x3FB7];
	_ =	sdelay $0x3  }
0x37: {  	[smem:$0x3FB7] =	sst s10  }
0x38: {  	s10 =	sld [smem:$0x3FB8]  }
0x39: {  	_ = 	snop;
	(pc) =	sbr.ind lr, $3  }
0x3a: {  	_ = 	snop  }
0x3b: {  	_ = 	snop  }
0x3c: {  	p2 =	seq.s32 s10, $0x1;
	s10 =	sld [smem:$0x3FB7]  }
0x3d: {  	_ =	shalt  }
0x3e: {  	_ =	shalt  }
0x3f: {  	_ =	shalt  }
0x40: {  	_ =	shalt  }
0x41: {  	_ =	shalt  }
0x42: {  	_ =	shalt  }
0x43: {  	_ =	shalt  }
0x44: {  	_ =	shalt  }
0x45: {  	_ =	shalt  }
0x46: {  	_ =	shalt  }
0x47: {  	_ =	shalt  }
0x48: {  	_ =	shalt  }
0x49: {  	_ =	shalt  }
0x4a: {  	_ =	shalt  }
0x4b: {  	_ =	shalt  }
0x4c: {  	_ =	shalt  }
0x4d: {  	_ =	shalt  }
0x4e: {  	_ =	shalt  }
0x4f: {  	_ =	shalt  }
0x50: {  	_ =	shalt  }
0x51: {  	_ =	shalt  }
0x52: {  	_ =	shalt  }
0x53: {  	_ =	shalt  }
0x54: {  	_ =	shalt  }
0x55: {  	_ =	shalt  }
0x56: {  	_ =	shalt  }
0x57: {  	_ =	shalt  }
0x58: {  	_ =	shalt  }
0x59: {  	_ =	shalt  }
0x5a: {  	_ =	shalt  }
0x5b: {  	_ =	shalt  }
0x5c: {  	_ =	shalt  }
0x5d: {  	_ =	shalt  }
0x5e: {  	_ =	shalt  }
0x5f: {  	_ =	shalt  }
0x60: {  	_ =	shalt  }
0x61: {  	_ =	shalt  }
0x62: {  	_ =	shalt  }
0x63: {  	_ =	shalt  }
0x64: {  	_ =	shalt  }
0x65: {  	_ =	shalt  }
0x66: {  	_ =	shalt  }
0x67: {  	_ =	shalt  }
0x68: {  	_ =	shalt  }
0x69: {  	_ =	shalt  }
0x6a: {  	_ =	shalt  }
0x6b: {  	_ =	shalt  }
0x6c: {  	_ =	shalt  }
0x6d: {  	_ =	shalt  }
0x6e: {  	_ =	shalt  }
0x6f: {  	_ =	shalt  }
0x70: {  	_ =	shalt  }
0x71: {  	_ =	shalt  }
0x72: {  	_ =	shalt  }
0x73: {  	_ =	shalt  }
0x74: {  	_ =	shalt  }
0x75: {  	_ =	shalt  }
0x76: {  	_ =	shalt  }
0x77: {  	_ =	shalt  }
0x78: {  	_ =	shalt  }
0x79: {  	_ =	shalt  }
0x7a: {  	_ =	shalt  }
0x7b: {  	_ =	shalt  }
0x7c: {  	_ =	shalt  }
0x7d: {  	_ =	shalt  }
0x7e: {  	_ =	shalt  }
0x7f: {  	_ =	shalt  }
0x80: {  	_ =	shalt  }
0x81: {  	_ =	shalt  }
0x82: {  	_ =	shalt  }
0x83: {  	_ =	shalt  }
0x84: {  	_ =	shalt  }
0x85: {  	_ =	shalt  }
0x86: {  	_ =	shalt  }
0x87: {  	_ =	shalt  }
.Lfunc_end0:
.L_simem_size_0:
called_computation_lowered:
.L_overlay_start_0:
0x88: {  	s2 =	sld [smem:$0x3FD9]  }
0x89: {  	s3 =	sld [smem:$0x3FFE];
	_ =	sdelay $0x1  }
0x8a: {  	s1 =	srdreg.scid  }
0x8b: {  	s0 =	sand.u32 $0x1, s1  }
0x8c: {  	s17 =	sshll.u32 s0, $0xA;
	s2 =	sadd.s32 s3, s2  }
0x8d: {  	s2 =	sadd.s32 s2, s17  }
0x8e: {  	[smem:$0x3FC3] =	sst s2  }
0x8f: {  	_ = 	snop  }
0x90: {  	s2 =	sld [smem:$0x3FC8]  }
0x91: {  	s18 =	sld [smem:$0x3FD0];
	(tm) =	ssettm $0x1  }
0x92: {  	s4 =	sld [smem:$0x3FFB];
	_ =	sdelay $0x3  }
0x93: {  	_ =	strace s4  }
0x94: {  	s4 =	sld [smem:$0x3FFC];
	_ =	sdelay $0x3  }
0x95: {  	_ =	strace s4  }
0x96: {  	s4 =	sld [smem:$0x3FFD];
	_ =	sdelay $0x3  }
0x97: {  	_ =	strace s4  }
0x98: {  	_ =	strace $0x8FFFFFFF  }
0x99: {  	s19 =	sld [smem:$0x3FDB];
	_ =	sdelay $0x1  }
0x9a: {  	s5 =	simm.s32 $_scs_section_size  }
0x9b: {  	s6 =	simm.s32 $_size__tile_overlayer_lowered;
	s7 =	simm.s32 $_tile_overlayer_lowered  }
0x9c: {  	s22 =	simm.s32 $0x1BFF;
	s21 =	sshll.u32 s7, $0x1;
	s4 =	sadd.s32 s5, s19  }
0x9d: {  	s8 =	simm.s32 $0x0;
	s20 =	sshll.u32 s6, $0x1;
	s6 =	sadd.s32 s21, s4  }
0x9e: {  	[timem:s8], [sflag:s22] =	dma.local [hbm:s6], s20  }
0x9f: {  	_ =	swait.ge [sflag:s22], s20  }
0xa0: {  	s5 =	ssub.s32 $0x0, s20;
	[sflag:s22] =	ssyncset.done $0x0  }
0xa1: {  	[sflag:s22] =	ssyncadd.s32 s5;
	_ =	sdelay $0x1  }
0xa2: {  	s23 =	simm.s32 $0x1B8B  }
0xa3: {  	_ =	swait.ge [sflag:s23], $0x1  }
0xa4: {  	[sflag:s23] =	ssyncset.done $0x0  }
0xa5: {  	s25 =	simm.s32 $0x1B8E;
	s24 =	sld [smem:$0x3FFE];
	[sflag:s23] =	ssyncadd.s32 $0xFFFFFFFF  }
0xa6: {  	s26 =	simm.s32 $execute0_lowered;
	[smem:$0x3FD2] =	sst s25  }
0xa7: {  	s6 =	sshll.u32 s26, $0x1;
	_ =	strace $0x80000046;
	[dreg:$0x1] =	wrdreg $0xFFFFFFFF  }
0xa8: {  	s28 =	simm.s32 $_size_execute0_lowered;
	s4 =	sadd.s32 s4, s6;
	[dreg:$0x0] =	wrdreg $0x0  }
0xa9: {  	s6 =	sshll.u32 s28, $0x1;
	[dreg:$0x2] =	wrdreg s4  }
0xaa: {  	[dreg:$0x3] =	wrdreg s6  }
0xab: {  	[dreg:$0x4] =	wrdreg $0xC0  }
0xac: {  	_ =	task [dreg:s8], $0x5FFFF  }
0xad: {  	[dreg:$0x1] =	wrdreg $0xFFFFFFFF  }
0xae: {  	[dreg:$0x0] =	wrdreg $0x60  }
0xaf: {  	[dreg:$0x2] =	wrdreg s2  }
0xb0: {  	[dreg:$0x3] =	wrdreg s18  }
0xb1: {  	[dreg:$0x4] =	wrdreg s24  }
0xb2: {  	[dreg:$0x5] =	wrdreg $0x9  }
0xb3: {  	_ =	task.clear_ibuf [dreg:s8], $0x6FFFF;
	_ =	strace $0x90000046  }
0xb4: {  	s29 =	simm.s32 $0x9;
	_ =	strace $0x80000048  }
0xb5: {  	_ =	swait.ge [sflag:s29], $0x1  }
0xb6: {  	[sflag:s29] =	ssyncadd.s32 $0xFFFFFFFF  }
0xb7: {  	_ =	strace $0x90000048  }
0xb8: {  	_ =	sfence  }
0xb9: {  	s30 =	sld [smem:$0x0];
	_ =	sdelay $0x2  }
0xba: {  	s31 =	sshll.u32 s1, $0xD;
	s1 =	sshrl.u32 s1, $0x2  }
0xbb: {  	s3 =	sand.u32 $0x4000, s31;
	s1 =	sadd.s32 s1, s30  }
0xbc: {  	s0 =	sor.u32 s3, s0;
	s1 =	sshll.u32 s1, $0x11  }
0xbd: {  	s0 =	sor.u32 s1, s0  }
0xbe: {  	s0 =	sadd.s32 $0x8F2B, s0  }
0xbf: {  	[sflag:s0] =	ssyncadd.remote.s32 $0x1  }
0xc0: {  	_ =	sfence.sel $0xFFFF  }
0xc1: {  	[dreg:$0x0] =	wrdreg $0xFFFFFFFF;
	(pc) =	sbr.abs _section_cstart, $3  }
0xc2: {  	[dreg:$0x1] =	wrdreg $0xFFFFFFFF  }
0xc3: {  	_ =	task.clear_ibuf [dreg:s8], $0x2FFFF;
	_ =	strace $0x9FFFFFFF  }
0xc4: {  	(tm) =	ssettm $0x7FFFFFFF  }
0xc5: {  	_ =	shalt  }
tec
execute0_lowered:
.L_overlay_start_1:
0x0: {  	(tag) =	ssettag $0x1  }
0x1: {  	s1 =	srdreg.scid;
	s0 =	stileid.u32  }
0x2: {  	s15 =	sand.u32 $0x1, s1;
	s5 =	sshll.u32 s0, $0x1  }
0x3: {  	s16 =	sor.u32 s15, s5  }
0x4: {  	p0 =	sgt.u32 s16, $0x18  }
.Ltmp0:
0x5: {  	s18 =	rddreg [dreg:$0x0];
	(pc) =	sbr.rel @p0 .LBB2_13-.Ltmp0, $4  }
0x6: {  	s2 =	rddreg [dreg:$0x1]  }
0x7: {  	s4 =	rddreg [dreg:$0x2];
	s3 =	simm.s32 $0x0  }
0x8: {  	[smem:$0x7FF] =	sst s3  }
0x9: {  	s1 =	rddreg [dreg:$0x3];
	_ =	strace $0x80000047  }
0xa: {  	s13 =	smul.u32 $0x190, s16  }
0xb: {  	s5 =	smul.u32 $0x1900, s16  }
0xc: {  	s17 =	sadd.s32 $0x1A00, s4;
	s19 =	sadd.s32 $0x28C00, s4;
	s22 =	ssub.s32 $0x2, s15  }
0xd: {  	s23 =	smul.u32 $0x32, s16;
	s24 =	simm.s32 $0x0;
	s30 =	sshrl.u32 s22, $0x1  }
0xe: {  	s7 =	sadd.s32 $0x50, s13;
	s4 =	sadd.s32 s17, s5;
	s5 =	sadd.s32 s19, s5  }
0xf: {  	s10 =	sadd.s32 $0xA0, s13;
	s14 =	sadd.s32 $0xF0, s13;
	s20 =	sadd.s32 $0x140, s13  }
0x10: {  	s31 =	ssub.s32 s22, s30;
	s22 =	simm.s32 $0x50;
	s6 =	sshrl.u32 s7, $0x3  }
0x11: {  	s8 =	sshll.u32 s7, $0x4;
	s9 =	sshrl.u32 s10, $0x3;
	s11 =	sshll.u32 s10, $0x4  }
0x12: {  	s12 =	sshrl.u32 s14, $0x3;
	s14 =	sshll.u32 s14, $0x4;
	s21 =	sshrl.u32 s20, $0x3  }
0x13: {  	s20 =	sshll.u32 s20, $0x4;
	s6 =	sadd.s32 s18, s6;
	s7 =	sadd.s32 s17, s8  }
0x14: {  	s8 =	sadd.s32 s19, s8;
	s9 =	sadd.s32 s18, s9;
	s10 =	sadd.s32 s17, s11  }
0x15: {  	s11 =	sadd.s32 s19, s11;
	s12 =	sadd.s32 s18, s12;
	s13 =	sadd.s32 s17, s14  }
0x16: {  	s14 =	sadd.s32 s19, s14;
	s15 =	sadd.s32 s18, s21;
	s16 =	sadd.s32 s17, s20  }
0x17: {  	s17 =	sadd.s32 s19, s20;
	s18 =	sadd.s32 s18, s23;
	s19 =	smax.u32 s31, $0x1  }
0x18: {  	s20 =	simm.s32 $0x1;
	s21 =	simm.s32 $0x2880;
	s23 =	simm.s32 $0x80  }
.LBB2_2:
0x19: {  	s25 =	simm.s32 $0x0  }
0x1a: {  	[tilespmem:s25], [sflag:$0x1] =	stream.linear.gather [hbm4b:s18+s25], $0x50, $0x38;
	[tilespmem:$0x5080] =	vst v63  }
0x1b: {  	_ =	swait.ge [sflag:s20], $0x50  }
0x1c: {  	[sflag:s20] =	ssyncset.done $0x0  }
0x1d: {  	[sflag:s20] =	ssyncadd.s32 $0xFFFFFFB0  }
0x1e: {  	[tilespmem:s21], [sflag:$0x1] =	stream.linear.gather [hbm4b:s4+s25], $0x2800, $0x38;
	[tilespmem:$0x5080] =	vst v63  }
0x1f: {  	_ =	swait.ge [sflag:s20], $0x2800  }
0x20: {  	[sflag:s20] =	ssyncset.done $0x0  }
0x21: {  	[sflag:s20] =	ssyncadd.s32 $0xFFFFD800  }
0x22: {  	[tilespmem:s23], [sflag:$0x1] =	stream.indirect.gather [hbm4b:s2+s22], $0x80, s25, s22, $0xb8;
	[tilespmem:$0x5080] =	vst v63  }
0x23: {  	_ =	swait.ge [sflag:s20], $0x2800  }
0x24: {  	[sflag:s20] =	ssyncset.done $0x0  }
0x25: {  	s25 =	simm.s32 $0x0;
	[sflag:s20] =	ssyncadd.s32 $0xFFFFD800  }
0x26: {  	v7 =	vld [tilespmem:s25+$0x2880]  }
0x27: {  	v11 =	vld [tilespmem:s25+$0x2890]  }
0x28: {  	v5 =	vld [tilespmem:s25+$0x28A0]  }
0x29: {  	v4 =	vld [tilespmem:s25+$0x28B0]  }
0x2a: {  	v3 =	vld [tilespmem:s25+$0x28C0]  }
0x2b: {  	v2 =	vld [tilespmem:s25+$0x28D0]  }
0x2c: {  	v1 =	vld [tilespmem:s25+$0x28E0]  }
0x2d: {  	v0 =	vld [tilespmem:s25+$0x28F0]  }
0x2e: {  	v12 =	vld [tilespmem:s25+$0x80]  }
0x2f: {  	v13 =	vld [tilespmem:s25+$0x90]  }
0x30: {  	v10 =	vld [tilespmem:s25+$0xA0]  }
0x31: {  	v9 =	vld [tilespmem:s25+$0xB0]  }
0x32: {  	v8 =	vld [tilespmem:s25+$0xC0]  }
0x33: {  	v6 =	vld [tilespmem:s25+$0xD0];
	v12 =	vadd.f32 v7, v12  }
0x34: {  	s26 =	simm.s32 $0x200;
	v11 =	vadd.f32 v11, v13;
	v7 =	vld [tilespmem:s25+$0xE0]  }
.LBB2_3:
0x35: {  	s28 =	sshra.s32 s26, $0x2;
	p0 =	sne.s32 s26, $0x9E00;
	[tilespmem:s25+$0x80] =	vst v12;
	v5 =	vadd.f32 v5, v10;
	v10 =	vld [tilespmem:s25+$0xF0]  }
0x36: {  	v12 =	vld [tilespmem:s28+$0x2880];
	[tilespmem:s25+$0x90] =	vst v11;
	v4 =	vadd.f32 v4, v9  }
0x37: {  	v11 =	vld [tilespmem:s28+$0x2890];
	[tilespmem:s25+$0xA0] =	vst v5;
	v3 =	vadd.f32 v3, v8  }
0x38: {  	v5 =	vld [tilespmem:s28+$0x28A0];
	[tilespmem:s25+$0xB0] =	vst v4;
	v2 =	vadd.f32 v2, v6  }
0x39: {  	v4 =	vld [tilespmem:s28+$0x28B0];
	[tilespmem:s25+$0xC0] =	vst v3;
	v1 =	vadd.f32 v1, v7  }
0x3a: {  	v3 =	vld [tilespmem:s28+$0x28C0];
	[tilespmem:s25+$0xD0] =	vst v2;
	v0 =	vadd.f32 v0, v10  }
0x3b: {  	v2 =	vld [tilespmem:s28+$0x28D0];
	[tilespmem:s25+$0xE0] =	vst v1  }
0x3c: {  	v1 =	vld [tilespmem:s28+$0x28E0];
	[tilespmem:s25+$0xF0] =	vst v0;
	s25 =	smov.u32 s28  }
0x3d: {  	v0 =	vld [tilespmem:s25+$0x28F0]  }
0x3e: {  	v6 =	vld [tilespmem:s25+$0x80]  }
0x3f: {  	v7 =	vld [tilespmem:s25+$0x90]  }
.Ltmp1:
0x40: {  	v10 =	vld [tilespmem:s25+$0xA0];
	(pc) =	sbr.rel @p0 .LBB2_3-.Ltmp1, $4  }
0x41: {  	v9 =	vld [tilespmem:s25+$0xB0]  }
0x42: {  	v8 =	vld [tilespmem:s25+$0xC0]  }
0x43: {  	v12 =	vadd.f32 v12, v6;
	v6 =	vld [tilespmem:s25+$0xD0]  }
0x44: {  	s26 =	sadd.s32 $0x200, s26;
	v11 =	vadd.f32 v11, v7;
	v7 =	vld [tilespmem:s25+$0xE0]  }
0x45: {  	[tilespmem:s25+$0x80] =	vst v12;
	v5 =	vadd.f32 v5, v10;
	v10 =	vld [tilespmem:s25+$0xF0]  }
0x46: {  	[tilespmem:s25+$0x90] =	vst v11;
	v4 =	vadd.f32 v4, v9  }
0x47: {  	[tilespmem:s25+$0xA0] =	vst v5;
	v3 =	vadd.f32 v3, v8  }
0x48: {  	[tilespmem:s25+$0xB0] =	vst v4;
	v2 =	vadd.f32 v2, v6  }
0x49: {  	[tilespmem:s25+$0xC0] =	vst v3;
	v1 =	vadd.f32 v1, v7  }
0x4a: {  	[tilespmem:s25+$0xD0] =	vst v2;
	v0 =	vadd.f32 v0, v10  }
0x4b: {  	[tilespmem:s25+$0xE0] =	vst v1  }
0x4c: {  	s31 =	simm.s32 $0x0;
	[tilespmem:s25+$0xF0] =	vst v0  }
0x4d: {  	[hbm4b:s5+s31] =	stream.linear.scatter [tilespmem:s23], [sflag:$0x1], $0x2800, $0x38;
	[tilespmem:$0x5080] =	vst v63  }
0x4e: {  	_ =	swait.ge [sflag:s20], $0x2800  }
0x4f: {  	[sflag:s20] =	ssyncset.done $0x0  }
0x50: {  	[sflag:s20] =	ssyncadd.s32 $0xFFFFD800  }
0x51: {  	[tilespmem:s31], [sflag:$0x1] =	stream.linear.gather [hbm4b:s6+s31], $0x50, $0x38;
	[tilespmem:$0x5080] =	vst v63  }
0x52: {  	_ =	swait.ge [sflag:s20], $0x50  }
0x53: {  	[sflag:s20] =	ssyncset.done $0x0  }
0x54: {  	[sflag:s20] =	ssyncadd.s32 $0xFFFFFFB0  }
0x55: {  	[tilespmem:s21], [sflag:$0x1] =	stream.linear.gather [hbm4b:s7+s31], $0x2800, $0x38;
	[tilespmem:$0x5080] =	vst v63  }
0x56: {  	_ =	swait.ge [sflag:s20], $0x2800  }
0x57: {  	[sflag:s20] =	ssyncset.done $0x0  }
0x58: {  	[sflag:s20] =	ssyncadd.s32 $0xFFFFD800  }
0x59: {  	[tilespmem:s23], [sflag:$0x1] =	stream.indirect.gather [hbm4b:s2+s22], $0x80, s31, s22, $0xb8;
	[tilespmem:$0x5080] =	vst v63  }
0x5a: {  	_ =	swait.ge [sflag:s20], $0x2800  }
0x5b: {  	[sflag:s20] =	ssyncset.done $0x0  }
0x5c: {  	s25 =	simm.s32 $0x0;
	[sflag:s20] =	ssyncadd.s32 $0xFFFFD800  }
0x5d: {  	v7 =	vld [tilespmem:s25+$0x2880]  }
0x5e: {  	v11 =	vld [tilespmem:s25+$0x2890]  }
0x5f: {  	v5 =	vld [tilespmem:s25+$0x28A0]  }
0x60: {  	v4 =	vld [tilespmem:s25+$0x28B0]  }
0x61: {  	v3 =	vld [tilespmem:s25+$0x28C0]  }
0x62: {  	v2 =	vld [tilespmem:s25+$0x28D0]  }
0x63: {  	v1 =	vld [tilespmem:s25+$0x28E0]  }
0x64: {  	v0 =	vld [tilespmem:s25+$0x28F0]  }
0x65: {  	v12 =	vld [tilespmem:s25+$0x80]  }
0x66: {  	v13 =	vld [tilespmem:s25+$0x90]  }
0x67: {  	v10 =	vld [tilespmem:s25+$0xA0]  }
0x68: {  	v9 =	vld [tilespmem:s25+$0xB0]  }
0x69: {  	v8 =	vld [tilespmem:s25+$0xC0]  }
0x6a: {  	v6 =	vld [tilespmem:s25+$0xD0];
	v12 =	vadd.f32 v7, v12  }
0x6b: {  	s26 =	simm.s32 $0x200;
	v11 =	vadd.f32 v11, v13;
	v7 =	vld [tilespmem:s25+$0xE0]  }
.LBB2_5:
0x6c: {  	s28 =	sshra.s32 s26, $0x2;
	p0 =	sne.s32 s26, $0x9E00;
	[tilespmem:s25+$0x80] =	vst v12;
	v5 =	vadd.f32 v5, v10;
	v10 =	vld [tilespmem:s25+$0xF0]  }
0x6d: {  	v12 =	vld [tilespmem:s28+$0x2880];
	[tilespmem:s25+$0x90] =	vst v11;
	v4 =	vadd.f32 v4, v9  }
0x6e: {  	v11 =	vld [tilespmem:s28+$0x2890];
	[tilespmem:s25+$0xA0] =	vst v5;
	v3 =	vadd.f32 v3, v8  }
0x6f: {  	v5 =	vld [tilespmem:s28+$0x28A0];
	[tilespmem:s25+$0xB0] =	vst v4;
	v2 =	vadd.f32 v2, v6  }
0x70: {  	v4 =	vld [tilespmem:s28+$0x28B0];
	[tilespmem:s25+$0xC0] =	vst v3;
	v1 =	vadd.f32 v1, v7  }
0x71: {  	v3 =	vld [tilespmem:s28+$0x28C0];
	[tilespmem:s25+$0xD0] =	vst v2;
	v0 =	vadd.f32 v0, v10  }
0x72: {  	v2 =	vld [tilespmem:s28+$0x28D0];
	[tilespmem:s25+$0xE0] =	vst v1  }
0x73: {  	v1 =	vld [tilespmem:s28+$0x28E0];
	[tilespmem:s25+$0xF0] =	vst v0;
	s25 =	smov.u32 s28  }
0x74: {  	v0 =	vld [tilespmem:s25+$0x28F0]  }
0x75: {  	v6 =	vld [tilespmem:s25+$0x80]  }
0x76: {  	v7 =	vld [tilespmem:s25+$0x90]  }
.Ltmp2:
0x77: {  	v10 =	vld [tilespmem:s25+$0xA0];
	(pc) =	sbr.rel @p0 .LBB2_5-.Ltmp2, $4  }
0x78: {  	v9 =	vld [tilespmem:s25+$0xB0]  }
0x79: {  	v8 =	vld [tilespmem:s25+$0xC0]  }
0x7a: {  	v12 =	vadd.f32 v12, v6;
	v6 =	vld [tilespmem:s25+$0xD0]  }
0x7b: {  	s26 =	sadd.s32 $0x200, s26;
	v11 =	vadd.f32 v11, v7;
	v7 =	vld [tilespmem:s25+$0xE0]  }
0x7c: {  	[tilespmem:s25+$0x80] =	vst v12;
	v5 =	vadd.f32 v5, v10;
	v10 =	vld [tilespmem:s25+$0xF0]  }
0x7d: {  	[tilespmem:s25+$0x90] =	vst v11;
	v4 =	vadd.f32 v4, v9  }
0x7e: {  	[tilespmem:s25+$0xA0] =	vst v5;
	v3 =	vadd.f32 v3, v8  }
0x7f: {  	[tilespmem:s25+$0xB0] =	vst v4;
	v2 =	vadd.f32 v2, v6  }
0x80: {  	[tilespmem:s25+$0xC0] =	vst v3;
	v1 =	vadd.f32 v1, v7  }
0x81: {  	[tilespmem:s25+$0xD0] =	vst v2;
	v0 =	vadd.f32 v0, v10  }
0x82: {  	[tilespmem:s25+$0xE0] =	vst v1  }
0x83: {  	s31 =	simm.s32 $0x0;
	[tilespmem:s25+$0xF0] =	vst v0  }
0x84: {  	[hbm4b:s8+s31] =	stream.linear.scatter [tilespmem:s23], [sflag:$0x1], $0x2800, $0x38;
	[tilespmem:$0x5080] =	vst v63  }
0x85: {  	_ =	swait.ge [sflag:s20], $0x2800  }
0x86: {  	[sflag:s20] =	ssyncset.done $0x0  }
0x87: {  	[sflag:s20] =	ssyncadd.s32 $0xFFFFD800  }
0x88: {  	[tilespmem:s31], [sflag:$0x1] =	stream.linear.gather [hbm4b:s9+s31], $0x50, $0x38;
	[tilespmem:$0x5080] =	vst v63  }
0x89: {  	_ =	swait.ge [sflag:s20], $0x50  }
0x8a: {  	[sflag:s20] =	ssyncset.done $0x0  }
0x8b: {  	[sflag:s20] =	ssyncadd.s32 $0xFFFFFFB0  }
0x8c: {  	[tilespmem:s21], [sflag:$0x1] =	stream.linear.gather [hbm4b:s10+s31], $0x2800, $0x38;
	[tilespmem:$0x5080] =	vst v63  }
0x8d: {  	_ =	swait.ge [sflag:s20], $0x2800  }
0x8e: {  	[sflag:s20] =	ssyncset.done $0x0  }
0x8f: {  	[sflag:s20] =	ssyncadd.s32 $0xFFFFD800  }
0x90: {  	[tilespmem:s23], [sflag:$0x1] =	stream.indirect.gather [hbm4b:s2+s22], $0x80, s31, s22, $0xb8;
	[tilespmem:$0x5080] =	vst v63  }
0x91: {  	_ =	swait.ge [sflag:s20], $0x2800  }
0x92: {  	[sflag:s20] =	ssyncset.done $0x0  }
0x93: {  	s25 =	simm.s32 $0x0;
	[sflag:s20] =	ssyncadd.s32 $0xFFFFD800  }
0x94: {  	v7 =	vld [tilespmem:s25+$0x2880]  }
0x95: {  	v11 =	vld [tilespmem:s25+$0x2890]  }
0x96: {  	v5 =	vld [tilespmem:s25+$0x28A0]  }
0x97: {  	v4 =	vld [tilespmem:s25+$0x28B0]  }
0x98: {  	v3 =	vld [tilespmem:s25+$0x28C0]  }
0x99: {  	v2 =	vld [tilespmem:s25+$0x28D0]  }
0x9a: {  	v1 =	vld [tilespmem:s25+$0x28E0]  }
0x9b: {  	v0 =	vld [tilespmem:s25+$0x28F0]  }
0x9c: {  	v12 =	vld [tilespmem:s25+$0x80]  }
0x9d: {  	v13 =	vld [tilespmem:s25+$0x90]  }
0x9e: {  	v10 =	vld [tilespmem:s25+$0xA0]  }
0x9f: {  	v9 =	vld [tilespmem:s25+$0xB0]  }
0xa0: {  	v8 =	vld [tilespmem:s25+$0xC0]  }
0xa1: {  	v6 =	vld [tilespmem:s25+$0xD0];
	v12 =	vadd.f32 v7, v12  }
0xa2: {  	s26 =	simm.s32 $0x200;
	v11 =	vadd.f32 v11, v13;
	v7 =	vld [tilespmem:s25+$0xE0]  }
.LBB2_7:
0xa3: {  	s28 =	sshra.s32 s26, $0x2;
	p0 =	sne.s32 s26, $0x9E00;
	[tilespmem:s25+$0x80] =	vst v12;
	v5 =	vadd.f32 v5, v10;
	v10 =	vld [tilespmem:s25+$0xF0]  }
0xa4: {  	v12 =	vld [tilespmem:s28+$0x2880];
	[tilespmem:s25+$0x90] =	vst v11;
	v4 =	vadd.f32 v4, v9  }
0xa5: {  	v11 =	vld [tilespmem:s28+$0x2890];
	[tilespmem:s25+$0xA0] =	vst v5;
	v3 =	vadd.f32 v3, v8  }
0xa6: {  	v5 =	vld [tilespmem:s28+$0x28A0];
	[tilespmem:s25+$0xB0] =	vst v4;
	v2 =	vadd.f32 v2, v6  }
0xa7: {  	v4 =	vld [tilespmem:s28+$0x28B0];
	[tilespmem:s25+$0xC0] =	vst v3;
	v1 =	vadd.f32 v1, v7  }
0xa8: {  	v3 =	vld [tilespmem:s28+$0x28C0];
	[tilespmem:s25+$0xD0] =	vst v2;
	v0 =	vadd.f32 v0, v10  }
0xa9: {  	v2 =	vld [tilespmem:s28+$0x28D0];
	[tilespmem:s25+$0xE0] =	vst v1  }
0xaa: {  	v1 =	vld [tilespmem:s28+$0x28E0];
	[tilespmem:s25+$0xF0] =	vst v0;
	s25 =	smov.u32 s28  }
0xab: {  	v0 =	vld [tilespmem:s25+$0x28F0]  }
0xac: {  	v6 =	vld [tilespmem:s25+$0x80]  }
0xad: {  	v7 =	vld [tilespmem:s25+$0x90]  }
.Ltmp3:
0xae: {  	v10 =	vld [tilespmem:s25+$0xA0];
	(pc) =	sbr.rel @p0 .LBB2_7-.Ltmp3, $4  }
0xaf: {  	v9 =	vld [tilespmem:s25+$0xB0]  }
0xb0: {  	v8 =	vld [tilespmem:s25+$0xC0]  }
0xb1: {  	v12 =	vadd.f32 v12, v6;
	v6 =	vld [tilespmem:s25+$0xD0]  }
0xb2: {  	s26 =	sadd.s32 $0x200, s26;
	v11 =	vadd.f32 v11, v7;
	v7 =	vld [tilespmem:s25+$0xE0]  }
0xb3: {  	[tilespmem:s25+$0x80] =	vst v12;
	v5 =	vadd.f32 v5, v10;
	v10 =	vld [tilespmem:s25+$0xF0]  }
0xb4: {  	[tilespmem:s25+$0x90] =	vst v11;
	v4 =	vadd.f32 v4, v9  }
0xb5: {  	[tilespmem:s25+$0xA0] =	vst v5;
	v3 =	vadd.f32 v3, v8  }
0xb6: {  	[tilespmem:s25+$0xB0] =	vst v4;
	v2 =	vadd.f32 v2, v6  }
0xb7: {  	[tilespmem:s25+$0xC0] =	vst v3;
	v1 =	vadd.f32 v1, v7  }
0xb8: {  	[tilespmem:s25+$0xD0] =	vst v2;
	v0 =	vadd.f32 v0, v10  }
0xb9: {  	[tilespmem:s25+$0xE0] =	vst v1  }
0xba: {  	s31 =	simm.s32 $0x0;
	[tilespmem:s25+$0xF0] =	vst v0  }
0xbb: {  	[hbm4b:s11+s31] =	stream.linear.scatter [tilespmem:s23], [sflag:$0x1], $0x2800, $0x38;
	[tilespmem:$0x5080] =	vst v63  }
0xbc: {  	_ =	swait.ge [sflag:s20], $0x2800  }
0xbd: {  	[sflag:s20] =	ssyncset.done $0x0  }
0xbe: {  	[sflag:s20] =	ssyncadd.s32 $0xFFFFD800  }
0xbf: {  	[tilespmem:s31], [sflag:$0x1] =	stream.linear.gather [hbm4b:s12+s31], $0x50, $0x38;
	[tilespmem:$0x5080] =	vst v63  }
0xc0: {  	_ =	swait.ge [sflag:s20], $0x50  }
0xc1: {  	[sflag:s20] =	ssyncset.done $0x0  }
0xc2: {  	[sflag:s20] =	ssyncadd.s32 $0xFFFFFFB0  }
0xc3: {  	[tilespmem:s21], [sflag:$0x1] =	stream.linear.gather [hbm4b:s13+s31], $0x2800, $0x38;
	[tilespmem:$0x5080] =	vst v63  }
0xc4: {  	_ =	swait.ge [sflag:s20], $0x2800  }
0xc5: {  	[sflag:s20] =	ssyncset.done $0x0  }
0xc6: {  	[sflag:s20] =	ssyncadd.s32 $0xFFFFD800  }
0xc7: {  	[tilespmem:s23], [sflag:$0x1] =	stream.indirect.gather [hbm4b:s2+s22], $0x80, s31, s22, $0xb8;
	[tilespmem:$0x5080] =	vst v63  }
0xc8: {  	_ =	swait.ge [sflag:s20], $0x2800  }
0xc9: {  	[sflag:s20] =	ssyncset.done $0x0  }
0xca: {  	s25 =	simm.s32 $0x0;
	[sflag:s20] =	ssyncadd.s32 $0xFFFFD800  }
0xcb: {  	v7 =	vld [tilespmem:s25+$0x2880]  }
0xcc: {  	v11 =	vld [tilespmem:s25+$0x2890]  }
0xcd: {  	v5 =	vld [tilespmem:s25+$0x28A0]  }
0xce: {  	v4 =	vld [tilespmem:s25+$0x28B0]  }
0xcf: {  	v3 =	vld [tilespmem:s25+$0x28C0]  }
0xd0: {  	v2 =	vld [tilespmem:s25+$0x28D0]  }
0xd1: {  	v1 =	vld [tilespmem:s25+$0x28E0]  }
0xd2: {  	v0 =	vld [tilespmem:s25+$0x28F0]  }
0xd3: {  	v12 =	vld [tilespmem:s25+$0x80]  }
0xd4: {  	v13 =	vld [tilespmem:s25+$0x90]  }
0xd5: {  	v10 =	vld [tilespmem:s25+$0xA0]  }
0xd6: {  	v9 =	vld [tilespmem:s25+$0xB0]  }
0xd7: {  	v8 =	vld [tilespmem:s25+$0xC0]  }
0xd8: {  	v6 =	vld [tilespmem:s25+$0xD0];
	v12 =	vadd.f32 v7, v12  }
0xd9: {  	s26 =	simm.s32 $0x200;
	v11 =	vadd.f32 v11, v13;
	v7 =	vld [tilespmem:s25+$0xE0]  }
.LBB2_9:
0xda: {  	s28 =	sshra.s32 s26, $0x2;
	p0 =	sne.s32 s26, $0x9E00;
	[tilespmem:s25+$0x80] =	vst v12;
	v5 =	vadd.f32 v5, v10;
	v10 =	vld [tilespmem:s25+$0xF0]  }
0xdb: {  	v12 =	vld [tilespmem:s28+$0x2880];
	[tilespmem:s25+$0x90] =	vst v11;
	v4 =	vadd.f32 v4, v9  }
0xdc: {  	v11 =	vld [tilespmem:s28+$0x2890];
	[tilespmem:s25+$0xA0] =	vst v5;
	v3 =	vadd.f32 v3, v8  }
0xdd: {  	v5 =	vld [tilespmem:s28+$0x28A0];
	[tilespmem:s25+$0xB0] =	vst v4;
	v2 =	vadd.f32 v2, v6  }
0xde: {  	v4 =	vld [tilespmem:s28+$0x28B0];
	[tilespmem:s25+$0xC0] =	vst v3;
	v1 =	vadd.f32 v1, v7  }
0xdf: {  	v3 =	vld [tilespmem:s28+$0x28C0];
	[tilespmem:s25+$0xD0] =	vst v2;
	v0 =	vadd.f32 v0, v10  }
0xe0: {  	v2 =	vld [tilespmem:s28+$0x28D0];
	[tilespmem:s25+$0xE0] =	vst v1  }
0xe1: {  	v1 =	vld [tilespmem:s28+$0x28E0];
	[tilespmem:s25+$0xF0] =	vst v0;
	s25 =	smov.u32 s28  }
0xe2: {  	v0 =	vld [tilespmem:s25+$0x28F0]  }
0xe3: {  	v6 =	vld [tilespmem:s25+$0x80]  }
0xe4: {  	v7 =	vld [tilespmem:s25+$0x90]  }
.Ltmp4:
0xe5: {  	v10 =	vld [tilespmem:s25+$0xA0];
	(pc) =	sbr.rel @p0 .LBB2_9-.Ltmp4, $4  }
0xe6: {  	v9 =	vld [tilespmem:s25+$0xB0]  }
0xe7: {  	v8 =	vld [tilespmem:s25+$0xC0]  }
0xe8: {  	v12 =	vadd.f32 v12, v6;
	v6 =	vld [tilespmem:s25+$0xD0]  }
0xe9: {  	s26 =	sadd.s32 $0x200, s26;
	v11 =	vadd.f32 v11, v7;
	v7 =	vld [tilespmem:s25+$0xE0]  }
0xea: {  	[tilespmem:s25+$0x80] =	vst v12;
	v5 =	vadd.f32 v5, v10;
	v10 =	vld [tilespmem:s25+$0xF0]  }
0xeb: {  	[tilespmem:s25+$0x90] =	vst v11;
	v4 =	vadd.f32 v4, v9  }
0xec: {  	[tilespmem:s25+$0xA0] =	vst v5;
	v3 =	vadd.f32 v3, v8  }
0xed: {  	[tilespmem:s25+$0xB0] =	vst v4;
	v2 =	vadd.f32 v2, v6  }
0xee: {  	[tilespmem:s25+$0xC0] =	vst v3;
	v1 =	vadd.f32 v1, v7  }
0xef: {  	[tilespmem:s25+$0xD0] =	vst v2;
	v0 =	vadd.f32 v0, v10  }
0xf0: {  	[tilespmem:s25+$0xE0] =	vst v1  }
0xf1: {  	s31 =	simm.s32 $0x0;
	[tilespmem:s25+$0xF0] =	vst v0  }
0xf2: {  	[hbm4b:s14+s31] =	stream.linear.scatter [tilespmem:s23], [sflag:$0x1], $0x2800, $0x38;
	[tilespmem:$0x5080] =	vst v63  }
0xf3: {  	_ =	swait.ge [sflag:s20], $0x2800  }
0xf4: {  	[sflag:s20] =	ssyncset.done $0x0  }
0xf5: {  	[sflag:s20] =	ssyncadd.s32 $0xFFFFD800  }
0xf6: {  	[tilespmem:s31], [sflag:$0x1] =	stream.linear.gather [hbm4b:s15+s31], $0x50, $0x38;
	[tilespmem:$0x5080] =	vst v63  }
0xf7: {  	_ =	swait.ge [sflag:s20], $0x50  }
0xf8: {  	[sflag:s20] =	ssyncset.done $0x0  }
0xf9: {  	[sflag:s20] =	ssyncadd.s32 $0xFFFFFFB0  }
0xfa: {  	[tilespmem:s21], [sflag:$0x1] =	stream.linear.gather [hbm4b:s16+s31], $0x2800, $0x38;
	[tilespmem:$0x5080] =	vst v63  }
0xfb: {  	_ =	swait.ge [sflag:s20], $0x2800  }
0xfc: {  	[sflag:s20] =	ssyncset.done $0x0  }
0xfd: {  	[sflag:s20] =	ssyncadd.s32 $0xFFFFD800  }
0xfe: {  	[tilespmem:s23], [sflag:$0x1] =	stream.indirect.gather [hbm4b:s2+s22], $0x80, s31, s22, $0xb8;
	[tilespmem:$0x5080] =	vst v63  }
0xff: {  	_ =	swait.ge [sflag:s20], $0x2800  }
0x100: {  	[sflag:s20] =	ssyncset.done $0x0  }
0x101: {  	s25 =	simm.s32 $0x0;
	[sflag:s20] =	ssyncadd.s32 $0xFFFFD800  }
0x102: {  	v7 =	vld [tilespmem:s25+$0x2880]  }
0x103: {  	v11 =	vld [tilespmem:s25+$0x2890]  }
0x104: {  	v5 =	vld [tilespmem:s25+$0x28A0]  }
0x105: {  	v4 =	vld [tilespmem:s25+$0x28B0]  }
0x106: {  	v3 =	vld [tilespmem:s25+$0x28C0]  }
0x107: {  	v2 =	vld [tilespmem:s25+$0x28D0]  }
0x108: {  	v1 =	vld [tilespmem:s25+$0x28E0]  }
0x109: {  	v0 =	vld [tilespmem:s25+$0x28F0]  }
0x10a: {  	v12 =	vld [tilespmem:s25+$0x80]  }
0x10b: {  	v13 =	vld [tilespmem:s25+$0x90]  }
0x10c: {  	v10 =	vld [tilespmem:s25+$0xA0]  }
0x10d: {  	v9 =	vld [tilespmem:s25+$0xB0]  }
0x10e: {  	v8 =	vld [tilespmem:s25+$0xC0]  }
0x10f: {  	v6 =	vld [tilespmem:s25+$0xD0];
	v12 =	vadd.f32 v7, v12  }
0x110: {  	s26 =	simm.s32 $0x200;
	v11 =	vadd.f32 v11, v13;
	v7 =	vld [tilespmem:s25+$0xE0]  }
.LBB2_11:
0x111: {  	s28 =	sshra.s32 s26, $0x2;
	p0 =	sne.s32 s26, $0x9E00;
	[tilespmem:s25+$0x80] =	vst v12;
	v5 =	vadd.f32 v5, v10;
	v10 =	vld [tilespmem:s25+$0xF0]  }
0x112: {  	v12 =	vld [tilespmem:s28+$0x2880];
	[tilespmem:s25+$0x90] =	vst v11;
	v4 =	vadd.f32 v4, v9  }
0x113: {  	v11 =	vld [tilespmem:s28+$0x2890];
	[tilespmem:s25+$0xA0] =	vst v5;
	v3 =	vadd.f32 v3, v8  }
0x114: {  	v5 =	vld [tilespmem:s28+$0x28A0];
	[tilespmem:s25+$0xB0] =	vst v4;
	v2 =	vadd.f32 v2, v6  }
0x115: {  	v4 =	vld [tilespmem:s28+$0x28B0];
	[tilespmem:s25+$0xC0] =	vst v3;
	v1 =	vadd.f32 v1, v7  }
0x116: {  	v3 =	vld [tilespmem:s28+$0x28C0];
	[tilespmem:s25+$0xD0] =	vst v2;
	v0 =	vadd.f32 v0, v10  }
0x117: {  	v2 =	vld [tilespmem:s28+$0x28D0];
	[tilespmem:s25+$0xE0] =	vst v1  }
0x118: {  	v1 =	vld [tilespmem:s28+$0x28E0];
	[tilespmem:s25+$0xF0] =	vst v0;
	s25 =	smov.u32 s28  }
0x119: {  	v0 =	vld [tilespmem:s25+$0x28F0]  }
0x11a: {  	v6 =	vld [tilespmem:s25+$0x80]  }
0x11b: {  	v7 =	vld [tilespmem:s25+$0x90]  }
.Ltmp5:
0x11c: {  	v10 =	vld [tilespmem:s25+$0xA0];
	(pc) =	sbr.rel @p0 .LBB2_11-.Ltmp5, $4  }
0x11d: {  	v9 =	vld [tilespmem:s25+$0xB0]  }
0x11e: {  	v8 =	vld [tilespmem:s25+$0xC0]  }
0x11f: {  	v12 =	vadd.f32 v12, v6;
	v6 =	vld [tilespmem:s25+$0xD0]  }
0x120: {  	s26 =	sadd.s32 $0x200, s26;
	v11 =	vadd.f32 v11, v7;
	v7 =	vld [tilespmem:s25+$0xE0]  }
0x121: {  	[tilespmem:s25+$0x80] =	vst v12;
	v5 =	vadd.f32 v5, v10;
	v63 =	vld [tilespmem:s25+$0xF0]  }
0x122: {  	[tilespmem:s25+$0x90] =	vst v11;
	v4 =	vadd.f32 v4, v9  }
0x123: {  	[tilespmem:s25+$0xA0] =	vst v5;
	v3 =	vadd.f32 v3, v8  }
0x124: {  	[tilespmem:s25+$0xB0] =	vst v4;
	v2 =	vadd.f32 v2, v6  }
0x125: {  	[tilespmem:s25+$0xC0] =	vst v3;
	v1 =	vadd.f32 v1, v7  }
0x126: {  	s24 =	sadd.s32 $0x1, s24;
	[tilespmem:s25+$0xD0] =	vst v2;
	v0 =	vadd.f32 v0, v63  }
0x127: {  	p0 =	sne.s32 s24, s19;
	[tilespmem:s25+$0xE0] =	vst v1  }
.Ltmp6:
0x128: {  	[tilespmem:s25+$0xF0] =	vst v0;
	(pc) =	sbr.rel @p0 .LBB2_2-.Ltmp6, $4  }
0x129: {  	[hbm4b:s17+s3] =	stream.linear.scatter [tilespmem:s23], [sflag:$0x1], $0x2800, $0x38;
	[tilespmem:$0x5080] =	vst v63  }
0x12a: {  	_ =	swait.ge [sflag:s20], $0x2800  }
0x12b: {  	[sflag:s20] =	ssyncset.done $0x0  }
0x12c: {  	[sflag:s20] =	ssyncadd.s32 $0xFFFFD800  }
.LBB2_13:
0x12d: {  	_ =	sfence.sel $0x180000  }
0x12e: {  	[bflag:$0x0] =	sbarrier.arrive $0xFFFF  }
0x12f: {  	p0 =	sne.s32 s0, $0x0;
	_ =	strace $0x90000047  }
0x130: {  	s0 =	sadd.s32 @!p0 $0x100000, s1;
	[bflag:$0x2] =	sbarrier.arrive $0xFFFF  }
0x131: {  	[sflag:s0] =	ssyncadd.tile.s32 @!p0 $0x1;
	_ =	shalt  }
.Lfunc_end2:
_tile_overlayer_lowered:
.L_overlay_start_2:
0x132: {  	(tag) =	ssettag $0x2  }
0x133: {  	s0 =	rddreg [dreg:$0x0];
	s2 =	stileid.u32  }
0x134: {  	s1 =	rddreg [dreg:$0x1];
	p0 =	sne.s32 s2, $0x0  }
0x135: {  	s3 =	rddreg [dreg:$0x2];
	[bflag:$0x3] =	sbarrier.arrive $0xFFFF;
	s2 =	simm.s32 @!p0 $0x1C01  }
0x136: {  	[timem:s3], [sflag:s2] =	dma.local @!p0 [hbm:s0], s1  }
0x137: {  	s0 =	simm.s32 @!p0 $0x1  }
0x138: {  	_ =	swait.ge @!p0 [sflag:s0], s1  }
0x139: {  	s1 =	ssub.s32 @!p0 $0x0, s1;
	[sflag:s0] =	ssyncset.done @!p0 $0x0  }
0x13a: {  	[sflag:s0] =	ssyncadd.s32 @!p0 s1  }
0x13b: {  	[bflag:$0x3] =	sbarrier.arrive $0xFFFF  }
0x13c: {  	_ =	shalt  }

// kernel: kernel.9.cloned.1.call-start
scs
__scs_entry_jumppad:
0x0: {  	(pc) =	sbr.rel $0x88, $3  }
0x1: {  	(tag) =	ssettag $0x0;
	lr =	simm.s32 $0x1  }
0x2: {  	[smem:$0x3F9C] =	sst lr;
	_ =	strace $0xD0000000  }
0x3: {  	_ = 	snop  }
0x4: {  	_ = 	snop  }
0x5: {  	_ = 	snop  }
0x6: {  	_ = 	snop  }
0x7: {  	_ = 	snop  }
__scs_overlays_trampoline_lowered:
0x8: {  	[smem:$0x3FAB] =	sst s0  }
0x9: {  	[smem:$0x3FAC] =	sst s1  }
0xa: {  	[smem:$0x3FAD] =	sst s2  }
0xb: {  	[smem:$0x3FAE] =	sst s3  }
0xc: {  	[smem:$0x3FAF] =	sst s4  }
0xd: {  	[smem:$0x3FB0] =	sst s5  }
0xe: {  	[smem:$0x3FB1] =	sst s6  }
0xf: {  	[smem:$0x3FB2] =	sst s7  }
0x10: {  	[smem:$0x3FB3] =	sst s8  }
0x11: {  	[smem:$0x3FB4] =	sst s9;
	s0 =	simm.s32 @!p0 $0x0  }
0x12: {  	s1 =	sld [smem:$0x3F9A];
	s0 =	simm.s32 @p0 $0x1  }
0x13: {  	[smem:$0x3FB5] =	sst s0;
	s0 =	simm.s32 @!p1 $0x0  }
0x14: {  	s2 =	sld [smem:$0x3F99];
	s0 =	simm.s32 @p1 $0x1  }
0x15: {  	[smem:$0x3FB6] =	sst s0;
	s0 =	simm.s32 @!p2 $0x0  }
0x16: {  	s3 =	sld [smem:$0x3FDB];
	s0 =	simm.s32 @p2 $0x1  }
0x17: {  	s4 =	simm.s32 $0x1BF5;
	[smem:$0x3FB8] =	sst s0  }
0x18: {  	s0 =	sld [smem:$0x3F9B];
	_ =	swait.ge [sflag:s4], $0x0  }
0x19: {  	s7 =	sld [smem:$0x3F9C]  }
0x1a: {  	s8 =	sadd.s32 $0xFFFFE003, lr  }
0x1b: {  	s9 =	sadd.s32 $0xFFFFFEF7, lr;
	s5 =	simm.s32 $0xFFFFFFFF;
	p2 =	slt.u32 s8, $0xFFFFF086  }
0x1c: {  	p1 =	slt.u32 s9, $0xF7A;
	s5 =	simm.s32 @!p2 $0x0  }
0x1d: {  	s5 =	simm.s32 @p1 $0x1;
	p0 =	seq.s32 s7, s2  }
0x1e: {  	s7 =	smul.u32 @!p0 $0xF7A, s2;
	p2 =	seq.s32 @!p0 s5, $0x0  }
0x1f: {  	s9 =	smul.u32 $0xF7A, s1;
	s8 =	simm.s32 @!p0 $0x1BF5;
	p2 =	por !p2, p0  }
0x20: {  	[sflag:s8] =	ssyncset.s32 @!p0 $0xFFFFF086;
	s6 =	sadd.s32 @!p0 s3, s7;
	s7 =	simm.s32 @!p0 $0x108  }
0x21: {  	s3 =	sadd.s32 s3, s9;
	s6 =	sadd.s32 @!p0 $0x88, s6;
	s7 =	simm.s32 @p2 $0x1082  }
0x22: {  	[simem:s7], [sflag:s8] =	dma.local @!p0 [hbm:s6], $0xF7A  }
0x23: {  	s9 =	sor.u32 $0xD0000000, s2;
	s6 =	simm.s32 $0x108;
	_ =	swait.ge @!p0 [sflag:s8], $0x0  }
0x24: {  	s3 =	sadd.s32 $0x88, s3;
	s6 =	simm.s32 @!p1 $0x1082;
	[sflag:s4] =	ssyncset.s32 $0xFFFFF086  }
0x25: {  	[simem:s6], [sflag:s4] =	dma.local [hbm:s3], $0xF7A  }
0x26: {  	[smem:$0x3F9C] =	sst s1;
	(tag) =	ssettag s2;
	_ =	strace s9  }
0x27: {  	s1 =	sld [smem:$0x3FAC]  }
0x28: {  	s2 =	sld [smem:$0x3FAD]  }
0x29: {  	s4 =	sld [smem:$0x3FAF]  }
0x2a: {  	p0 =	seq.s32 s5, $0x0;
	s5 =	sld [smem:$0x3FB0]  }
0x2b: {  	s6 =	sld [smem:$0x3FB1]  }
0x2c: {  	s7 =	sld [smem:$0x3FB2]  }
0x2d: {  	s3 =	simm.s32 $0x108;
	s8 =	sld [smem:$0x3FB3]  }
0x2e: {  	s3 =	simm.s32 @!p0 $0x1082;
	s9 =	sld [smem:$0x3FB4]  }
0x2f: {  	lr =	sadd.s32 s0, s3;
	s0 =	sld [smem:$0x3FAB]  }
0x30: {  	s3 =	sld [smem:$0x3FAE]  }
0x31: {  	[smem:$0x3FB7] =	sst s10  }
0x32: {  	s10 =	sld [smem:$0x3FB5];
	_ =	sdelay $0x3  }
0x33: {  	p0 =	seq.s32 s10, $0x1;
	s10 =	sld [smem:$0x3FB7];
	_ =	sdelay $0x3  }
0x34: {  	[smem:$0x3FB7] =	sst s10  }
0x35: {  	s10 =	sld [smem:$0x3FB6];
	_ =	sdelay $0x3  }
0x36: {  	p1 =	seq.s32 s10, $0x1;
	s10 =	sld [smem:$0x3FB7];
	_ =	sdelay $0x3  }
0x37: {  	[smem:$0x3FB7] =	sst s10  }
0x38: {  	s10 =	sld [smem:$0x3FB8]  }
0x39: {  	_ = 	snop;
	(pc) =	sbr.ind lr, $3  }
0x3a: {  	_ = 	snop  }
0x3b: {  	_ = 	snop  }
0x3c: {  	p2 =	seq.s32 s10, $0x1;
	s10 =	sld [smem:$0x3FB7]  }
0x3d: {  	_ =	shalt  }
0x3e: {  	_ =	shalt  }
0x3f: {  	_ =	shalt  }
0x40: {  	_ =	shalt  }
0x41: {  	_ =	shalt  }
0x42: {  	_ =	shalt  }
0x43: {  	_ =	shalt  }
0x44: {  	_ =	shalt  }
0x45: {  	_ =	shalt  }
0x46: {  	_ =	shalt  }
0x47: {  	_ =	shalt  }
0x48: {  	_ =	shalt  }
0x49: {  	_ =	shalt  }
0x4a: {  	_ =	shalt  }
0x4b: {  	_ =	shalt  }
0x4c: {  	_ =	shalt  }
0x4d: {  	_ =	shalt  }
0x4e: {  	_ =	shalt  }
0x4f: {  	_ =	shalt  }
0x50: {  	_ =	shalt  }
0x51: {  	_ =	shalt  }
0x52: {  	_ =	shalt  }
0x53: {  	_ =	shalt  }
0x54: {  	_ =	shalt  }
0x55: {  	_ =	shalt  }
0x56: {  	_ =	shalt  }
0x57: {  	_ =	shalt  }
0x58: {  	_ =	shalt  }
0x59: {  	_ =	shalt  }
0x5a: {  	_ =	shalt  }
0x5b: {  	_ =	shalt  }
0x5c: {  	_ =	shalt  }
0x5d: {  	_ =	shalt  }
0x5e: {  	_ =	shalt  }
0x5f: {  	_ =	shalt  }
0x60: {  	_ =	shalt  }
0x61: {  	_ =	shalt  }
0x62: {  	_ =	shalt  }
0x63: {  	_ =	shalt  }
0x64: {  	_ =	shalt  }
0x65: {  	_ =	shalt  }
0x66: {  	_ =	shalt  }
0x67: {  	_ =	shalt  }
0x68: {  	_ =	shalt  }
0x69: {  	_ =	shalt  }
0x6a: {  	_ =	shalt  }
0x6b: {  	_ =	shalt  }
0x6c: {  	_ =	shalt  }
0x6d: {  	_ =	shalt  }
0x6e: {  	_ =	shalt  }
0x6f: {  	_ =	shalt  }
0x70: {  	_ =	shalt  }
0x71: {  	_ =	shalt  }
0x72: {  	_ =	shalt  }
0x73: {  	_ =	shalt  }
0x74: {  	_ =	shalt  }
0x75: {  	_ =	shalt  }
0x76: {  	_ =	shalt  }
0x77: {  	_ =	shalt  }
0x78: {  	_ =	shalt  }
0x79: {  	_ =	shalt  }
0x7a: {  	_ =	shalt  }
0x7b: {  	_ =	shalt  }
0x7c: {  	_ =	shalt  }
0x7d: {  	_ =	shalt  }
0x7e: {  	_ =	shalt  }
0x7f: {  	_ =	shalt  }
0x80: {  	_ =	shalt  }
0x81: {  	_ =	shalt  }
0x82: {  	_ =	shalt  }
0x83: {  	_ =	shalt  }
0x84: {  	_ =	shalt  }
0x85: {  	_ =	shalt  }
0x86: {  	_ =	shalt  }
0x87: {  	_ =	shalt  }
.Lfunc_end0:
.L_simem_size_0:
called_computation.1_lowered:
.L_overlay_start_0:
0x88: {  	s2 =	sld [smem:$0x3FD9]  }
0x89: {  	s3 =	sld [smem:$0x3FFE];
	_ =	sdelay $0x1  }
0x8a: {  	s1 =	srdreg.scid  }
0x8b: {  	s0 =	sand.u32 $0x1, s1  }
0x8c: {  	s17 =	sshll.u32 s0, $0xA;
	s2 =	sadd.s32 s3, s2  }
0x8d: {  	s2 =	sadd.s32 s2, s17  }
0x8e: {  	[smem:$0x3FC3] =	sst s2  }
0x8f: {  	_ = 	snop  }
0x90: {  	s2 =	sld [smem:$0x3FD0];
	(tm) =	ssettm $0x1  }
0x91: {  	s18 =	sld [smem:$0x3FFB];
	_ =	sdelay $0x3  }
0x92: {  	_ =	strace s18  }
0x93: {  	s3 =	sld [smem:$0x3FFC];
	_ =	sdelay $0x3  }
0x94: {  	_ =	strace s3  }
0x95: {  	s3 =	sld [smem:$0x3FFD];
	_ =	sdelay $0x3  }
0x96: {  	_ =	strace s3  }
0x97: {  	_ =	strace $0x8FFFFFFF  }
0x98: {  	s19 =	sld [smem:$0x3FDB];
	_ =	sdelay $0x1  }
0x99: {  	s4 =	simm.s32 $_scs_section_size  }
0x9a: {  	s5 =	simm.s32 $_size__tile_overlayer_lowered;
	s6 =	simm.s32 $_tile_overlayer_lowered  }
0x9b: {  	s22 =	simm.s32 $0x1BFF;
	s21 =	sshll.u32 s6, $0x1;
	s3 =	sadd.s32 s4, s19  }
0x9c: {  	s7 =	simm.s32 $0x0;
	s20 =	sshll.u32 s5, $0x1;
	s5 =	sadd.s32 s21, s3  }
0x9d: {  	[timem:s7], [sflag:s22] =	dma.local [hbm:s5], s20  }
0x9e: {  	_ =	swait.ge [sflag:s22], s20  }
0x9f: {  	s4 =	ssub.s32 $0x0, s20;
	[sflag:s22] =	ssyncset.done $0x0  }
0xa0: {  	[sflag:s22] =	ssyncadd.s32 s4;
	_ =	sdelay $0x1  }
0xa1: {  	s23 =	simm.s32 $0x1B8B  }
0xa2: {  	_ =	swait.ge [sflag:s23], $0x1  }
0xa3: {  	[sflag:s23] =	ssyncset.done $0x0  }
0xa4: {  	s25 =	simm.s32 $0x1B8E;
	s24 =	sld [smem:$0x3FFE];
	[sflag:s23] =	ssyncadd.s32 $0xFFFFFFFF  }
0xa5: {  	s26 =	simm.s32 $execute0_lowered;
	[smem:$0x3FD2] =	sst s25  }
0xa6: {  	s5 =	sshll.u32 s26, $0x1;
	_ =	strace $0x80000049;
	[dreg:$0x1] =	wrdreg $0xFFFFFFFF  }
0xa7: {  	s28 =	simm.s32 $_size_execute0_lowered;
	s3 =	sadd.s32 s3, s5;
	[dreg:$0x0] =	wrdreg $0x0  }
0xa8: {  	s5 =	sshll.u32 s28, $0x1;
	[dreg:$0x2] =	wrdreg s3  }
0xa9: {  	[dreg:$0x3] =	wrdreg s5  }
0xaa: {  	[dreg:$0x4] =	wrdreg $0xC0  }
0xab: {  	_ =	task [dreg:s7], $0x5FFFF  }
0xac: {  	[dreg:$0x1] =	wrdreg $0xFFFFFFFF  }
0xad: {  	[dreg:$0x0] =	wrdreg $0x60  }
0xae: {  	[dreg:$0x2] =	wrdreg s24  }
0xaf: {  	[dreg:$0x3] =	wrdreg s2  }
0xb0: {  	[dreg:$0x4] =	wrdreg $0x5000  }
0xb1: {  	[dreg:$0x5] =	wrdreg $0x9  }
0xb2: {  	_ =	task.clear_ibuf [dreg:s7], $0x6FFFF;
	_ =	strace $0x90000049  }
0xb3: {  	s29 =	simm.s32 $0x9;
	_ =	strace $0x8000004B  }
0xb4: {  	_ =	swait.ge [sflag:s29], $0x1  }
0xb5: {  	[sflag:s29] =	ssyncadd.s32 $0xFFFFFFFF  }
0xb6: {  	_ =	strace $0x9000004B  }
0xb7: {  	_ =	sfence  }
0xb8: {  	s30 =	sld [smem:$0x0];
	_ =	sdelay $0x2  }
0xb9: {  	s31 =	sshll.u32 s1, $0xD;
	s1 =	sshrl.u32 s1, $0x2  }
0xba: {  	s3 =	sand.u32 $0x4000, s31;
	s1 =	sadd.s32 s1, s30  }
0xbb: {  	s0 =	sor.u32 s3, s0;
	s1 =	sshll.u32 s1, $0x11  }
0xbc: {  	s0 =	sor.u32 s1, s0  }
0xbd: {  	s0 =	sadd.s32 $0x8F2B, s0  }
0xbe: {  	[sflag:s0] =	ssyncadd.remote.s32 $0x1  }
0xbf: {  	_ =	sfence.sel $0xFFFF  }
0xc0: {  	[dreg:$0x0] =	wrdreg $0xFFFFFFFF;
	(pc) =	sbr.abs _section_cstart, $3  }
0xc1: {  	[dreg:$0x1] =	wrdreg $0xFFFFFFFF  }
0xc2: {  	_ =	task.clear_ibuf [dreg:s7], $0x2FFFF;
	_ =	strace $0x9FFFFFFF  }
0xc3: {  	(tm) =	ssettm $0x7FFFFFFF  }
tec
execute0_lowered:
.L_overlay_start_1:
0x0: {  	(tag) =	ssettag $0x1  }
0x1: {  	s21 =	stileid.u32  }
0x2: {  	s9 =	smul.u32 $0x19000, s21  }
0x3: {  	s31 =	smul.u32 $0x6400, s21  }
0x4: {  	s5 =	rddreg [dreg:$0x0];
	s10 =	sor.u32 $0x10, s21;
	s24 =	smul.u32 $0x4E20, s21  }
0x5: {  	s6 =	rddreg [dreg:$0x1];
	s13 =	sor.u32 $0x20, s21;
	s12 =	smul.u32 $0x19000, s10  }
0x6: {  	s0 =	srdreg.scid;
	s16 =	sor.u32 $0x30, s21;
	s15 =	smul.u32 $0x19000, s13  }
0x7: {  	s2 =	rddreg [dreg:$0x2];
	s7 =	sand.u32 $0x1, s0;
	s26 =	smul.u32 $0x19000, s16  }
0x8: {  	s3 =	simm.s32 $0x0;
	s29 =	simm.s32 $0x6;
	s17 =	smul.u32 $0x138800, s7  }
0x9: {  	s30 =	simm.s32 $0x28;
	[smem:$0x7FF] =	sst s3;
	s10 =	smul.u32 $0x6400, s10  }
0xa: {  	s25 =	sshll.u32 s21, $0x1;
	s1 =	sadd.s32 $0x59C00, s5;
	s19 =	smul.u32 $0x6400, s13  }
0xb: {  	s0 =	sadd.s32 $0x4FE00, s5;
	p0 =	sgt.u32 s21, $0x1;
	s22 =	smul.u32 $0x6400, s16  }
0xc: {  	s4 =	sor.u32 s7, s25;
	s11 =	ssub.s32 $0x2, s7;
	s7 =	smul.u32 $0x2710, s7  }
0xd: {  	s21 =	simm.s32 $0x13D80;
	_ =	strace $0x8000004A;
	s8 =	smul.u32 $0x2710, s4  }
0xe: {  	s4 =	sadd.s32 $0x28C00, s5;
	s14 =	sshrl.u32 s11, $0x1;
	s5 =	sadd.s32 $0x63A00, s5  }
0xf: {  	s9 =	sshrl.u32 s9, $0x2;
	s11 =	ssub.s32 s11, s14;
	s12 =	sshrl.u32 s12, $0x2  }
0x10: {  	s9 =	sadd.s32 s9, s2;
	s15 =	sshrl.u32 s15, $0x2;
	s14 =	sshrl.u32 s26, $0x2  }
0x11: {  	s10 =	sadd.s32 s17, s10;
	s13 =	sadd.s32 s17, s22;
	s7 =	sadd.s32 s7, s24  }
0x12: {  	[dreg:$0xf] =	wrdreg s9;
	s28 =	sadd.s32 s12, s2;
	s12 =	sadd.s32 s15, s2  }
0x13: {  	s18 =	sadd.s32 s14, s2;
	s9 =	sadd.s32 s31, s17;
	s10 =	sshrl.u32 s10, $0x3  }
0x14: {  	s8 =	sshrl.u32 s8, $0x3;
	s13 =	sshrl.u32 s13, $0x3;
	[dreg:$0x10] =	wrdreg s28  }
0x15: {  	s26 =	sadd.s32 $0xA0, s7;
	s31 =	sadd.s32 $0x78, s7;
	[dreg:$0x11] =	wrdreg s12  }
0x16: {  	s24 =	sshrl.u32 s7, $0x3;
	[dreg:$0x12] =	wrdreg s18;
	s9 =	sshrl.u32 s9, $0x3  }
0x17: {  	s23 =	sadd.s32 s6, s10;
	s12 =	sadd.s32 s17, s19;
	s8 =	sadd.s32 s0, s8  }
0x18: {  	s10 =	sadd.s32 s5, s10;
	s17 =	sadd.s32 $0x50, s7;
	s18 =	sadd.s32 $0x28, s7  }
0x19: {  	s20 =	sadd.s32 s6, s9;
	[dreg:$0x14] =	wrdreg s23;
	s12 =	sshrl.u32 s12, $0x3  }
0x1a: {  	s8 =	sadd.s32 $0xA, s8;
	s28 =	sadd.s32 s5, s9;
	[dreg:$0x18] =	wrdreg s10  }
0x1b: {  	s9 =	sshrl.u32 s18, $0x3;
	s10 =	simm.s32 $0x1;
	[dreg:$0x13] =	wrdreg s20  }
0x1c: {  	s25 =	sadd.s32 s6, s12;
	s6 =	sadd.s32 s6, s13;
	[dreg:$0xb] =	wrdreg s8  }
0x1d: {  	[dreg:$0x17] =	wrdreg s28;
	s8 =	sshrl.u32 s31, $0x3;
	s15 =	sadd.s32 s5, s12  }
0x1e: {  	s5 =	sadd.s32 s5, s13;
	s20 =	smax.u32 s11, $0x1;
	[dreg:$0x15] =	wrdreg s25  }
0x1f: {  	s22 =	sadd.s32 s9, s0;
	s23 =	sadd.s32 s9, s1;
	[dreg:$0x16] =	wrdreg s6  }
0x20: {  	s31 =	simm.s32 $0x16600;
	s12 =	simm.s32 $0x280;
	[dreg:$0x19] =	wrdreg s15  }
0x21: {  	s9 =	simm.s32 $0x15180;
	s11 =	simm.s32 $0x200;
	[dreg:$0x1a] =	wrdreg s5  }
0x22: {  	s13 =	simm.s32 $0x8;
	s6 =	sshrl.u32 s26, $0x3;
	[dreg:$0x1b] =	wrdreg s20  }
0x23: {  	s16 =	sadd.s32 s8, s0;
	s8 =	sadd.s32 s8, s1;
	[dreg:$0x8] =	wrdreg s22  }
0x24: {  	s5 =	sshrl.u32 s17, $0x3;
	[dreg:$0x9] =	wrdreg s23;
	s25 =	sadd.s32 $0x140, s7  }
0x25: {  	s7 =	sadd.s32 $0xF0, s7;
	s20 =	sadd.s32 s24, s0;
	[dreg:$0xe] =	wrdreg s31  }
0x26: {  	s15 =	simm.s32 $0x2;
	s14 =	sadd.s32 s6, s1;
	[dreg:$0x5] =	wrdreg s16  }
0x27: {  	[dreg:$0x6] =	wrdreg s8;
	s19 =	sadd.s32 s5, s1;
	s18 =	sadd.s32 s6, s0  }
0x28: {  	s1 =	sadd.s32 s24, s1;
	s8 =	sshrl.u32 s25, $0x3;
	s7 =	sshrl.u32 s7, $0x3  }
0x29: {  	s24 =	simm.s32 $0x80;
	s25 =	simm.s32 $0x300;
	[dreg:$0x4] =	wrdreg s14  }
0x2a: {  	s16 =	simm.s32 $0x480;
	s6 =	simm.s32 $0x0;
	[dreg:$0x7] =	wrdreg s19  }
0x2b: {  	[dreg:$0xa] =	wrdreg s1;
	s26 =	sadd.s32 s8, s0;
	s19 =	sadd.s32 s5, s0  }
0x2c: {  	s28 =	sadd.s32 s7, s0;
	s5 =	simm.s32 $0x400;
	s1 =	simm.s32 $0x7  }
0x2d: {  	s14 =	simm.s32 $0x16580;
	s7 =	simm.s32 $0x16680;
	[dreg:$0xc] =	wrdreg s26  }
0x2e: {  	v0 =	vimm.f32 $0.0e+00;
	v1 =	vimm.f32 $1.000000000e+00;
	s8 =	simm.s32 $0x50;
	[dreg:$0xd] =	wrdreg s28;
	s26 =	simm.s32 $0x100  }
.LBB2_1:
0x2f: {  	[dreg:$0x1c] =	wrdreg s6;
	s6 =	simm.s32 $0x0;
	s17 =	simm.s32 $0x200  }
.LBB2_2:
0x30: {  	p1 =	sne.s32 s17, $0x18E00;
	[tilespmem:s6+$0x13DF0] =	vst v0  }
0x31: {  	[tilespmem:s6+$0x13D80] =	vst v0  }
0x32: {  	[tilespmem:s6+$0x13D90] =	vst v0  }
.Ltmp0:
0x33: {  	[tilespmem:s6+$0x13DA0] =	vst v0;
	(pc) =	sbr.rel @p1 .LBB2_2-.Ltmp0, $4  }
0x34: {  	[tilespmem:s6+$0x13DB0] =	vst v0  }
0x35: {  	[tilespmem:s6+$0x13DC0] =	vst v0  }
0x36: {  	[tilespmem:s6+$0x13DD0] =	vst v0  }
0x37: {  	[tilespmem:s6+$0x13DE0] =	vst v0;
	s6 =	sshra.s32 s17, $0x2;
	s17 =	sadd.s32 $0x200, s17  }
0x38: {  	[tilespmem:s6+$0x13DF0] =	vst v0  }
0x39: {  	[tilespmem:s6+$0x13D80] =	vst v0  }
0x3a: {  	[tilespmem:s6+$0x13D90] =	vst v0  }
0x3b: {  	[tilespmem:s6+$0x13DA0] =	vst v0  }
0x3c: {  	[tilespmem:s6+$0x13DB0] =	vst v0  }
0x3d: {  	[tilespmem:s6+$0x13DC0] =	vst v0  }
0x3e: {  	[tilespmem:s6+$0x13DD0] =	vst v0  }
0x3f: {  	[tilespmem:s6+$0x13DE0] =	vst v0;
	s0 =	rddreg [dreg:$0xf];
	s23 =	simm.s32 $0x11  }
0x40: {  	[spmem:s0] =	stream.linear.scatter [tilespmem:s21], [sflag:$0x11], $0x6400, $0x38;
	[tilespmem:$0x1A180] =	vst v63  }
0x41: {  	_ =	swait.ge [sflag:s23], $0x6400  }
0x42: {  	[sflag:s23] =	ssyncset.done $0x0  }
0x43: {  	s28 =	rddreg [dreg:$0x10];
	[sflag:s23] =	ssyncadd.s32 $0xFFFF9C00  }
0x44: {  	[spmem:s28] =	stream.linear.scatter [tilespmem:s21], [sflag:$0x11], $0x6400, $0x38;
	[tilespmem:$0x1A180] =	vst v63  }
0x45: {  	_ =	swait.ge [sflag:s23], $0x6400  }
0x46: {  	[sflag:s23] =	ssyncset.done $0x0  }
0x47: {  	s31 =	rddreg [dreg:$0x11];
	[sflag:s23] =	ssyncadd.s32 $0xFFFF9C00  }
0x48: {  	[spmem:s31] =	stream.linear.scatter [tilespmem:s21], [sflag:$0x11], $0x6400, $0x38;
	[tilespmem:$0x1A180] =	vst v63  }
0x49: {  	_ =	swait.ge [sflag:s23], $0x6400  }
0x4a: {  	[sflag:s23] =	ssyncset.done $0x0  }
0x4b: {  	s6 =	simm.s32 @!p0 $0x13D80;
	s0 =	rddreg [dreg:$0x12];
	[sflag:s23] =	ssyncadd.s32 $0xFFFF9C00  }
0x4c: {  	[spmem:s0] =	stream.linear.scatter @!p0 [tilespmem:s6], [sflag:$0x10], $0x6400, $0x38;
	[tilespmem:$0x1A180] =	vst v63  }
0x4d: {  	s6 =	simm.s32 @!p0 $0x10  }
0x4e: {  	_ =	swait.ge @!p0 [sflag:s6], $0x6400  }
0x4f: {  	[sflag:s6] =	ssyncset.done @!p0 $0x0  }
0x50: {  	p1 =	por $0x1, $0x1;
	[sflag:s6] =	ssyncadd.s32 @!p0 $0xFFFF9C00  }
0x51: {  	s6 =	simm.s32 @!p1 $0xB;
	[bflag:$0x0] =	sbarrier.arrive $0xFFFF  }
0x52: {  	_ =	swait.ge @!p1 [sflag:s6], $0x1400  }
0x53: {  	s17 =	rddreg [dreg:$0xa];
	[sflag:s6] =	ssyncset.done @!p1 $0x0  }
0x54: {  	[sflag:s6] =	ssyncadd.s32 @!p1 $0xFFFFEC00;
	s17 =	sadd.s32 $0x0, s17  }
0x55: {  	[tilespmem:s3], [sflag:$0x6] =	stream.linear.gather [hbm4b:s17+s3], $0x28, $0x38;
	[tilespmem:$0x1A180] =	vst v63  }
0x56: {  	s22 =	sadd.s32 $0x0, s20;
	s17 =	simm.s32 @!p1 $0x9  }
0x57: {  	[tilespmem:s12], [sflag:$0x6] =	stream.linear.gather [hbm4b:s22+s3], $0x28, $0x38;
	[tilespmem:$0x1A180] =	vst v63  }
0x58: {  	_ =	swait.ge @!p1 [sflag:s17], $0x28  }
0x59: {  	[sflag:s17] =	ssyncset.done @!p1 $0x0  }
0x5a: {  	[sflag:s17] =	ssyncadd.s32 @!p1 $0xFFFFFFD8  }
0x5b: {  	_ =	swait.ge @!p1 [sflag:s17], $0x28  }
0x5c: {  	s28 =	simm.s32 @!p1 $0x180;
	s6 =	simm.s32 @!p1 $0x17980;
	[sflag:s17] =	ssyncset.done @!p1 $0x0  }
0x5d: {  	s22 =	simm.s32 @!p1 $0x3;
	[sflag:s17] =	ssyncadd.s32 @!p1 $0xFFFFFFD8;
	s17 =	simm.s32 @!p1 $0x28  }
0x5e: {  	[tilespmem:s6], [sflag:$0x4] =	stream.indirect.gather @!p1 [hbm4b:s4+s17], $0x80, s28, s17, $0xb8;
	[tilespmem:$0x1A180] =	vst v63  }
0x5f: {  	_ =	swait.ge @!p1 [sflag:s22], $0x1400  }
0x60: {  	s31 =	simm.s32 @!p1 $0x16580;
	[sflag:s22] =	ssyncset.done @!p1 $0x0  }
0x61: {  	s28 =	simm.s32 @!p1 $0xC;
	[sflag:s22] =	ssyncadd.s32 @!p1 $0xFFFFEC00;
	s22 =	simm.s32 @!p1 $0x380  }
0x62: {  	[spmem:s2] =	stream.indirect.scatter.add.f32 @!p1 [tilespmem:s31], [sflag:$0xD], $0x80, s22, s17, $0xb8;
	[tilespmem:$0x1A180] =	vst v63  }
0x63: {  	_ =	swait.ge @!p1 [sflag:s28], $0x1400  }
0x64: {  	s23 =	rddreg [dreg:$0x9];
	[sflag:s28] =	ssyncset.done @!p1 $0x0  }
0x65: {  	s0 =	rddreg [dreg:$0x8];
	[sflag:s28] =	ssyncadd.s32 @!p1 $0xFFFFEC00;
	s22 =	sadd.s32 $0x0, s23  }
0x66: {  	[tilespmem:s24], [sflag:$0x7] =	stream.linear.gather [hbm4b:s22+s3], $0x28, $0x38;
	[tilespmem:$0x1A180] =	vst v63  }
0x67: {  	s23 =	sadd.s32 $0x0, s0;
	s28 =	simm.s32 @!p1 $0xA  }
0x68: {  	[tilespmem:s25], [sflag:$0x7] =	stream.linear.gather [hbm4b:s23+s3], $0x28, $0x38;
	[tilespmem:$0x1A180] =	vst v63  }
0x69: {  	_ =	swait.ge @!p1 [sflag:s28], $0x28  }
0x6a: {  	[sflag:s28] =	ssyncset.done @!p1 $0x0  }
0x6b: {  	[sflag:s28] =	ssyncadd.s32 @!p1 $0xFFFFFFD8  }
0x6c: {  	_ =	swait.ge @!p1 [sflag:s28], $0x28  }
0x6d: {  	[sflag:s28] =	ssyncset.done @!p1 $0x0  }
0x6e: {  	s22 =	simm.s32 @!p1 $0x200;
	[sflag:s28] =	ssyncadd.s32 @!p1 $0xFFFFFFD8;
	s28 =	simm.s32 @!p1 $0x18D80  }
0x6f: {  	[tilespmem:s28], [sflag:$0x5] =	stream.indirect.gather @!p1 [hbm4b:s4+s17], $0x80, s22, s17, $0xb8;
	[tilespmem:$0x1A180] =	vst v63  }
0x70: {  	s22 =	simm.s32 @!p1 $0x4  }
0x71: {  	_ =	swait.ge @!p1 [sflag:s22], $0x1400  }
0x72: {  	[sflag:s22] =	ssyncset.done @!p1 $0x0  }
0x73: {  	[sflag:s22] =	ssyncadd.s32 @!p1 $0xFFFFEC00;
	s22 =	simm.s32 @!p1 $0x400  }
0x74: {  	[spmem:s2] =	stream.indirect.scatter.add.f32 @!p1 [tilespmem:s6], [sflag:$0xE], $0x80, s22, s17, $0xb8;
	[tilespmem:$0x1A180] =	vst v63  }
0x75: {  	s6 =	simm.s32 @!p1 $0xD  }
0x76: {  	_ =	swait.ge @!p1 [sflag:s6], $0x1400  }
0x77: {  	s31 =	rddreg [dreg:$0x7];
	[sflag:s6] =	ssyncset.done @!p1 $0x0  }
0x78: {  	[sflag:s6] =	ssyncadd.s32 @!p1 $0xFFFFEC00;
	s0 =	sadd.s32 $0x0, s31  }
0x79: {  	[tilespmem:s26], [sflag:$0x8] =	stream.linear.gather [hbm4b:s0+s3], $0x28, $0x38;
	[tilespmem:$0x1A180] =	vst v63  }
0x7a: {  	s23 =	simm.s32 $0x380;
	s22 =	sadd.s32 $0x0, s19  }
0x7b: {  	[tilespmem:s23], [sflag:$0x8] =	stream.linear.gather [hbm4b:s22+s3], $0x28, $0x38;
	[tilespmem:$0x1A180] =	vst v63  }
0x7c: {  	_ =	swait.ge [sflag:s29], $0x28  }
0x7d: {  	[sflag:s29] =	ssyncset.done $0x0  }
0x7e: {  	[sflag:s29] =	ssyncadd.s32 $0xFFFFFFD8  }
0x7f: {  	_ =	swait.ge [sflag:s29], $0x28  }
0x80: {  	[sflag:s29] =	ssyncset.done $0x0  }
0x81: {  	s6 =	simm.s32 @!p1 $0x5;
	[sflag:s29] =	ssyncadd.s32 $0xFFFFFFD8  }
0x82: {  	[tilespmem:s21], [sflag:$0x1] =	stream.indirect.gather [hbm4b:s4+s30], $0x80, s3, s30, $0xb8;
	[tilespmem:$0x1A180] =	vst v63  }
0x83: {  	_ =	swait.ge @!p1 [sflag:s6], $0x1400  }
0x84: {  	[sflag:s6] =	ssyncset.done @!p1 $0x0  }
0x85: {  	[sflag:s6] =	ssyncadd.s32 @!p1 $0xFFFFEC00;
	s6 =	simm.s32 @!p1 $0x480  }
0x86: {  	[spmem:s2] =	stream.indirect.scatter.add.f32 @!p1 [tilespmem:s28], [sflag:$0xF], $0x80, s6, s17, $0xb8;
	[tilespmem:$0x1A180] =	vst v63  }
0x87: {  	s6 =	simm.s32 @!p1 $0xE  }
0x88: {  	_ =	swait.ge @!p1 [sflag:s6], $0x1400  }
0x89: {  	s17 =	simm.s32 $0x180;
	s28 =	rddreg [dreg:$0x6];
	[sflag:s6] =	ssyncset.done @!p1 $0x0  }
0x8a: {  	s31 =	rddreg [dreg:$0x5];
	[sflag:s6] =	ssyncadd.s32 @!p1 $0xFFFFEC00;
	s0 =	sadd.s32 $0x0, s28  }
0x8b: {  	[tilespmem:s17], [sflag:$0x9] =	stream.linear.gather [hbm4b:s0+s3], $0x28, $0x38;
	[tilespmem:$0x1A180] =	vst v63  }
0x8c: {  	s22 =	sadd.s32 $0x0, s31  }
0x8d: {  	[tilespmem:s5], [sflag:$0x9] =	stream.linear.gather [hbm4b:s22+s3], $0x28, $0x38;
	[tilespmem:$0x1A180] =	vst v63  }
0x8e: {  	_ =	swait.ge [sflag:s1], $0x28  }
0x8f: {  	[sflag:s1] =	ssyncset.done $0x0  }
0x90: {  	[sflag:s1] =	ssyncadd.s32 $0xFFFFFFD8  }
0x91: {  	_ =	swait.ge [sflag:s1], $0x28  }
0x92: {  	[sflag:s1] =	ssyncset.done $0x0  }
0x93: {  	[sflag:s1] =	ssyncadd.s32 $0xFFFFFFD8  }
0x94: {  	[tilespmem:s9], [sflag:$0x2] =	stream.indirect.gather [hbm4b:s4+s30], $0x80, s24, s30, $0xb8;
	[tilespmem:$0x1A180] =	vst v63  }
0x95: {  	_ =	swait.ge [sflag:s10], $0x1400  }
0x96: {  	[sflag:s10] =	ssyncset.done $0x0  }
0x97: {  	s6 =	simm.s32 @!p1 $0xF;
	[sflag:s10] =	ssyncadd.s32 $0xFFFFEC00  }
0x98: {  	[spmem:s2] =	stream.indirect.scatter.add.f32 [tilespmem:s21], [sflag:$0xB], $0x80, s12, s30, $0xb8;
	[tilespmem:$0x1A180] =	vst v63  }
0x99: {  	_ =	swait.ge @!p1 [sflag:s6], $0x1400  }
0x9a: {  	s23 =	rddreg [dreg:$0x4];
	[sflag:s6] =	ssyncset.done @!p1 $0x0  }
0x9b: {  	[sflag:s6] =	ssyncadd.s32 @!p1 $0xFFFFEC00;
	s28 =	sadd.s32 $0x0, s23  }
0x9c: {  	[tilespmem:s11], [sflag:$0xA] =	stream.linear.gather [hbm4b:s28+s3], $0x28, $0x38;
	[tilespmem:$0x1A180] =	vst v63  }
0x9d: {  	s31 =	sadd.s32 $0x0, s18  }
0x9e: {  	[tilespmem:s16], [sflag:$0xA] =	stream.linear.gather [hbm4b:s31+s3], $0x28, $0x38;
	[tilespmem:$0x1A180] =	vst v63  }
0x9f: {  	_ =	swait.ge [sflag:s13], $0x28  }
0xa0: {  	[sflag:s13] =	ssyncset.done $0x0  }
0xa1: {  	[sflag:s13] =	ssyncadd.s32 $0xFFFFFFD8  }
0xa2: {  	_ =	swait.ge [sflag:s13], $0x28  }
0xa3: {  	[sflag:s13] =	ssyncset.done $0x0  }
0xa4: {  	s17 =	simm.s32 $0x19;
	s22 =	simm.s32 $0x32;
	[sflag:s13] =	ssyncadd.s32 $0xFFFFFFD8  }
0xa5: {  	[tilespmem:s14], [sflag:$0x3] =	stream.indirect.gather [hbm4b:s4+s30], $0x80, s26, s30, $0xb8;
	[tilespmem:$0x1A180] =	vst v63  }
0xa6: {  	s5 =	simm.s32 $0x400;
	p1 =	por $0x0, $0x0;
	_ =	swait.ge [sflag:s15], $0x1400  }
0xa7: {  	s23 =	simm.s32 $0x480;
	s16 =	simm.s32 $0x200;
	[sflag:s15] =	ssyncset.done $0x0  }
.LBB2_4:
0xa8: {  	s28 =	simm.s32 @!p1 $0xB;
	[sflag:s15] =	ssyncadd.s32 $0xFFFFEC00  }
0xa9: {  	[spmem:s2] =	stream.indirect.scatter.add.f32 [tilespmem:s9], [sflag:$0xC], $0x80, s25, s30, $0xb8;
	[tilespmem:$0x1A180] =	vst v63  }
0xaa: {  	_ =	swait.ge @!p1 [sflag:s28], $0x1400  }
0xab: {  	[sflag:s28] =	ssyncset.done @!p1 $0x0;
	s31 =	rddreg [dreg:$0xa]  }
0xac: {  	[sflag:s28] =	ssyncadd.s32 @!p1 $0xFFFFEC00;
	s28 =	sadd.s32 s17, s31  }
0xad: {  	[tilespmem:s3], [sflag:$0x6] =	stream.linear.gather [hbm4b:s28+s3], $0x28, $0x38;
	[tilespmem:$0x1A180] =	vst v63  }
0xae: {  	s0 =	simm.s32 @!p1 $0x9;
	s28 =	sadd.s32 s17, s20  }
0xaf: {  	[tilespmem:s12], [sflag:$0x6] =	stream.linear.gather [hbm4b:s28+s3], $0x28, $0x38;
	[tilespmem:$0x1A180] =	vst v63  }
0xb0: {  	_ =	swait.ge @!p1 [sflag:s0], $0x28  }
0xb1: {  	[sflag:s0] =	ssyncset.done @!p1 $0x0  }
0xb2: {  	[sflag:s0] =	ssyncadd.s32 @!p1 $0xFFFFFFD8  }
0xb3: {  	_ =	swait.ge @!p1 [sflag:s0], $0x28  }
0xb4: {  	s11 =	simm.s32 @!p1 $0x3;
	s31 =	simm.s32 @!p1 $0x17980;
	[sflag:s0] =	ssyncset.done @!p1 $0x0  }
0xb5: {  	s28 =	simm.s32 @!p1 $0x28;
	[sflag:s0] =	ssyncadd.s32 @!p1 $0xFFFFFFD8;
	s0 =	simm.s32 @!p1 $0x180  }
0xb6: {  	[tilespmem:s31], [sflag:$0x4] =	stream.indirect.gather @!p1 [hbm4b:s4+s28], $0x80, s0, s28, $0xb8;
	[tilespmem:$0x1A180] =	vst v63  }
0xb7: {  	_ =	swait.ge @!p1 [sflag:s11], $0x1400  }
0xb8: {  	s12 =	simm.s32 @!p1 $0x16580;
	[sflag:s11] =	ssyncset.done @!p1 $0x0  }
0xb9: {  	s0 =	simm.s32 @!p1 $0xC;
	[sflag:s11] =	ssyncadd.s32 @!p1 $0xFFFFEC00;
	s11 =	simm.s32 @!p1 $0x380  }
0xba: {  	[spmem:s2] =	stream.indirect.scatter.add.f32 @!p1 [tilespmem:s12], [sflag:$0xD], $0x80, s11, s28, $0xb8;
	[tilespmem:$0x1A180] =	vst v63  }
0xbb: {  	_ =	swait.ge @!p1 [sflag:s0], $0x1400  }
0xbc: {  	s11 =	rddreg [dreg:$0x9];
	[sflag:s0] =	ssyncset.done @!p1 $0x0  }
0xbd: {  	s12 =	rddreg [dreg:$0x8];
	[sflag:s0] =	ssyncadd.s32 @!p1 $0xFFFFEC00;
	s11 =	sadd.s32 s17, s11  }
0xbe: {  	[tilespmem:s24], [sflag:$0x7] =	stream.linear.gather [hbm4b:s11+s3], $0x28, $0x38;
	[tilespmem:$0x1A180] =	vst v63  }
0xbf: {  	s12 =	sadd.s32 s17, s12;
	s11 =	simm.s32 @!p1 $0xA  }
0xc0: {  	[tilespmem:s25], [sflag:$0x7] =	stream.linear.gather [hbm4b:s12+s3], $0x28, $0x38;
	[tilespmem:$0x1A180] =	vst v63  }
0xc1: {  	_ =	swait.ge @!p1 [sflag:s11], $0x28  }
0xc2: {  	[sflag:s11] =	ssyncset.done @!p1 $0x0  }
0xc3: {  	[sflag:s11] =	ssyncadd.s32 @!p1 $0xFFFFFFD8  }
0xc4: {  	_ =	swait.ge @!p1 [sflag:s11], $0x28  }
0xc5: {  	s0 =	simm.s32 @!p1 $0x4;
	[sflag:s11] =	ssyncset.done @!p1 $0x0  }
0xc6: {  	s12 =	simm.s32 @!p1 $0x18D80;
	[sflag:s11] =	ssyncadd.s32 @!p1 $0xFFFFFFD8;
	s11 =	simm.s32 @!p1 $0x200  }
0xc7: {  	[tilespmem:s12], [sflag:$0x5] =	stream.indirect.gather @!p1 [hbm4b:s4+s28], $0x80, s11, s28, $0xb8;
	[tilespmem:$0x1A180] =	vst v63  }
0xc8: {  	_ =	swait.ge @!p1 [sflag:s0], $0x1400  }
0xc9: {  	[sflag:s0] =	ssyncset.done @!p1 $0x0  }
0xca: {  	s11 =	simm.s32 @!p1 $0xD;
	[sflag:s0] =	ssyncadd.s32 @!p1 $0xFFFFEC00;
	s0 =	simm.s32 @!p1 $0x400  }
0xcb: {  	[spmem:s2] =	stream.indirect.scatter.add.f32 @!p1 [tilespmem:s31], [sflag:$0xE], $0x80, s0, s28, $0xb8;
	[tilespmem:$0x1A180] =	vst v63  }
0xcc: {  	_ =	swait.ge @!p1 [sflag:s11], $0x1400  }
0xcd: {  	s0 =	rddreg [dreg:$0x7];
	[sflag:s11] =	ssyncset.done @!p1 $0x0  }
0xce: {  	[sflag:s11] =	ssyncadd.s32 @!p1 $0xFFFFEC00;
	s0 =	sadd.s32 s17, s0  }
0xcf: {  	[tilespmem:s26], [sflag:$0x8] =	stream.linear.gather [hbm4b:s0+s3], $0x28, $0x38;
	[tilespmem:$0x1A180] =	vst v63  }
0xd0: {  	s31 =	simm.s32 $0x380;
	s11 =	sadd.s32 s17, s19  }
0xd1: {  	[tilespmem:s31], [sflag:$0x8] =	stream.linear.gather [hbm4b:s11+s3], $0x28, $0x38;
	[tilespmem:$0x1A180] =	vst v63  }
0xd2: {  	_ =	swait.ge [sflag:s29], $0x28  }
0xd3: {  	[sflag:s29] =	ssyncset.done $0x0  }
0xd4: {  	[sflag:s29] =	ssyncadd.s32 $0xFFFFFFD8  }
0xd5: {  	_ =	swait.ge [sflag:s29], $0x28  }
0xd6: {  	[sflag:s29] =	ssyncset.done $0x0  }
0xd7: {  	s0 =	simm.s32 @!p1 $0x5;
	[sflag:s29] =	ssyncadd.s32 $0xFFFFFFD8  }
0xd8: {  	[tilespmem:s21], [sflag:$0x1] =	stream.indirect.gather [hbm4b:s4+s30], $0x80, s3, s30, $0xb8;
	[tilespmem:$0x1A180] =	vst v63  }
0xd9: {  	_ =	swait.ge @!p1 [sflag:s0], $0x1400  }
0xda: {  	[sflag:s0] =	ssyncset.done @!p1 $0x0  }
0xdb: {  	s11 =	simm.s32 @!p1 $0xE;
	[sflag:s0] =	ssyncadd.s32 @!p1 $0xFFFFEC00;
	s0 =	simm.s32 @!p1 $0x480  }
0xdc: {  	[spmem:s2] =	stream.indirect.scatter.add.f32 @!p1 [tilespmem:s12], [sflag:$0xF], $0x80, s0, s28, $0xb8;
	[tilespmem:$0x1A180] =	vst v63  }
0xdd: {  	_ =	swait.ge @!p1 [sflag:s11], $0x1400  }
0xde: {  	s28 =	simm.s32 $0x180;
	s0 =	rddreg [dreg:$0x6];
	[sflag:s11] =	ssyncset.done @!p1 $0x0  }
0xdf: {  	s12 =	rddreg [dreg:$0x5];
	[sflag:s11] =	ssyncadd.s32 @!p1 $0xFFFFEC00;
	s0 =	sadd.s32 s17, s0  }
0xe0: {  	[tilespmem:s28], [sflag:$0x9] =	stream.linear.gather [hbm4b:s0+s3], $0x28, $0x38;
	[tilespmem:$0x1A180] =	vst v63  }
0xe1: {  	s11 =	sadd.s32 s17, s12  }
0xe2: {  	[tilespmem:s5], [sflag:$0x9] =	stream.linear.gather [hbm4b:s11+s3], $0x28, $0x38;
	[tilespmem:$0x1A180] =	vst v63  }
0xe3: {  	_ =	swait.ge [sflag:s1], $0x28  }
0xe4: {  	[sflag:s1] =	ssyncset.done $0x0  }
0xe5: {  	[sflag:s1] =	ssyncadd.s32 $0xFFFFFFD8  }
0xe6: {  	_ =	swait.ge [sflag:s1], $0x28  }
0xe7: {  	[sflag:s1] =	ssyncset.done $0x0  }
0xe8: {  	[sflag:s1] =	ssyncadd.s32 $0xFFFFFFD8  }
0xe9: {  	[tilespmem:s9], [sflag:$0x2] =	stream.indirect.gather [hbm4b:s4+s30], $0x80, s24, s30, $0xb8;
	[tilespmem:$0x1A180] =	vst v63  }
0xea: {  	_ =	swait.ge [sflag:s10], $0x1400  }
0xeb: {  	[sflag:s10] =	ssyncset.done $0x0  }
0xec: {  	s12 =	simm.s32 $0x280;
	s0 =	simm.s32 @!p1 $0xF;
	[sflag:s10] =	ssyncadd.s32 $0xFFFFEC00  }
0xed: {  	[spmem:s2] =	stream.indirect.scatter.add.f32 [tilespmem:s21], [sflag:$0xB], $0x80, s12, s30, $0xb8;
	[tilespmem:$0x1A180] =	vst v63  }
0xee: {  	_ =	swait.ge @!p1 [sflag:s0], $0x1400  }
0xef: {  	s11 =	rddreg [dreg:$0x4];
	[sflag:s0] =	ssyncset.done @!p1 $0x0  }
0xf0: {  	[sflag:s0] =	ssyncadd.s32 @!p1 $0xFFFFEC00;
	s11 =	sadd.s32 s17, s11  }
0xf1: {  	[tilespmem:s16], [sflag:$0xA] =	stream.linear.gather [hbm4b:s11+s3], $0x28, $0x38;
	[tilespmem:$0x1A180] =	vst v63  }
0xf2: {  	s11 =	sadd.s32 s17, s18  }
0xf3: {  	[tilespmem:s23], [sflag:$0xA] =	stream.linear.gather [hbm4b:s11+s3], $0x28, $0x38;
	[tilespmem:$0x1A180] =	vst v63  }
0xf4: {  	_ =	swait.ge [sflag:s13], $0x28  }
0xf5: {  	[sflag:s13] =	ssyncset.done $0x0  }
0xf6: {  	s6 =	smov.u32 s22;
	s22 =	sadd.s32 $0x19, s22;
	[sflag:s13] =	ssyncadd.s32 $0xFFFFFFD8  }
0xf7: {  	p2 =	sne.s32 s22, $0x4E2;
	_ =	swait.ge [sflag:s13], $0x28  }
.Ltmp1:
0xf8: {  	[sflag:s13] =	ssyncset.done $0x0;
	(pc) =	sbr.rel @p2 .LBB2_4-.Ltmp1, $4  }
0xf9: {  	[sflag:s13] =	ssyncadd.s32 $0xFFFFFFD8  }
0xfa: {  	[tilespmem:s14], [sflag:$0x3] =	stream.indirect.gather [hbm4b:s4+s30], $0x80, s26, s30, $0xb8;
	[tilespmem:$0x1A180] =	vst v63  }
0xfb: {  	s17 =	smov.u32 s6;
	_ =	swait.ge [sflag:s15], $0x1400  }
0xfc: {  	p1 =	seq.s32 s17, $0x0;
	[sflag:s15] =	ssyncset.done $0x0  }
0xfd: {  	s0 =	simm.s32 @!p1 $0xB;
	[sflag:s15] =	ssyncadd.s32 $0xFFFFEC00  }
0xfe: {  	[spmem:s2] =	stream.indirect.scatter.add.f32 [tilespmem:s9], [sflag:$0xC], $0x80, s25, s30, $0xb8;
	[tilespmem:$0x1A180] =	vst v63  }
0xff: {  	_ =	swait.ge @!p1 [sflag:s0], $0x1400  }
0x100: {  	s6 =	rddreg [dreg:$0xa];
	[sflag:s0] =	ssyncset.done @!p1 $0x0  }
0x101: {  	[sflag:s0] =	ssyncadd.s32 @!p1 $0xFFFFEC00;
	s6 =	sadd.s32 s17, s6  }
0x102: {  	[tilespmem:s3], [sflag:$0x6] =	stream.linear.gather [hbm4b:s6+s3], $0x28, $0x38;
	[tilespmem:$0x1A180] =	vst v63  }
0x103: {  	s11 =	sadd.s32 s17, s20;
	s6 =	simm.s32 @!p1 $0x9  }
0x104: {  	[tilespmem:s12], [sflag:$0x6] =	stream.linear.gather [hbm4b:s11+s3], $0x28, $0x38;
	[tilespmem:$0x1A180] =	vst v63  }
0x105: {  	_ =	swait.ge @!p1 [sflag:s6], $0x28  }
0x106: {  	[sflag:s6] =	ssyncset.done @!p1 $0x0  }
0x107: {  	[sflag:s6] =	ssyncadd.s32 @!p1 $0xFFFFFFD8  }
0x108: {  	_ =	swait.ge @!p1 [sflag:s6], $0x28  }
0x109: {  	s0 =	simm.s32 @!p1 $0x17980;
	s11 =	simm.s32 @!p1 $0x3;
	[sflag:s6] =	ssyncset.done @!p1 $0x0  }
0x10a: {  	s12 =	simm.s32 @!p1 $0x180;
	[sflag:s6] =	ssyncadd.s32 @!p1 $0xFFFFFFD8;
	s6 =	simm.s32 @!p1 $0x28  }
0x10b: {  	[tilespmem:s0], [sflag:$0x4] =	stream.indirect.gather @!p1 [hbm4b:s4+s6], $0x80, s12, s6, $0xb8;
	[tilespmem:$0x1A180] =	vst v63  }
0x10c: {  	_ =	swait.ge @!p1 [sflag:s11], $0x1400  }
0x10d: {  	s22 =	simm.s32 @!p1 $0x16580;
	[sflag:s11] =	ssyncset.done @!p1 $0x0  }
0x10e: {  	s12 =	simm.s32 @!p1 $0xC;
	[sflag:s11] =	ssyncadd.s32 @!p1 $0xFFFFEC00;
	s11 =	simm.s32 @!p1 $0x380  }
0x10f: {  	[spmem:s2] =	stream.indirect.scatter.add.f32 @!p1 [tilespmem:s22], [sflag:$0xD], $0x80, s11, s6, $0xb8;
	[tilespmem:$0x1A180] =	vst v63  }
0x110: {  	_ =	swait.ge @!p1 [sflag:s12], $0x1400  }
0x111: {  	s11 =	rddreg [dreg:$0x9];
	[sflag:s12] =	ssyncset.done @!p1 $0x0  }
0x112: {  	s22 =	rddreg [dreg:$0x8];
	[sflag:s12] =	ssyncadd.s32 @!p1 $0xFFFFEC00;
	s11 =	sadd.s32 s17, s11  }
0x113: {  	[tilespmem:s24], [sflag:$0x7] =	stream.linear.gather [hbm4b:s11+s3], $0x28, $0x38;
	[tilespmem:$0x1A180] =	vst v63  }
0x114: {  	s22 =	sadd.s32 s17, s22;
	s12 =	simm.s32 @!p1 $0xA  }
0x115: {  	[tilespmem:s25], [sflag:$0x7] =	stream.linear.gather [hbm4b:s22+s3], $0x28, $0x38;
	[tilespmem:$0x1A180] =	vst v63  }
0x116: {  	_ =	swait.ge @!p1 [sflag:s12], $0x28  }
0x117: {  	[sflag:s12] =	ssyncset.done @!p1 $0x0  }
0x118: {  	[sflag:s12] =	ssyncadd.s32 @!p1 $0xFFFFFFD8  }
0x119: {  	_ =	swait.ge @!p1 [sflag:s12], $0x28  }
0x11a: {  	s11 =	simm.s32 @!p1 $0x4;
	[sflag:s12] =	ssyncset.done @!p1 $0x0  }
0x11b: {  	s22 =	simm.s32 @!p1 $0x18D80;
	[sflag:s12] =	ssyncadd.s32 @!p1 $0xFFFFFFD8;
	s12 =	simm.s32 @!p1 $0x200  }
0x11c: {  	[tilespmem:s22], [sflag:$0x5] =	stream.indirect.gather @!p1 [hbm4b:s4+s6], $0x80, s12, s6, $0xb8;
	[tilespmem:$0x1A180] =	vst v63  }
0x11d: {  	_ =	swait.ge @!p1 [sflag:s11], $0x1400  }
0x11e: {  	[sflag:s11] =	ssyncset.done @!p1 $0x0  }
0x11f: {  	s12 =	simm.s32 @!p1 $0xD;
	[sflag:s11] =	ssyncadd.s32 @!p1 $0xFFFFEC00;
	s11 =	simm.s32 @!p1 $0x400  }
0x120: {  	[spmem:s2] =	stream.indirect.scatter.add.f32 @!p1 [tilespmem:s0], [sflag:$0xE], $0x80, s11, s6, $0xb8;
	[tilespmem:$0x1A180] =	vst v63  }
0x121: {  	_ =	swait.ge @!p1 [sflag:s12], $0x1400  }
0x122: {  	s11 =	rddreg [dreg:$0x7];
	[sflag:s12] =	ssyncset.done @!p1 $0x0  }
0x123: {  	[sflag:s12] =	ssyncadd.s32 @!p1 $0xFFFFEC00;
	s0 =	sadd.s32 s17, s11  }
0x124: {  	[tilespmem:s26], [sflag:$0x8] =	stream.linear.gather [hbm4b:s0+s3], $0x28, $0x38;
	[tilespmem:$0x1A180] =	vst v63  }
0x125: {  	s11 =	sadd.s32 s17, s19  }
0x126: {  	[tilespmem:s31], [sflag:$0x8] =	stream.linear.gather [hbm4b:s11+s3], $0x28, $0x38;
	[tilespmem:$0x1A180] =	vst v63  }
0x127: {  	_ =	swait.ge [sflag:s29], $0x28  }
0x128: {  	[sflag:s29] =	ssyncset.done $0x0  }
0x129: {  	[sflag:s29] =	ssyncadd.s32 $0xFFFFFFD8  }
0x12a: {  	_ =	swait.ge [sflag:s29], $0x28  }
0x12b: {  	[sflag:s29] =	ssyncset.done $0x0  }
0x12c: {  	s0 =	simm.s32 @!p1 $0x5;
	[sflag:s29] =	ssyncadd.s32 $0xFFFFFFD8  }
0x12d: {  	[tilespmem:s21], [sflag:$0x1] =	stream.indirect.gather [hbm4b:s4+s30], $0x80, s3, s30, $0xb8;
	[tilespmem:$0x1A180] =	vst v63  }
0x12e: {  	_ =	swait.ge @!p1 [sflag:s0], $0x1400  }
0x12f: {  	[sflag:s0] =	ssyncset.done @!p1 $0x0  }
0x130: {  	s11 =	simm.s32 @!p1 $0xE;
	[sflag:s0] =	ssyncadd.s32 @!p1 $0xFFFFEC00;
	s0 =	simm.s32 @!p1 $0x480  }
0x131: {  	[spmem:s2] =	stream.indirect.scatter.add.f32 @!p1 [tilespmem:s22], [sflag:$0xF], $0x80, s0, s6, $0xb8;
	[tilespmem:$0x1A180] =	vst v63  }
0x132: {  	_ =	swait.ge @!p1 [sflag:s11], $0x1400  }
0x133: {  	s6 =	rddreg [dreg:$0x6];
	[sflag:s11] =	ssyncset.done @!p1 $0x0  }
0x134: {  	s22 =	rddreg [dreg:$0x5];
	[sflag:s11] =	ssyncadd.s32 @!p1 $0xFFFFEC00;
	s0 =	sadd.s32 s17, s6  }
0x135: {  	[tilespmem:s28], [sflag:$0x9] =	stream.linear.gather [hbm4b:s0+s3], $0x28, $0x38;
	[tilespmem:$0x1A180] =	vst v63  }
0x136: {  	s11 =	sadd.s32 s17, s22  }
0x137: {  	[tilespmem:s5], [sflag:$0x9] =	stream.linear.gather [hbm4b:s11+s3], $0x28, $0x38;
	[tilespmem:$0x1A180] =	vst v63  }
0x138: {  	_ =	swait.ge [sflag:s1], $0x28  }
0x139: {  	[sflag:s1] =	ssyncset.done $0x0  }
0x13a: {  	[sflag:s1] =	ssyncadd.s32 $0xFFFFFFD8  }
0x13b: {  	_ =	swait.ge [sflag:s1], $0x28  }
0x13c: {  	[sflag:s1] =	ssyncset.done $0x0  }
0x13d: {  	[sflag:s1] =	ssyncadd.s32 $0xFFFFFFD8  }
0x13e: {  	[tilespmem:s9], [sflag:$0x2] =	stream.indirect.gather [hbm4b:s4+s30], $0x80, s24, s30, $0xb8;
	[tilespmem:$0x1A180] =	vst v63  }
0x13f: {  	_ =	swait.ge [sflag:s10], $0x1400  }
0x140: {  	[sflag:s10] =	ssyncset.done $0x0  }
0x141: {  	s12 =	simm.s32 $0x280;
	s0 =	simm.s32 @!p1 $0xF;
	[sflag:s10] =	ssyncadd.s32 $0xFFFFEC00  }
0x142: {  	[spmem:s2] =	stream.indirect.scatter.add.f32 [tilespmem:s21], [sflag:$0xB], $0x80, s12, s30, $0xb8;
	[tilespmem:$0x1A180] =	vst v63  }
0x143: {  	_ =	swait.ge @!p1 [sflag:s0], $0x1400  }
0x144: {  	s12 =	rddreg [dreg:$0x4];
	[sflag:s0] =	ssyncset.done @!p1 $0x0  }
0x145: {  	[sflag:s0] =	ssyncadd.s32 @!p1 $0xFFFFEC00;
	s22 =	sadd.s32 s17, s12  }
0x146: {  	[tilespmem:s16], [sflag:$0xA] =	stream.linear.gather [hbm4b:s22+s3], $0x28, $0x38;
	[tilespmem:$0x1A180] =	vst v63  }
0x147: {  	s6 =	sadd.s32 s17, s18  }
0x148: {  	[tilespmem:s23], [sflag:$0xA] =	stream.linear.gather [hbm4b:s6+s3], $0x28, $0x38;
	[tilespmem:$0x1A180] =	vst v63  }
0x149: {  	_ =	swait.ge [sflag:s13], $0x28  }
0x14a: {  	[sflag:s13] =	ssyncset.done $0x0  }
0x14b: {  	[sflag:s13] =	ssyncadd.s32 $0xFFFFFFD8  }
0x14c: {  	_ =	swait.ge [sflag:s13], $0x28  }
0x14d: {  	[sflag:s13] =	ssyncset.done $0x0  }
0x14e: {  	[sflag:s13] =	ssyncadd.s32 $0xFFFFFFD8  }
0x14f: {  	[tilespmem:s14], [sflag:$0x3] =	stream.indirect.gather [hbm4b:s4+s30], $0x80, s26, s30, $0xb8;
	[tilespmem:$0x1A180] =	vst v63  }
0x150: {  	_ =	swait.ge [sflag:s15], $0x1400  }
0x151: {  	[sflag:s15] =	ssyncset.done $0x0  }
0x152: {  	s11 =	simm.s32 $0x9;
	[sflag:s15] =	ssyncadd.s32 $0xFFFFEC00  }
0x153: {  	[spmem:s2] =	stream.indirect.scatter.add.f32 [tilespmem:s9], [sflag:$0xC], $0x80, s25, s30, $0xb8;
	[tilespmem:$0x1A180] =	vst v63  }
0x154: {  	_ =	swait.ge [sflag:s11], $0x28  }
0x155: {  	[sflag:s11] =	ssyncset.done $0x0  }
0x156: {  	[sflag:s11] =	ssyncadd.s32 $0xFFFFFFD8  }
0x157: {  	_ =	swait.ge [sflag:s11], $0x28  }
0x158: {  	[sflag:s11] =	ssyncset.done $0x0  }
0x159: {  	s12 =	simm.s32 $0x17980;
	s17 =	simm.s32 $0xA;
	[sflag:s11] =	ssyncadd.s32 $0xFFFFFFD8  }
0x15a: {  	[tilespmem:s12], [sflag:$0x4] =	stream.indirect.gather [hbm4b:s4+s30], $0x80, s28, s30, $0xb8;
	[tilespmem:$0x1A180] =	vst v63  }
0x15b: {  	_ =	swait.ge [sflag:s17], $0x28  }
0x15c: {  	[sflag:s17] =	ssyncset.done $0x0  }
0x15d: {  	[sflag:s17] =	ssyncadd.s32 $0xFFFFFFD8  }
0x15e: {  	_ =	swait.ge [sflag:s17], $0x28  }
0x15f: {  	[sflag:s17] =	ssyncset.done $0x0  }
0x160: {  	s22 =	simm.s32 $0x18D80;
	s28 =	simm.s32 $0x3;
	[sflag:s17] =	ssyncadd.s32 $0xFFFFFFD8  }
0x161: {  	[tilespmem:s22], [sflag:$0x5] =	stream.indirect.gather [hbm4b:s4+s30], $0x80, s16, s30, $0xb8;
	[tilespmem:$0x1A180] =	vst v63  }
0x162: {  	_ =	swait.ge [sflag:s28], $0x1400  }
0x163: {  	[sflag:s28] =	ssyncset.done $0x0  }
0x164: {  	[sflag:s28] =	ssyncadd.s32 $0xFFFFEC00  }
0x165: {  	[spmem:s2] =	stream.indirect.scatter.add.f32 [tilespmem:s14], [sflag:$0xD], $0x80, s31, s30, $0xb8;
	[tilespmem:$0x1A180] =	vst v63  }
0x166: {  	s31 =	simm.s32 $0x4  }
0x167: {  	_ =	swait.ge [sflag:s31], $0x1400  }
0x168: {  	[sflag:s31] =	ssyncset.done $0x0  }
0x169: {  	[sflag:s31] =	ssyncadd.s32 $0xFFFFEC00  }
0x16a: {  	[spmem:s2] =	stream.indirect.scatter.add.f32 [tilespmem:s12], [sflag:$0xE], $0x80, s5, s30, $0xb8;
	[tilespmem:$0x1A180] =	vst v63  }
0x16b: {  	s5 =	simm.s32 $0x5  }
0x16c: {  	_ =	swait.ge [sflag:s5], $0x1400  }
0x16d: {  	[sflag:s5] =	ssyncset.done $0x0  }
0x16e: {  	[sflag:s5] =	ssyncadd.s32 $0xFFFFEC00  }
0x16f: {  	[spmem:s2] =	stream.indirect.scatter.add.f32 [tilespmem:s22], [sflag:$0xF], $0x80, s23, s30, $0xb8;
	[tilespmem:$0x1A180] =	vst v63  }
0x170: {  	s23 =	simm.s32 $0xB  }
0x171: {  	_ =	swait.ge [sflag:s23], $0x1400  }
0x172: {  	[sflag:s23] =	ssyncset.done $0x0  }
0x173: {  	s11 =	simm.s32 $0xC;
	[sflag:s23] =	ssyncadd.s32 $0xFFFFEC00  }
0x174: {  	_ =	swait.ge [sflag:s11], $0x1400  }
0x175: {  	[sflag:s11] =	ssyncset.done $0x0  }
0x176: {  	s12 =	simm.s32 $0xD;
	[sflag:s11] =	ssyncadd.s32 $0xFFFFEC00  }
0x177: {  	_ =	swait.ge [sflag:s12], $0x1400  }
0x178: {  	[sflag:s12] =	ssyncset.done $0x0  }
0x179: {  	s16 =	simm.s32 $0xE;
	[sflag:s12] =	ssyncadd.s32 $0xFFFFEC00  }
0x17a: {  	_ =	swait.ge [sflag:s16], $0x1400  }
0x17b: {  	[sflag:s16] =	ssyncset.done $0x0  }
0x17c: {  	s17 =	simm.s32 $0xF;
	[sflag:s16] =	ssyncadd.s32 $0xFFFFEC00  }
0x17d: {  	_ =	swait.ge [sflag:s17], $0x1400  }
0x17e: {  	[sflag:s17] =	ssyncset.done $0x0  }
0x17f: {  	[sflag:s17] =	ssyncadd.s32 $0xFFFFEC00  }
0x180: {  	[bflag:$0x0] =	sbarrier.arrive $0xFFFF  }
0x181: {  	s22 =	stileid.u32;
	s11 =	rddreg [dreg:$0xf]  }
0x182: {  	s0 =	sshll.u32 s22, $0x6;
	s31 =	rddreg [dreg:$0x13];
	s28 =	sshrl.u32 s11, $0x3  }
0x183: {  	s5 =	simm.s32 $0x10;
	s6 =	sor.u32 $0x1C10, s0;
	[dreg:$0x1d] =	wrdreg s28  }
0x184: {  	[hbm:s31], [sflag:s6] =	dma.local [spmem:s28], $0xC80  }
0x185: {  	_ =	swait.ge [sflag:s5], $0xC80  }
0x186: {  	s12 =	rddreg [dreg:$0x10]  }
0x187: {  	[sflag:s5] =	ssyncset.done $0x0;
	s17 =	rddreg [dreg:$0x14];
	s16 =	sshrl.u32 s12, $0x3  }
0x188: {  	[sflag:s5] =	ssyncadd.s32 $0xFFFFF380;
	[dreg:$0x1e] =	wrdreg s16  }
0x189: {  	[hbm:s17], [sflag:s6] =	dma.local [spmem:s16], $0xC80  }
0x18a: {  	_ =	swait.ge [sflag:s5], $0xC80  }
0x18b: {  	s22 =	rddreg [dreg:$0x11]  }
0x18c: {  	[sflag:s5] =	ssyncset.done $0x0;
	s31 =	rddreg [dreg:$0x15];
	s28 =	sshrl.u32 s22, $0x3  }
0x18d: {  	[sflag:s5] =	ssyncadd.s32 $0xFFFFF380;
	[dreg:$0x1f] =	wrdreg s28  }
0x18e: {  	[hbm:s31], [sflag:s6] =	dma.local [spmem:s28], $0xC80  }
0x18f: {  	_ =	swait.ge [sflag:s5], $0xC80  }
0x190: {  	[sflag:s5] =	ssyncset.done $0x0;
	s0 =	rddreg [dreg:$0x12]  }
0x191: {  	[sflag:s5] =	ssyncadd.s32 $0xFFFFF380;
	s5 =	sshrl.u32 @!p0 s0, $0x3;
	s0 =	rddreg [dreg:$0x16]  }
0x192: {  	[smem:$0x7FD] =	sst s5  }
0x193: {  	[hbm:s0], [sflag:s6] =	dma.local @!p0 [spmem:s5], $0xC80  }
0x194: {  	s0 =	simm.s32 @!p0 $0x10  }
0x195: {  	_ =	swait.ge @!p0 [sflag:s0], $0xC80  }
0x196: {  	[sflag:s0] =	ssyncset.done @!p0 $0x0  }
0x197: {  	s16 =	smov.u32 s6;
	[sflag:s0] =	ssyncadd.s32 @!p0 $0xFFFFF380  }
0x198: {  	s17 =	simm.s32 $0x200;
	s6 =	simm.s32 $0x0;
	[bflag:$0x0] =	sbarrier.arrive $0xFFFF  }
.LBB2_6:
0x199: {  	p1 =	sne.s32 s17, $0x18E00;
	[tilespmem:s6+$0x13DF0] =	vst v0  }
0x19a: {  	[tilespmem:s6+$0x13D80] =	vst v0  }
0x19b: {  	[tilespmem:s6+$0x13D90] =	vst v0  }
.Ltmp2:
0x19c: {  	[tilespmem:s6+$0x13DA0] =	vst v0;
	(pc) =	sbr.rel @p1 .LBB2_6-.Ltmp2, $4  }
0x19d: {  	[tilespmem:s6+$0x13DB0] =	vst v0  }
0x19e: {  	[tilespmem:s6+$0x13DC0] =	vst v0  }
0x19f: {  	[tilespmem:s6+$0x13DD0] =	vst v0  }
0x1a0: {  	[tilespmem:s6+$0x13DE0] =	vst v0;
	s6 =	sshra.s32 s17, $0x2;
	s17 =	sadd.s32 $0x200, s17  }
0x1a1: {  	[tilespmem:s6+$0x13DF0] =	vst v0  }
0x1a2: {  	[tilespmem:s6+$0x13D80] =	vst v0  }
0x1a3: {  	[tilespmem:s6+$0x13D90] =	vst v0  }
0x1a4: {  	[tilespmem:s6+$0x13DA0] =	vst v0  }
0x1a5: {  	[tilespmem:s6+$0x13DB0] =	vst v0  }
0x1a6: {  	[tilespmem:s6+$0x13DC0] =	vst v0  }
0x1a7: {  	[tilespmem:s6+$0x13DD0] =	vst v0  }
0x1a8: {  	[tilespmem:s6+$0x13DE0] =	vst v0;
	s5 =	simm.s32 $0x11  }
0x1a9: {  	[spmem:s11] =	stream.linear.scatter [tilespmem:s21], [sflag:$0x11], $0x6400, $0x38;
	[tilespmem:$0x1A180] =	vst v63  }
0x1aa: {  	_ =	swait.ge [sflag:s5], $0x6400  }
0x1ab: {  	[sflag:s5] =	ssyncset.done $0x0  }
0x1ac: {  	s0 =	rddreg [dreg:$0x10];
	[sflag:s5] =	ssyncadd.s32 $0xFFFF9C00  }
0x1ad: {  	[spmem:s0] =	stream.linear.scatter [tilespmem:s21], [sflag:$0x11], $0x6400, $0x38;
	[tilespmem:$0x1A180] =	vst v63  }
0x1ae: {  	_ =	swait.ge [sflag:s5], $0x6400  }
0x1af: {  	[sflag:s5] =	ssyncset.done $0x0  }
0x1b0: {  	s31 =	rddreg [dreg:$0x11];
	[sflag:s5] =	ssyncadd.s32 $0xFFFF9C00  }
0x1b1: {  	[spmem:s31] =	stream.linear.scatter [tilespmem:s21], [sflag:$0x11], $0x6400, $0x38;
	[tilespmem:$0x1A180] =	vst v63  }
0x1b2: {  	_ =	swait.ge [sflag:s5], $0x6400  }
0x1b3: {  	[sflag:s5] =	ssyncset.done $0x0  }
0x1b4: {  	s0 =	simm.s32 @!p0 $0x13D80;
	[sflag:s5] =	ssyncadd.s32 $0xFFFF9C00;
	s5 =	rddreg [dreg:$0x12]  }
0x1b5: {  	[spmem:s5] =	stream.linear.scatter @!p0 [tilespmem:s0], [sflag:$0x10], $0x6400, $0x38;
	[tilespmem:$0x1A180] =	vst v63  }
0x1b6: {  	s0 =	simm.s32 @!p0 $0x10  }
0x1b7: {  	_ =	swait.ge @!p0 [sflag:s0], $0x6400  }
0x1b8: {  	[sflag:s0] =	ssyncset.done @!p0 $0x0  }
0x1b9: {  	s6 =	simm.s32 $0x0;
	s17 =	simm.s32 $0x200;
	[sflag:s0] =	ssyncadd.s32 @!p0 $0xFFFF9C00  }
0x1ba: {  	s28 =	simm.s32 $0x16780;
	s5 =	simm.s32 $0x16700;
	[bflag:$0x0] =	sbarrier.arrive $0xFFFF  }
.LBB2_8:
0x1bb: {  	p1 =	sne.s32 s17, $0x9E00;
	[tilespmem:s6+$0x13DF0] =	vst v1  }
0x1bc: {  	[tilespmem:s6+$0x13D80] =	vst v1  }
0x1bd: {  	[tilespmem:s6+$0x13D90] =	vst v1  }
.Ltmp3:
0x1be: {  	[tilespmem:s6+$0x13DA0] =	vst v1;
	(pc) =	sbr.rel @p1 .LBB2_8-.Ltmp3, $4  }
0x1bf: {  	[tilespmem:s6+$0x13DB0] =	vst v1  }
0x1c0: {  	[tilespmem:s6+$0x13DC0] =	vst v1  }
0x1c1: {  	[tilespmem:s6+$0x13DD0] =	vst v1  }
0x1c2: {  	[tilespmem:s6+$0x13DE0] =	vst v1;
	s6 =	sshra.s32 s17, $0x2;
	s17 =	sadd.s32 $0x200, s17  }
0x1c3: {  	[tilespmem:s6+$0x13DF0] =	vst v1  }
0x1c4: {  	[tilespmem:s6+$0x13D80] =	vst v1  }
0x1c5: {  	[tilespmem:s6+$0x13D90] =	vst v1  }
0x1c6: {  	[tilespmem:s6+$0x13DA0] =	vst v1  }
0x1c7: {  	[tilespmem:s6+$0x13DB0] =	vst v1  }
0x1c8: {  	[tilespmem:s6+$0x13DC0] =	vst v1  }
0x1c9: {  	[tilespmem:s6+$0x13DD0] =	vst v1;
	p1 =	por $0x1, $0x1  }
0x1ca: {  	[tilespmem:s6+$0x13DE0] =	vst v1;
	s0 =	simm.s32 @!p1 $0xB  }
0x1cb: {  	_ =	swait.ge @!p1 [sflag:s0], $0x2800  }
0x1cc: {  	[sflag:s0] =	ssyncset.done @!p1 $0x0  }
0x1cd: {  	s31 =	sadd.s32 $0x0, s20;
	s11 =	simm.s32 @p1 $0x16600;
	[sflag:s0] =	ssyncadd.s32 @!p1 $0xFFFFD800  }
0x1ce: {  	[tilespmem:s14], [sflag:$0x6] =	stream.linear.gather [hbm4b:s31+s3], $0x50, $0x38;
	[tilespmem:$0x1A180] =	vst v63  }
0x1cf: {  	s12 =	simm.s32 @!p1 $0x9;
	s6 =	rddreg [dreg:$0xb];
	s0 =	simm.s32 @p1 $0x0  }
0x1d0: {  	[tilespmem:s11], [sflag:$0x7] =	stream.linear.gather @p1 [hbm4b:s6+s0], $0x50, $0x38;
	[tilespmem:$0x1A180] =	vst v63  }
0x1d1: {  	_ =	swait.ge @!p1 [sflag:s12], $0x50  }
0x1d2: {  	s0 =	simm.s32 @!p1 $0x13D80;
	s6 =	simm.s32 @!p1 $0xC;
	[sflag:s12] =	ssyncset.done @!p1 $0x0  }
0x1d3: {  	s11 =	simm.s32 @!p1 $0x50;
	[sflag:s12] =	ssyncadd.s32 @!p1 $0xFFFFFFB0;
	s12 =	simm.s32 @!p1 $0x16700  }
0x1d4: {  	[spmem:s2] =	stream.indirect.scatter.add.f32 @!p1 [tilespmem:s0], [sflag:$0xE], $0x80, s12, s11, $0xb8;
	[tilespmem:$0x1A180] =	vst v63  }
0x1d5: {  	_ =	swait.ge @!p1 [sflag:s6], $0x2800  }
0x1d6: {  	s17 =	simm.s32 @!p1 $0xA;
	s22 =	simm.s32 @!p1 $0x0;
	[sflag:s6] =	ssyncset.done @!p1 $0x0  }
0x1d7: {  	s12 =	simm.s32 @!p1 $0x16600;
	[sflag:s6] =	ssyncadd.s32 @!p1 $0xFFFFD800;
	s6 =	sadd.s32 @!p1 $0x0, s19  }
0x1d8: {  	[tilespmem:s12], [sflag:$0x7] =	stream.linear.gather @!p1 [hbm4b:s6+s22], $0x50, $0x38;
	[tilespmem:$0x1A180] =	vst v63  }
0x1d9: {  	_ =	swait.ge @!p1 [sflag:s17], $0x50  }
0x1da: {  	[sflag:s17] =	ssyncset.done @!p1 $0x0  }
0x1db: {  	s6 =	simm.s32 @!p1 $0x16780;
	s12 =	simm.s32 @!p1 $0xD;
	[sflag:s17] =	ssyncadd.s32 @!p1 $0xFFFFFFB0  }
0x1dc: {  	[spmem:s2] =	stream.indirect.scatter.add.f32 @!p1 [tilespmem:s0], [sflag:$0xF], $0x80, s6, s11, $0xb8;
	[tilespmem:$0x1A180] =	vst v63  }
0x1dd: {  	_ =	swait.ge @!p1 [sflag:s12], $0x2800  }
0x1de: {  	[sflag:s12] =	ssyncset.done @!p1 $0x0  }
0x1df: {  	s11 =	sadd.s32 $0x0, s18;
	[sflag:s12] =	ssyncadd.s32 @!p1 $0xFFFFD800  }
0x1e0: {  	[tilespmem:s7], [sflag:$0x8] =	stream.linear.gather [hbm4b:s11+s3], $0x50, $0x38;
	[tilespmem:$0x1A180] =	vst v63  }
0x1e1: {  	_ =	swait.ge [sflag:s29], $0x50  }
0x1e2: {  	[sflag:s29] =	ssyncset.done $0x0  }
0x1e3: {  	s0 =	simm.s32 @!p1 $0xE;
	[sflag:s29] =	ssyncadd.s32 $0xFFFFFFB0  }
0x1e4: {  	[spmem:s2] =	stream.indirect.scatter.add.f32 [tilespmem:s21], [sflag:$0xB], $0x80, s14, s8, $0xb8;
	[tilespmem:$0x1A180] =	vst v63  }
0x1e5: {  	_ =	swait.ge @!p1 [sflag:s0], $0x2800  }
0x1e6: {  	s12 =	rddreg [dreg:$0xd];
	[sflag:s0] =	ssyncset.done @!p1 $0x0  }
0x1e7: {  	[sflag:s0] =	ssyncadd.s32 @!p1 $0xFFFFD800;
	s17 =	sadd.s32 $0x0, s12  }
0x1e8: {  	[tilespmem:s5], [sflag:$0x9] =	stream.linear.gather [hbm4b:s17+s3], $0x50, $0x38;
	[tilespmem:$0x1A180] =	vst v63  }
0x1e9: {  	_ =	swait.ge [sflag:s1], $0x50  }
0x1ea: {  	[sflag:s1] =	ssyncset.done $0x0  }
0x1eb: {  	s6 =	simm.s32 @!p1 $0xF;
	s22 =	rddreg [dreg:$0xe];
	[sflag:s1] =	ssyncadd.s32 $0xFFFFFFB0  }
0x1ec: {  	[spmem:s2] =	stream.indirect.scatter.add.f32 [tilespmem:s21], [sflag:$0xC], $0x80, s22, s8, $0xb8;
	[tilespmem:$0x1A180] =	vst v63  }
0x1ed: {  	_ =	swait.ge @!p1 [sflag:s6], $0x2800  }
0x1ee: {  	s31 =	rddreg [dreg:$0xc];
	[sflag:s6] =	ssyncset.done @!p1 $0x0  }
0x1ef: {  	[sflag:s6] =	ssyncadd.s32 @!p1 $0xFFFFD800;
	s0 =	sadd.s32 $0x0, s31  }
0x1f0: {  	[tilespmem:s28], [sflag:$0xA] =	stream.linear.gather [hbm4b:s0+s3], $0x50, $0x38;
	[tilespmem:$0x1A180] =	vst v63  }
0x1f1: {  	s22 =	simm.s32 $0x64;
	_ =	swait.ge [sflag:s13], $0x50  }
0x1f2: {  	s6 =	simm.s32 $0x32;
	p1 =	por $0x0, $0x0;
	[sflag:s13] =	ssyncset.done $0x0  }
.LBB2_10:
0x1f3: {  	s0 =	simm.s32 @!p1 $0xB;
	[sflag:s13] =	ssyncadd.s32 $0xFFFFFFB0  }
0x1f4: {  	[spmem:s2] =	stream.indirect.scatter.add.f32 [tilespmem:s21], [sflag:$0xD], $0x80, s7, s8, $0xb8;
	[tilespmem:$0x1A180] =	vst v63  }
0x1f5: {  	_ =	swait.ge @!p1 [sflag:s0], $0x2800  }
0x1f6: {  	[sflag:s0] =	ssyncset.done @!p1 $0x0  }
0x1f7: {  	s5 =	sadd.s32 s6, s20;
	s12 =	simm.s32 @p1 $0x16600;
	[sflag:s0] =	ssyncadd.s32 @!p1 $0xFFFFD800  }
0x1f8: {  	[tilespmem:s14], [sflag:$0x6] =	stream.linear.gather [hbm4b:s5+s3], $0x50, $0x38;
	[tilespmem:$0x1A180] =	vst v63  }
0x1f9: {  	s28 =	simm.s32 @!p1 $0x9;
	s11 =	rddreg [dreg:$0xb];
	s0 =	simm.s32 @p1 $0x0  }
0x1fa: {  	[tilespmem:s12], [sflag:$0x7] =	stream.linear.gather @p1 [hbm4b:s11+s0], $0x50, $0x38;
	[tilespmem:$0x1A180] =	vst v63  }
0x1fb: {  	_ =	swait.ge @!p1 [sflag:s28], $0x50  }
0x1fc: {  	s0 =	simm.s32 @!p1 $0x13D80;
	s11 =	simm.s32 @!p1 $0xC;
	[sflag:s28] =	ssyncset.done @!p1 $0x0  }
0x1fd: {  	s12 =	simm.s32 @!p1 $0x50;
	[sflag:s28] =	ssyncadd.s32 @!p1 $0xFFFFFFB0;
	s28 =	simm.s32 @!p1 $0x16700  }
0x1fe: {  	[spmem:s2] =	stream.indirect.scatter.add.f32 @!p1 [tilespmem:s0], [sflag:$0xE], $0x80, s28, s12, $0xb8;
	[tilespmem:$0x1A180] =	vst v63  }
0x1ff: {  	_ =	swait.ge @!p1 [sflag:s11], $0x2800  }
0x200: {  	s31 =	simm.s32 @!p1 $0xA;
	s5 =	simm.s32 @!p1 $0x0;
	[sflag:s11] =	ssyncset.done @!p1 $0x0  }
0x201: {  	s28 =	simm.s32 @!p1 $0x16600;
	[sflag:s11] =	ssyncadd.s32 @!p1 $0xFFFFD800;
	s11 =	sadd.s32 @!p1 s6, s19  }
0x202: {  	[tilespmem:s28], [sflag:$0x7] =	stream.linear.gather @!p1 [hbm4b:s11+s5], $0x50, $0x38;
	[tilespmem:$0x1A180] =	vst v63  }
0x203: {  	_ =	swait.ge @!p1 [sflag:s31], $0x50  }
0x204: {  	[sflag:s31] =	ssyncset.done @!p1 $0x0  }
0x205: {  	s5 =	simm.s32 @!p1 $0x16780;
	s11 =	simm.s32 @!p1 $0xD;
	[sflag:s31] =	ssyncadd.s32 @!p1 $0xFFFFFFB0  }
0x206: {  	[spmem:s2] =	stream.indirect.scatter.add.f32 @!p1 [tilespmem:s0], [sflag:$0xF], $0x80, s5, s12, $0xb8;
	[tilespmem:$0x1A180] =	vst v63  }
0x207: {  	_ =	swait.ge @!p1 [sflag:s11], $0x2800  }
0x208: {  	[sflag:s11] =	ssyncset.done @!p1 $0x0  }
0x209: {  	[sflag:s11] =	ssyncadd.s32 @!p1 $0xFFFFD800;
	s11 =	sadd.s32 s6, s18  }
0x20a: {  	[tilespmem:s7], [sflag:$0x8] =	stream.linear.gather [hbm4b:s11+s3], $0x50, $0x38;
	[tilespmem:$0x1A180] =	vst v63  }
0x20b: {  	_ =	swait.ge [sflag:s29], $0x50  }
0x20c: {  	[sflag:s29] =	ssyncset.done $0x0  }
0x20d: {  	s0 =	simm.s32 @!p1 $0xE;
	[sflag:s29] =	ssyncadd.s32 $0xFFFFFFB0  }
0x20e: {  	[spmem:s2] =	stream.indirect.scatter.add.f32 [tilespmem:s21], [sflag:$0xB], $0x80, s14, s8, $0xb8;
	[tilespmem:$0x1A180] =	vst v63  }
0x20f: {  	_ =	swait.ge @!p1 [sflag:s0], $0x2800  }
0x210: {  	[sflag:s0] =	ssyncset.done @!p1 $0x0;
	s12 =	rddreg [dreg:$0xd]  }
0x211: {  	s28 =	simm.s32 $0x16700;
	[sflag:s0] =	ssyncadd.s32 @!p1 $0xFFFFD800;
	s5 =	sadd.s32 s6, s12  }
0x212: {  	[tilespmem:s28], [sflag:$0x9] =	stream.linear.gather [hbm4b:s5+s3], $0x50, $0x38;
	[tilespmem:$0x1A180] =	vst v63  }
0x213: {  	_ =	swait.ge [sflag:s1], $0x50  }
0x214: {  	s17 =	smov.u32 s22;
	s22 =	sadd.s32 $0x32, s22;
	[sflag:s1] =	ssyncset.done $0x0  }
0x215: {  	s5 =	simm.s32 @!p1 $0xF;
	s11 =	rddreg [dreg:$0xe];
	[sflag:s1] =	ssyncadd.s32 $0xFFFFFFB0  }
0x216: {  	[spmem:s2] =	stream.indirect.scatter.add.f32 [tilespmem:s21], [sflag:$0xC], $0x80, s11, s8, $0xb8;
	[tilespmem:$0x1A180] =	vst v63  }
0x217: {  	p2 =	sne.s32 s22, $0x4E2;
	_ =	swait.ge @!p1 [sflag:s5], $0x2800  }
.Ltmp4:
0x218: {  	[sflag:s5] =	ssyncset.done @!p1 $0x0;
	s12 =	rddreg [dreg:$0xc];
	(pc) =	sbr.rel @p2 .LBB2_10-.Ltmp4, $4  }
0x219: {  	s31 =	simm.s32 $0x16780;
	[sflag:s5] =	ssyncadd.s32 @!p1 $0xFFFFD800;
	s0 =	sadd.s32 s6, s12  }
0x21a: {  	[tilespmem:s31], [sflag:$0xA] =	stream.linear.gather [hbm4b:s0+s3], $0x50, $0x38;
	[tilespmem:$0x1A180] =	vst v63  }
0x21b: {  	s6 =	smov.u32 s17;
	_ =	swait.ge [sflag:s13], $0x50  }
0x21c: {  	p1 =	seq.s32 s6, $0x0;
	[sflag:s13] =	ssyncset.done $0x0  }
0x21d: {  	s0 =	simm.s32 @!p1 $0xB;
	[sflag:s13] =	ssyncadd.s32 $0xFFFFFFB0  }
0x21e: {  	[spmem:s2] =	stream.indirect.scatter.add.f32 [tilespmem:s21], [sflag:$0xD], $0x80, s7, s8, $0xb8;
	[tilespmem:$0x1A180] =	vst v63  }
0x21f: {  	_ =	swait.ge @!p1 [sflag:s0], $0x2800  }
0x220: {  	[sflag:s0] =	ssyncset.done @!p1 $0x0  }
0x221: {  	s22 =	sadd.s32 s6, s20;
	s11 =	simm.s32 @p1 $0x16600;
	[sflag:s0] =	ssyncadd.s32 @!p1 $0xFFFFD800  }
0x222: {  	[tilespmem:s14], [sflag:$0x6] =	stream.linear.gather [hbm4b:s22+s3], $0x50, $0x38;
	[tilespmem:$0x1A180] =	vst v63  }
0x223: {  	s12 =	simm.s32 @!p1 $0x9;
	s5 =	rddreg [dreg:$0xb];
	s0 =	simm.s32 @p1 $0x0  }
0x224: {  	[tilespmem:s11], [sflag:$0x7] =	stream.linear.gather @p1 [hbm4b:s5+s0], $0x50, $0x38;
	[tilespmem:$0x1A180] =	vst v63  }
0x225: {  	_ =	swait.ge @!p1 [sflag:s12], $0x50  }
0x226: {  	s0 =	simm.s32 @!p1 $0x13D80;
	s5 =	simm.s32 @!p1 $0xC;
	[sflag:s12] =	ssyncset.done @!p1 $0x0  }
0x227: {  	s11 =	simm.s32 @!p1 $0x50;
	[sflag:s12] =	ssyncadd.s32 @!p1 $0xFFFFFFB0;
	s12 =	simm.s32 @!p1 $0x16700  }
0x228: {  	[spmem:s2] =	stream.indirect.scatter.add.f32 @!p1 [tilespmem:s0], [sflag:$0xE], $0x80, s12, s11, $0xb8;
	[tilespmem:$0x1A180] =	vst v63  }
0x229: {  	_ =	swait.ge @!p1 [sflag:s5], $0x2800  }
0x22a: {  	s17 =	simm.s32 @!p1 $0x0;
	[sflag:s5] =	ssyncset.done @!p1 $0x0  }
0x22b: {  	s12 =	simm.s32 @!p1 $0x16600;
	[sflag:s5] =	ssyncadd.s32 @!p1 $0xFFFFD800;
	s5 =	sadd.s32 @!p1 s6, s19  }
0x22c: {  	[tilespmem:s12], [sflag:$0x7] =	stream.linear.gather @!p1 [hbm4b:s5+s17], $0x50, $0x38;
	[tilespmem:$0x1A180] =	vst v63  }
0x22d: {  	s5 =	simm.s32 @!p1 $0xA  }
0x22e: {  	_ =	swait.ge @!p1 [sflag:s5], $0x50  }
0x22f: {  	[sflag:s5] =	ssyncset.done @!p1 $0x0  }
0x230: {  	[sflag:s5] =	ssyncadd.s32 @!p1 $0xFFFFFFB0;
	s5 =	simm.s32 @!p1 $0x16780  }
0x231: {  	[spmem:s2] =	stream.indirect.scatter.add.f32 @!p1 [tilespmem:s0], [sflag:$0xF], $0x80, s5, s11, $0xb8;
	[tilespmem:$0x1A180] =	vst v63  }
0x232: {  	s0 =	simm.s32 @!p1 $0xD  }
0x233: {  	_ =	swait.ge @!p1 [sflag:s0], $0x2800  }
0x234: {  	[sflag:s0] =	ssyncset.done @!p1 $0x0  }
0x235: {  	s11 =	sadd.s32 s6, s18;
	[sflag:s0] =	ssyncadd.s32 @!p1 $0xFFFFD800  }
0x236: {  	[tilespmem:s7], [sflag:$0x8] =	stream.linear.gather [hbm4b:s11+s3], $0x50, $0x38;
	[tilespmem:$0x1A180] =	vst v63  }
0x237: {  	_ =	swait.ge [sflag:s29], $0x50  }
0x238: {  	[sflag:s29] =	ssyncset.done $0x0  }
0x239: {  	s0 =	simm.s32 @!p1 $0xE;
	[sflag:s29] =	ssyncadd.s32 $0xFFFFFFB0  }
0x23a: {  	[spmem:s2] =	stream.indirect.scatter.add.f32 [tilespmem:s21], [sflag:$0xB], $0x80, s14, s8, $0xb8;
	[tilespmem:$0x1A180] =	vst v63  }
0x23b: {  	_ =	swait.ge @!p1 [sflag:s0], $0x2800  }
0x23c: {  	s12 =	rddreg [dreg:$0xd];
	[sflag:s0] =	ssyncset.done @!p1 $0x0  }
0x23d: {  	[sflag:s0] =	ssyncadd.s32 @!p1 $0xFFFFD800;
	s17 =	sadd.s32 s6, s12  }
0x23e: {  	[tilespmem:s28], [sflag:$0x9] =	stream.linear.gather [hbm4b:s17+s3], $0x50, $0x38;
	[tilespmem:$0x1A180] =	vst v63  }
0x23f: {  	_ =	swait.ge [sflag:s1], $0x50  }
0x240: {  	[sflag:s1] =	ssyncset.done $0x0  }
0x241: {  	s5 =	simm.s32 @!p1 $0xF;
	s22 =	rddreg [dreg:$0xe];
	[sflag:s1] =	ssyncadd.s32 $0xFFFFFFB0  }
0x242: {  	[spmem:s2] =	stream.indirect.scatter.add.f32 [tilespmem:s21], [sflag:$0xC], $0x80, s22, s8, $0xb8;
	[tilespmem:$0x1A180] =	vst v63  }
0x243: {  	_ =	swait.ge @!p1 [sflag:s5], $0x2800  }
0x244: {  	s11 =	rddreg [dreg:$0xc];
	[sflag:s5] =	ssyncset.done @!p1 $0x0  }
0x245: {  	[sflag:s5] =	ssyncadd.s32 @!p1 $0xFFFFD800;
	s0 =	sadd.s32 s6, s11  }
0x246: {  	[tilespmem:s31], [sflag:$0xA] =	stream.linear.gather [hbm4b:s0+s3], $0x50, $0x38;
	[tilespmem:$0x1A180] =	vst v63  }
0x247: {  	_ =	swait.ge [sflag:s13], $0x50  }
0x248: {  	[sflag:s13] =	ssyncset.done $0x0  }
0x249: {  	s12 =	simm.s32 $0x9;
	[sflag:s13] =	ssyncadd.s32 $0xFFFFFFB0  }
0x24a: {  	[spmem:s2] =	stream.indirect.scatter.add.f32 [tilespmem:s21], [sflag:$0xD], $0x80, s7, s8, $0xb8;
	[tilespmem:$0x1A180] =	vst v63  }
0x24b: {  	_ =	swait.ge [sflag:s12], $0x50  }
0x24c: {  	[sflag:s12] =	ssyncset.done $0x0  }
0x24d: {  	s17 =	simm.s32 $0xA;
	[sflag:s12] =	ssyncadd.s32 $0xFFFFFFB0  }
0x24e: {  	[spmem:s2] =	stream.indirect.scatter.add.f32 [tilespmem:s21], [sflag:$0xE], $0x80, s28, s8, $0xb8;
	[tilespmem:$0x1A180] =	vst v63  }
0x24f: {  	_ =	swait.ge [sflag:s17], $0x50  }
0x250: {  	[sflag:s17] =	ssyncset.done $0x0  }
0x251: {  	[sflag:s17] =	ssyncadd.s32 $0xFFFFFFB0  }
0x252: {  	[spmem:s2] =	stream.indirect.scatter.add.f32 [tilespmem:s21], [sflag:$0xF], $0x80, s31, s8, $0xb8;
	[tilespmem:$0x1A180] =	vst v63  }
0x253: {  	_ =	swait.ge [sflag:s23], $0x2800  }
0x254: {  	[sflag:s23] =	ssyncset.done $0x0  }
0x255: {  	s22 =	simm.s32 $0xC;
	[sflag:s23] =	ssyncadd.s32 $0xFFFFD800  }
0x256: {  	_ =	swait.ge [sflag:s22], $0x2800  }
0x257: {  	[sflag:s22] =	ssyncset.done $0x0  }
0x258: {  	s23 =	simm.s32 $0xD;
	[sflag:s22] =	ssyncadd.s32 $0xFFFFD800  }
0x259: {  	_ =	swait.ge [sflag:s23], $0x2800  }
0x25a: {  	[sflag:s23] =	ssyncset.done $0x0  }
0x25b: {  	s28 =	simm.s32 $0xE;
	[sflag:s23] =	ssyncadd.s32 $0xFFFFD800  }
0x25c: {  	_ =	swait.ge [sflag:s28], $0x2800  }
0x25d: {  	[sflag:s28] =	ssyncset.done $0x0  }
0x25e: {  	s31 =	simm.s32 $0xF;
	[sflag:s28] =	ssyncadd.s32 $0xFFFFD800  }
0x25f: {  	_ =	swait.ge [sflag:s31], $0x2800  }
0x260: {  	[sflag:s31] =	ssyncset.done $0x0  }
0x261: {  	[sflag:s31] =	ssyncadd.s32 $0xFFFFD800  }
0x262: {  	[bflag:$0x0] =	sbarrier.arrive $0xFFFF  }
0x263: {  	s5 =	rddreg [dreg:$0x17]  }
0x264: {  	s11 =	simm.s32 $0x10;
	s6 =	rddreg [dreg:$0x1d]  }
0x265: {  	[hbm:s5], [sflag:s16] =	dma.local [spmem:s6], $0xC80  }
0x266: {  	_ =	swait.ge [sflag:s11], $0xC80  }
0x267: {  	[sflag:s11] =	ssyncset.done $0x0;
	s12 =	rddreg [dreg:$0x18]  }
0x268: {  	s17 =	rddreg [dreg:$0x1e];
	[sflag:s11] =	ssyncadd.s32 $0xFFFFF380  }
0x269: {  	[hbm:s12], [sflag:s16] =	dma.local [spmem:s17], $0xC80  }
0x26a: {  	_ =	swait.ge [sflag:s11], $0xC80  }
0x26b: {  	[sflag:s11] =	ssyncset.done $0x0;
	s22 =	rddreg [dreg:$0x19]  }
0x26c: {  	s23 =	rddreg [dreg:$0x1f];
	[sflag:s11] =	ssyncadd.s32 $0xFFFFF380  }
0x26d: {  	[hbm:s22], [sflag:s16] =	dma.local [spmem:s23], $0xC80  }
0x26e: {  	_ =	swait.ge [sflag:s11], $0xC80  }
0x26f: {  	s5 =	sld [smem:$0x7FD]  }
0x270: {  	[sflag:s11] =	ssyncset.done $0x0  }
0x271: {  	s0 =	rddreg [dreg:$0x1a];
	[sflag:s11] =	ssyncadd.s32 $0xFFFFF380  }
0x272: {  	[hbm:s0], [sflag:s16] =	dma.local @!p0 [spmem:s5], $0xC80  }
0x273: {  	s0 =	simm.s32 @!p0 $0x10  }
0x274: {  	_ =	swait.ge @!p0 [sflag:s0], $0xC80  }
0x275: {  	s28 =	rddreg [dreg:$0x1c]  }
0x276: {  	s31 =	rddreg [dreg:$0x1b];
	s6 =	sadd.s32 $0x1, s28  }
0x277: {  	p1 =	sne.s32 s6, s31  }
.Ltmp5:
0x278: {  	_ = 	snop;
	(pc) =	sbr.rel @p1 .LBB2_1-.Ltmp5, $3  }
0x279: {  	_ =	sdelay $0x1  }
0x27a: {  	s12 =	simm.s32 $0x280;
	s11 =	simm.s32 $0x200;
	[sflag:s0] =	ssyncset.done @!p0 $0x0  }
0x27b: {  	s5 =	simm.s32 $0x400;
	s16 =	simm.s32 $0x480;
	[sflag:s0] =	ssyncadd.s32 @!p0 $0xFFFFF380  }
0x27c: {  	_ =	sfence.sel $0x180000  }
0x27d: {  	[bflag:$0x0] =	sbarrier.arrive $0xFFFF  }
0x27e: {  	_ =	strace $0x9000004A  }
0x27f: {  	s0 =	stileid.u32;
	[bflag:$0x2] =	sbarrier.arrive $0xFFFF  }
0x280: {  	p0 =	sne.s32 s0, $0x0;
	s0 =	rddreg [dreg:$0x3]  }
0x281: {  	s0 =	sadd.s32 @!p0 $0x100000, s0  }
0x282: {  	[sflag:s0] =	ssyncadd.tile.s32 @!p0 $0x1;
	_ =	shalt  }
.Lfunc_end2:
_tile_overlayer_lowered:
.L_overlay_start_2:
0x283: {  	(tag) =	ssettag $0x2  }
0x284: {  	s0 =	rddreg [dreg:$0x0];
	s2 =	stileid.u32  }
0x285: {  	s1 =	rddreg [dreg:$0x1];
	p0 =	sne.s32 s2, $0x0  }
0x286: {  	s3 =	rddreg [dreg:$0x2];
	[bflag:$0x3] =	sbarrier.arrive $0xFFFF;
	s2 =	simm.s32 @!p0 $0x1C10  }
0x287: {  	[timem:s3], [sflag:s2] =	dma.local @!p0 [hbm:s0], s1  }
0x288: {  	s0 =	simm.s32 @!p0 $0x10  }
0x289: {  	_ =	swait.ge @!p0 [sflag:s0], s1  }
0x28a: {  	s1 =	ssub.s32 @!p0 $0x0, s1;
	[sflag:s0] =	ssyncset.done @!p0 $0x0  }
0x28b: {  	[sflag:s0] =	ssyncadd.s32 @!p0 s1  }
0x28c: {  	[bflag:$0x3] =	sbarrier.arrive $0xFFFF  }
0x28d: {  	_ =	shalt  }

</sc_bundles>
